<compile_context>
chip_gen: v7x
topology: tpu7x:2x2x1
jax: 0.10.2.dev20260603
libtpu: 0.0.44.dev20260713+nightly
codegen_flags: <defaults>
</compile_context>

<pallas_src>
import jax
import jax.numpy as jnp
import numpy as np
from jax import lax
from jax.experimental import pallas as pl
from jax.experimental.pallas import tpu as pltpu
from jax.experimental.pallas import tpu_sc as plsc

B, N, D, K = 8, 8192, 512, 2048
NC, NS = 2, 16
RPC = B // NC
WPR = NS // RPC
Q = N // WPR
IPW = K // WPR
CHUNK = 32
RADIX_BITS = 8
RADIX = 1 << RADIX_BITS
XB = 2 * RADIX
SBITS = 11
SRADIX = 1 << SBITS
SXB = SRADIX + 16
SMASK = np.uint32(SRADIX - 1)
PASSES = 32 // RADIX_BITS
SIGN = np.uint32(0x80000000)
NOSIGN = np.uint32(0x7FFFFFFF)
MASK8 = np.uint32(RADIX - 1)


def _sc_body(w_hbm, f_hbm, c_hbm, fout_hbm, cout_hbm, wout_hbm,
             kk0, id0, kk1, id1, hist, off, hist2, off2, wtop, hmerge, cntv, nqv,
             crow, cbuf, idx_v, gidx_v, wv, fbuf, fbuf2,
             h_sh, cnt_sh, ck_sh, ci_sh, idx_sh, w_sh,
             sem, gsem2, wsem, wsem2, csem):
  c = lax.axis_index("c")
  s = lax.axis_index("s")
  iota = lax.iota(jnp.int32, 16)
  ones = jnp.ones((16,), jnp.int32)
  lr = s // WPR
  q = s - lr * WPR
  r = c * RPC + lr
  qbase = q * Q

  def _zero_hist():
    def zero(i, _):
      hist[pl.ds(i * 16, 16)] = jnp.zeros((16,), jnp.int32)
      return 0
    lax.fori_loop(0, XB // 16, zero, 0, unroll=4)

  def _publish_hist_and_merge():
    pltpu.sync_copy(hist.at[pl.ds(0, RADIX)], h_sh.at[pl.ds(s * RADIX, RADIX)])
    plsc.subcore_barrier()
    pltpu.sync_copy(h_sh.at[pl.ds(lr * WPR * RADIX, WPR * RADIX)], hmerge)
    def merge(i, _):
      sl = pl.ds(i * 16, 16)
      m = (hmerge[sl] + hmerge[pl.ds(RADIX + i * 16, 16)]
           + hmerge[pl.ds(2 * RADIX + i * 16, 16)]
           + hmerge[pl.ds(3 * RADIX + i * 16, 16)])
      hist[sl] = m
      return 0
    lax.fori_loop(0, RADIX // 16, merge, 0, unroll=4)
    plsc.subcore_barrier()

  def _cum_and_find(remaining):
    def scan(i, carry):
      sl = pl.ds(i * 16, 16)
      cs = plsc.cumsum(hist[sl])
      off[sl] = cs + carry
      return carry + jnp.max(cs)
    lax.fori_loop(0, RADIX // 16, scan, jnp.int32(0))

    def find(i, dd):
      return dd + jnp.sum((off[pl.ds(i * 16, 16)] < remaining)
                          .astype(jnp.int32))
    dd = lax.fori_loop(0, RADIX // 16, find, jnp.int32(0))
    before16 = plsc.load_gather(off, [jnp.maximum(dd - 1, 0)
                                      + jnp.zeros((16,), jnp.int32)])
    cnt_before = jnp.where(dd > 0, jnp.max(before16), jnp.int32(0))
    return dd, cnt_before

  pltpu.sync_copy(w_hbm.at[pl.ds(r * N + qbase, Q)], wtop)
  ccps = [pltpu.async_copy(c_hbm.at[pl.ds((k3 * B + r) * N, N)],
                           crow.at[pl.ds(k3 * N, N)], csem)
          for k3 in range(3)]

  def build(i, _):
    sl = pl.ds(i * 16, 16)
    w16 = wtop[sl]
    u = plsc.bitcast(w16, jnp.uint32)
    neg = plsc.bitcast(w16, jnp.int32) < 0
    kk = jnp.where(neg, u, (~u) & NOSIGN)
    kk0[sl] = plsc.bitcast(kk, jnp.int32)
    id0[sl] = iota + (i * 16 + qbase)
    return 0
  with jax.named_scope("p1_build"):
    lax.fori_loop(0, Q // 16, build, 0, unroll=4)

  with jax.named_scope("p1_thresh"):
    remaining = jnp.int32(K)
    _zero_hist()

    def hist3(i, _):
      kk = plsc.bitcast(kk0[pl.ds(i * 16, 16)], jnp.uint32)
      d = (kk >> 24).astype(jnp.int32)
      plsc.addupdate_scatter(hist, [d], ones)
      return 0
    lax.fori_loop(0, Q // 16, hist3, 0, unroll=4)
    _publish_hist_and_merge()
    dd, cnt_before = _cum_and_find(remaining)
    remaining = remaining - cnt_before
    prefix = dd.astype(jnp.uint32) << 24

    def extract(i, nc):
      sl = pl.ds(i * 16, 16)
      kki = kk0[sl]
      kk = plsc.bitcast(kki, jnp.uint32)
      sel = (kk >> 24).astype(jnp.int32) == dd
      scnt = plsc.cumsum(sel.astype(jnp.int32))
      pos = nc + scnt - 1
      plsc.store_scatter(kk1, [pos], kki, mask=sel)
      return nc + jnp.max(scnt)
    nc = lax.fori_loop(0, Q // 16, extract, jnp.int32(0))

    for l in (2,):
      sh = 8 * l
      nv = (nc + 15) // 16
      _zero_hist()

      def histl(i, _, sh=sh, nc=nc):
        sl = pl.ds(i * 16, 16)
        ck = plsc.bitcast(kk1[sl], jnp.uint32)
        d = ((ck >> sh) & MASK8).astype(jnp.int32)
        valid = (iota + i * 16) < nc
        d2 = jnp.where(valid, d, RADIX + iota)
        plsc.addupdate_scatter(hist, [d2], ones)
        return 0
      lax.fori_loop(0, nv, histl, 0)
      _publish_hist_and_merge()
      dd, cnt_before = _cum_and_find(remaining)
      remaining = remaining - cnt_before
      prefix = prefix | (dd.astype(jnp.uint32) << sh)

      def compactl(i, nc2, sh=sh, nc=nc, dd=dd):
        sl = pl.ds(i * 16, 16)
        cki = kk1[sl]
        ck = plsc.bitcast(cki, jnp.uint32)
        d = ((ck >> sh) & MASK8).astype(jnp.int32)
        sel = (d == dd) & ((iota + i * 16) < nc)
        scnt = plsc.cumsum(sel.astype(jnp.int32))
        pos = nc2 + scnt - 1
        plsc.store_scatter(kk1, [pos], cki, mask=sel)
        return nc2 + jnp.max(scnt)
      nc = lax.fori_loop(0, nv, compactl, jnp.int32(0))

    T = prefix | jnp.uint32(0xFFFF)

  with jax.named_scope("p1_compact"):
    def fcompact(i, nq):
      sl = pl.ds(i * 16, 16)
      kki = kk0[sl]
      idv = id0[sl]
      kk = plsc.bitcast(kki, jnp.uint32)
      sel = kk <= T
      scnt = plsc.cumsum(sel.astype(jnp.int32))
      pos = nq + scnt - 1
      plsc.store_scatter(kk1, [pos], kki, mask=sel)
      plsc.store_scatter(id1, [pos], idv, mask=sel)
      return nq + jnp.max(scnt)
    nq = lax.fori_loop(0, Q // 16, fcompact, jnp.int32(0), unroll=2)

    pltpu.sync_copy(kk1.at[pl.ds(0, Q)], ck_sh.at[pl.ds(s * Q, Q)])
    pltpu.sync_copy(id1.at[pl.ds(0, Q)], ci_sh.at[pl.ds(s * Q, Q)])
    nqv[...] = jnp.zeros((16,), jnp.int32) + nq
    pltpu.sync_copy(nqv, cnt_sh.at[pl.ds(s * 16, 16)])
  plsc.subcore_barrier()

  @pl.when(q == 0)
  def _sort_phase():
    pltpu.sync_copy(cnt_sh.at[pl.ds(lr * WPR * 16, WPR * 16)], cntv)
    nqs = [jnp.max(cntv[pl.ds(j * 16, 16)]) for j in range(WPR)]
    pltpu.sync_copy(ck_sh.at[pl.ds(lr * WPR * Q, WPR * Q)], kk0)
    pltpu.sync_copy(ci_sh.at[pl.ds(lr * WPR * Q, WPR * Q)], id0)
    ntot = nqs[0] + nqs[1] + nqs[2] + nqs[3]

    def _nq_of(jj):
      return jnp.max(plsc.load_gather(cntv, [jj * 16 + jnp.zeros((16,),
                                                                 jnp.int32)]))

    def _pass(shift, segmented, kin, iin, kout, iout):
      def zero2(i, _):
        hist2[pl.ds(i * 16, 16)] = jnp.zeros((16,), jnp.int32)
        return 0
      lax.fori_loop(0, SXB // 16, zero2, 0, unroll=4)

      def _hist_seg(base, nn):
        def histo(i, _):
          sl = pl.ds(base + i * 16, 16)
          kk = plsc.bitcast(kin[sl], jnp.uint32)
          d = ((kk >> shift) & SMASK).astype(jnp.int32)
          valid = (iota + i * 16) < nn
          d2 = jnp.where(valid, d, SRADIX + iota)
          plsc.addupdate_scatter(hist2, [d2], ones)
          return 0
        lax.fori_loop(0, (nn + 15) // 16, histo, 0)

      def _perm_seg(base, nn):
        def perm(i, _):
          sl = pl.ds(base + i * 16, 16)
          kki = kin[sl]
          idi = iin[sl]
          kk = plsc.bitcast(kki, jnp.uint32)
          d = ((kk >> shift) & SMASK).astype(jnp.int32)
          valid = (iota + i * 16) < nn
          d2 = jnp.where(valid, d, SRADIX + iota)
          basev = plsc.load_gather(off2, [d2])
          cnt, _ = plsc.scan_count(d2)
          pos = basev + cnt - 1
          plsc.store_scatter(kout, [pos], kki, mask=valid)
          plsc.store_scatter(iout, [pos], idi, mask=valid)
          plsc.addupdate_scatter(off2, [d2], ones)
          return 0
        lax.fori_loop(0, (nn + 15) // 16, perm, 0)

      with jax.named_scope("p1_hist"):
        if segmented:
          for jj in range(WPR):
            _hist_seg(jj * Q, nqs[jj])
        else:
          _hist_seg(0, ntot)

      def scan2(i, carry):
        sl = pl.ds(i * 16, 16)
        h = hist2[sl]
        cs = plsc.cumsum(h)
        off2[sl] = cs - h + carry
        return carry + jnp.max(cs)
      lax.fori_loop(0, SXB // 16, scan2, jnp.int32(0))

      with jax.named_scope("p1_perm"):
        if segmented:
          for jj in range(WPR):
            _perm_seg(jj * Q, nqs[jj])
        else:
          _perm_seg(0, ntot)

    _pass(0, True, kk0, id0, kk1, id1)

    def dense_pass(t, _):
      _pass(SBITS * (t + 1), False, kk1, id1, kk0, id0)

      @pl.when(t == 0)
      def _():
        pltpu.sync_copy(kk0, ck_sh.at[pl.ds(lr * WPR * Q, WPR * Q)])
        pltpu.sync_copy(id0, ci_sh.at[pl.ds(lr * WPR * Q, WPR * Q)])
        pltpu.sync_copy(ck_sh.at[pl.ds(lr * WPR * Q, WPR * Q)], kk1)
        pltpu.sync_copy(ci_sh.at[pl.ds(lr * WPR * Q, WPR * Q)], id1)
      return 0
    lax.fori_loop(0, 2, dense_pass, 0)

    def unkey(i, _):
      sl = pl.ds(i * 16, 16)
      kk = plsc.bitcast(kk0[sl], jnp.uint32)
      negk = kk >= SIGN
      u = jnp.where(negk, kk, (~kk) & NOSIGN)
      wtop[sl] = plsc.bitcast(u, jnp.float32)
      return 0
    lax.fori_loop(0, K // 16, unkey, 0, unroll=4)
    pltpu.sync_copy(wtop.at[pl.ds(0, K)], wout_hbm.at[pl.ds(r * K, K)])
    pltpu.sync_copy(id0.at[pl.ds(0, K)], idx_sh.at[pl.ds(lr * K, K)])
    pltpu.sync_copy(wtop.at[pl.ds(0, K)], w_sh.at[pl.ds(lr * K, K)])

  plsc.subcore_barrier()

  out_base = r * K + q * IPW
  pltpu.sync_copy(idx_sh.at[pl.ds(lr * K + q * IPW, IPW)], idx_v)
  pltpu.sync_copy(w_sh.at[pl.ds(lr * K + q * IPW, IPW)], wv)

  def glob(i, _):
    sl = pl.ds(i * 16, 16)
    gidx_v[sl] = idx_v[sl] + r * N
    return 0
  lax.fori_loop(0, IPW // 16, glob, 0, unroll=4)

  nch = IPW // CHUNK
  npairs = nch // 2
  FB = CHUNK * D * 4

  def _gissue(t, buf, gsem):
    return pltpu.async_copy(f_hbm.at[gidx_v.at[pl.ds(t * CHUNK, CHUNK)]],
                            buf, gsem)

  def _scale(buf, t):
    def rowscale(j, _):
      wj = plsc.load_gather(wv, [t * CHUNK + j + jnp.zeros((16,), jnp.int32)])
      def colscale(m, _):
        sl = pl.ds(m * 16, 16)
        buf[j, sl] = buf[j, sl] * wj
        return 0
      lax.fori_loop(0, D // 16, colscale, 0, unroll=8)
      return 0
    with jax.named_scope("p2_scale"):
      lax.fori_loop(0, CHUNK, rowscale, 0)

  def _wait(ref_from, ref_to, sm):
    pltpu.make_async_copy(ref_from, ref_to, sm).wait()

  _gissue(0, fbuf, sem)
  _gissue(1, fbuf2, gsem2)

  for cp in ccps:
    cp.wait()

  def cgather(i, _):
    j16 = iota + i * 16
    idx16 = idx_v[pl.ds(i * 16, 16)]
    for k3 in range(3):
      vals = plsc.load_gather(crow, [idx16 + (k3 * N)])
      plsc.store_scatter(cbuf, [j16 * 3 + k3], vals)
    return 0
  with jax.named_scope("p2_coords"):
    lax.fori_loop(0, IPW // 16, cgather, 0, unroll=2)
  pltpu.sync_copy(cbuf, cout_hbm.at[pl.ds(out_base * 3, IPW * 3)])

  def pairbody(t, _):
    o0 = out_base + (2 * t) * CHUNK
    o1 = out_base + (2 * t + 1) * CHUNK
    _wait(f_hbm.at[pl.ds(0, CHUNK)], fbuf, sem)
    _scale(fbuf, 2 * t)
    pltpu.async_copy(fbuf, fout_hbm.at[pl.ds(o0, CHUNK)], wsem)
    _wait(f_hbm.at[pl.ds(0, CHUNK)], fbuf2, gsem2)
    _scale(fbuf2, 2 * t + 1)
    pltpu.async_copy(fbuf2, fout_hbm.at[pl.ds(o1, CHUNK)], wsem2)

    @pl.when(t + 1 < npairs)
    def _():
      _wait(fbuf, fout_hbm.at[pl.ds(0, CHUNK)], wsem)
      _gissue(2 * t + 2, fbuf, sem)
      _wait(fbuf2, fout_hbm.at[pl.ds(0, CHUNK)], wsem2)
      _gissue(2 * t + 3, fbuf2, gsem2)
    return 0

  lax.fori_loop(0, npairs, pairbody, 0)
  _wait(fbuf, fout_hbm.at[pl.ds(0, CHUNK)], wsem)
  _wait(fbuf2, fout_hbm.at[pl.ds(0, CHUNK)], wsem2)


def _get_kernel():
  mesh = plsc.VectorSubcoreMesh(core_axis_name="c", subcore_axis_name="s",
                                num_cores=NC, num_subcores=NS)
  return pl.kernel(
      _sc_body,
      out_type=(jax.ShapeDtypeStruct((B * K, D), jnp.float32),
                jax.ShapeDtypeStruct((B * K * 3,), jnp.float32),
                jax.ShapeDtypeStruct((B * K,), jnp.float32)),
      mesh=mesh,
      compiler_params=pltpu.CompilerParams(needs_layout_passes=False),
      scratch_types=[
          pltpu.VMEM((N,), jnp.int32),
          pltpu.VMEM((N,), jnp.int32),
          pltpu.VMEM((N,), jnp.int32),
          pltpu.VMEM((N,), jnp.int32),
          pltpu.VMEM((XB,), jnp.int32),
          pltpu.VMEM((XB,), jnp.int32),
          pltpu.VMEM((SXB,), jnp.int32),
          pltpu.VMEM((SXB,), jnp.int32),
          pltpu.VMEM((Q,), jnp.float32),
          pltpu.VMEM((WPR * RADIX,), jnp.int32),
          pltpu.VMEM((WPR * 16,), jnp.int32),
          pltpu.VMEM((16,), jnp.int32),
          pltpu.VMEM((3 * N,), jnp.float32),
          pltpu.VMEM((IPW * 3,), jnp.float32),
          pltpu.VMEM((IPW,), jnp.int32),
          pltpu.VMEM((IPW,), jnp.int32),
          pltpu.VMEM((IPW,), jnp.float32),
          pltpu.VMEM((CHUNK, D), jnp.float32),
          pltpu.VMEM((CHUNK, D), jnp.float32),
          pltpu.VMEM_SHARED((NS * RADIX,), jnp.int32),
          pltpu.VMEM_SHARED((NS * 16,), jnp.int32),
          pltpu.VMEM_SHARED((NS * Q,), jnp.int32),
          pltpu.VMEM_SHARED((NS * Q,), jnp.int32),
          pltpu.VMEM_SHARED((RPC * K,), jnp.int32),
          pltpu.VMEM_SHARED((RPC * K,), jnp.float32),
          pltpu.SemaphoreType.DMA,
          pltpu.SemaphoreType.DMA,
          pltpu.SemaphoreType.DMA,
          pltpu.SemaphoreType.DMA,
          pltpu.SemaphoreType.DMA,
      ],
  )


def kernel(node_weights, node_feats, coords):
  w1 = node_weights.reshape(B * N)
  f2 = node_feats.reshape(B * N, D)
  ct = jnp.transpose(coords, (2, 0, 1)).reshape(3 * B * N)
  fout, cout, wout = _get_kernel()(w1, f2, ct)
  return (fout.reshape(B, K, D), cout.reshape(B, K, 3),
          wout.reshape(B, K))

# --- scband reference (transcript-rebuilt; emitter-appended) ---
"""Pipeline reference for scband-node-pool-layer-75952201663108 (READ-ONLY COPY).

The authoritative reference and input builder live on the scoring server;
editing this copy changes nothing except your own understanding.
"""

import jax, jax.numpy as jnp
import numpy as np

REDUCE_SIZE = 2048

def setup_inputs(seed: int = 0) -> dict:
    key = jax.random.key(seed)
    k1, k2, k3 = jax.random.split(key, 3)
    B, N, D = 8, 8192, 512
    node_weights = jax.random.normal(k1, (B, N), dtype=jnp.float32)
    node_feats = jax.random.normal(k2, (B, N, D), dtype=jnp.float32)
    coords = jax.random.normal(k3, (B, N, 3), dtype=jnp.float32)
    return {"node_weights": node_weights, "node_feats": node_feats, "coords": coords}

def reference(node_weights, node_feats, coords):
    # top-k over node dim (dim=1). torch uses sorted=False; order does not change semantics.
    top_w, top_idx = jax.lax.top_k(node_weights, REDUCE_SIZE)  # [B, k], [B, k]
    # gather node feats and coords along node dim
    feats_g = jnp.take_along_axis(node_feats, top_idx[:, :, None], axis=1)   # [B, k, D]
    coords_g = jnp.take_along_axis(coords, top_idx[:, :, None], axis=1)     # [B, k, 3]
    # graph.node.feats = node_weights * node_feats (selected weights broadcast over feat dim)
    new_feats = top_w[:, :, None] * feats_g                                  # [B, k, D]
    return new_feats, coords_g, top_w

if __name__ == "__main__":
    import jax
    _d = setup_inputs()
    print(jax.jit(kernel)(*tuple(_d.values())))

</pallas_src>

<mosaic_0001>
#map = affine_map<(d0, d1) -> (0)>
#map1 = affine_map<(d0, d1) -> (0, 0)>
module attributes {stable_mosaic.version = 14 : i64} {
  func.func @_sc_body(%arg0: i32, %arg1: i32, %arg2: memref<65536xf32, #tpu.memory_space<hbm>>, %arg3: memref<65536x512xf32, #tpu.memory_space<hbm>>, %arg4: memref<196608xf32, #tpu.memory_space<hbm>>, %arg5: memref<16384x512xf32, #tpu.memory_space<hbm>>, %arg6: memref<49152xf32, #tpu.memory_space<hbm>>, %arg7: memref<16384xf32, #tpu.memory_space<hbm>>, %arg8: memref<8192xi32, #tpu.memory_space<vmem>>, %arg9: memref<8192xi32, #tpu.memory_space<vmem>>, %arg10: memref<8192xi32, #tpu.memory_space<vmem>>, %arg11: memref<8192xi32, #tpu.memory_space<vmem>>, %arg12: memref<512xi32, #tpu.memory_space<vmem>>, %arg13: memref<512xi32, #tpu.memory_space<vmem>>, %arg14: memref<2064xi32, #tpu.memory_space<vmem>>, %arg15: memref<2064xi32, #tpu.memory_space<vmem>>, %arg16: memref<2048xf32, #tpu.memory_space<vmem>>, %arg17: memref<1024xi32, #tpu.memory_space<vmem>>, %arg18: memref<64xi32, #tpu.memory_space<vmem>>, %arg19: memref<16xi32, #tpu.memory_space<vmem>>, %arg20: memref<24576xf32, #tpu.memory_space<vmem>>, %arg21: memref<1536xf32, #tpu.memory_space<vmem>>, %arg22: memref<512xi32, #tpu.memory_space<vmem>>, %arg23: memref<512xi32, #tpu.memory_space<vmem>>, %arg24: memref<512xf32, #tpu.memory_space<vmem>>, %arg25: memref<32x512xf32, #tpu.memory_space<vmem>>, %arg26: memref<32x512xf32, #tpu.memory_space<vmem>>, %arg27: memref<4096xi32, #tpu.memory_space<vmem_shared>>, %arg28: memref<256xi32, #tpu.memory_space<vmem_shared>>, %arg29: memref<32768xi32, #tpu.memory_space<vmem_shared>>, %arg30: memref<32768xi32, #tpu.memory_space<vmem_shared>>, %arg31: memref<8192xi32, #tpu.memory_space<vmem_shared>>, %arg32: memref<8192xf32, #tpu.memory_space<vmem_shared>>, %arg33: memref<!tpu.dma_semaphore, #tpu.memory_space<semaphore_mem>>, %arg34: memref<!tpu.dma_semaphore, #tpu.memory_space<semaphore_mem>>, %arg35: memref<!tpu.dma_semaphore, #tpu.memory_space<semaphore_mem>>, %arg36: memref<!tpu.dma_semaphore, #tpu.memory_space<semaphore_mem>>, %arg37: memref<!tpu.dma_semaphore, #tpu.memory_space<semaphore_mem>>) attributes {dimension_semantics = [#tpu.dimension_semantics<core_parallel>, #tpu.dimension_semantics<subcore_parallel>], iteration_bounds = array<i64: 2, 16>, scalar_prefetch = 0 : i64, scratch_operands = 30 : i64, tpu.core_type = #tpu.core_type<sc_vector_subcore>, window_params = [{transform_indices = #map}, {transform_indices = #map1}, {transform_indices = #map}, {transform_indices = #map1}, {transform_indices = #map}, {transform_indices = #map}]} {
    %iota3A = tpu.iota {dimensions = array<i32: 0>} : vector<16xi32>
    %broadcast_in_dim3A = arith.constant 1 : i32
    %broadcast_in_dim3A_0 = vector.broadcast %broadcast_in_dim3A : i32 to vector<16xi32>
    %jit3A = arith.constant 4 : i32
    %div3A = arith.divsi %arg1, %jit3A : i32
    %sign3A = arith.constant 0 : i32
    %sign3A_1 = arith.cmpi sgt, %arg1, %sign3A : i32
    %sign3A_2 = arith.extui %sign3A_1 : i1 to i32
    %sign3A_3 = arith.constant 0 : i32
    %sign3A_4 = arith.cmpi slt, %arg1, %sign3A_3 : i32
    %sign3A_5 = arith.extui %sign3A_4 : i1 to i32
    %sign3A_6 = arith.subi %sign3A_2, %sign3A_5 : i32
    %sign3A_7 = arith.constant 0 : i32
    %sign3A_8 = arith.cmpi sgt, %jit3A, %sign3A_7 : i32
    %sign3A_9 = arith.extui %sign3A_8 : i1 to i32
    %sign3A_10 = arith.constant 0 : i32
    %sign3A_11 = arith.cmpi slt, %jit3A, %sign3A_10 : i32
    %sign3A_12 = arith.extui %sign3A_11 : i1 to i32
    %sign3A_13 = arith.subi %sign3A_9, %sign3A_12 : i32
    %ne3A = arith.cmpi ne, %sign3A_6, %sign3A_13 : i32
    %rem3A = arith.remsi %arg1, %jit3A : i32
    %ne3A_14 = arith.constant 0 : i32
    %ne3A_15 = arith.cmpi ne, %rem3A, %ne3A_14 : i32
    %and3A = arith.andi %ne3A, %ne3A_15 : i1
    %sub3A = arith.constant 1 : i32
    %sub3A_16 = arith.subi %div3A, %sub3A : i32
    %select_n3A = arith.select %and3A, %sub3A_16, %div3A : i32
    %mul3A = arith.constant 4 : i32
    %mul3A_17 = arith.muli %select_n3A, %mul3A : i32
    %sub3A_18 = arith.subi %arg1, %mul3A_17 : i32
    %mul3A_19 = arith.constant 4 : i32
    %mul3A_20 = arith.muli %arg0, %mul3A_19 : i32
    %add3A = arith.addi %mul3A_20, %select_n3A : i32
    %mul3A_21 = arith.constant 2048 : i32
    %mul3A_22 = arith.muli %sub3A_18, %mul3A_21 : i32
    %mul3A_23 = arith.constant 8192 : i32
    %mul3A_24 = arith.muli %add3A, %mul3A_23 : i32
    %add3A_25 = arith.addi %mul3A_24, %mul3A_22 : i32
    "tpu.region"() ({
      %run_scoped3A = tpu.sem_alloc : memref<!tpu.dma_semaphore, #tpu.memory_space<semaphore_mem>>
      %dma_start3A_341 = tpu.memref_slice %arg2[%add3A_25] : memref<65536xf32, #tpu.memory_space<hbm>> -> memref<2048xf32, #tpu.memory_space<hbm>>
      %dma_start3A_342 = tpu.memref_slice %arg2[%add3A_25] : memref<65536xf32, #tpu.memory_space<hbm>> -> memref<2048xf32, #tpu.memory_space<hbm>>
      tpu.enqueue_dma source(%dma_start3A_342 : memref<2048xf32, #tpu.memory_space<hbm>>) target(%arg16 : memref<2048xf32, #tpu.memory_space<vmem>>) target_semaphore(%run_scoped3A : memref<!tpu.dma_semaphore, #tpu.memory_space<semaphore_mem>>)
      %dma_wait3A_343 = tpu.memref_slice %arg2[%add3A_25] : memref<65536xf32, #tpu.memory_space<hbm>> -> memref<2048xf32, #tpu.memory_space<hbm>>
      %dma_wait3A_344 = tpu.memref_slice %arg2[%add3A_25] : memref<65536xf32, #tpu.memory_space<hbm>> -> memref<2048xf32, #tpu.memory_space<hbm>>
      tpu.wait_dma2 semaphore(%run_scoped3A : memref<!tpu.dma_semaphore, #tpu.memory_space<semaphore_mem>>) src(%dma_wait3A_344 : memref<2048xf32, #tpu.memory_space<hbm>>) dst(%arg16 : memref<2048xf32, #tpu.memory_space<vmem>>)
      tpu.yield
    }) : () -> ()
    %add3A_26 = arith.constant 0 : i32
    %add3A_27 = arith.addi %add3A_26, %add3A : i32
    %mul3A_28 = arith.constant 8192 : i32
    %mul3A_29 = arith.muli %add3A_27, %mul3A_28 : i32
    %dma_start3A = arith.constant 0 : i32
    %dma_start3A_30 = tpu.memref_slice %arg20[%dma_start3A] : memref<24576xf32, #tpu.memory_space<vmem>> -> memref<8192xf32, #tpu.memory_space<vmem>>
    %dma_start3A_31 = tpu.memref_slice %arg4[%mul3A_29] : memref<196608xf32, #tpu.memory_space<hbm>> -> memref<8192xf32, #tpu.memory_space<hbm>>
    %dma_start3A_32 = arith.constant 0 : i32
    %dma_start3A_33 = tpu.memref_slice %arg20[%dma_start3A_32] : memref<24576xf32, #tpu.memory_space<vmem>> -> memref<8192xf32, #tpu.memory_space<vmem>>
    %dma_start3A_34 = tpu.memref_slice %arg4[%mul3A_29] : memref<196608xf32, #tpu.memory_space<hbm>> -> memref<8192xf32, #tpu.memory_space<hbm>>
    tpu.enqueue_dma source(%dma_start3A_34 : memref<8192xf32, #tpu.memory_space<hbm>>) target(%dma_start3A_33 : memref<8192xf32, #tpu.memory_space<vmem>>) target_semaphore(%arg37 : memref<!tpu.dma_semaphore, #tpu.memory_space<semaphore_mem>>)
    %add3A_35 = arith.constant 8 : i32
    %add3A_36 = arith.addi %add3A_35, %add3A : i32
    %mul3A_37 = arith.constant 8192 : i32
    %mul3A_38 = arith.muli %add3A_36, %mul3A_37 : i32
    %dma_start3A_39 = arith.constant 8192 : i32
    %dma_start3A_40 = tpu.memref_slice %arg20[%dma_start3A_39] : memref<24576xf32, #tpu.memory_space<vmem>> -> memref<8192xf32, #tpu.memory_space<vmem>>
    %dma_start3A_41 = tpu.memref_slice %arg4[%mul3A_38] : memref<196608xf32, #tpu.memory_space<hbm>> -> memref<8192xf32, #tpu.memory_space<hbm>>
    %dma_start3A_42 = arith.constant 8192 : i32
    %dma_start3A_43 = tpu.memref_slice %arg20[%dma_start3A_42] : memref<24576xf32, #tpu.memory_space<vmem>> -> memref<8192xf32, #tpu.memory_space<vmem>>
    %dma_start3A_44 = tpu.memref_slice %arg4[%mul3A_38] : memref<196608xf32, #tpu.memory_space<hbm>> -> memref<8192xf32, #tpu.memory_space<hbm>>
    tpu.enqueue_dma source(%dma_start3A_44 : memref<8192xf32, #tpu.memory_space<hbm>>) target(%dma_start3A_43 : memref<8192xf32, #tpu.memory_space<vmem>>) target_semaphore(%arg37 : memref<!tpu.dma_semaphore, #tpu.memory_space<semaphore_mem>>)
    %add3A_45 = arith.constant 16 : i32
    %add3A_46 = arith.addi %add3A_45, %add3A : i32
    %mul3A_47 = arith.constant 8192 : i32
    %mul3A_48 = arith.muli %add3A_46, %mul3A_47 : i32
    %dma_start3A_49 = arith.constant 16384 : i32
    %dma_start3A_50 = tpu.memref_slice %arg20[%dma_start3A_49] : memref<24576xf32, #tpu.memory_space<vmem>> -> memref<8192xf32, #tpu.memory_space<vmem>>
    %dma_start3A_51 = tpu.memref_slice %arg4[%mul3A_48] : memref<196608xf32, #tpu.memory_space<hbm>> -> memref<8192xf32, #tpu.memory_space<hbm>>
    %dma_start3A_52 = arith.constant 16384 : i32
    %dma_start3A_53 = tpu.memref_slice %arg20[%dma_start3A_52] : memref<24576xf32, #tpu.memory_space<vmem>> -> memref<8192xf32, #tpu.memory_space<vmem>>
    %dma_start3A_54 = tpu.memref_slice %arg4[%mul3A_48] : memref<196608xf32, #tpu.memory_space<hbm>> -> memref<8192xf32, #tpu.memory_space<hbm>>
    tpu.enqueue_dma source(%dma_start3A_54 : memref<8192xf32, #tpu.memory_space<hbm>>) target(%dma_start3A_53 : memref<8192xf32, #tpu.memory_space<vmem>>) target_semaphore(%arg37 : memref<!tpu.dma_semaphore, #tpu.memory_space<semaphore_mem>>)
    "tpu.trace_start"() <{level = 10 : i32, message = "p1_build"}> : () -> ()
    %scan3A = arith.constant 0 : i32
    %scan3A_55 = arith.constant 0 : i32
    %scan3A_56 = arith.constant 128 : i32
    %scan3A_57 = arith.addi %scan3A_55, %scan3A_56 : i32
    %scan3A_58 = arith.constant 4 : i32
    %scan3A_59 = scf.for %scan3A_341 = %scan3A_55 to %scan3A_57 step %scan3A_58 iter_args(%scan3A_342 = %scan3A) -> (i32)  : i32 {
      %mul3A_343 = arith.constant 16 : i32
      %mul3A_344 = arith.muli %scan3A_341, %mul3A_343 : i32
      %get3A = arith.index_cast %mul3A_344 : i32 to index
      %get3A_345 = tpu.vector_load %arg16[%get3A] {strides = array<i32>} : memref<2048xf32, #tpu.memory_space<vmem>>, vector<16xf32>,
      %bitcast3A = vector.bitcast %get3A_345 : vector<16xf32> to vector<16xi32>
      %bitcast3A_346 = vector.bitcast %get3A_345 : vector<16xf32> to vector<16xi32>
      %lt3A = arith.constant 0 : i32
      %lt3A_347 = vector.broadcast %lt3A : i32 to vector<16xi32>
      %lt3A_348 = arith.cmpi slt, %bitcast3A_346, %lt3A_347 : vector<16xi32>
      %not3A = arith.constant dense<-1> : vector<16xi32>
      %not3A_349 = arith.xori %bitcast3A, %not3A : vector<16xi32>
      %and3A_350 = arith.constant 2147483647 : i32
      %and3A_351 = vector.broadcast %and3A_350 : i32 to vector<16xi32>
      %and3A_352 = arith.andi %not3A_349, %and3A_351 : vector<16xi32>
      %select_n3A_353 = arith.select %lt3A_348, %bitcast3A, %and3A_352 : vector<16xi1>, vector<16xi32>
      %bitcast3A_354 = vector.bitcast %select_n3A_353 : vector<16xi32> to vector<16xi32>
      %swap3A_355 = arith.index_cast %mul3A_344 : i32 to index
      %swap3A_356 = tpu.vector_load %arg8[%swap3A_355] {strides = array<i32>} : memref<8192xi32, #tpu.memory_space<vmem>>, vector<16xi32>,
      tpu.vector_store %arg8[%swap3A_355], %bitcast3A_354 {strides = array<i32>} : memref<8192xi32, #tpu.memory_space<vmem>>, vector<16xi32>,
      %mul3A_357 = arith.constant 16 : i32
      %mul3A_358 = arith.muli %scan3A_341, %mul3A_357 : i32
      %add3A_359 = arith.addi %mul3A_358, %mul3A_22 : i32
      %add3A_360 = vector.broadcast %add3A_359 : i32 to vector<16xi32>
      %add3A_361 = arith.addi %iota3A, %add3A_360 : vector<16xi32>
      %swap3A_362 = arith.index_cast %mul3A_344 : i32 to index
      %swap3A_363 = tpu.vector_load %arg9[%swap3A_362] {strides = array<i32>} : memref<8192xi32, #tpu.memory_space<vmem>>, vector<16xi32>,
      tpu.vector_store %arg9[%swap3A_362], %add3A_361 {strides = array<i32>} : memref<8192xi32, #tpu.memory_space<vmem>>, vector<16xi32>,
      %scan3A_364 = arith.constant 0 : i32
      %scan3A_365 = arith.constant 1 : i32
      %scan3A_366 = arith.addi %scan3A_341, %scan3A_365 : i32
      %mul3A_367 = arith.constant 16 : i32
      %mul3A_368 = arith.muli %scan3A_366, %mul3A_367 : i32
      %get3A_369 = arith.index_cast %mul3A_368 : i32 to index
      %get3A_370 = tpu.vector_load %arg16[%get3A_369] {strides = array<i32>} : memref<2048xf32, #tpu.memory_space<vmem>>, vector<16xf32>,
      %bitcast3A_371 = vector.bitcast %get3A_370 : vector<16xf32> to vector<16xi32>
      %bitcast3A_372 = vector.bitcast %get3A_370 : vector<16xf32> to vector<16xi32>
      %lt3A_373 = arith.constant 0 : i32
      %lt3A_374 = vector.broadcast %lt3A_373 : i32 to vector<16xi32>
      %lt3A_375 = arith.cmpi slt, %bitcast3A_372, %lt3A_374 : vector<16xi32>
      %not3A_376 = arith.constant dense<-1> : vector<16xi32>
      %not3A_377 = arith.xori %bitcast3A_371, %not3A_376 : vector<16xi32>
      %and3A_378 = arith.constant 2147483647 : i32
      %and3A_379 = vector.broadcast %and3A_378 : i32 to vector<16xi32>
      %and3A_380 = arith.andi %not3A_377, %and3A_379 : vector<16xi32>
      %select_n3A_381 = arith.select %lt3A_375, %bitcast3A_371, %and3A_380 : vector<16xi1>, vector<16xi32>
      %bitcast3A_382 = vector.bitcast %select_n3A_381 : vector<16xi32> to vector<16xi32>
      %swap3A_383 = arith.index_cast %mul3A_368 : i32 to index
      %swap3A_384 = tpu.vector_load %arg8[%swap3A_383] {strides = array<i32>} : memref<8192xi32, #tpu.memory_space<vmem>>, vector<16xi32>,
      tpu.vector_store %arg8[%swap3A_383], %bitcast3A_382 {strides = array<i32>} : memref<8192xi32, #tpu.memory_space<vmem>>, vector<16xi32>,
      %mul3A_385 = arith.constant 16 : i32
      %mul3A_386 = arith.muli %scan3A_366, %mul3A_385 : i32
      %add3A_387 = arith.addi %mul3A_386, %mul3A_22 : i32
      %add3A_388 = vector.broadcast %add3A_387 : i32 to vector<16xi32>
      %add3A_389 = arith.addi %iota3A, %add3A_388 : vector<16xi32>
      %swap3A_390 = arith.index_cast %mul3A_368 : i32 to index
      %swap3A_391 = tpu.vector_load %arg9[%swap3A_390] {strides = array<i32>} : memref<8192xi32, #tpu.memory_space<vmem>>, vector<16xi32>,
      tpu.vector_store %arg9[%swap3A_390], %add3A_389 {strides = array<i32>} : memref<8192xi32, #tpu.memory_space<vmem>>, vector<16xi32>,
      %scan3A_392 = arith.constant 0 : i32
      %scan3A_393 = arith.constant 2 : i32
      %scan3A_394 = arith.addi %scan3A_341, %scan3A_393 : i32
      %mul3A_395 = arith.constant 16 : i32
      %mul3A_396 = arith.muli %scan3A_394, %mul3A_395 : i32
      %get3A_397 = arith.index_cast %mul3A_396 : i32 to index
      %get3A_398 = tpu.vector_load %arg16[%get3A_397] {strides = array<i32>} : memref<2048xf32, #tpu.memory_space<vmem>>, vector<16xf32>,
      %bitcast3A_399 = vector.bitcast %get3A_398 : vector<16xf32> to vector<16xi32>
      %bitcast3A_400 = vector.bitcast %get3A_398 : vector<16xf32> to vector<16xi32>
      %lt3A_401 = arith.constant 0 : i32
      %lt3A_402 = vector.broadcast %lt3A_401 : i32 to vector<16xi32>
      %lt3A_403 = arith.cmpi slt, %bitcast3A_400, %lt3A_402 : vector<16xi32>
      %not3A_404 = arith.constant dense<-1> : vector<16xi32>
      %not3A_405 = arith.xori %bitcast3A_399, %not3A_404 : vector<16xi32>
      %and3A_406 = arith.constant 2147483647 : i32
      %and3A_407 = vector.broadcast %and3A_406 : i32 to vector<16xi32>
      %and3A_408 = arith.andi %not3A_405, %and3A_407 : vector<16xi32>
      %select_n3A_409 = arith.select %lt3A_403, %bitcast3A_399, %and3A_408 : vector<16xi1>, vector<16xi32>
      %bitcast3A_410 = vector.bitcast %select_n3A_409 : vector<16xi32> to vector<16xi32>
      %swap3A_411 = arith.index_cast %mul3A_396 : i32 to index
      %swap3A_412 = tpu.vector_load %arg8[%swap3A_411] {strides = array<i32>} : memref<8192xi32, #tpu.memory_space<vmem>>, vector<16xi32>,
      tpu.vector_store %arg8[%swap3A_411], %bitcast3A_410 {strides = array<i32>} : memref<8192xi32, #tpu.memory_space<vmem>>, vector<16xi32>,
      %mul3A_413 = arith.constant 16 : i32
      %mul3A_414 = arith.muli %scan3A_394, %mul3A_413 : i32
      %add3A_415 = arith.addi %mul3A_414, %mul3A_22 : i32
      %add3A_416 = vector.broadcast %add3A_415 : i32 to vector<16xi32>
      %add3A_417 = arith.addi %iota3A, %add3A_416 : vector<16xi32>
      %swap3A_418 = arith.index_cast %mul3A_396 : i32 to index
      %swap3A_419 = tpu.vector_load %arg9[%swap3A_418] {strides = array<i32>} : memref<8192xi32, #tpu.memory_space<vmem>>, vector<16xi32>,
      tpu.vector_store %arg9[%swap3A_418], %add3A_417 {strides = array<i32>} : memref<8192xi32, #tpu.memory_space<vmem>>, vector<16xi32>,
      %scan3A_420 = arith.constant 0 : i32
      %scan3A_421 = arith.constant 3 : i32
      %scan3A_422 = arith.addi %scan3A_341, %scan3A_421 : i32
      %mul3A_423 = arith.constant 16 : i32
      %mul3A_424 = arith.muli %scan3A_422, %mul3A_423 : i32
      %get3A_425 = arith.index_cast %mul3A_424 : i32 to index
      %get3A_426 = tpu.vector_load %arg16[%get3A_425] {strides = array<i32>} : memref<2048xf32, #tpu.memory_space<vmem>>, vector<16xf32>,
      %bitcast3A_427 = vector.bitcast %get3A_426 : vector<16xf32> to vector<16xi32>
      %bitcast3A_428 = vector.bitcast %get3A_426 : vector<16xf32> to vector<16xi32>
      %lt3A_429 = arith.constant 0 : i32
      %lt3A_430 = vector.broadcast %lt3A_429 : i32 to vector<16xi32>
      %lt3A_431 = arith.cmpi slt, %bitcast3A_428, %lt3A_430 : vector<16xi32>
      %not3A_432 = arith.constant dense<-1> : vector<16xi32>
      %not3A_433 = arith.xori %bitcast3A_427, %not3A_432 : vector<16xi32>
      %and3A_434 = arith.constant 2147483647 : i32
      %and3A_435 = vector.broadcast %and3A_434 : i32 to vector<16xi32>
      %and3A_436 = arith.andi %not3A_433, %and3A_435 : vector<16xi32>
      %select_n3A_437 = arith.select %lt3A_431, %bitcast3A_427, %and3A_436 : vector<16xi1>, vector<16xi32>
      %bitcast3A_438 = vector.bitcast %select_n3A_437 : vector<16xi32> to vector<16xi32>
      %swap3A_439 = arith.index_cast %mul3A_424 : i32 to index
      %swap3A_440 = tpu.vector_load %arg8[%swap3A_439] {strides = array<i32>} : memref<8192xi32, #tpu.memory_space<vmem>>, vector<16xi32>,
      tpu.vector_store %arg8[%swap3A_439], %bitcast3A_438 {strides = array<i32>} : memref<8192xi32, #tpu.memory_space<vmem>>, vector<16xi32>,
      %mul3A_441 = arith.constant 16 : i32
      %mul3A_442 = arith.muli %scan3A_422, %mul3A_441 : i32
      %add3A_443 = arith.addi %mul3A_442, %mul3A_22 : i32
      %add3A_444 = vector.broadcast %add3A_443 : i32 to vector<16xi32>
      %add3A_445 = arith.addi %iota3A, %add3A_444 : vector<16xi32>
      %swap3A_446 = arith.index_cast %mul3A_424 : i32 to index
      %swap3A_447 = tpu.vector_load %arg9[%swap3A_446] {strides = array<i32>} : memref<8192xi32, #tpu.memory_space<vmem>>, vector<16xi32>,
      tpu.vector_store %arg9[%swap3A_446], %add3A_445 {strides = array<i32>} : memref<8192xi32, #tpu.memory_space<vmem>>, vector<16xi32>,
      %scan3A_448 = arith.constant 0 : i32
      scf.yield %scan3A_448 : i32
    }
    %scan3A_60 = arith.constant 128 : i32
    "tpu.trace_stop"() : () -> ()
    "tpu.trace_start"() <{level = 10 : i32, message = "p1_thresh"}> : () -> ()
    %scan3A_61 = arith.constant 0 : i32
    %scan3A_62 = arith.constant 0 : i32
    %scan3A_63 = arith.constant 32 : i32
    %scan3A_64 = arith.addi %scan3A_62, %scan3A_63 : i32
    %scan3A_65 = arith.constant 4 : i32
    %scan3A_66 = scf.for %scan3A_341 = %scan3A_62 to %scan3A_64 step %scan3A_65 iter_args(%scan3A_342 = %scan3A_61) -> (i32)  : i32 {
      %broadcast_in_dim3A_343 = arith.constant 0 : i32
      %broadcast_in_dim3A_344 = vector.broadcast %broadcast_in_dim3A_343 : i32 to vector<16xi32>
      %mul3A_345 = arith.constant 16 : i32
      %mul3A_346 = arith.muli %scan3A_341, %mul3A_345 : i32
      %swap3A_347 = arith.index_cast %mul3A_346 : i32 to index
      %swap3A_348 = tpu.vector_load %arg12[%swap3A_347] {strides = array<i32>} : memref<512xi32, #tpu.memory_space<vmem>>, vector<16xi32>,
      tpu.vector_store %arg12[%swap3A_347], %broadcast_in_dim3A_344 {strides = array<i32>} : memref<512xi32, #tpu.memory_space<vmem>>, vector<16xi32>,
      %scan3A_349 = arith.constant 0 : i32
      %scan3A_350 = arith.constant 1 : i32
      %scan3A_351 = arith.addi %scan3A_341, %scan3A_350 : i32
      %broadcast_in_dim3A_352 = arith.constant 0 : i32
      %broadcast_in_dim3A_353 = vector.broadcast %broadcast_in_dim3A_352 : i32 to vector<16xi32>
      %mul3A_354 = arith.constant 16 : i32
      %mul3A_355 = arith.muli %scan3A_351, %mul3A_354 : i32
      %swap3A_356 = arith.index_cast %mul3A_355 : i32 to index
      %swap3A_357 = tpu.vector_load %arg12[%swap3A_356] {strides = array<i32>} : memref<512xi32, #tpu.memory_space<vmem>>, vector<16xi32>,
      tpu.vector_store %arg12[%swap3A_356], %broadcast_in_dim3A_353 {strides = array<i32>} : memref<512xi32, #tpu.memory_space<vmem>>, vector<16xi32>,
      %scan3A_358 = arith.constant 0 : i32
      %scan3A_359 = arith.constant 2 : i32
      %scan3A_360 = arith.addi %scan3A_341, %scan3A_359 : i32
      %broadcast_in_dim3A_361 = arith.constant 0 : i32
      %broadcast_in_dim3A_362 = vector.broadcast %broadcast_in_dim3A_361 : i32 to vector<16xi32>
      %mul3A_363 = arith.constant 16 : i32
      %mul3A_364 = arith.muli %scan3A_360, %mul3A_363 : i32
      %swap3A_365 = arith.index_cast %mul3A_364 : i32 to index
      %swap3A_366 = tpu.vector_load %arg12[%swap3A_365] {strides = array<i32>} : memref<512xi32, #tpu.memory_space<vmem>>, vector<16xi32>,
      tpu.vector_store %arg12[%swap3A_365], %broadcast_in_dim3A_362 {strides = array<i32>} : memref<512xi32, #tpu.memory_space<vmem>>, vector<16xi32>,
      %scan3A_367 = arith.constant 0 : i32
      %scan3A_368 = arith.constant 3 : i32
      %scan3A_369 = arith.addi %scan3A_341, %scan3A_368 : i32
      %broadcast_in_dim3A_370 = arith.constant 0 : i32
      %broadcast_in_dim3A_371 = vector.broadcast %broadcast_in_dim3A_370 : i32 to vector<16xi32>
      %mul3A_372 = arith.constant 16 : i32
      %mul3A_373 = arith.muli %scan3A_369, %mul3A_372 : i32
      %swap3A_374 = arith.index_cast %mul3A_373 : i32 to index
      %swap3A_375 = tpu.vector_load %arg12[%swap3A_374] {strides = array<i32>} : memref<512xi32, #tpu.memory_space<vmem>>, vector<16xi32>,
      tpu.vector_store %arg12[%swap3A_374], %broadcast_in_dim3A_371 {strides = array<i32>} : memref<512xi32, #tpu.memory_space<vmem>>, vector<16xi32>,
      %scan3A_376 = arith.constant 0 : i32
      scf.yield %scan3A_376 : i32
    }
    %scan3A_67 = arith.constant 32 : i32
    %scan3A_68 = arith.constant 0 : i32
    %scan3A_69 = arith.constant 0 : i32
    %scan3A_70 = arith.constant 128 : i32
    %scan3A_71 = arith.addi %scan3A_69, %scan3A_70 : i32
    %scan3A_72 = arith.constant 4 : i32
    %scan3A_73 = scf.for %scan3A_341 = %scan3A_69 to %scan3A_71 step %scan3A_72 iter_args(%scan3A_342 = %scan3A_68) -> (i32)  : i32 {
      %mul3A_343 = arith.constant 16 : i32
      %mul3A_344 = arith.muli %scan3A_341, %mul3A_343 : i32
      %get3A = arith.index_cast %mul3A_344 : i32 to index
      %get3A_345 = tpu.vector_load %arg8[%get3A] {strides = array<i32>} : memref<8192xi32, #tpu.memory_space<vmem>>, vector<16xi32>,
      %bitcast3A = vector.bitcast %get3A_345 : vector<16xi32> to vector<16xi32>
      %shift_right_logical3A = arith.constant 24 : i32
      %shift_right_logical3A_346 = vector.broadcast %shift_right_logical3A : i32 to vector<16xi32>
      %shift_right_logical3A_347 = arith.shrui %bitcast3A, %shift_right_logical3A_346 : vector<16xi32>
      tpu.vector_store_idx %arg12[%shift_right_logical3A_347], %broadcast_in_dim3A_0 {add = true} : memref<512xi32, #tpu.memory_space<vmem>>[vector<16xi32>], vector<16xi32>,
      %scan3A_348 = arith.constant 0 : i32
      %scan3A_349 = arith.constant 1 : i32
      %scan3A_350 = arith.addi %scan3A_341, %scan3A_349 : i32
      %mul3A_351 = arith.constant 16 : i32
      %mul3A_352 = arith.muli %scan3A_350, %mul3A_351 : i32
      %get3A_353 = arith.index_cast %mul3A_352 : i32 to index
      %get3A_354 = tpu.vector_load %arg8[%get3A_353] {strides = array<i32>} : memref<8192xi32, #tpu.memory_space<vmem>>, vector<16xi32>,
      %bitcast3A_355 = vector.bitcast %get3A_354 : vector<16xi32> to vector<16xi32>
      %shift_right_logical3A_356 = arith.constant 24 : i32
      %shift_right_logical3A_357 = vector.broadcast %shift_right_logical3A_356 : i32 to vector<16xi32>
      %shift_right_logical3A_358 = arith.shrui %bitcast3A_355, %shift_right_logical3A_357 : vector<16xi32>
      tpu.vector_store_idx %arg12[%shift_right_logical3A_358], %broadcast_in_dim3A_0 {add = true} : memref<512xi32, #tpu.memory_space<vmem>>[vector<16xi32>], vector<16xi32>,
      %scan3A_359 = arith.constant 0 : i32
      %scan3A_360 = arith.constant 2 : i32
      %scan3A_361 = arith.addi %scan3A_341, %scan3A_360 : i32
      %mul3A_362 = arith.constant 16 : i32
      %mul3A_363 = arith.muli %scan3A_361, %mul3A_362 : i32
      %get3A_364 = arith.index_cast %mul3A_363 : i32 to index
      %get3A_365 = tpu.vector_load %arg8[%get3A_364] {strides = array<i32>} : memref<8192xi32, #tpu.memory_space<vmem>>, vector<16xi32>,
      %bitcast3A_366 = vector.bitcast %get3A_365 : vector<16xi32> to vector<16xi32>
      %shift_right_logical3A_367 = arith.constant 24 : i32
      %shift_right_logical3A_368 = vector.broadcast %shift_right_logical3A_367 : i32 to vector<16xi32>
      %shift_right_logical3A_369 = arith.shrui %bitcast3A_366, %shift_right_logical3A_368 : vector<16xi32>
      tpu.vector_store_idx %arg12[%shift_right_logical3A_369], %broadcast_in_dim3A_0 {add = true} : memref<512xi32, #tpu.memory_space<vmem>>[vector<16xi32>], vector<16xi32>,
      %scan3A_370 = arith.constant 0 : i32
      %scan3A_371 = arith.constant 3 : i32
      %scan3A_372 = arith.addi %scan3A_341, %scan3A_371 : i32
      %mul3A_373 = arith.constant 16 : i32
      %mul3A_374 = arith.muli %scan3A_372, %mul3A_373 : i32
      %get3A_375 = arith.index_cast %mul3A_374 : i32 to index
      %get3A_376 = tpu.vector_load %arg8[%get3A_375] {strides = array<i32>} : memref<8192xi32, #tpu.memory_space<vmem>>, vector<16xi32>,
      %bitcast3A_377 = vector.bitcast %get3A_376 : vector<16xi32> to vector<16xi32>
      %shift_right_logical3A_378 = arith.constant 24 : i32
      %shift_right_logical3A_379 = vector.broadcast %shift_right_logical3A_378 : i32 to vector<16xi32>
      %shift_right_logical3A_380 = arith.shrui %bitcast3A_377, %shift_right_logical3A_379 : vector<16xi32>
      tpu.vector_store_idx %arg12[%shift_right_logical3A_380], %broadcast_in_dim3A_0 {add = true} : memref<512xi32, #tpu.memory_space<vmem>>[vector<16xi32>], vector<16xi32>,
      %scan3A_381 = arith.constant 0 : i32
      scf.yield %scan3A_381 : i32
    }
    %scan3A_74 = arith.constant 128 : i32
    %mul3A_75 = arith.constant 256 : i32
    %mul3A_76 = arith.muli %arg1, %mul3A_75 : i32
    "tpu.region"() ({
      %run_scoped3A = tpu.sem_alloc : memref<!tpu.dma_semaphore, #tpu.memory_space<semaphore_mem>>
      %dma_start3A_341 = arith.constant 0 : i32
      %dma_start3A_342 = tpu.memref_slice %arg12[%dma_start3A_341] : memref<512xi32, #tpu.memory_space<vmem>> -> memref<256xi32, #tpu.memory_space<vmem>>
      %dma_start3A_343 = tpu.memref_slice %arg27[%mul3A_76] : memref<4096xi32, #tpu.memory_space<vmem_shared>> -> memref<256xi32, #tpu.memory_space<vmem_shared>>
      %dma_start3A_344 = tpu.memref_slice %arg27[%mul3A_76] : memref<4096xi32, #tpu.memory_space<vmem_shared>> -> memref<256xi32, #tpu.memory_space<vmem_shared>>
      %dma_start3A_345 = arith.constant 0 : i32
      %dma_start3A_346 = tpu.memref_slice %arg12[%dma_start3A_345] : memref<512xi32, #tpu.memory_space<vmem>> -> memref<256xi32, #tpu.memory_space<vmem>>
      tpu.enqueue_dma source(%dma_start3A_346 : memref<256xi32, #tpu.memory_space<vmem>>) target(%dma_start3A_344 : memref<256xi32, #tpu.memory_space<vmem_shared>>) target_semaphore(%run_scoped3A : memref<!tpu.dma_semaphore, #tpu.memory_space<semaphore_mem>>)
      %dma_wait3A_347 = arith.constant 0 : i32
      %dma_wait3A_348 = tpu.memref_slice %arg12[%dma_wait3A_347] : memref<512xi32, #tpu.memory_space<vmem>> -> memref<256xi32, #tpu.memory_space<vmem>>
      %dma_wait3A_349 = tpu.memref_slice %arg27[%mul3A_76] : memref<4096xi32, #tpu.memory_space<vmem_shared>> -> memref<256xi32, #tpu.memory_space<vmem_shared>>
      %dma_wait3A_350 = tpu.memref_slice %arg27[%mul3A_76] : memref<4096xi32, #tpu.memory_space<vmem_shared>> -> memref<256xi32, #tpu.memory_space<vmem_shared>>
      %dma_wait3A_351 = arith.constant 0 : i32
      %dma_wait3A_352 = tpu.memref_slice %arg12[%dma_wait3A_351] : memref<512xi32, #tpu.memory_space<vmem>> -> memref<256xi32, #tpu.memory_space<vmem>>
      tpu.wait_dma2 semaphore(%run_scoped3A : memref<!tpu.dma_semaphore, #tpu.memory_space<semaphore_mem>>) src(%dma_wait3A_352 : memref<256xi32, #tpu.memory_space<vmem>>) dst(%dma_wait3A_350 : memref<256xi32, #tpu.memory_space<vmem_shared>>)
      tpu.yield
    }) : () -> ()
    %barrier3A = arith.constant 0 : index
    tpu.barrier barrier_id(%barrier3A)
    %mul3A_77 = arith.constant 4 : i32
    %mul3A_78 = arith.muli %select_n3A, %mul3A_77 : i32
    %mul3A_79 = arith.constant 256 : i32
    %mul3A_80 = arith.muli %mul3A_78, %mul3A_79 : i32
    "tpu.region"() ({
      %run_scoped3A = tpu.sem_alloc : memref<!tpu.dma_semaphore, #tpu.memory_space<semaphore_mem>>
      %dma_start3A_341 = tpu.memref_slice %arg27[%mul3A_80] : memref<4096xi32, #tpu.memory_space<vmem_shared>> -> memref<1024xi32, #tpu.memory_space<vmem_shared>>
      %dma_start3A_342 = tpu.memref_slice %arg27[%mul3A_80] : memref<4096xi32, #tpu.memory_space<vmem_shared>> -> memref<1024xi32, #tpu.memory_space<vmem_shared>>
      tpu.enqueue_dma source(%dma_start3A_342 : memref<1024xi32, #tpu.memory_space<vmem_shared>>) target(%arg17 : memref<1024xi32, #tpu.memory_space<vmem>>) target_semaphore(%run_scoped3A : memref<!tpu.dma_semaphore, #tpu.memory_space<semaphore_mem>>)
      %dma_wait3A_343 = tpu.memref_slice %arg27[%mul3A_80] : memref<4096xi32, #tpu.memory_space<vmem_shared>> -> memref<1024xi32, #tpu.memory_space<vmem_shared>>
      %dma_wait3A_344 = tpu.memref_slice %arg27[%mul3A_80] : memref<4096xi32, #tpu.memory_space<vmem_shared>> -> memref<1024xi32, #tpu.memory_space<vmem_shared>>
      tpu.wait_dma2 semaphore(%run_scoped3A : memref<!tpu.dma_semaphore, #tpu.memory_space<semaphore_mem>>) src(%dma_wait3A_344 : memref<1024xi32, #tpu.memory_space<vmem_shared>>) dst(%arg17 : memref<1024xi32, #tpu.memory_space<vmem>>)
      tpu.yield
    }) : () -> ()
    %scan3A_81 = arith.constant 0 : i32
    %scan3A_82 = arith.constant 0 : i32
    %scan3A_83 = arith.constant 16 : i32
    %scan3A_84 = arith.addi %scan3A_82, %scan3A_83 : i32
    %scan3A_85 = arith.constant 4 : i32
    %scan3A_86 = scf.for %scan3A_341 = %scan3A_82 to %scan3A_84 step %scan3A_85 iter_args(%scan3A_342 = %scan3A_81) -> (i32)  : i32 {
      %mul3A_343 = arith.constant 16 : i32
      %mul3A_344 = arith.muli %scan3A_341, %mul3A_343 : i32
      %get3A = arith.index_cast %mul3A_344 : i32 to index
      %get3A_345 = tpu.vector_load %arg17[%get3A] {strides = array<i32>} : memref<1024xi32, #tpu.memory_space<vmem>>, vector<16xi32>,
      %mul3A_346 = arith.constant 16 : i32
      %mul3A_347 = arith.muli %scan3A_341, %mul3A_346 : i32
      %add3A_348 = arith.constant 256 : i32
      %add3A_349 = arith.addi %add3A_348, %mul3A_347 : i32
      %get3A_350 = arith.index_cast %add3A_349 : i32 to index
      %get3A_351 = tpu.vector_load %arg17[%get3A_350] {strides = array<i32>} : memref<1024xi32, #tpu.memory_space<vmem>>, vector<16xi32>,
      %add3A_352 = arith.addi %get3A_345, %get3A_351 : vector<16xi32>
      %mul3A_353 = arith.constant 16 : i32
      %mul3A_354 = arith.muli %scan3A_341, %mul3A_353 : i32
      %add3A_355 = arith.constant 512 : i32
      %add3A_356 = arith.addi %add3A_355, %mul3A_354 : i32
      %get3A_357 = arith.index_cast %add3A_356 : i32 to index
      %get3A_358 = tpu.vector_load %arg17[%get3A_357] {strides = array<i32>} : memref<1024xi32, #tpu.memory_space<vmem>>, vector<16xi32>,
      %add3A_359 = arith.addi %add3A_352, %get3A_358 : vector<16xi32>
      %mul3A_360 = arith.constant 16 : i32
      %mul3A_361 = arith.muli %scan3A_341, %mul3A_360 : i32
      %add3A_362 = arith.constant 768 : i32
      %add3A_363 = arith.addi %add3A_362, %mul3A_361 : i32
      %get3A_364 = arith.index_cast %add3A_363 : i32 to index
      %get3A_365 = tpu.vector_load %arg17[%get3A_364] {strides = array<i32>} : memref<1024xi32, #tpu.memory_space<vmem>>, vector<16xi32>,
      %add3A_366 = arith.addi %add3A_359, %get3A_365 : vector<16xi32>
      %swap3A_367 = arith.index_cast %mul3A_344 : i32 to index
      %swap3A_368 = tpu.vector_load %arg12[%swap3A_367] {strides = array<i32>} : memref<512xi32, #tpu.memory_space<vmem>>, vector<16xi32>,
      tpu.vector_store %arg12[%swap3A_367], %add3A_366 {strides = array<i32>} : memref<512xi32, #tpu.memory_space<vmem>>, vector<16xi32>,
      %scan3A_369 = arith.constant 0 : i32
      %scan3A_370 = arith.constant 1 : i32
      %scan3A_371 = arith.addi %scan3A_341, %scan3A_370 : i32
      %mul3A_372 = arith.constant 16 : i32
      %mul3A_373 = arith.muli %scan3A_371, %mul3A_372 : i32
      %get3A_374 = arith.index_cast %mul3A_373 : i32 to index
      %get3A_375 = tpu.vector_load %arg17[%get3A_374] {strides = array<i32>} : memref<1024xi32, #tpu.memory_space<vmem>>, vector<16xi32>,
      %mul3A_376 = arith.constant 16 : i32
      %mul3A_377 = arith.muli %scan3A_371, %mul3A_376 : i32
      %add3A_378 = arith.constant 256 : i32
      %add3A_379 = arith.addi %add3A_378, %mul3A_377 : i32
      %get3A_380 = arith.index_cast %add3A_379 : i32 to index
      %get3A_381 = tpu.vector_load %arg17[%get3A_380] {strides = array<i32>} : memref<1024xi32, #tpu.memory_space<vmem>>, vector<16xi32>,
      %add3A_382 = arith.addi %get3A_375, %get3A_381 : vector<16xi32>
      %mul3A_383 = arith.constant 16 : i32
      %mul3A_384 = arith.muli %scan3A_371, %mul3A_383 : i32
      %add3A_385 = arith.constant 512 : i32
      %add3A_386 = arith.addi %add3A_385, %mul3A_384 : i32
      %get3A_387 = arith.index_cast %add3A_386 : i32 to index
      %get3A_388 = tpu.vector_load %arg17[%get3A_387] {strides = array<i32>} : memref<1024xi32, #tpu.memory_space<vmem>>, vector<16xi32>,
      %add3A_389 = arith.addi %add3A_382, %get3A_388 : vector<16xi32>
      %mul3A_390 = arith.constant 16 : i32
      %mul3A_391 = arith.muli %scan3A_371, %mul3A_390 : i32
      %add3A_392 = arith.constant 768 : i32
      %add3A_393 = arith.addi %add3A_392, %mul3A_391 : i32
      %get3A_394 = arith.index_cast %add3A_393 : i32 to index
      %get3A_395 = tpu.vector_load %arg17[%get3A_394] {strides = array<i32>} : memref<1024xi32, #tpu.memory_space<vmem>>, vector<16xi32>,
      %add3A_396 = arith.addi %add3A_389, %get3A_395 : vector<16xi32>
      %swap3A_397 = arith.index_cast %mul3A_373 : i32 to index
      %swap3A_398 = tpu.vector_load %arg12[%swap3A_397] {strides = array<i32>} : memref<512xi32, #tpu.memory_space<vmem>>, vector<16xi32>,
      tpu.vector_store %arg12[%swap3A_397], %add3A_396 {strides = array<i32>} : memref<512xi32, #tpu.memory_space<vmem>>, vector<16xi32>,
      %scan3A_399 = arith.constant 0 : i32
      %scan3A_400 = arith.constant 2 : i32
      %scan3A_401 = arith.addi %scan3A_341, %scan3A_400 : i32
      %mul3A_402 = arith.constant 16 : i32
      %mul3A_403 = arith.muli %scan3A_401, %mul3A_402 : i32
      %get3A_404 = arith.index_cast %mul3A_403 : i32 to index
      %get3A_405 = tpu.vector_load %arg17[%get3A_404] {strides = array<i32>} : memref<1024xi32, #tpu.memory_space<vmem>>, vector<16xi32>,
      %mul3A_406 = arith.constant 16 : i32
      %mul3A_407 = arith.muli %scan3A_401, %mul3A_406 : i32
      %add3A_408 = arith.constant 256 : i32
      %add3A_409 = arith.addi %add3A_408, %mul3A_407 : i32
      %get3A_410 = arith.index_cast %add3A_409 : i32 to index
      %get3A_411 = tpu.vector_load %arg17[%get3A_410] {strides = array<i32>} : memref<1024xi32, #tpu.memory_space<vmem>>, vector<16xi32>,
      %add3A_412 = arith.addi %get3A_405, %get3A_411 : vector<16xi32>
      %mul3A_413 = arith.constant 16 : i32
      %mul3A_414 = arith.muli %scan3A_401, %mul3A_413 : i32
      %add3A_415 = arith.constant 512 : i32
      %add3A_416 = arith.addi %add3A_415, %mul3A_414 : i32
      %get3A_417 = arith.index_cast %add3A_416 : i32 to index
      %get3A_418 = tpu.vector_load %arg17[%get3A_417] {strides = array<i32>} : memref<1024xi32, #tpu.memory_space<vmem>>, vector<16xi32>,
      %add3A_419 = arith.addi %add3A_412, %get3A_418 : vector<16xi32>
      %mul3A_420 = arith.constant 16 : i32
      %mul3A_421 = arith.muli %scan3A_401, %mul3A_420 : i32
      %add3A_422 = arith.constant 768 : i32
      %add3A_423 = arith.addi %add3A_422, %mul3A_421 : i32
      %get3A_424 = arith.index_cast %add3A_423 : i32 to index
      %get3A_425 = tpu.vector_load %arg17[%get3A_424] {strides = array<i32>} : memref<1024xi32, #tpu.memory_space<vmem>>, vector<16xi32>,
      %add3A_426 = arith.addi %add3A_419, %get3A_425 : vector<16xi32>
      %swap3A_427 = arith.index_cast %mul3A_403 : i32 to index
      %swap3A_428 = tpu.vector_load %arg12[%swap3A_427] {strides = array<i32>} : memref<512xi32, #tpu.memory_space<vmem>>, vector<16xi32>,
      tpu.vector_store %arg12[%swap3A_427], %add3A_426 {strides = array<i32>} : memref<512xi32, #tpu.memory_space<vmem>>, vector<16xi32>,
      %scan3A_429 = arith.constant 0 : i32
      %scan3A_430 = arith.constant 3 : i32
      %scan3A_431 = arith.addi %scan3A_341, %scan3A_430 : i32
      %mul3A_432 = arith.constant 16 : i32
      %mul3A_433 = arith.muli %scan3A_431, %mul3A_432 : i32
      %get3A_434 = arith.index_cast %mul3A_433 : i32 to index
      %get3A_435 = tpu.vector_load %arg17[%get3A_434] {strides = array<i32>} : memref<1024xi32, #tpu.memory_space<vmem>>, vector<16xi32>,
      %mul3A_436 = arith.constant 16 : i32
      %mul3A_437 = arith.muli %scan3A_431, %mul3A_436 : i32
      %add3A_438 = arith.constant 256 : i32
      %add3A_439 = arith.addi %add3A_438, %mul3A_437 : i32
      %get3A_440 = arith.index_cast %add3A_439 : i32 to index
      %get3A_441 = tpu.vector_load %arg17[%get3A_440] {strides = array<i32>} : memref<1024xi32, #tpu.memory_space<vmem>>, vector<16xi32>,
      %add3A_442 = arith.addi %get3A_435, %get3A_441 : vector<16xi32>
      %mul3A_443 = arith.constant 16 : i32
      %mul3A_444 = arith.muli %scan3A_431, %mul3A_443 : i32
      %add3A_445 = arith.constant 512 : i32
      %add3A_446 = arith.addi %add3A_445, %mul3A_444 : i32
      %get3A_447 = arith.index_cast %add3A_446 : i32 to index
      %get3A_448 = tpu.vector_load %arg17[%get3A_447] {strides = array<i32>} : memref<1024xi32, #tpu.memory_space<vmem>>, vector<16xi32>,
      %add3A_449 = arith.addi %add3A_442, %get3A_448 : vector<16xi32>
      %mul3A_450 = arith.constant 16 : i32
      %mul3A_451 = arith.muli %scan3A_431, %mul3A_450 : i32
      %add3A_452 = arith.constant 768 : i32
      %add3A_453 = arith.addi %add3A_452, %mul3A_451 : i32
      %get3A_454 = arith.index_cast %add3A_453 : i32 to index
      %get3A_455 = tpu.vector_load %arg17[%get3A_454] {strides = array<i32>} : memref<1024xi32, #tpu.memory_space<vmem>>, vector<16xi32>,
      %add3A_456 = arith.addi %add3A_449, %get3A_455 : vector<16xi32>
      %swap3A_457 = arith.index_cast %mul3A_433 : i32 to index
      %swap3A_458 = tpu.vector_load %arg12[%swap3A_457] {strides = array<i32>} : memref<512xi32, #tpu.memory_space<vmem>>, vector<16xi32>,
      tpu.vector_store %arg12[%swap3A_457], %add3A_456 {strides = array<i32>} : memref<512xi32, #tpu.memory_space<vmem>>, vector<16xi32>,
      %scan3A_459 = arith.constant 0 : i32
      scf.yield %scan3A_459 : i32
    }
    %scan3A_87 = arith.constant 16 : i32
    %barrier3A_88 = arith.constant 0 : index
    tpu.barrier barrier_id(%barrier3A_88)
    %scan3A_89 = arith.constant 0 : i32
    %scan3A_90 = arith.constant 0 : i32
    %scan3A_91 = arith.constant 16 : i32
    %scan3A_92 = arith.addi %scan3A_90, %scan3A_91 : i32
    %scan3A_93 = arith.constant 1 : i32
    %scan3A_94 = scf.for %scan3A_341 = %scan3A_90 to %scan3A_92 step %scan3A_93 iter_args(%scan3A_342 = %scan3A_89) -> (i32)  : i32 {
      %mul3A_343 = arith.constant 16 : i32
      %mul3A_344 = arith.muli %scan3A_341, %mul3A_343 : i32
      %get3A = arith.index_cast %mul3A_344 : i32 to index
      %get3A_345 = tpu.vector_load %arg12[%get3A] {strides = array<i32>} : memref<512xi32, #tpu.memory_space<vmem>>, vector<16xi32>,
      %broadcast_in_dim3A_346 = arith.constant true
      %broadcast_in_dim3A_347 = vector.broadcast %broadcast_in_dim3A_346 : i1 to vector<16xi1>
      %masked_cumsum3A = tpu.scan <sum>, %get3A_345 masked %broadcast_in_dim3A_347 : vector<16xi32>, vector<16xi1> -> vector<16xi32>
      %add3A_348 = vector.broadcast %scan3A_342 : i32 to vector<16xi32>
      %add3A_349 = arith.addi %masked_cumsum3A, %add3A_348 : vector<16xi32>
      %swap3A_350 = arith.index_cast %mul3A_344 : i32 to index
      %swap3A_351 = tpu.vector_load %arg13[%swap3A_350] {strides = array<i32>} : memref<512xi32, #tpu.memory_space<vmem>>, vector<16xi32>,
      tpu.vector_store %arg13[%swap3A_350], %add3A_349 {strides = array<i32>} : memref<512xi32, #tpu.memory_space<vmem>>, vector<16xi32>,
      %reduce_max3A_352 = arith.constant true
      %reduce_max3A_353 = vector.broadcast %reduce_max3A_352 : i1 to vector<16xi1>
      %reduce_max3A_354 = arith.constant -2147483648 : i32
      %reduce_max3A_355 = vector.broadcast %reduce_max3A_354 : i32 to vector<16xi32>
      %reduce_max3A_356 = arith.xori %masked_cumsum3A, %reduce_max3A_355 : vector<16xi32>
      %reduce_max3A_357 = tpu.scan <max>, %reduce_max3A_356 masked %reduce_max3A_353 : vector<16xi32>, vector<16xi1> -> vector<16xi32>
      %reduce_max3A_358 = arith.xori %reduce_max3A_357, %reduce_max3A_355 : vector<16xi32>
      %reduce_max3A_359 = vector.extract %reduce_max3A_358[15] : i32 from vector<16xi32>
      %add3A_360 = arith.addi %scan3A_342, %reduce_max3A_359 : i32
      scf.yield %add3A_360 : i32
    }
    %scan3A_95 = arith.constant 16 : i32
    %scan3A_96 = arith.constant 2048 : i32
    %scan3A_97 = arith.constant 0 : i32
    %scan3A_98 = arith.constant 0 : i32
    %scan3A_99 = arith.constant 16 : i32
    %scan3A_100 = arith.addi %scan3A_98, %scan3A_99 : i32
    %scan3A_101 = arith.constant 1 : i32
    %scan3A_102 = scf.for %scan3A_341 = %scan3A_98 to %scan3A_100 step %scan3A_101 iter_args(%scan3A_342 = %scan3A_97) -> (i32)  : i32 {
      %mul3A_343 = arith.constant 16 : i32
      %mul3A_344 = arith.muli %scan3A_341, %mul3A_343 : i32
      %get3A = arith.index_cast %mul3A_344 : i32 to index
      %get3A_345 = tpu.vector_load %arg13[%get3A] {strides = array<i32>} : memref<512xi32, #tpu.memory_space<vmem>>, vector<16xi32>,
      %lt3A = vector.broadcast %scan3A_96 : i32 to vector<16xi32>
      %lt3A_346 = arith.cmpi slt, %get3A_345, %lt3A : vector<16xi32>
      %convert_element_type3A_347 = arith.extui %lt3A_346 : vector<16xi1> to vector<16xi32>
      %reduce_sum3A = arith.constant true
      %reduce_sum3A_348 = vector.broadcast %reduce_sum3A : i1 to vector<16xi1>
      %reduce_sum3A_349 = tpu.scan <sum>, %convert_element_type3A_347 masked %reduce_sum3A_348 : vector<16xi32>, vector<16xi1> -> vector<16xi32>
      %reduce_sum3A_350 = vector.extract %reduce_sum3A_349[15] : i32 from vector<16xi32>
      %add3A_351 = arith.addi %scan3A_342, %reduce_sum3A_350 : i32
      scf.yield %add3A_351 : i32
    }
    %scan3A_103 = arith.constant 16 : i32
    %sub3A_104 = arith.constant 1 : i32
    %sub3A_105 = arith.subi %scan3A_102, %sub3A_104 : i32
    %max3A = arith.constant 0 : i32
    %max3A_106 = arith.maxsi %sub3A_105, %max3A : i32
    %broadcast_in_dim3A_107 = arith.constant 0 : i32
    %broadcast_in_dim3A_108 = vector.broadcast %broadcast_in_dim3A_107 : i32 to vector<16xi32>
    %add3A_109 = vector.broadcast %max3A_106 : i32 to vector<16xi32>
    %add3A_110 = arith.addi %add3A_109, %broadcast_in_dim3A_108 : vector<16xi32>
    %gather3A = tpu.vector_load_idx %arg13[%add3A_110] : memref<512xi32, #tpu.memory_space<vmem>>[vector<16xi32>], vector<16xi32>,
    %gt3A = arith.constant 0 : i32
    %gt3A_111 = arith.cmpi sgt, %scan3A_102, %gt3A : i32
    %reduce_max3A = arith.constant true
    %reduce_max3A_112 = vector.broadcast %reduce_max3A : i1 to vector<16xi1>
    %reduce_max3A_113 = arith.constant -2147483648 : i32
    %reduce_max3A_114 = vector.broadcast %reduce_max3A_113 : i32 to vector<16xi32>
    %reduce_max3A_115 = arith.xori %gather3A, %reduce_max3A_114 : vector<16xi32>
    %reduce_max3A_116 = tpu.scan <max>, %reduce_max3A_115 masked %reduce_max3A_112 : vector<16xi32>, vector<16xi1> -> vector<16xi32>
    %reduce_max3A_117 = arith.xori %reduce_max3A_116, %reduce_max3A_114 : vector<16xi32>
    %reduce_max3A_118 = vector.extract %reduce_max3A_117[15] : i32 from vector<16xi32>
    %jit3A_119 = arith.constant 0 : i32
    %select_n3A_120 = arith.select %gt3A_111, %reduce_max3A_118, %jit3A_119 : i32
    %sub3A_121 = arith.constant 2048 : i32
    %sub3A_122 = arith.subi %sub3A_121, %select_n3A_120 : i32
    %shift_left3A = arith.constant 24 : i32
    %shift_left3A_123 = arith.shli %scan3A_102, %shift_left3A : i32
    %scan3A_124 = arith.constant 0 : i32
    %scan3A_125 = arith.constant 0 : i32
    %scan3A_126 = arith.constant 128 : i32
    %scan3A_127 = arith.addi %scan3A_125, %scan3A_126 : i32
    %scan3A_128 = arith.constant 1 : i32
    %scan3A_129 = scf.for %scan3A_341 = %scan3A_125 to %scan3A_127 step %scan3A_128 iter_args(%scan3A_342 = %scan3A_124) -> (i32)  : i32 {
      %mul3A_343 = arith.constant 16 : i32
      %mul3A_344 = arith.muli %scan3A_341, %mul3A_343 : i32
      %get3A = arith.index_cast %mul3A_344 : i32 to index
      %get3A_345 = tpu.vector_load %arg8[%get3A] {strides = array<i32>} : memref<8192xi32, #tpu.memory_space<vmem>>, vector<16xi32>,
      %bitcast3A = vector.bitcast %get3A_345 : vector<16xi32> to vector<16xi32>
      %shift_right_logical3A = arith.constant 24 : i32
      %shift_right_logical3A_346 = vector.broadcast %shift_right_logical3A : i32 to vector<16xi32>
      %shift_right_logical3A_347 = arith.shrui %bitcast3A, %shift_right_logical3A_346 : vector<16xi32>
      %eq3A_348 = vector.broadcast %scan3A_102 : i32 to vector<16xi32>
      %eq3A_349 = arith.cmpi eq, %shift_right_logical3A_347, %eq3A_348 : vector<16xi32>
      %convert_element_type3A_350 = arith.extui %eq3A_349 : vector<16xi1> to vector<16xi32>
      %broadcast_in_dim3A_351 = arith.constant true
      %broadcast_in_dim3A_352 = vector.broadcast %broadcast_in_dim3A_351 : i1 to vector<16xi1>
      %masked_cumsum3A = tpu.scan <sum>, %convert_element_type3A_350 masked %broadcast_in_dim3A_352 : vector<16xi32>, vector<16xi1> -> vector<16xi32>
      %add3A_353 = vector.broadcast %scan3A_342 : i32 to vector<16xi32>
      %add3A_354 = arith.addi %add3A_353, %masked_cumsum3A : vector<16xi32>
      %sub3A_355 = arith.constant 1 : i32
      %sub3A_356 = vector.broadcast %sub3A_355 : i32 to vector<16xi32>
      %sub3A_357 = arith.subi %add3A_354, %sub3A_356 : vector<16xi32>
      tpu.vector_store_idx %arg10[%sub3A_357], %get3A_345 masked %eq3A_349 : memref<8192xi32, #tpu.memory_space<vmem>>[vector<16xi32>], vector<16xi32>, vector<16xi1>
      %reduce_max3A_358 = arith.constant true
      %reduce_max3A_359 = vector.broadcast %reduce_max3A_358 : i1 to vector<16xi1>
      %reduce_max3A_360 = arith.constant -2147483648 : i32
      %reduce_max3A_361 = vector.broadcast %reduce_max3A_360 : i32 to vector<16xi32>
      %reduce_max3A_362 = arith.xori %masked_cumsum3A, %reduce_max3A_361 : vector<16xi32>
      %reduce_max3A_363 = tpu.scan <max>, %reduce_max3A_362 masked %reduce_max3A_359 : vector<16xi32>, vector<16xi1> -> vector<16xi32>
      %reduce_max3A_364 = arith.xori %reduce_max3A_363, %reduce_max3A_361 : vector<16xi32>
      %reduce_max3A_365 = vector.extract %reduce_max3A_364[15] : i32 from vector<16xi32>
      %add3A_366 = arith.addi %scan3A_342, %reduce_max3A_365 : i32
      scf.yield %add3A_366 : i32
    }
    %scan3A_130 = arith.constant 128 : i32
    %add3A_131 = arith.constant 15 : i32
    %add3A_132 = arith.addi %scan3A_129, %add3A_131 : i32
    %jit3A_133 = arith.constant 16 : i32
    %div3A_134 = arith.divsi %add3A_132, %jit3A_133 : i32
    %sign3A_135 = arith.constant 0 : i32
    %sign3A_136 = arith.cmpi sgt, %add3A_132, %sign3A_135 : i32
    %sign3A_137 = arith.extui %sign3A_136 : i1 to i32
    %sign3A_138 = arith.constant 0 : i32
    %sign3A_139 = arith.cmpi slt, %add3A_132, %sign3A_138 : i32
    %sign3A_140 = arith.extui %sign3A_139 : i1 to i32
    %sign3A_141 = arith.subi %sign3A_137, %sign3A_140 : i32
    %sign3A_142 = arith.constant 0 : i32
    %sign3A_143 = arith.cmpi sgt, %jit3A_133, %sign3A_142 : i32
    %sign3A_144 = arith.extui %sign3A_143 : i1 to i32
    %sign3A_145 = arith.constant 0 : i32
    %sign3A_146 = arith.cmpi slt, %jit3A_133, %sign3A_145 : i32
    %sign3A_147 = arith.extui %sign3A_146 : i1 to i32
    %sign3A_148 = arith.subi %sign3A_144, %sign3A_147 : i32
    %ne3A_149 = arith.cmpi ne, %sign3A_141, %sign3A_148 : i32
    %rem3A_150 = arith.remsi %add3A_132, %jit3A_133 : i32
    %ne3A_151 = arith.constant 0 : i32
    %ne3A_152 = arith.cmpi ne, %rem3A_150, %ne3A_151 : i32
    %and3A_153 = arith.andi %ne3A_149, %ne3A_152 : i1
    %sub3A_154 = arith.constant 1 : i32
    %sub3A_155 = arith.subi %div3A_134, %sub3A_154 : i32
    %select_n3A_156 = arith.select %and3A_153, %sub3A_155, %div3A_134 : i32
    %scan3A_157 = arith.constant 0 : i32
    %scan3A_158 = arith.constant 0 : i32
    %scan3A_159 = arith.constant 32 : i32
    %scan3A_160 = arith.addi %scan3A_158, %scan3A_159 : i32
    %scan3A_161 = arith.constant 4 : i32
    %scan3A_162 = scf.for %scan3A_341 = %scan3A_158 to %scan3A_160 step %scan3A_161 iter_args(%scan3A_342 = %scan3A_157) -> (i32)  : i32 {
      %broadcast_in_dim3A_343 = arith.constant 0 : i32
      %broadcast_in_dim3A_344 = vector.broadcast %broadcast_in_dim3A_343 : i32 to vector<16xi32>
      %mul3A_345 = arith.constant 16 : i32
      %mul3A_346 = arith.muli %scan3A_341, %mul3A_345 : i32
      %swap3A_347 = arith.index_cast %mul3A_346 : i32 to index
      %swap3A_348 = tpu.vector_load %arg12[%swap3A_347] {strides = array<i32>} : memref<512xi32, #tpu.memory_space<vmem>>, vector<16xi32>,
      tpu.vector_store %arg12[%swap3A_347], %broadcast_in_dim3A_344 {strides = array<i32>} : memref<512xi32, #tpu.memory_space<vmem>>, vector<16xi32>,
      %scan3A_349 = arith.constant 0 : i32
      %scan3A_350 = arith.constant 1 : i32
      %scan3A_351 = arith.addi %scan3A_341, %scan3A_350 : i32
      %broadcast_in_dim3A_352 = arith.constant 0 : i32
      %broadcast_in_dim3A_353 = vector.broadcast %broadcast_in_dim3A_352 : i32 to vector<16xi32>
      %mul3A_354 = arith.constant 16 : i32
      %mul3A_355 = arith.muli %scan3A_351, %mul3A_354 : i32
      %swap3A_356 = arith.index_cast %mul3A_355 : i32 to index
      %swap3A_357 = tpu.vector_load %arg12[%swap3A_356] {strides = array<i32>} : memref<512xi32, #tpu.memory_space<vmem>>, vector<16xi32>,
      tpu.vector_store %arg12[%swap3A_356], %broadcast_in_dim3A_353 {strides = array<i32>} : memref<512xi32, #tpu.memory_space<vmem>>, vector<16xi32>,
      %scan3A_358 = arith.constant 0 : i32
      %scan3A_359 = arith.constant 2 : i32
      %scan3A_360 = arith.addi %scan3A_341, %scan3A_359 : i32
      %broadcast_in_dim3A_361 = arith.constant 0 : i32
      %broadcast_in_dim3A_362 = vector.broadcast %broadcast_in_dim3A_361 : i32 to vector<16xi32>
      %mul3A_363 = arith.constant 16 : i32
      %mul3A_364 = arith.muli %scan3A_360, %mul3A_363 : i32
      %swap3A_365 = arith.index_cast %mul3A_364 : i32 to index
      %swap3A_366 = tpu.vector_load %arg12[%swap3A_365] {strides = array<i32>} : memref<512xi32, #tpu.memory_space<vmem>>, vector<16xi32>,
      tpu.vector_store %arg12[%swap3A_365], %broadcast_in_dim3A_362 {strides = array<i32>} : memref<512xi32, #tpu.memory_space<vmem>>, vector<16xi32>,
      %scan3A_367 = arith.constant 0 : i32
      %scan3A_368 = arith.constant 3 : i32
      %scan3A_369 = arith.addi %scan3A_341, %scan3A_368 : i32
      %broadcast_in_dim3A_370 = arith.constant 0 : i32
      %broadcast_in_dim3A_371 = vector.broadcast %broadcast_in_dim3A_370 : i32 to vector<16xi32>
      %mul3A_372 = arith.constant 16 : i32
      %mul3A_373 = arith.muli %scan3A_369, %mul3A_372 : i32
      %swap3A_374 = arith.index_cast %mul3A_373 : i32 to index
      %swap3A_375 = tpu.vector_load %arg12[%swap3A_374] {strides = array<i32>} : memref<512xi32, #tpu.memory_space<vmem>>, vector<16xi32>,
      tpu.vector_store %arg12[%swap3A_374], %broadcast_in_dim3A_371 {strides = array<i32>} : memref<512xi32, #tpu.memory_space<vmem>>, vector<16xi32>,
      %scan3A_376 = arith.constant 0 : i32
      scf.yield %scan3A_376 : i32
    }
    %scan3A_163 = arith.constant 32 : i32
    %while3A = arith.constant 0 : i32
    %while3A_164 = arith.constant 0 : i32
    %while3A_165 = arith.subi %select_n3A_156, %while3A : i32
    %while3A_166 = arith.addi %while3A, %while3A_165 : i32
    %while3A_167 = arith.constant 1 : i32
    %while3A_168 = arith.divsi %while3A_165, %while3A_167 : i32
    %while3A_169 = arith.muli %while3A_168, %while3A_167 : i32
    %while3A_170 = arith.addi %while3A, %while3A_169 : i32
    %while3A_171 = arith.constant 1 : i32
    %while3A_172 = scf.for %while3A_341 = %while3A to %while3A_170 step %while3A_171 iter_args(%while3A_342 = %while3A_164) -> (i32)  : i32 {
      %mul3A_343 = arith.constant 16 : i32
      %mul3A_344 = arith.muli %while3A_341, %mul3A_343 : i32
      %get3A = arith.index_cast %mul3A_344 : i32 to index
      %get3A_345 = tpu.vector_load %arg10[%get3A] {strides = array<i32>} : memref<8192xi32, #tpu.memory_space<vmem>>, vector<16xi32>,
      %bitcast3A = vector.bitcast %get3A_345 : vector<16xi32> to vector<16xi32>
      %shift_right_logical3A = arith.constant 16 : i32
      %shift_right_logical3A_346 = vector.broadcast %shift_right_logical3A : i32 to vector<16xi32>
      %shift_right_logical3A_347 = arith.shrui %bitcast3A, %shift_right_logical3A_346 : vector<16xi32>
      %and3A_348 = arith.constant 255 : i32
      %and3A_349 = vector.broadcast %and3A_348 : i32 to vector<16xi32>
      %and3A_350 = arith.andi %shift_right_logical3A_347, %and3A_349 : vector<16xi32>
      %mul3A_351 = arith.constant 16 : i32
      %mul3A_352 = arith.muli %while3A_341, %mul3A_351 : i32
      %add3A_353 = vector.broadcast %mul3A_352 : i32 to vector<16xi32>
      %add3A_354 = arith.addi %iota3A, %add3A_353 : vector<16xi32>
      %lt3A = vector.broadcast %scan3A_129 : i32 to vector<16xi32>
      %lt3A_355 = arith.cmpi slt, %add3A_354, %lt3A : vector<16xi32>
      %add3A_356 = arith.constant 256 : i32
      %add3A_357 = vector.broadcast %add3A_356 : i32 to vector<16xi32>
      %add3A_358 = arith.addi %add3A_357, %iota3A : vector<16xi32>
      %select_n3A_359 = arith.select %lt3A_355, %and3A_350, %add3A_358 : vector<16xi1>, vector<16xi32>
      tpu.vector_store_idx %arg12[%select_n3A_359], %broadcast_in_dim3A_0 {add = true} : memref<512xi32, #tpu.memory_space<vmem>>[vector<16xi32>], vector<16xi32>,
      %while3A_360 = arith.constant 0 : i32
      scf.yield %while3A_360 : i32
    }
    %while3A_173 = arith.constant 1 : i32
    %while3A_174 = scf.for %while3A_341 = %while3A_170 to %while3A_166 step %while3A_173 iter_args(%while3A_342 = %while3A_172) -> (i32)  : i32 {
      %mul3A_343 = arith.constant 16 : i32
      %mul3A_344 = arith.muli %while3A_341, %mul3A_343 : i32
      %get3A = arith.index_cast %mul3A_344 : i32 to index
      %get3A_345 = tpu.vector_load %arg10[%get3A] {strides = array<i32>} : memref<8192xi32, #tpu.memory_space<vmem>>, vector<16xi32>,
      %bitcast3A = vector.bitcast %get3A_345 : vector<16xi32> to vector<16xi32>
      %shift_right_logical3A = arith.constant 16 : i32
      %shift_right_logical3A_346 = vector.broadcast %shift_right_logical3A : i32 to vector<16xi32>
      %shift_right_logical3A_347 = arith.shrui %bitcast3A, %shift_right_logical3A_346 : vector<16xi32>
      %and3A_348 = arith.constant 255 : i32
      %and3A_349 = vector.broadcast %and3A_348 : i32 to vector<16xi32>
      %and3A_350 = arith.andi %shift_right_logical3A_347, %and3A_349 : vector<16xi32>
      %mul3A_351 = arith.constant 16 : i32
      %mul3A_352 = arith.muli %while3A_341, %mul3A_351 : i32
      %add3A_353 = vector.broadcast %mul3A_352 : i32 to vector<16xi32>
      %add3A_354 = arith.addi %iota3A, %add3A_353 : vector<16xi32>
      %lt3A = vector.broadcast %scan3A_129 : i32 to vector<16xi32>
      %lt3A_355 = arith.cmpi slt, %add3A_354, %lt3A : vector<16xi32>
      %add3A_356 = arith.constant 256 : i32
      %add3A_357 = vector.broadcast %add3A_356 : i32 to vector<16xi32>
      %add3A_358 = arith.addi %add3A_357, %iota3A : vector<16xi32>
      %select_n3A_359 = arith.select %lt3A_355, %and3A_350, %add3A_358 : vector<16xi1>, vector<16xi32>
      tpu.vector_store_idx %arg12[%select_n3A_359], %broadcast_in_dim3A_0 {add = true} : memref<512xi32, #tpu.memory_space<vmem>>[vector<16xi32>], vector<16xi32>,
      %while3A_360 = arith.constant 0 : i32
      scf.yield %while3A_360 : i32
    }
    %mul3A_175 = arith.constant 256 : i32
    %mul3A_176 = arith.muli %arg1, %mul3A_175 : i32
    "tpu.region"() ({
      %run_scoped3A = tpu.sem_alloc : memref<!tpu.dma_semaphore, #tpu.memory_space<semaphore_mem>>
      %dma_start3A_341 = arith.constant 0 : i32
      %dma_start3A_342 = tpu.memref_slice %arg12[%dma_start3A_341] : memref<512xi32, #tpu.memory_space<vmem>> -> memref<256xi32, #tpu.memory_space<vmem>>
      %dma_start3A_343 = tpu.memref_slice %arg27[%mul3A_176] : memref<4096xi32, #tpu.memory_space<vmem_shared>> -> memref<256xi32, #tpu.memory_space<vmem_shared>>
      %dma_start3A_344 = tpu.memref_slice %arg27[%mul3A_176] : memref<4096xi32, #tpu.memory_space<vmem_shared>> -> memref<256xi32, #tpu.memory_space<vmem_shared>>
      %dma_start3A_345 = arith.constant 0 : i32
      %dma_start3A_346 = tpu.memref_slice %arg12[%dma_start3A_345] : memref<512xi32, #tpu.memory_space<vmem>> -> memref<256xi32, #tpu.memory_space<vmem>>
      tpu.enqueue_dma source(%dma_start3A_346 : memref<256xi32, #tpu.memory_space<vmem>>) target(%dma_start3A_344 : memref<256xi32, #tpu.memory_space<vmem_shared>>) target_semaphore(%run_scoped3A : memref<!tpu.dma_semaphore, #tpu.memory_space<semaphore_mem>>)
      %dma_wait3A_347 = arith.constant 0 : i32
      %dma_wait3A_348 = tpu.memref_slice %arg12[%dma_wait3A_347] : memref<512xi32, #tpu.memory_space<vmem>> -> memref<256xi32, #tpu.memory_space<vmem>>
      %dma_wait3A_349 = tpu.memref_slice %arg27[%mul3A_176] : memref<4096xi32, #tpu.memory_space<vmem_shared>> -> memref<256xi32, #tpu.memory_space<vmem_shared>>
      %dma_wait3A_350 = tpu.memref_slice %arg27[%mul3A_176] : memref<4096xi32, #tpu.memory_space<vmem_shared>> -> memref<256xi32, #tpu.memory_space<vmem_shared>>
      %dma_wait3A_351 = arith.constant 0 : i32
      %dma_wait3A_352 = tpu.memref_slice %arg12[%dma_wait3A_351] : memref<512xi32, #tpu.memory_space<vmem>> -> memref<256xi32, #tpu.memory_space<vmem>>
      tpu.wait_dma2 semaphore(%run_scoped3A : memref<!tpu.dma_semaphore, #tpu.memory_space<semaphore_mem>>) src(%dma_wait3A_352 : memref<256xi32, #tpu.memory_space<vmem>>) dst(%dma_wait3A_350 : memref<256xi32, #tpu.memory_space<vmem_shared>>)
      tpu.yield
    }) : () -> ()
    %barrier3A_177 = arith.constant 0 : index
    tpu.barrier barrier_id(%barrier3A_177)
    %mul3A_178 = arith.constant 4 : i32
    %mul3A_179 = arith.muli %select_n3A, %mul3A_178 : i32
    %mul3A_180 = arith.constant 256 : i32
    %mul3A_181 = arith.muli %mul3A_179, %mul3A_180 : i32
    "tpu.region"() ({
      %run_scoped3A = tpu.sem_alloc : memref<!tpu.dma_semaphore, #tpu.memory_space<semaphore_mem>>
      %dma_start3A_341 = tpu.memref_slice %arg27[%mul3A_181] : memref<4096xi32, #tpu.memory_space<vmem_shared>> -> memref<1024xi32, #tpu.memory_space<vmem_shared>>
      %dma_start3A_342 = tpu.memref_slice %arg27[%mul3A_181] : memref<4096xi32, #tpu.memory_space<vmem_shared>> -> memref<1024xi32, #tpu.memory_space<vmem_shared>>
      tpu.enqueue_dma source(%dma_start3A_342 : memref<1024xi32, #tpu.memory_space<vmem_shared>>) target(%arg17 : memref<1024xi32, #tpu.memory_space<vmem>>) target_semaphore(%run_scoped3A : memref<!tpu.dma_semaphore, #tpu.memory_space<semaphore_mem>>)
      %dma_wait3A_343 = tpu.memref_slice %arg27[%mul3A_181] : memref<4096xi32, #tpu.memory_space<vmem_shared>> -> memref<1024xi32, #tpu.memory_space<vmem_shared>>
      %dma_wait3A_344 = tpu.memref_slice %arg27[%mul3A_181] : memref<4096xi32, #tpu.memory_space<vmem_shared>> -> memref<1024xi32, #tpu.memory_space<vmem_shared>>
      tpu.wait_dma2 semaphore(%run_scoped3A : memref<!tpu.dma_semaphore, #tpu.memory_space<semaphore_mem>>) src(%dma_wait3A_344 : memref<1024xi32, #tpu.memory_space<vmem_shared>>) dst(%arg17 : memref<1024xi32, #tpu.memory_space<vmem>>)
      tpu.yield
    }) : () -> ()
    %scan3A_182 = arith.constant 0 : i32
    %scan3A_183 = arith.constant 0 : i32
    %scan3A_184 = arith.constant 16 : i32
    %scan3A_185 = arith.addi %scan3A_183, %scan3A_184 : i32
    %scan3A_186 = arith.constant 4 : i32
    %scan3A_187 = scf.for %scan3A_341 = %scan3A_183 to %scan3A_185 step %scan3A_186 iter_args(%scan3A_342 = %scan3A_182) -> (i32)  : i32 {
      %mul3A_343 = arith.constant 16 : i32
      %mul3A_344 = arith.muli %scan3A_341, %mul3A_343 : i32
      %get3A = arith.index_cast %mul3A_344 : i32 to index
      %get3A_345 = tpu.vector_load %arg17[%get3A] {strides = array<i32>} : memref<1024xi32, #tpu.memory_space<vmem>>, vector<16xi32>,
      %mul3A_346 = arith.constant 16 : i32
      %mul3A_347 = arith.muli %scan3A_341, %mul3A_346 : i32
      %add3A_348 = arith.constant 256 : i32
      %add3A_349 = arith.addi %add3A_348, %mul3A_347 : i32
      %get3A_350 = arith.index_cast %add3A_349 : i32 to index
      %get3A_351 = tpu.vector_load %arg17[%get3A_350] {strides = array<i32>} : memref<1024xi32, #tpu.memory_space<vmem>>, vector<16xi32>,
      %add3A_352 = arith.addi %get3A_345, %get3A_351 : vector<16xi32>
      %mul3A_353 = arith.constant 16 : i32
      %mul3A_354 = arith.muli %scan3A_341, %mul3A_353 : i32
      %add3A_355 = arith.constant 512 : i32
      %add3A_356 = arith.addi %add3A_355, %mul3A_354 : i32
      %get3A_357 = arith.index_cast %add3A_356 : i32 to index
      %get3A_358 = tpu.vector_load %arg17[%get3A_357] {strides = array<i32>} : memref<1024xi32, #tpu.memory_space<vmem>>, vector<16xi32>,
      %add3A_359 = arith.addi %add3A_352, %get3A_358 : vector<16xi32>
      %mul3A_360 = arith.constant 16 : i32
      %mul3A_361 = arith.muli %scan3A_341, %mul3A_360 : i32
      %add3A_362 = arith.constant 768 : i32
      %add3A_363 = arith.addi %add3A_362, %mul3A_361 : i32
      %get3A_364 = arith.index_cast %add3A_363 : i32 to index
      %get3A_365 = tpu.vector_load %arg17[%get3A_364] {strides = array<i32>} : memref<1024xi32, #tpu.memory_space<vmem>>, vector<16xi32>,
      %add3A_366 = arith.addi %add3A_359, %get3A_365 : vector<16xi32>
      %swap3A_367 = arith.index_cast %mul3A_344 : i32 to index
      %swap3A_368 = tpu.vector_load %arg12[%swap3A_367] {strides = array<i32>} : memref<512xi32, #tpu.memory_space<vmem>>, vector<16xi32>,
      tpu.vector_store %arg12[%swap3A_367], %add3A_366 {strides = array<i32>} : memref<512xi32, #tpu.memory_space<vmem>>, vector<16xi32>,
      %scan3A_369 = arith.constant 0 : i32
      %scan3A_370 = arith.constant 1 : i32
      %scan3A_371 = arith.addi %scan3A_341, %scan3A_370 : i32
      %mul3A_372 = arith.constant 16 : i32
      %mul3A_373 = arith.muli %scan3A_371, %mul3A_372 : i32
      %get3A_374 = arith.index_cast %mul3A_373 : i32 to index
      %get3A_375 = tpu.vector_load %arg17[%get3A_374] {strides = array<i32>} : memref<1024xi32, #tpu.memory_space<vmem>>, vector<16xi32>,
      %mul3A_376 = arith.constant 16 : i32
      %mul3A_377 = arith.muli %scan3A_371, %mul3A_376 : i32
      %add3A_378 = arith.constant 256 : i32
      %add3A_379 = arith.addi %add3A_378, %mul3A_377 : i32
      %get3A_380 = arith.index_cast %add3A_379 : i32 to index
      %get3A_381 = tpu.vector_load %arg17[%get3A_380] {strides = array<i32>} : memref<1024xi32, #tpu.memory_space<vmem>>, vector<16xi32>,
      %add3A_382 = arith.addi %get3A_375, %get3A_381 : vector<16xi32>
      %mul3A_383 = arith.constant 16 : i32
      %mul3A_384 = arith.muli %scan3A_371, %mul3A_383 : i32
      %add3A_385 = arith.constant 512 : i32
      %add3A_386 = arith.addi %add3A_385, %mul3A_384 : i32
      %get3A_387 = arith.index_cast %add3A_386 : i32 to index
      %get3A_388 = tpu.vector_load %arg17[%get3A_387] {strides = array<i32>} : memref<1024xi32, #tpu.memory_space<vmem>>, vector<16xi32>,
      %add3A_389 = arith.addi %add3A_382, %get3A_388 : vector<16xi32>
      %mul3A_390 = arith.constant 16 : i32
      %mul3A_391 = arith.muli %scan3A_371, %mul3A_390 : i32
      %add3A_392 = arith.constant 768 : i32
      %add3A_393 = arith.addi %add3A_392, %mul3A_391 : i32
      %get3A_394 = arith.index_cast %add3A_393 : i32 to index
      %get3A_395 = tpu.vector_load %arg17[%get3A_394] {strides = array<i32>} : memref<1024xi32, #tpu.memory_space<vmem>>, vector<16xi32>,
      %add3A_396 = arith.addi %add3A_389, %get3A_395 : vector<16xi32>
      %swap3A_397 = arith.index_cast %mul3A_373 : i32 to index
      %swap3A_398 = tpu.vector_load %arg12[%swap3A_397] {strides = array<i32>} : memref<512xi32, #tpu.memory_space<vmem>>, vector<16xi32>,
      tpu.vector_store %arg12[%swap3A_397], %add3A_396 {strides = array<i32>} : memref<512xi32, #tpu.memory_space<vmem>>, vector<16xi32>,
      %scan3A_399 = arith.constant 0 : i32
      %scan3A_400 = arith.constant 2 : i32
      %scan3A_401 = arith.addi %scan3A_341, %scan3A_400 : i32
      %mul3A_402 = arith.constant 16 : i32
      %mul3A_403 = arith.muli %scan3A_401, %mul3A_402 : i32
      %get3A_404 = arith.index_cast %mul3A_403 : i32 to index
      %get3A_405 = tpu.vector_load %arg17[%get3A_404] {strides = array<i32>} : memref<1024xi32, #tpu.memory_space<vmem>>, vector<16xi32>,
      %mul3A_406 = arith.constant 16 : i32
      %mul3A_407 = arith.muli %scan3A_401, %mul3A_406 : i32
      %add3A_408 = arith.constant 256 : i32
      %add3A_409 = arith.addi %add3A_408, %mul3A_407 : i32
      %get3A_410 = arith.index_cast %add3A_409 : i32 to index
      %get3A_411 = tpu.vector_load %arg17[%get3A_410] {strides = array<i32>} : memref<1024xi32, #tpu.memory_space<vmem>>, vector<16xi32>,
      %add3A_412 = arith.addi %get3A_405, %get3A_411 : vector<16xi32>
      %mul3A_413 = arith.constant 16 : i32
      %mul3A_414 = arith.muli %scan3A_401, %mul3A_413 : i32
      %add3A_415 = arith.constant 512 : i32
      %add3A_416 = arith.addi %add3A_415, %mul3A_414 : i32
      %get3A_417 = arith.index_cast %add3A_416 : i32 to index
      %get3A_418 = tpu.vector_load %arg17[%get3A_417] {strides = array<i32>} : memref<1024xi32, #tpu.memory_space<vmem>>, vector<16xi32>,
      %add3A_419 = arith.addi %add3A_412, %get3A_418 : vector<16xi32>
      %mul3A_420 = arith.constant 16 : i32
      %mul3A_421 = arith.muli %scan3A_401, %mul3A_420 : i32
      %add3A_422 = arith.constant 768 : i32
      %add3A_423 = arith.addi %add3A_422, %mul3A_421 : i32
      %get3A_424 = arith.index_cast %add3A_423 : i32 to index
      %get3A_425 = tpu.vector_load %arg17[%get3A_424] {strides = array<i32>} : memref<1024xi32, #tpu.memory_space<vmem>>, vector<16xi32>,
      %add3A_426 = arith.addi %add3A_419, %get3A_425 : vector<16xi32>
      %swap3A_427 = arith.index_cast %mul3A_403 : i32 to index
      %swap3A_428 = tpu.vector_load %arg12[%swap3A_427] {strides = array<i32>} : memref<512xi32, #tpu.memory_space<vmem>>, vector<16xi32>,
      tpu.vector_store %arg12[%swap3A_427], %add3A_426 {strides = array<i32>} : memref<512xi32, #tpu.memory_space<vmem>>, vector<16xi32>,
      %scan3A_429 = arith.constant 0 : i32
      %scan3A_430 = arith.constant 3 : i32
      %scan3A_431 = arith.addi %scan3A_341, %scan3A_430 : i32
      %mul3A_432 = arith.constant 16 : i32
      %mul3A_433 = arith.muli %scan3A_431, %mul3A_432 : i32
      %get3A_434 = arith.index_cast %mul3A_433 : i32 to index
      %get3A_435 = tpu.vector_load %arg17[%get3A_434] {strides = array<i32>} : memref<1024xi32, #tpu.memory_space<vmem>>, vector<16xi32>,
      %mul3A_436 = arith.constant 16 : i32
      %mul3A_437 = arith.muli %scan3A_431, %mul3A_436 : i32
      %add3A_438 = arith.constant 256 : i32
      %add3A_439 = arith.addi %add3A_438, %mul3A_437 : i32
      %get3A_440 = arith.index_cast %add3A_439 : i32 to index
      %get3A_441 = tpu.vector_load %arg17[%get3A_440] {strides = array<i32>} : memref<1024xi32, #tpu.memory_space<vmem>>, vector<16xi32>,
      %add3A_442 = arith.addi %get3A_435, %get3A_441 : vector<16xi32>
      %mul3A_443 = arith.constant 16 : i32
      %mul3A_444 = arith.muli %scan3A_431, %mul3A_443 : i32
      %add3A_445 = arith.constant 512 : i32
      %add3A_446 = arith.addi %add3A_445, %mul3A_444 : i32
      %get3A_447 = arith.index_cast %add3A_446 : i32 to index
      %get3A_448 = tpu.vector_load %arg17[%get3A_447] {strides = array<i32>} : memref<1024xi32, #tpu.memory_space<vmem>>, vector<16xi32>,
      %add3A_449 = arith.addi %add3A_442, %get3A_448 : vector<16xi32>
      %mul3A_450 = arith.constant 16 : i32
      %mul3A_451 = arith.muli %scan3A_431, %mul3A_450 : i32
      %add3A_452 = arith.constant 768 : i32
      %add3A_453 = arith.addi %add3A_452, %mul3A_451 : i32
      %get3A_454 = arith.index_cast %add3A_453 : i32 to index
      %get3A_455 = tpu.vector_load %arg17[%get3A_454] {strides = array<i32>} : memref<1024xi32, #tpu.memory_space<vmem>>, vector<16xi32>,
      %add3A_456 = arith.addi %add3A_449, %get3A_455 : vector<16xi32>
      %swap3A_457 = arith.index_cast %mul3A_433 : i32 to index
      %swap3A_458 = tpu.vector_load %arg12[%swap3A_457] {strides = array<i32>} : memref<512xi32, #tpu.memory_space<vmem>>, vector<16xi32>,
      tpu.vector_store %arg12[%swap3A_457], %add3A_456 {strides = array<i32>} : memref<512xi32, #tpu.memory_space<vmem>>, vector<16xi32>,
      %scan3A_459 = arith.constant 0 : i32
      scf.yield %scan3A_459 : i32
    }
    %scan3A_188 = arith.constant 16 : i32
    %barrier3A_189 = arith.constant 0 : index
    tpu.barrier barrier_id(%barrier3A_189)
    %scan3A_190 = arith.constant 0 : i32
    %scan3A_191 = arith.constant 0 : i32
    %scan3A_192 = arith.constant 16 : i32
    %scan3A_193 = arith.addi %scan3A_191, %scan3A_192 : i32
    %scan3A_194 = arith.constant 1 : i32
    %scan3A_195 = scf.for %scan3A_341 = %scan3A_191 to %scan3A_193 step %scan3A_194 iter_args(%scan3A_342 = %scan3A_190) -> (i32)  : i32 {
      %mul3A_343 = arith.constant 16 : i32
      %mul3A_344 = arith.muli %scan3A_341, %mul3A_343 : i32
      %get3A = arith.index_cast %mul3A_344 : i32 to index
      %get3A_345 = tpu.vector_load %arg12[%get3A] {strides = array<i32>} : memref<512xi32, #tpu.memory_space<vmem>>, vector<16xi32>,
      %broadcast_in_dim3A_346 = arith.constant true
      %broadcast_in_dim3A_347 = vector.broadcast %broadcast_in_dim3A_346 : i1 to vector<16xi1>
      %masked_cumsum3A = tpu.scan <sum>, %get3A_345 masked %broadcast_in_dim3A_347 : vector<16xi32>, vector<16xi1> -> vector<16xi32>
      %add3A_348 = vector.broadcast %scan3A_342 : i32 to vector<16xi32>
      %add3A_349 = arith.addi %masked_cumsum3A, %add3A_348 : vector<16xi32>
      %swap3A_350 = arith.index_cast %mul3A_344 : i32 to index
      %swap3A_351 = tpu.vector_load %arg13[%swap3A_350] {strides = array<i32>} : memref<512xi32, #tpu.memory_space<vmem>>, vector<16xi32>,
      tpu.vector_store %arg13[%swap3A_350], %add3A_349 {strides = array<i32>} : memref<512xi32, #tpu.memory_space<vmem>>, vector<16xi32>,
      %reduce_max3A_352 = arith.constant true
      %reduce_max3A_353 = vector.broadcast %reduce_max3A_352 : i1 to vector<16xi1>
      %reduce_max3A_354 = arith.constant -2147483648 : i32
      %reduce_max3A_355 = vector.broadcast %reduce_max3A_354 : i32 to vector<16xi32>
      %reduce_max3A_356 = arith.xori %masked_cumsum3A, %reduce_max3A_355 : vector<16xi32>
      %reduce_max3A_357 = tpu.scan <max>, %reduce_max3A_356 masked %reduce_max3A_353 : vector<16xi32>, vector<16xi1> -> vector<16xi32>
      %reduce_max3A_358 = arith.xori %reduce_max3A_357, %reduce_max3A_355 : vector<16xi32>
      %reduce_max3A_359 = vector.extract %reduce_max3A_358[15] : i32 from vector<16xi32>
      %add3A_360 = arith.addi %scan3A_342, %reduce_max3A_359 : i32
      scf.yield %add3A_360 : i32
    }
    %scan3A_196 = arith.constant 16 : i32
    %scan3A_197 = arith.constant 0 : i32
    %scan3A_198 = arith.constant 0 : i32
    %scan3A_199 = arith.constant 16 : i32
    %scan3A_200 = arith.addi %scan3A_198, %scan3A_199 : i32
    %scan3A_201 = arith.constant 1 : i32
    %scan3A_202 = scf.for %scan3A_341 = %scan3A_198 to %scan3A_200 step %scan3A_201 iter_args(%scan3A_342 = %scan3A_197) -> (i32)  : i32 {
      %mul3A_343 = arith.constant 16 : i32
      %mul3A_344 = arith.muli %scan3A_341, %mul3A_343 : i32
      %get3A = arith.index_cast %mul3A_344 : i32 to index
      %get3A_345 = tpu.vector_load %arg13[%get3A] {strides = array<i32>} : memref<512xi32, #tpu.memory_space<vmem>>, vector<16xi32>,
      %lt3A = vector.broadcast %sub3A_122 : i32 to vector<16xi32>
      %lt3A_346 = arith.cmpi slt, %get3A_345, %lt3A : vector<16xi32>
      %convert_element_type3A_347 = arith.extui %lt3A_346 : vector<16xi1> to vector<16xi32>
      %reduce_sum3A = arith.constant true
      %reduce_sum3A_348 = vector.broadcast %reduce_sum3A : i1 to vector<16xi1>
      %reduce_sum3A_349 = tpu.scan <sum>, %convert_element_type3A_347 masked %reduce_sum3A_348 : vector<16xi32>, vector<16xi1> -> vector<16xi32>
      %reduce_sum3A_350 = vector.extract %reduce_sum3A_349[15] : i32 from vector<16xi32>
      %add3A_351 = arith.addi %scan3A_342, %reduce_sum3A_350 : i32
      scf.yield %add3A_351 : i32
    }
    %scan3A_203 = arith.constant 16 : i32
    %sub3A_204 = arith.constant 1 : i32
    %sub3A_205 = arith.subi %scan3A_202, %sub3A_204 : i32
    %max3A_206 = arith.constant 0 : i32
    %max3A_207 = arith.maxsi %sub3A_205, %max3A_206 : i32
    %broadcast_in_dim3A_208 = arith.constant 0 : i32
    %broadcast_in_dim3A_209 = vector.broadcast %broadcast_in_dim3A_208 : i32 to vector<16xi32>
    %add3A_210 = vector.broadcast %max3A_207 : i32 to vector<16xi32>
    %add3A_211 = arith.addi %add3A_210, %broadcast_in_dim3A_209 : vector<16xi32>
    %gather3A_212 = tpu.vector_load_idx %arg13[%add3A_211] : memref<512xi32, #tpu.memory_space<vmem>>[vector<16xi32>], vector<16xi32>,
    %gt3A_213 = arith.constant 0 : i32
    %gt3A_214 = arith.cmpi sgt, %scan3A_202, %gt3A_213 : i32
    %reduce_max3A_215 = arith.constant true
    %reduce_max3A_216 = vector.broadcast %reduce_max3A_215 : i1 to vector<16xi1>
    %reduce_max3A_217 = arith.constant -2147483648 : i32
    %reduce_max3A_218 = vector.broadcast %reduce_max3A_217 : i32 to vector<16xi32>
    %reduce_max3A_219 = arith.xori %gather3A_212, %reduce_max3A_218 : vector<16xi32>
    %reduce_max3A_220 = tpu.scan <max>, %reduce_max3A_219 masked %reduce_max3A_216 : vector<16xi32>, vector<16xi1> -> vector<16xi32>
    %reduce_max3A_221 = arith.xori %reduce_max3A_220, %reduce_max3A_218 : vector<16xi32>
    %reduce_max3A_222 = vector.extract %reduce_max3A_221[15] : i32 from vector<16xi32>
    %jit3A_223 = arith.constant 0 : i32
    %select_n3A_224 = arith.select %gt3A_214, %reduce_max3A_222, %jit3A_223 : i32
    %sub3A_225 = arith.subi %sub3A_122, %select_n3A_224 : i32
    %shift_left3A_226 = arith.constant 16 : i32
    %shift_left3A_227 = arith.shli %scan3A_202, %shift_left3A_226 : i32
    %or3A = arith.ori %shift_left3A_123, %shift_left3A_227 : i32
    %while3A_228 = arith.constant 0 : i32
    %while3A_229 = arith.constant 0 : i32
    %while3A_230 = arith.subi %select_n3A_156, %while3A_228 : i32
    %while3A_231 = arith.addi %while3A_228, %while3A_230 : i32
    %while3A_232 = arith.constant 1 : i32
    %while3A_233 = arith.divsi %while3A_230, %while3A_232 : i32
    %while3A_234 = arith.muli %while3A_233, %while3A_232 : i32
    %while3A_235 = arith.addi %while3A_228, %while3A_234 : i32
    %while3A_236 = arith.constant 1 : i32
    %while3A_237 = scf.for %while3A_341 = %while3A_228 to %while3A_235 step %while3A_236 iter_args(%while3A_342 = %while3A_229) -> (i32)  : i32 {
      %mul3A_343 = arith.constant 16 : i32
      %mul3A_344 = arith.muli %while3A_341, %mul3A_343 : i32
      %get3A = arith.index_cast %mul3A_344 : i32 to index
      %get3A_345 = tpu.vector_load %arg10[%get3A] {strides = array<i32>} : memref<8192xi32, #tpu.memory_space<vmem>>, vector<16xi32>,
      %bitcast3A = vector.bitcast %get3A_345 : vector<16xi32> to vector<16xi32>
      %shift_right_logical3A = arith.constant 16 : i32
      %shift_right_logical3A_346 = vector.broadcast %shift_right_logical3A : i32 to vector<16xi32>
      %shift_right_logical3A_347 = arith.shrui %bitcast3A, %shift_right_logical3A_346 : vector<16xi32>
      %and3A_348 = arith.constant 255 : i32
      %and3A_349 = vector.broadcast %and3A_348 : i32 to vector<16xi32>
      %and3A_350 = arith.andi %shift_right_logical3A_347, %and3A_349 : vector<16xi32>
      %eq3A_351 = vector.broadcast %scan3A_202 : i32 to vector<16xi32>
      %eq3A_352 = arith.cmpi eq, %and3A_350, %eq3A_351 : vector<16xi32>
      %mul3A_353 = arith.constant 16 : i32
      %mul3A_354 = arith.muli %while3A_341, %mul3A_353 : i32
      %add3A_355 = vector.broadcast %mul3A_354 : i32 to vector<16xi32>
      %add3A_356 = arith.addi %iota3A, %add3A_355 : vector<16xi32>
      %lt3A = vector.broadcast %scan3A_129 : i32 to vector<16xi32>
      %lt3A_357 = arith.cmpi slt, %add3A_356, %lt3A : vector<16xi32>
      %and3A_358 = arith.andi %eq3A_352, %lt3A_357 : vector<16xi1>
      %convert_element_type3A_359 = arith.extui %and3A_358 : vector<16xi1> to vector<16xi32>
      %broadcast_in_dim3A_360 = arith.constant true
      %broadcast_in_dim3A_361 = vector.broadcast %broadcast_in_dim3A_360 : i1 to vector<16xi1>
      %masked_cumsum3A = tpu.scan <sum>, %convert_element_type3A_359 masked %broadcast_in_dim3A_361 : vector<16xi32>, vector<16xi1> -> vector<16xi32>
      %add3A_362 = vector.broadcast %while3A_342 : i32 to vector<16xi32>
      %add3A_363 = arith.addi %add3A_362, %masked_cumsum3A : vector<16xi32>
      %sub3A_364 = arith.constant 1 : i32
      %sub3A_365 = vector.broadcast %sub3A_364 : i32 to vector<16xi32>
      %sub3A_366 = arith.subi %add3A_363, %sub3A_365 : vector<16xi32>
      tpu.vector_store_idx %arg10[%sub3A_366], %get3A_345 masked %and3A_358 : memref<8192xi32, #tpu.memory_space<vmem>>[vector<16xi32>], vector<16xi32>, vector<16xi1>
      %reduce_max3A_367 = arith.constant true
      %reduce_max3A_368 = vector.broadcast %reduce_max3A_367 : i1 to vector<16xi1>
      %reduce_max3A_369 = arith.constant -2147483648 : i32
      %reduce_max3A_370 = vector.broadcast %reduce_max3A_369 : i32 to vector<16xi32>
      %reduce_max3A_371 = arith.xori %masked_cumsum3A, %reduce_max3A_370 : vector<16xi32>
      %reduce_max3A_372 = tpu.scan <max>, %reduce_max3A_371 masked %reduce_max3A_368 : vector<16xi32>, vector<16xi1> -> vector<16xi32>
      %reduce_max3A_373 = arith.xori %reduce_max3A_372, %reduce_max3A_370 : vector<16xi32>
      %reduce_max3A_374 = vector.extract %reduce_max3A_373[15] : i32 from vector<16xi32>
      %add3A_375 = arith.addi %while3A_342, %reduce_max3A_374 : i32
      scf.yield %add3A_375 : i32
    }
    %while3A_238 = arith.constant 1 : i32
    %while3A_239 = scf.for %while3A_341 = %while3A_235 to %while3A_231 step %while3A_238 iter_args(%while3A_342 = %while3A_237) -> (i32)  : i32 {
      %mul3A_343 = arith.constant 16 : i32
      %mul3A_344 = arith.muli %while3A_341, %mul3A_343 : i32
      %get3A = arith.index_cast %mul3A_344 : i32 to index
      %get3A_345 = tpu.vector_load %arg10[%get3A] {strides = array<i32>} : memref<8192xi32, #tpu.memory_space<vmem>>, vector<16xi32>,
      %bitcast3A = vector.bitcast %get3A_345 : vector<16xi32> to vector<16xi32>
      %shift_right_logical3A = arith.constant 16 : i32
      %shift_right_logical3A_346 = vector.broadcast %shift_right_logical3A : i32 to vector<16xi32>
      %shift_right_logical3A_347 = arith.shrui %bitcast3A, %shift_right_logical3A_346 : vector<16xi32>
      %and3A_348 = arith.constant 255 : i32
      %and3A_349 = vector.broadcast %and3A_348 : i32 to vector<16xi32>
      %and3A_350 = arith.andi %shift_right_logical3A_347, %and3A_349 : vector<16xi32>
      %eq3A_351 = vector.broadcast %scan3A_202 : i32 to vector<16xi32>
      %eq3A_352 = arith.cmpi eq, %and3A_350, %eq3A_351 : vector<16xi32>
      %mul3A_353 = arith.constant 16 : i32
      %mul3A_354 = arith.muli %while3A_341, %mul3A_353 : i32
      %add3A_355 = vector.broadcast %mul3A_354 : i32 to vector<16xi32>
      %add3A_356 = arith.addi %iota3A, %add3A_355 : vector<16xi32>
      %lt3A = vector.broadcast %scan3A_129 : i32 to vector<16xi32>
      %lt3A_357 = arith.cmpi slt, %add3A_356, %lt3A : vector<16xi32>
      %and3A_358 = arith.andi %eq3A_352, %lt3A_357 : vector<16xi1>
      %convert_element_type3A_359 = arith.extui %and3A_358 : vector<16xi1> to vector<16xi32>
      %broadcast_in_dim3A_360 = arith.constant true
      %broadcast_in_dim3A_361 = vector.broadcast %broadcast_in_dim3A_360 : i1 to vector<16xi1>
      %masked_cumsum3A = tpu.scan <sum>, %convert_element_type3A_359 masked %broadcast_in_dim3A_361 : vector<16xi32>, vector<16xi1> -> vector<16xi32>
      %add3A_362 = vector.broadcast %while3A_342 : i32 to vector<16xi32>
      %add3A_363 = arith.addi %add3A_362, %masked_cumsum3A : vector<16xi32>
      %sub3A_364 = arith.constant 1 : i32
      %sub3A_365 = vector.broadcast %sub3A_364 : i32 to vector<16xi32>
      %sub3A_366 = arith.subi %add3A_363, %sub3A_365 : vector<16xi32>
      tpu.vector_store_idx %arg10[%sub3A_366], %get3A_345 masked %and3A_358 : memref<8192xi32, #tpu.memory_space<vmem>>[vector<16xi32>], vector<16xi32>, vector<16xi1>
      %reduce_max3A_367 = arith.constant true
      %reduce_max3A_368 = vector.broadcast %reduce_max3A_367 : i1 to vector<16xi1>
      %reduce_max3A_369 = arith.constant -2147483648 : i32
      %reduce_max3A_370 = vector.broadcast %reduce_max3A_369 : i32 to vector<16xi32>
      %reduce_max3A_371 = arith.xori %masked_cumsum3A, %reduce_max3A_370 : vector<16xi32>
      %reduce_max3A_372 = tpu.scan <max>, %reduce_max3A_371 masked %reduce_max3A_368 : vector<16xi32>, vector<16xi1> -> vector<16xi32>
      %reduce_max3A_373 = arith.xori %reduce_max3A_372, %reduce_max3A_370 : vector<16xi32>
      %reduce_max3A_374 = vector.extract %reduce_max3A_373[15] : i32 from vector<16xi32>
      %add3A_375 = arith.addi %while3A_342, %reduce_max3A_374 : i32
      scf.yield %add3A_375 : i32
    }
    %or3A_240 = arith.constant 65535 : i32
    %or3A_241 = arith.ori %or3A, %or3A_240 : i32
    "tpu.trace_stop"() : () -> ()
    "tpu.trace_start"() <{level = 10 : i32, message = "p1_compact"}> : () -> ()
    %scan3A_242 = arith.constant 0 : i32
    %scan3A_243 = arith.constant 0 : i32
    %scan3A_244 = arith.constant 128 : i32
    %scan3A_245 = arith.addi %scan3A_243, %scan3A_244 : i32
    %scan3A_246 = arith.constant 2 : i32
    %scan3A_247 = scf.for %scan3A_341 = %scan3A_243 to %scan3A_245 step %scan3A_246 iter_args(%scan3A_342 = %scan3A_242) -> (i32)  : i32 {
      %mul3A_343 = arith.constant 16 : i32
      %mul3A_344 = arith.muli %scan3A_341, %mul3A_343 : i32
      %get3A = arith.index_cast %mul3A_344 : i32 to index
      %get3A_345 = tpu.vector_load %arg8[%get3A] {strides = array<i32>} : memref<8192xi32, #tpu.memory_space<vmem>>, vector<16xi32>,
      %get3A_346 = arith.index_cast %mul3A_344 : i32 to index
      %get3A_347 = tpu.vector_load %arg9[%get3A_346] {strides = array<i32>} : memref<8192xi32, #tpu.memory_space<vmem>>, vector<16xi32>,
      %bitcast3A = vector.bitcast %get3A_345 : vector<16xi32> to vector<16xi32>
      %le3A = vector.broadcast %or3A_241 : i32 to vector<16xi32>
      %le3A_348 = arith.cmpi ule, %bitcast3A, %le3A : vector<16xi32>
      %convert_element_type3A_349 = arith.extui %le3A_348 : vector<16xi1> to vector<16xi32>
      %broadcast_in_dim3A_350 = arith.constant true
      %broadcast_in_dim3A_351 = vector.broadcast %broadcast_in_dim3A_350 : i1 to vector<16xi1>
      %masked_cumsum3A = tpu.scan <sum>, %convert_element_type3A_349 masked %broadcast_in_dim3A_351 : vector<16xi32>, vector<16xi1> -> vector<16xi32>
      %add3A_352 = vector.broadcast %scan3A_342 : i32 to vector<16xi32>
      %add3A_353 = arith.addi %add3A_352, %masked_cumsum3A : vector<16xi32>
      %sub3A_354 = arith.constant 1 : i32
      %sub3A_355 = vector.broadcast %sub3A_354 : i32 to vector<16xi32>
      %sub3A_356 = arith.subi %add3A_353, %sub3A_355 : vector<16xi32>
      tpu.vector_store_idx %arg10[%sub3A_356], %get3A_345 masked %le3A_348 : memref<8192xi32, #tpu.memory_space<vmem>>[vector<16xi32>], vector<16xi32>, vector<16xi1>
      tpu.vector_store_idx %arg11[%sub3A_356], %get3A_347 masked %le3A_348 : memref<8192xi32, #tpu.memory_space<vmem>>[vector<16xi32>], vector<16xi32>, vector<16xi1>
      %reduce_max3A_357 = arith.constant true
      %reduce_max3A_358 = vector.broadcast %reduce_max3A_357 : i1 to vector<16xi1>
      %reduce_max3A_359 = arith.constant -2147483648 : i32
      %reduce_max3A_360 = vector.broadcast %reduce_max3A_359 : i32 to vector<16xi32>
      %reduce_max3A_361 = arith.xori %masked_cumsum3A, %reduce_max3A_360 : vector<16xi32>
      %reduce_max3A_362 = tpu.scan <max>, %reduce_max3A_361 masked %reduce_max3A_358 : vector<16xi32>, vector<16xi1> -> vector<16xi32>
      %reduce_max3A_363 = arith.xori %reduce_max3A_362, %reduce_max3A_360 : vector<16xi32>
      %reduce_max3A_364 = vector.extract %reduce_max3A_363[15] : i32 from vector<16xi32>
      %add3A_365 = arith.addi %scan3A_342, %reduce_max3A_364 : i32
      %scan3A_366 = arith.constant 1 : i32
      %scan3A_367 = arith.addi %scan3A_341, %scan3A_366 : i32
      %mul3A_368 = arith.constant 16 : i32
      %mul3A_369 = arith.muli %scan3A_367, %mul3A_368 : i32
      %get3A_370 = arith.index_cast %mul3A_369 : i32 to index
      %get3A_371 = tpu.vector_load %arg8[%get3A_370] {strides = array<i32>} : memref<8192xi32, #tpu.memory_space<vmem>>, vector<16xi32>,
      %get3A_372 = arith.index_cast %mul3A_369 : i32 to index
      %get3A_373 = tpu.vector_load %arg9[%get3A_372] {strides = array<i32>} : memref<8192xi32, #tpu.memory_space<vmem>>, vector<16xi32>,
      %bitcast3A_374 = vector.bitcast %get3A_371 : vector<16xi32> to vector<16xi32>
      %le3A_375 = vector.broadcast %or3A_241 : i32 to vector<16xi32>
      %le3A_376 = arith.cmpi ule, %bitcast3A_374, %le3A_375 : vector<16xi32>
      %convert_element_type3A_377 = arith.extui %le3A_376 : vector<16xi1> to vector<16xi32>
      %broadcast_in_dim3A_378 = arith.constant true
      %broadcast_in_dim3A_379 = vector.broadcast %broadcast_in_dim3A_378 : i1 to vector<16xi1>
      %masked_cumsum3A_380 = tpu.scan <sum>, %convert_element_type3A_377 masked %broadcast_in_dim3A_379 : vector<16xi32>, vector<16xi1> -> vector<16xi32>
      %add3A_381 = vector.broadcast %add3A_365 : i32 to vector<16xi32>
      %add3A_382 = arith.addi %add3A_381, %masked_cumsum3A_380 : vector<16xi32>
      %sub3A_383 = arith.constant 1 : i32
      %sub3A_384 = vector.broadcast %sub3A_383 : i32 to vector<16xi32>
      %sub3A_385 = arith.subi %add3A_382, %sub3A_384 : vector<16xi32>
      tpu.vector_store_idx %arg10[%sub3A_385], %get3A_371 masked %le3A_376 : memref<8192xi32, #tpu.memory_space<vmem>>[vector<16xi32>], vector<16xi32>, vector<16xi1>
      tpu.vector_store_idx %arg11[%sub3A_385], %get3A_373 masked %le3A_376 : memref<8192xi32, #tpu.memory_space<vmem>>[vector<16xi32>], vector<16xi32>, vector<16xi1>
      %reduce_max3A_386 = arith.constant true
      %reduce_max3A_387 = vector.broadcast %reduce_max3A_386 : i1 to vector<16xi1>
      %reduce_max3A_388 = arith.constant -2147483648 : i32
      %reduce_max3A_389 = vector.broadcast %reduce_max3A_388 : i32 to vector<16xi32>
      %reduce_max3A_390 = arith.xori %masked_cumsum3A_380, %reduce_max3A_389 : vector<16xi32>
      %reduce_max3A_391 = tpu.scan <max>, %reduce_max3A_390 masked %reduce_max3A_387 : vector<16xi32>, vector<16xi1> -> vector<16xi32>
      %reduce_max3A_392 = arith.xori %reduce_max3A_391, %reduce_max3A_389 : vector<16xi32>
      %reduce_max3A_393 = vector.extract %reduce_max3A_392[15] : i32 from vector<16xi32>
      %add3A_394 = arith.addi %add3A_365, %reduce_max3A_393 : i32
      scf.yield %add3A_394 : i32
    }
    %scan3A_248 = arith.constant 128 : i32
    %mul3A_249 = arith.constant 2048 : i32
    %mul3A_250 = arith.muli %arg1, %mul3A_249 : i32
    "tpu.region"() ({
      %run_scoped3A = tpu.sem_alloc : memref<!tpu.dma_semaphore, #tpu.memory_space<semaphore_mem>>
      %dma_start3A_341 = arith.constant 0 : i32
      %dma_start3A_342 = tpu.memref_slice %arg10[%dma_start3A_341] : memref<8192xi32, #tpu.memory_space<vmem>> -> memref<2048xi32, #tpu.memory_space<vmem>>
      %dma_start3A_343 = tpu.memref_slice %arg29[%mul3A_250] : memref<32768xi32, #tpu.memory_space<vmem_shared>> -> memref<2048xi32, #tpu.memory_space<vmem_shared>>
      %dma_start3A_344 = tpu.memref_slice %arg29[%mul3A_250] : memref<32768xi32, #tpu.memory_space<vmem_shared>> -> memref<2048xi32, #tpu.memory_space<vmem_shared>>
      %dma_start3A_345 = arith.constant 0 : i32
      %dma_start3A_346 = tpu.memref_slice %arg10[%dma_start3A_345] : memref<8192xi32, #tpu.memory_space<vmem>> -> memref<2048xi32, #tpu.memory_space<vmem>>
      tpu.enqueue_dma source(%dma_start3A_346 : memref<2048xi32, #tpu.memory_space<vmem>>) target(%dma_start3A_344 : memref<2048xi32, #tpu.memory_space<vmem_shared>>) target_semaphore(%run_scoped3A : memref<!tpu.dma_semaphore, #tpu.memory_space<semaphore_mem>>)
      %dma_wait3A_347 = arith.constant 0 : i32
      %dma_wait3A_348 = tpu.memref_slice %arg10[%dma_wait3A_347] : memref<8192xi32, #tpu.memory_space<vmem>> -> memref<2048xi32, #tpu.memory_space<vmem>>
      %dma_wait3A_349 = tpu.memref_slice %arg29[%mul3A_250] : memref<32768xi32, #tpu.memory_space<vmem_shared>> -> memref<2048xi32, #tpu.memory_space<vmem_shared>>
      %dma_wait3A_350 = tpu.memref_slice %arg29[%mul3A_250] : memref<32768xi32, #tpu.memory_space<vmem_shared>> -> memref<2048xi32, #tpu.memory_space<vmem_shared>>
      %dma_wait3A_351 = arith.constant 0 : i32
      %dma_wait3A_352 = tpu.memref_slice %arg10[%dma_wait3A_351] : memref<8192xi32, #tpu.memory_space<vmem>> -> memref<2048xi32, #tpu.memory_space<vmem>>
      tpu.wait_dma2 semaphore(%run_scoped3A : memref<!tpu.dma_semaphore, #tpu.memory_space<semaphore_mem>>) src(%dma_wait3A_352 : memref<2048xi32, #tpu.memory_space<vmem>>) dst(%dma_wait3A_350 : memref<2048xi32, #tpu.memory_space<vmem_shared>>)
      tpu.yield
    }) : () -> ()
    %mul3A_251 = arith.constant 2048 : i32
    %mul3A_252 = arith.muli %arg1, %mul3A_251 : i32
    "tpu.region"() ({
      %run_scoped3A = tpu.sem_alloc : memref<!tpu.dma_semaphore, #tpu.memory_space<semaphore_mem>>
      %dma_start3A_341 = arith.constant 0 : i32
      %dma_start3A_342 = tpu.memref_slice %arg11[%dma_start3A_341] : memref<8192xi32, #tpu.memory_space<vmem>> -> memref<2048xi32, #tpu.memory_space<vmem>>
      %dma_start3A_343 = tpu.memref_slice %arg30[%mul3A_252] : memref<32768xi32, #tpu.memory_space<vmem_shared>> -> memref<2048xi32, #tpu.memory_space<vmem_shared>>
      %dma_start3A_344 = tpu.memref_slice %arg30[%mul3A_252] : memref<32768xi32, #tpu.memory_space<vmem_shared>> -> memref<2048xi32, #tpu.memory_space<vmem_shared>>
      %dma_start3A_345 = arith.constant 0 : i32
      %dma_start3A_346 = tpu.memref_slice %arg11[%dma_start3A_345] : memref<8192xi32, #tpu.memory_space<vmem>> -> memref<2048xi32, #tpu.memory_space<vmem>>
      tpu.enqueue_dma source(%dma_start3A_346 : memref<2048xi32, #tpu.memory_space<vmem>>) target(%dma_start3A_344 : memref<2048xi32, #tpu.memory_space<vmem_shared>>) target_semaphore(%run_scoped3A : memref<!tpu.dma_semaphore, #tpu.memory_space<semaphore_mem>>)
      %dma_wait3A_347 = arith.constant 0 : i32
      %dma_wait3A_348 = tpu.memref_slice %arg11[%dma_wait3A_347] : memref<8192xi32, #tpu.memory_space<vmem>> -> memref<2048xi32, #tpu.memory_space<vmem>>
      %dma_wait3A_349 = tpu.memref_slice %arg30[%mul3A_252] : memref<32768xi32, #tpu.memory_space<vmem_shared>> -> memref<2048xi32, #tpu.memory_space<vmem_shared>>
      %dma_wait3A_350 = tpu.memref_slice %arg30[%mul3A_252] : memref<32768xi32, #tpu.memory_space<vmem_shared>> -> memref<2048xi32, #tpu.memory_space<vmem_shared>>
      %dma_wait3A_351 = arith.constant 0 : i32
      %dma_wait3A_352 = tpu.memref_slice %arg11[%dma_wait3A_351] : memref<8192xi32, #tpu.memory_space<vmem>> -> memref<2048xi32, #tpu.memory_space<vmem>>
      tpu.wait_dma2 semaphore(%run_scoped3A : memref<!tpu.dma_semaphore, #tpu.memory_space<semaphore_mem>>) src(%dma_wait3A_352 : memref<2048xi32, #tpu.memory_space<vmem>>) dst(%dma_wait3A_350 : memref<2048xi32, #tpu.memory_space<vmem_shared>>)
      tpu.yield
    }) : () -> ()
    %broadcast_in_dim3A_253 = arith.constant 0 : i32
    %broadcast_in_dim3A_254 = vector.broadcast %broadcast_in_dim3A_253 : i32 to vector<16xi32>
    %add3A_255 = vector.broadcast %scan3A_247 : i32 to vector<16xi32>
    %add3A_256 = arith.addi %broadcast_in_dim3A_254, %add3A_255 : vector<16xi32>
    %swap3A = arith.constant 0 : index
    %swap3A_257 = tpu.vector_load %arg19[%swap3A] {strides = array<i32>} : memref<16xi32, #tpu.memory_space<vmem>>, vector<16xi32>,
    tpu.vector_store %arg19[%swap3A], %add3A_256 {strides = array<i32>} : memref<16xi32, #tpu.memory_space<vmem>>, vector<16xi32>,
    %mul3A_258 = arith.constant 16 : i32
    %mul3A_259 = arith.muli %arg1, %mul3A_258 : i32
    "tpu.region"() ({
      %run_scoped3A = tpu.sem_alloc : memref<!tpu.dma_semaphore, #tpu.memory_space<semaphore_mem>>
      %dma_start3A_341 = tpu.memref_slice %arg28[%mul3A_259] : memref<256xi32, #tpu.memory_space<vmem_shared>> -> memref<16xi32, #tpu.memory_space<vmem_shared>>
      %dma_start3A_342 = tpu.memref_slice %arg28[%mul3A_259] : memref<256xi32, #tpu.memory_space<vmem_shared>> -> memref<16xi32, #tpu.memory_space<vmem_shared>>
      tpu.enqueue_dma source(%arg19 : memref<16xi32, #tpu.memory_space<vmem>>) target(%dma_start3A_342 : memref<16xi32, #tpu.memory_space<vmem_shared>>) target_semaphore(%run_scoped3A : memref<!tpu.dma_semaphore, #tpu.memory_space<semaphore_mem>>)
      %dma_wait3A_343 = tpu.memref_slice %arg28[%mul3A_259] : memref<256xi32, #tpu.memory_space<vmem_shared>> -> memref<16xi32, #tpu.memory_space<vmem_shared>>
      %dma_wait3A_344 = tpu.memref_slice %arg28[%mul3A_259] : memref<256xi32, #tpu.memory_space<vmem_shared>> -> memref<16xi32, #tpu.memory_space<vmem_shared>>
      tpu.wait_dma2 semaphore(%run_scoped3A : memref<!tpu.dma_semaphore, #tpu.memory_space<semaphore_mem>>) src(%arg19 : memref<16xi32, #tpu.memory_space<vmem>>) dst(%dma_wait3A_344 : memref<16xi32, #tpu.memory_space<vmem_shared>>)
      tpu.yield
    }) : () -> ()
    "tpu.trace_stop"() : () -> ()
    %barrier3A_260 = arith.constant 0 : index
    tpu.barrier barrier_id(%barrier3A_260)
    %eq3A = arith.constant 0 : i32
    %eq3A_261 = arith.cmpi eq, %sub3A_18, %eq3A : i32
    %convert_element_type3A = arith.extui %eq3A_261 : i1 to i32
    %cond3A = arith.constant 0 : i32
    %cond3A_262 = arith.cmpi ne, %convert_element_type3A, %cond3A : i32
    scf.if %cond3A_262 {
      %mul3A_341 = arith.constant 4 : i32
      %mul3A_342 = arith.muli %select_n3A, %mul3A_341 : i32
      %mul3A_343 = arith.constant 16 : i32
      %mul3A_344 = arith.muli %mul3A_342, %mul3A_343 : i32
      "tpu.region"() ({
        %run_scoped3A = tpu.sem_alloc : memref<!tpu.dma_semaphore, #tpu.memory_space<semaphore_mem>>
        %dma_start3A_742 = tpu.memref_slice %arg28[%mul3A_344] : memref<256xi32, #tpu.memory_space<vmem_shared>> -> memref<64xi32, #tpu.memory_space<vmem_shared>>
        %dma_start3A_743 = tpu.memref_slice %arg28[%mul3A_344] : memref<256xi32, #tpu.memory_space<vmem_shared>> -> memref<64xi32, #tpu.memory_space<vmem_shared>>
        tpu.enqueue_dma source(%dma_start3A_743 : memref<64xi32, #tpu.memory_space<vmem_shared>>) target(%arg18 : memref<64xi32, #tpu.memory_space<vmem>>) target_semaphore(%run_scoped3A : memref<!tpu.dma_semaphore, #tpu.memory_space<semaphore_mem>>)
        %dma_wait3A_744 = tpu.memref_slice %arg28[%mul3A_344] : memref<256xi32, #tpu.memory_space<vmem_shared>> -> memref<64xi32, #tpu.memory_space<vmem_shared>>
        %dma_wait3A_745 = tpu.memref_slice %arg28[%mul3A_344] : memref<256xi32, #tpu.memory_space<vmem_shared>> -> memref<64xi32, #tpu.memory_space<vmem_shared>>
        tpu.wait_dma2 semaphore(%run_scoped3A : memref<!tpu.dma_semaphore, #tpu.memory_space<semaphore_mem>>) src(%dma_wait3A_745 : memref<64xi32, #tpu.memory_space<vmem_shared>>) dst(%arg18 : memref<64xi32, #tpu.memory_space<vmem>>)
        tpu.yield
      }) : () -> ()
      %get3A = arith.constant 0 : index
      %get3A_345 = tpu.vector_load %arg18[%get3A] {strides = array<i32>} : memref<64xi32, #tpu.memory_space<vmem>>, vector<16xi32>,
      %reduce_max3A_346 = arith.constant true
      %reduce_max3A_347 = vector.broadcast %reduce_max3A_346 : i1 to vector<16xi1>
      %reduce_max3A_348 = arith.constant -2147483648 : i32
      %reduce_max3A_349 = vector.broadcast %reduce_max3A_348 : i32 to vector<16xi32>
      %reduce_max3A_350 = arith.xori %get3A_345, %reduce_max3A_349 : vector<16xi32>
      %reduce_max3A_351 = tpu.scan <max>, %reduce_max3A_350 masked %reduce_max3A_347 : vector<16xi32>, vector<16xi1> -> vector<16xi32>
      %reduce_max3A_352 = arith.xori %reduce_max3A_351, %reduce_max3A_349 : vector<16xi32>
      %reduce_max3A_353 = vector.extract %reduce_max3A_352[15] : i32 from vector<16xi32>
      %get3A_354 = arith.constant 16 : index
      %get3A_355 = tpu.vector_load %arg18[%get3A_354] {strides = array<i32>} : memref<64xi32, #tpu.memory_space<vmem>>, vector<16xi32>,
      %reduce_max3A_356 = arith.constant true
      %reduce_max3A_357 = vector.broadcast %reduce_max3A_356 : i1 to vector<16xi1>
      %reduce_max3A_358 = arith.constant -2147483648 : i32
      %reduce_max3A_359 = vector.broadcast %reduce_max3A_358 : i32 to vector<16xi32>
      %reduce_max3A_360 = arith.xori %get3A_355, %reduce_max3A_359 : vector<16xi32>
      %reduce_max3A_361 = tpu.scan <max>, %reduce_max3A_360 masked %reduce_max3A_357 : vector<16xi32>, vector<16xi1> -> vector<16xi32>
      %reduce_max3A_362 = arith.xori %reduce_max3A_361, %reduce_max3A_359 : vector<16xi32>
      %reduce_max3A_363 = vector.extract %reduce_max3A_362[15] : i32 from vector<16xi32>
      %get3A_364 = arith.constant 32 : index
      %get3A_365 = tpu.vector_load %arg18[%get3A_364] {strides = array<i32>} : memref<64xi32, #tpu.memory_space<vmem>>, vector<16xi32>,
      %reduce_max3A_366 = arith.constant true
      %reduce_max3A_367 = vector.broadcast %reduce_max3A_366 : i1 to vector<16xi1>
      %reduce_max3A_368 = arith.constant -2147483648 : i32
      %reduce_max3A_369 = vector.broadcast %reduce_max3A_368 : i32 to vector<16xi32>
      %reduce_max3A_370 = arith.xori %get3A_365, %reduce_max3A_369 : vector<16xi32>
      %reduce_max3A_371 = tpu.scan <max>, %reduce_max3A_370 masked %reduce_max3A_367 : vector<16xi32>, vector<16xi1> -> vector<16xi32>
      %reduce_max3A_372 = arith.xori %reduce_max3A_371, %reduce_max3A_369 : vector<16xi32>
      %reduce_max3A_373 = vector.extract %reduce_max3A_372[15] : i32 from vector<16xi32>
      %get3A_374 = arith.constant 48 : index
      %get3A_375 = tpu.vector_load %arg18[%get3A_374] {strides = array<i32>} : memref<64xi32, #tpu.memory_space<vmem>>, vector<16xi32>,
      %reduce_max3A_376 = arith.constant true
      %reduce_max3A_377 = vector.broadcast %reduce_max3A_376 : i1 to vector<16xi1>
      %reduce_max3A_378 = arith.constant -2147483648 : i32
      %reduce_max3A_379 = vector.broadcast %reduce_max3A_378 : i32 to vector<16xi32>
      %reduce_max3A_380 = arith.xori %get3A_375, %reduce_max3A_379 : vector<16xi32>
      %reduce_max3A_381 = tpu.scan <max>, %reduce_max3A_380 masked %reduce_max3A_377 : vector<16xi32>, vector<16xi1> -> vector<16xi32>
      %reduce_max3A_382 = arith.xori %reduce_max3A_381, %reduce_max3A_379 : vector<16xi32>
      %reduce_max3A_383 = vector.extract %reduce_max3A_382[15] : i32 from vector<16xi32>
      %mul3A_384 = arith.constant 4 : i32
      %mul3A_385 = arith.muli %select_n3A, %mul3A_384 : i32
      %mul3A_386 = arith.constant 2048 : i32
      %mul3A_387 = arith.muli %mul3A_385, %mul3A_386 : i32
      "tpu.region"() ({
        %run_scoped3A = tpu.sem_alloc : memref<!tpu.dma_semaphore, #tpu.memory_space<semaphore_mem>>
        %dma_start3A_742 = tpu.memref_slice %arg29[%mul3A_387] : memref<32768xi32, #tpu.memory_space<vmem_shared>> -> memref<8192xi32, #tpu.memory_space<vmem_shared>>
        %dma_start3A_743 = tpu.memref_slice %arg29[%mul3A_387] : memref<32768xi32, #tpu.memory_space<vmem_shared>> -> memref<8192xi32, #tpu.memory_space<vmem_shared>>
        tpu.enqueue_dma source(%dma_start3A_743 : memref<8192xi32, #tpu.memory_space<vmem_shared>>) target(%arg8 : memref<8192xi32, #tpu.memory_space<vmem>>) target_semaphore(%run_scoped3A : memref<!tpu.dma_semaphore, #tpu.memory_space<semaphore_mem>>)
        %dma_wait3A_744 = tpu.memref_slice %arg29[%mul3A_387] : memref<32768xi32, #tpu.memory_space<vmem_shared>> -> memref<8192xi32, #tpu.memory_space<vmem_shared>>
        %dma_wait3A_745 = tpu.memref_slice %arg29[%mul3A_387] : memref<32768xi32, #tpu.memory_space<vmem_shared>> -> memref<8192xi32, #tpu.memory_space<vmem_shared>>
        tpu.wait_dma2 semaphore(%run_scoped3A : memref<!tpu.dma_semaphore, #tpu.memory_space<semaphore_mem>>) src(%dma_wait3A_745 : memref<8192xi32, #tpu.memory_space<vmem_shared>>) dst(%arg8 : memref<8192xi32, #tpu.memory_space<vmem>>)
        tpu.yield
      }) : () -> ()
      %mul3A_388 = arith.constant 4 : i32
      %mul3A_389 = arith.muli %select_n3A, %mul3A_388 : i32
      %mul3A_390 = arith.constant 2048 : i32
      %mul3A_391 = arith.muli %mul3A_389, %mul3A_390 : i32
      "tpu.region"() ({
        %run_scoped3A = tpu.sem_alloc : memref<!tpu.dma_semaphore, #tpu.memory_space<semaphore_mem>>
        %dma_start3A_742 = tpu.memref_slice %arg30[%mul3A_391] : memref<32768xi32, #tpu.memory_space<vmem_shared>> -> memref<8192xi32, #tpu.memory_space<vmem_shared>>
        %dma_start3A_743 = tpu.memref_slice %arg30[%mul3A_391] : memref<32768xi32, #tpu.memory_space<vmem_shared>> -> memref<8192xi32, #tpu.memory_space<vmem_shared>>
        tpu.enqueue_dma source(%dma_start3A_743 : memref<8192xi32, #tpu.memory_space<vmem_shared>>) target(%arg9 : memref<8192xi32, #tpu.memory_space<vmem>>) target_semaphore(%run_scoped3A : memref<!tpu.dma_semaphore, #tpu.memory_space<semaphore_mem>>)
        %dma_wait3A_744 = tpu.memref_slice %arg30[%mul3A_391] : memref<32768xi32, #tpu.memory_space<vmem_shared>> -> memref<8192xi32, #tpu.memory_space<vmem_shared>>
        %dma_wait3A_745 = tpu.memref_slice %arg30[%mul3A_391] : memref<32768xi32, #tpu.memory_space<vmem_shared>> -> memref<8192xi32, #tpu.memory_space<vmem_shared>>
        tpu.wait_dma2 semaphore(%run_scoped3A : memref<!tpu.dma_semaphore, #tpu.memory_space<semaphore_mem>>) src(%dma_wait3A_745 : memref<8192xi32, #tpu.memory_space<vmem_shared>>) dst(%arg9 : memref<8192xi32, #tpu.memory_space<vmem>>)
        tpu.yield
      }) : () -> ()
      %add3A_392 = arith.addi %reduce_max3A_353, %reduce_max3A_363 : i32
      %add3A_393 = arith.addi %add3A_392, %reduce_max3A_373 : i32
      %add3A_394 = arith.addi %add3A_393, %reduce_max3A_383 : i32
      %scan3A_395 = arith.constant 0 : i32
      %scan3A_396 = arith.constant 0 : i32
      %scan3A_397 = arith.constant 128 : i32
      %scan3A_398 = arith.addi %scan3A_396, %scan3A_397 : i32
      %scan3A_399 = arith.constant 4 : i32
      %scan3A_400 = scf.for %scan3A_742 = %scan3A_396 to %scan3A_398 step %scan3A_399 iter_args(%scan3A_743 = %scan3A_395) -> (i32)  : i32 {
        %broadcast_in_dim3A_744 = arith.constant 0 : i32
        %broadcast_in_dim3A_745 = vector.broadcast %broadcast_in_dim3A_744 : i32 to vector<16xi32>
        %mul3A_746 = arith.constant 16 : i32
        %mul3A_747 = arith.muli %scan3A_742, %mul3A_746 : i32
        %swap3A_748 = arith.index_cast %mul3A_747 : i32 to index
        %swap3A_749 = tpu.vector_load %arg14[%swap3A_748] {strides = array<i32>} : memref<2064xi32, #tpu.memory_space<vmem>>, vector<16xi32>,
        tpu.vector_store %arg14[%swap3A_748], %broadcast_in_dim3A_745 {strides = array<i32>} : memref<2064xi32, #tpu.memory_space<vmem>>, vector<16xi32>,
        %scan3A_750 = arith.constant 0 : i32
        %scan3A_751 = arith.constant 1 : i32
        %scan3A_752 = arith.addi %scan3A_742, %scan3A_751 : i32
        %broadcast_in_dim3A_753 = arith.constant 0 : i32
        %broadcast_in_dim3A_754 = vector.broadcast %broadcast_in_dim3A_753 : i32 to vector<16xi32>
        %mul3A_755 = arith.constant 16 : i32
        %mul3A_756 = arith.muli %scan3A_752, %mul3A_755 : i32
        %swap3A_757 = arith.index_cast %mul3A_756 : i32 to index
        %swap3A_758 = tpu.vector_load %arg14[%swap3A_757] {strides = array<i32>} : memref<2064xi32, #tpu.memory_space<vmem>>, vector<16xi32>,
        tpu.vector_store %arg14[%swap3A_757], %broadcast_in_dim3A_754 {strides = array<i32>} : memref<2064xi32, #tpu.memory_space<vmem>>, vector<16xi32>,
        %scan3A_759 = arith.constant 0 : i32
        %scan3A_760 = arith.constant 2 : i32
        %scan3A_761 = arith.addi %scan3A_742, %scan3A_760 : i32
        %broadcast_in_dim3A_762 = arith.constant 0 : i32
        %broadcast_in_dim3A_763 = vector.broadcast %broadcast_in_dim3A_762 : i32 to vector<16xi32>
        %mul3A_764 = arith.constant 16 : i32
        %mul3A_765 = arith.muli %scan3A_761, %mul3A_764 : i32
        %swap3A_766 = arith.index_cast %mul3A_765 : i32 to index
        %swap3A_767 = tpu.vector_load %arg14[%swap3A_766] {strides = array<i32>} : memref<2064xi32, #tpu.memory_space<vmem>>, vector<16xi32>,
        tpu.vector_store %arg14[%swap3A_766], %broadcast_in_dim3A_763 {strides = array<i32>} : memref<2064xi32, #tpu.memory_space<vmem>>, vector<16xi32>,
        %scan3A_768 = arith.constant 0 : i32
        %scan3A_769 = arith.constant 3 : i32
        %scan3A_770 = arith.addi %scan3A_742, %scan3A_769 : i32
        %broadcast_in_dim3A_771 = arith.constant 0 : i32
        %broadcast_in_dim3A_772 = vector.broadcast %broadcast_in_dim3A_771 : i32 to vector<16xi32>
        %mul3A_773 = arith.constant 16 : i32
        %mul3A_774 = arith.muli %scan3A_770, %mul3A_773 : i32
        %swap3A_775 = arith.index_cast %mul3A_774 : i32 to index
        %swap3A_776 = tpu.vector_load %arg14[%swap3A_775] {strides = array<i32>} : memref<2064xi32, #tpu.memory_space<vmem>>, vector<16xi32>,
        tpu.vector_store %arg14[%swap3A_775], %broadcast_in_dim3A_772 {strides = array<i32>} : memref<2064xi32, #tpu.memory_space<vmem>>, vector<16xi32>,
        %scan3A_777 = arith.constant 0 : i32
        scf.yield %scan3A_777 : i32
      }
      %scan3A_401 = arith.constant 128 : i32
      %scan3A_402 = arith.addi %scan3A_396, %scan3A_401 : i32
      %broadcast_in_dim3A_403 = arith.constant 0 : i32
      %broadcast_in_dim3A_404 = vector.broadcast %broadcast_in_dim3A_403 : i32 to vector<16xi32>
      %mul3A_405 = arith.constant 16 : i32
      %mul3A_406 = arith.muli %scan3A_402, %mul3A_405 : i32
      %swap3A_407 = arith.index_cast %mul3A_406 : i32 to index
      %swap3A_408 = tpu.vector_load %arg14[%swap3A_407] {strides = array<i32>} : memref<2064xi32, #tpu.memory_space<vmem>>, vector<16xi32>,
      tpu.vector_store %arg14[%swap3A_407], %broadcast_in_dim3A_404 {strides = array<i32>} : memref<2064xi32, #tpu.memory_space<vmem>>, vector<16xi32>,
      %scan3A_409 = arith.constant 0 : i32
      %scan3A_410 = arith.constant 129 : i32
      "tpu.trace_start"() <{level = 10 : i32, message = "p1_hist"}> : () -> ()
      %add3A_411 = arith.constant 15 : i32
      %add3A_412 = arith.addi %reduce_max3A_353, %add3A_411 : i32
      %jit3A_413 = arith.constant 16 : i32
      %div3A_414 = arith.divsi %add3A_412, %jit3A_413 : i32
      %sign3A_415 = arith.constant 0 : i32
      %sign3A_416 = arith.cmpi sgt, %add3A_412, %sign3A_415 : i32
      %sign3A_417 = arith.extui %sign3A_416 : i1 to i32
      %sign3A_418 = arith.constant 0 : i32
      %sign3A_419 = arith.cmpi slt, %add3A_412, %sign3A_418 : i32
      %sign3A_420 = arith.extui %sign3A_419 : i1 to i32
      %sign3A_421 = arith.subi %sign3A_417, %sign3A_420 : i32
      %sign3A_422 = arith.constant 0 : i32
      %sign3A_423 = arith.cmpi sgt, %jit3A_413, %sign3A_422 : i32
      %sign3A_424 = arith.extui %sign3A_423 : i1 to i32
      %sign3A_425 = arith.constant 0 : i32
      %sign3A_426 = arith.cmpi slt, %jit3A_413, %sign3A_425 : i32
      %sign3A_427 = arith.extui %sign3A_426 : i1 to i32
      %sign3A_428 = arith.subi %sign3A_424, %sign3A_427 : i32
      %ne3A_429 = arith.cmpi ne, %sign3A_421, %sign3A_428 : i32
      %rem3A_430 = arith.remsi %add3A_412, %jit3A_413 : i32
      %ne3A_431 = arith.constant 0 : i32
      %ne3A_432 = arith.cmpi ne, %rem3A_430, %ne3A_431 : i32
      %and3A_433 = arith.andi %ne3A_429, %ne3A_432 : i1
      %sub3A_434 = arith.constant 1 : i32
      %sub3A_435 = arith.subi %div3A_414, %sub3A_434 : i32
      %select_n3A_436 = arith.select %and3A_433, %sub3A_435, %div3A_414 : i32
      %while3A_437 = arith.constant 0 : i32
      %while3A_438 = arith.constant 0 : i32
      %while3A_439 = arith.subi %select_n3A_436, %while3A_437 : i32
      %while3A_440 = arith.addi %while3A_437, %while3A_439 : i32
      %while3A_441 = arith.constant 1 : i32
      %while3A_442 = arith.divsi %while3A_439, %while3A_441 : i32
      %while3A_443 = arith.muli %while3A_442, %while3A_441 : i32
      %while3A_444 = arith.addi %while3A_437, %while3A_443 : i32
      %while3A_445 = arith.constant 1 : i32
      %while3A_446 = scf.for %while3A_742 = %while3A_437 to %while3A_444 step %while3A_445 iter_args(%while3A_743 = %while3A_438) -> (i32)  : i32 {
        %mul3A_744 = arith.constant 16 : i32
        %mul3A_745 = arith.muli %while3A_742, %mul3A_744 : i32
        %add3A_746 = arith.constant 0 : i32
        %add3A_747 = arith.addi %add3A_746, %mul3A_745 : i32
        %get3A_748 = arith.index_cast %add3A_747 : i32 to index
        %get3A_749 = tpu.vector_load %arg8[%get3A_748] {strides = array<i32>} : memref<8192xi32, #tpu.memory_space<vmem>>, vector<16xi32>,
        %bitcast3A = vector.bitcast %get3A_749 : vector<16xi32> to vector<16xi32>
        %shift_right_logical3A = arith.constant 0 : i32
        %shift_right_logical3A_750 = vector.broadcast %shift_right_logical3A : i32 to vector<16xi32>
        %shift_right_logical3A_751 = arith.shrui %bitcast3A, %shift_right_logical3A_750 : vector<16xi32>
        %and3A_752 = arith.constant 2047 : i32
        %and3A_753 = vector.broadcast %and3A_752 : i32 to vector<16xi32>
        %and3A_754 = arith.andi %shift_right_logical3A_751, %and3A_753 : vector<16xi32>
        %mul3A_755 = arith.constant 16 : i32
        %mul3A_756 = arith.muli %while3A_742, %mul3A_755 : i32
        %add3A_757 = vector.broadcast %mul3A_756 : i32 to vector<16xi32>
        %add3A_758 = arith.addi %iota3A, %add3A_757 : vector<16xi32>
        %lt3A = vector.broadcast %reduce_max3A_353 : i32 to vector<16xi32>
        %lt3A_759 = arith.cmpi slt, %add3A_758, %lt3A : vector<16xi32>
        %add3A_760 = arith.constant 2048 : i32
        %add3A_761 = vector.broadcast %add3A_760 : i32 to vector<16xi32>
        %add3A_762 = arith.addi %add3A_761, %iota3A : vector<16xi32>
        %select_n3A_763 = arith.select %lt3A_759, %and3A_754, %add3A_762 : vector<16xi1>, vector<16xi32>
        tpu.vector_store_idx %arg14[%select_n3A_763], %broadcast_in_dim3A_0 {add = true} : memref<2064xi32, #tpu.memory_space<vmem>>[vector<16xi32>], vector<16xi32>,
        %while3A_764 = arith.constant 0 : i32
        scf.yield %while3A_764 : i32
      }
      %while3A_447 = arith.constant 1 : i32
      %while3A_448 = scf.for %while3A_742 = %while3A_444 to %while3A_440 step %while3A_447 iter_args(%while3A_743 = %while3A_446) -> (i32)  : i32 {
        %mul3A_744 = arith.constant 16 : i32
        %mul3A_745 = arith.muli %while3A_742, %mul3A_744 : i32
        %add3A_746 = arith.constant 0 : i32
        %add3A_747 = arith.addi %add3A_746, %mul3A_745 : i32
        %get3A_748 = arith.index_cast %add3A_747 : i32 to index
        %get3A_749 = tpu.vector_load %arg8[%get3A_748] {strides = array<i32>} : memref<8192xi32, #tpu.memory_space<vmem>>, vector<16xi32>,
        %bitcast3A = vector.bitcast %get3A_749 : vector<16xi32> to vector<16xi32>
        %shift_right_logical3A = arith.constant 0 : i32
        %shift_right_logical3A_750 = vector.broadcast %shift_right_logical3A : i32 to vector<16xi32>
        %shift_right_logical3A_751 = arith.shrui %bitcast3A, %shift_right_logical3A_750 : vector<16xi32>
        %and3A_752 = arith.constant 2047 : i32
        %and3A_753 = vector.broadcast %and3A_752 : i32 to vector<16xi32>
        %and3A_754 = arith.andi %shift_right_logical3A_751, %and3A_753 : vector<16xi32>
        %mul3A_755 = arith.constant 16 : i32
        %mul3A_756 = arith.muli %while3A_742, %mul3A_755 : i32
        %add3A_757 = vector.broadcast %mul3A_756 : i32 to vector<16xi32>
        %add3A_758 = arith.addi %iota3A, %add3A_757 : vector<16xi32>
        %lt3A = vector.broadcast %reduce_max3A_353 : i32 to vector<16xi32>
        %lt3A_759 = arith.cmpi slt, %add3A_758, %lt3A : vector<16xi32>
        %add3A_760 = arith.constant 2048 : i32
        %add3A_761 = vector.broadcast %add3A_760 : i32 to vector<16xi32>
        %add3A_762 = arith.addi %add3A_761, %iota3A : vector<16xi32>
        %select_n3A_763 = arith.select %lt3A_759, %and3A_754, %add3A_762 : vector<16xi1>, vector<16xi32>
        tpu.vector_store_idx %arg14[%select_n3A_763], %broadcast_in_dim3A_0 {add = true} : memref<2064xi32, #tpu.memory_space<vmem>>[vector<16xi32>], vector<16xi32>,
        %while3A_764 = arith.constant 0 : i32
        scf.yield %while3A_764 : i32
      }
      %add3A_449 = arith.constant 15 : i32
      %add3A_450 = arith.addi %reduce_max3A_363, %add3A_449 : i32
      %jit3A_451 = arith.constant 16 : i32
      %div3A_452 = arith.divsi %add3A_450, %jit3A_451 : i32
      %sign3A_453 = arith.constant 0 : i32
      %sign3A_454 = arith.cmpi sgt, %add3A_450, %sign3A_453 : i32
      %sign3A_455 = arith.extui %sign3A_454 : i1 to i32
      %sign3A_456 = arith.constant 0 : i32
      %sign3A_457 = arith.cmpi slt, %add3A_450, %sign3A_456 : i32
      %sign3A_458 = arith.extui %sign3A_457 : i1 to i32
      %sign3A_459 = arith.subi %sign3A_455, %sign3A_458 : i32
      %sign3A_460 = arith.constant 0 : i32
      %sign3A_461 = arith.cmpi sgt, %jit3A_451, %sign3A_460 : i32
      %sign3A_462 = arith.extui %sign3A_461 : i1 to i32
      %sign3A_463 = arith.constant 0 : i32
      %sign3A_464 = arith.cmpi slt, %jit3A_451, %sign3A_463 : i32
      %sign3A_465 = arith.extui %sign3A_464 : i1 to i32
      %sign3A_466 = arith.subi %sign3A_462, %sign3A_465 : i32
      %ne3A_467 = arith.cmpi ne, %sign3A_459, %sign3A_466 : i32
      %rem3A_468 = arith.remsi %add3A_450, %jit3A_451 : i32
      %ne3A_469 = arith.constant 0 : i32
      %ne3A_470 = arith.cmpi ne, %rem3A_468, %ne3A_469 : i32
      %and3A_471 = arith.andi %ne3A_467, %ne3A_470 : i1
      %sub3A_472 = arith.constant 1 : i32
      %sub3A_473 = arith.subi %div3A_452, %sub3A_472 : i32
      %select_n3A_474 = arith.select %and3A_471, %sub3A_473, %div3A_452 : i32
      %while3A_475 = arith.constant 0 : i32
      %while3A_476 = arith.constant 0 : i32
      %while3A_477 = arith.subi %select_n3A_474, %while3A_475 : i32
      %while3A_478 = arith.addi %while3A_475, %while3A_477 : i32
      %while3A_479 = arith.constant 1 : i32
      %while3A_480 = arith.divsi %while3A_477, %while3A_479 : i32
      %while3A_481 = arith.muli %while3A_480, %while3A_479 : i32
      %while3A_482 = arith.addi %while3A_475, %while3A_481 : i32
      %while3A_483 = arith.constant 1 : i32
      %while3A_484 = scf.for %while3A_742 = %while3A_475 to %while3A_482 step %while3A_483 iter_args(%while3A_743 = %while3A_476) -> (i32)  : i32 {
        %mul3A_744 = arith.constant 16 : i32
        %mul3A_745 = arith.muli %while3A_742, %mul3A_744 : i32
        %add3A_746 = arith.constant 2048 : i32
        %add3A_747 = arith.addi %add3A_746, %mul3A_745 : i32
        %get3A_748 = arith.index_cast %add3A_747 : i32 to index
        %get3A_749 = tpu.vector_load %arg8[%get3A_748] {strides = array<i32>} : memref<8192xi32, #tpu.memory_space<vmem>>, vector<16xi32>,
        %bitcast3A = vector.bitcast %get3A_749 : vector<16xi32> to vector<16xi32>
        %shift_right_logical3A = arith.constant 0 : i32
        %shift_right_logical3A_750 = vector.broadcast %shift_right_logical3A : i32 to vector<16xi32>
        %shift_right_logical3A_751 = arith.shrui %bitcast3A, %shift_right_logical3A_750 : vector<16xi32>
        %and3A_752 = arith.constant 2047 : i32
        %and3A_753 = vector.broadcast %and3A_752 : i32 to vector<16xi32>
        %and3A_754 = arith.andi %shift_right_logical3A_751, %and3A_753 : vector<16xi32>
        %mul3A_755 = arith.constant 16 : i32
        %mul3A_756 = arith.muli %while3A_742, %mul3A_755 : i32
        %add3A_757 = vector.broadcast %mul3A_756 : i32 to vector<16xi32>
        %add3A_758 = arith.addi %iota3A, %add3A_757 : vector<16xi32>
        %lt3A = vector.broadcast %reduce_max3A_363 : i32 to vector<16xi32>
        %lt3A_759 = arith.cmpi slt, %add3A_758, %lt3A : vector<16xi32>
        %add3A_760 = arith.constant 2048 : i32
        %add3A_761 = vector.broadcast %add3A_760 : i32 to vector<16xi32>
        %add3A_762 = arith.addi %add3A_761, %iota3A : vector<16xi32>
        %select_n3A_763 = arith.select %lt3A_759, %and3A_754, %add3A_762 : vector<16xi1>, vector<16xi32>
        tpu.vector_store_idx %arg14[%select_n3A_763], %broadcast_in_dim3A_0 {add = true} : memref<2064xi32, #tpu.memory_space<vmem>>[vector<16xi32>], vector<16xi32>,
        %while3A_764 = arith.constant 0 : i32
        scf.yield %while3A_764 : i32
      }
      %while3A_485 = arith.constant 1 : i32
      %while3A_486 = scf.for %while3A_742 = %while3A_482 to %while3A_478 step %while3A_485 iter_args(%while3A_743 = %while3A_484) -> (i32)  : i32 {
        %mul3A_744 = arith.constant 16 : i32
        %mul3A_745 = arith.muli %while3A_742, %mul3A_744 : i32
        %add3A_746 = arith.constant 2048 : i32
        %add3A_747 = arith.addi %add3A_746, %mul3A_745 : i32
        %get3A_748 = arith.index_cast %add3A_747 : i32 to index
        %get3A_749 = tpu.vector_load %arg8[%get3A_748] {strides = array<i32>} : memref<8192xi32, #tpu.memory_space<vmem>>, vector<16xi32>,
        %bitcast3A = vector.bitcast %get3A_749 : vector<16xi32> to vector<16xi32>
        %shift_right_logical3A = arith.constant 0 : i32
        %shift_right_logical3A_750 = vector.broadcast %shift_right_logical3A : i32 to vector<16xi32>
        %shift_right_logical3A_751 = arith.shrui %bitcast3A, %shift_right_logical3A_750 : vector<16xi32>
        %and3A_752 = arith.constant 2047 : i32
        %and3A_753 = vector.broadcast %and3A_752 : i32 to vector<16xi32>
        %and3A_754 = arith.andi %shift_right_logical3A_751, %and3A_753 : vector<16xi32>
        %mul3A_755 = arith.constant 16 : i32
        %mul3A_756 = arith.muli %while3A_742, %mul3A_755 : i32
        %add3A_757 = vector.broadcast %mul3A_756 : i32 to vector<16xi32>
        %add3A_758 = arith.addi %iota3A, %add3A_757 : vector<16xi32>
        %lt3A = vector.broadcast %reduce_max3A_363 : i32 to vector<16xi32>
        %lt3A_759 = arith.cmpi slt, %add3A_758, %lt3A : vector<16xi32>
        %add3A_760 = arith.constant 2048 : i32
        %add3A_761 = vector.broadcast %add3A_760 : i32 to vector<16xi32>
        %add3A_762 = arith.addi %add3A_761, %iota3A : vector<16xi32>
        %select_n3A_763 = arith.select %lt3A_759, %and3A_754, %add3A_762 : vector<16xi1>, vector<16xi32>
        tpu.vector_store_idx %arg14[%select_n3A_763], %broadcast_in_dim3A_0 {add = true} : memref<2064xi32, #tpu.memory_space<vmem>>[vector<16xi32>], vector<16xi32>,
        %while3A_764 = arith.constant 0 : i32
        scf.yield %while3A_764 : i32
      }
      %add3A_487 = arith.constant 15 : i32
      %add3A_488 = arith.addi %reduce_max3A_373, %add3A_487 : i32
      %jit3A_489 = arith.constant 16 : i32
      %div3A_490 = arith.divsi %add3A_488, %jit3A_489 : i32
      %sign3A_491 = arith.constant 0 : i32
      %sign3A_492 = arith.cmpi sgt, %add3A_488, %sign3A_491 : i32
      %sign3A_493 = arith.extui %sign3A_492 : i1 to i32
      %sign3A_494 = arith.constant 0 : i32
      %sign3A_495 = arith.cmpi slt, %add3A_488, %sign3A_494 : i32
      %sign3A_496 = arith.extui %sign3A_495 : i1 to i32
      %sign3A_497 = arith.subi %sign3A_493, %sign3A_496 : i32
      %sign3A_498 = arith.constant 0 : i32
      %sign3A_499 = arith.cmpi sgt, %jit3A_489, %sign3A_498 : i32
      %sign3A_500 = arith.extui %sign3A_499 : i1 to i32
      %sign3A_501 = arith.constant 0 : i32
      %sign3A_502 = arith.cmpi slt, %jit3A_489, %sign3A_501 : i32
      %sign3A_503 = arith.extui %sign3A_502 : i1 to i32
      %sign3A_504 = arith.subi %sign3A_500, %sign3A_503 : i32
      %ne3A_505 = arith.cmpi ne, %sign3A_497, %sign3A_504 : i32
      %rem3A_506 = arith.remsi %add3A_488, %jit3A_489 : i32
      %ne3A_507 = arith.constant 0 : i32
      %ne3A_508 = arith.cmpi ne, %rem3A_506, %ne3A_507 : i32
      %and3A_509 = arith.andi %ne3A_505, %ne3A_508 : i1
      %sub3A_510 = arith.constant 1 : i32
      %sub3A_511 = arith.subi %div3A_490, %sub3A_510 : i32
      %select_n3A_512 = arith.select %and3A_509, %sub3A_511, %div3A_490 : i32
      %while3A_513 = arith.constant 0 : i32
      %while3A_514 = arith.constant 0 : i32
      %while3A_515 = arith.subi %select_n3A_512, %while3A_513 : i32
      %while3A_516 = arith.addi %while3A_513, %while3A_515 : i32
      %while3A_517 = arith.constant 1 : i32
      %while3A_518 = arith.divsi %while3A_515, %while3A_517 : i32
      %while3A_519 = arith.muli %while3A_518, %while3A_517 : i32
      %while3A_520 = arith.addi %while3A_513, %while3A_519 : i32
      %while3A_521 = arith.constant 1 : i32
      %while3A_522 = scf.for %while3A_742 = %while3A_513 to %while3A_520 step %while3A_521 iter_args(%while3A_743 = %while3A_514) -> (i32)  : i32 {
        %mul3A_744 = arith.constant 16 : i32
        %mul3A_745 = arith.muli %while3A_742, %mul3A_744 : i32
        %add3A_746 = arith.constant 4096 : i32
        %add3A_747 = arith.addi %add3A_746, %mul3A_745 : i32
        %get3A_748 = arith.index_cast %add3A_747 : i32 to index
        %get3A_749 = tpu.vector_load %arg8[%get3A_748] {strides = array<i32>} : memref<8192xi32, #tpu.memory_space<vmem>>, vector<16xi32>,
        %bitcast3A = vector.bitcast %get3A_749 : vector<16xi32> to vector<16xi32>
        %shift_right_logical3A = arith.constant 0 : i32
        %shift_right_logical3A_750 = vector.broadcast %shift_right_logical3A : i32 to vector<16xi32>
        %shift_right_logical3A_751 = arith.shrui %bitcast3A, %shift_right_logical3A_750 : vector<16xi32>
        %and3A_752 = arith.constant 2047 : i32
        %and3A_753 = vector.broadcast %and3A_752 : i32 to vector<16xi32>
        %and3A_754 = arith.andi %shift_right_logical3A_751, %and3A_753 : vector<16xi32>
        %mul3A_755 = arith.constant 16 : i32
        %mul3A_756 = arith.muli %while3A_742, %mul3A_755 : i32
        %add3A_757 = vector.broadcast %mul3A_756 : i32 to vector<16xi32>
        %add3A_758 = arith.addi %iota3A, %add3A_757 : vector<16xi32>
        %lt3A = vector.broadcast %reduce_max3A_373 : i32 to vector<16xi32>
        %lt3A_759 = arith.cmpi slt, %add3A_758, %lt3A : vector<16xi32>
        %add3A_760 = arith.constant 2048 : i32
        %add3A_761 = vector.broadcast %add3A_760 : i32 to vector<16xi32>
        %add3A_762 = arith.addi %add3A_761, %iota3A : vector<16xi32>
        %select_n3A_763 = arith.select %lt3A_759, %and3A_754, %add3A_762 : vector<16xi1>, vector<16xi32>
        tpu.vector_store_idx %arg14[%select_n3A_763], %broadcast_in_dim3A_0 {add = true} : memref<2064xi32, #tpu.memory_space<vmem>>[vector<16xi32>], vector<16xi32>,
        %while3A_764 = arith.constant 0 : i32
        scf.yield %while3A_764 : i32
      }
      %while3A_523 = arith.constant 1 : i32
      %while3A_524 = scf.for %while3A_742 = %while3A_520 to %while3A_516 step %while3A_523 iter_args(%while3A_743 = %while3A_522) -> (i32)  : i32 {
        %mul3A_744 = arith.constant 16 : i32
        %mul3A_745 = arith.muli %while3A_742, %mul3A_744 : i32
        %add3A_746 = arith.constant 4096 : i32
        %add3A_747 = arith.addi %add3A_746, %mul3A_745 : i32
        %get3A_748 = arith.index_cast %add3A_747 : i32 to index
        %get3A_749 = tpu.vector_load %arg8[%get3A_748] {strides = array<i32>} : memref<8192xi32, #tpu.memory_space<vmem>>, vector<16xi32>,
        %bitcast3A = vector.bitcast %get3A_749 : vector<16xi32> to vector<16xi32>
        %shift_right_logical3A = arith.constant 0 : i32
        %shift_right_logical3A_750 = vector.broadcast %shift_right_logical3A : i32 to vector<16xi32>
        %shift_right_logical3A_751 = arith.shrui %bitcast3A, %shift_right_logical3A_750 : vector<16xi32>
        %and3A_752 = arith.constant 2047 : i32
        %and3A_753 = vector.broadcast %and3A_752 : i32 to vector<16xi32>
        %and3A_754 = arith.andi %shift_right_logical3A_751, %and3A_753 : vector<16xi32>
        %mul3A_755 = arith.constant 16 : i32
        %mul3A_756 = arith.muli %while3A_742, %mul3A_755 : i32
        %add3A_757 = vector.broadcast %mul3A_756 : i32 to vector<16xi32>
        %add3A_758 = arith.addi %iota3A, %add3A_757 : vector<16xi32>
        %lt3A = vector.broadcast %reduce_max3A_373 : i32 to vector<16xi32>
        %lt3A_759 = arith.cmpi slt, %add3A_758, %lt3A : vector<16xi32>
        %add3A_760 = arith.constant 2048 : i32
        %add3A_761 = vector.broadcast %add3A_760 : i32 to vector<16xi32>
        %add3A_762 = arith.addi %add3A_761, %iota3A : vector<16xi32>
        %select_n3A_763 = arith.select %lt3A_759, %and3A_754, %add3A_762 : vector<16xi1>, vector<16xi32>
        tpu.vector_store_idx %arg14[%select_n3A_763], %broadcast_in_dim3A_0 {add = true} : memref<2064xi32, #tpu.memory_space<vmem>>[vector<16xi32>], vector<16xi32>,
        %while3A_764 = arith.constant 0 : i32
        scf.yield %while3A_764 : i32
      }
      %add3A_525 = arith.constant 15 : i32
      %add3A_526 = arith.addi %reduce_max3A_383, %add3A_525 : i32
      %jit3A_527 = arith.constant 16 : i32
      %div3A_528 = arith.divsi %add3A_526, %jit3A_527 : i32
      %sign3A_529 = arith.constant 0 : i32
      %sign3A_530 = arith.cmpi sgt, %add3A_526, %sign3A_529 : i32
      %sign3A_531 = arith.extui %sign3A_530 : i1 to i32
      %sign3A_532 = arith.constant 0 : i32
      %sign3A_533 = arith.cmpi slt, %add3A_526, %sign3A_532 : i32
      %sign3A_534 = arith.extui %sign3A_533 : i1 to i32
      %sign3A_535 = arith.subi %sign3A_531, %sign3A_534 : i32
      %sign3A_536 = arith.constant 0 : i32
      %sign3A_537 = arith.cmpi sgt, %jit3A_527, %sign3A_536 : i32
      %sign3A_538 = arith.extui %sign3A_537 : i1 to i32
      %sign3A_539 = arith.constant 0 : i32
      %sign3A_540 = arith.cmpi slt, %jit3A_527, %sign3A_539 : i32
      %sign3A_541 = arith.extui %sign3A_540 : i1 to i32
      %sign3A_542 = arith.subi %sign3A_538, %sign3A_541 : i32
      %ne3A_543 = arith.cmpi ne, %sign3A_535, %sign3A_542 : i32
      %rem3A_544 = arith.remsi %add3A_526, %jit3A_527 : i32
      %ne3A_545 = arith.constant 0 : i32
      %ne3A_546 = arith.cmpi ne, %rem3A_544, %ne3A_545 : i32
      %and3A_547 = arith.andi %ne3A_543, %ne3A_546 : i1
      %sub3A_548 = arith.constant 1 : i32
      %sub3A_549 = arith.subi %div3A_528, %sub3A_548 : i32
      %select_n3A_550 = arith.select %and3A_547, %sub3A_549, %div3A_528 : i32
      %while3A_551 = arith.constant 0 : i32
      %while3A_552 = arith.constant 0 : i32
      %while3A_553 = arith.subi %select_n3A_550, %while3A_551 : i32
      %while3A_554 = arith.addi %while3A_551, %while3A_553 : i32
      %while3A_555 = arith.constant 1 : i32
      %while3A_556 = arith.divsi %while3A_553, %while3A_555 : i32
      %while3A_557 = arith.muli %while3A_556, %while3A_555 : i32
      %while3A_558 = arith.addi %while3A_551, %while3A_557 : i32
      %while3A_559 = arith.constant 1 : i32
      %while3A_560 = scf.for %while3A_742 = %while3A_551 to %while3A_558 step %while3A_559 iter_args(%while3A_743 = %while3A_552) -> (i32)  : i32 {
        %mul3A_744 = arith.constant 16 : i32
        %mul3A_745 = arith.muli %while3A_742, %mul3A_744 : i32
        %add3A_746 = arith.constant 6144 : i32
        %add3A_747 = arith.addi %add3A_746, %mul3A_745 : i32
        %get3A_748 = arith.index_cast %add3A_747 : i32 to index
        %get3A_749 = tpu.vector_load %arg8[%get3A_748] {strides = array<i32>} : memref<8192xi32, #tpu.memory_space<vmem>>, vector<16xi32>,
        %bitcast3A = vector.bitcast %get3A_749 : vector<16xi32> to vector<16xi32>
        %shift_right_logical3A = arith.constant 0 : i32
        %shift_right_logical3A_750 = vector.broadcast %shift_right_logical3A : i32 to vector<16xi32>
        %shift_right_logical3A_751 = arith.shrui %bitcast3A, %shift_right_logical3A_750 : vector<16xi32>
        %and3A_752 = arith.constant 2047 : i32
        %and3A_753 = vector.broadcast %and3A_752 : i32 to vector<16xi32>
        %and3A_754 = arith.andi %shift_right_logical3A_751, %and3A_753 : vector<16xi32>
        %mul3A_755 = arith.constant 16 : i32
        %mul3A_756 = arith.muli %while3A_742, %mul3A_755 : i32
        %add3A_757 = vector.broadcast %mul3A_756 : i32 to vector<16xi32>
        %add3A_758 = arith.addi %iota3A, %add3A_757 : vector<16xi32>
        %lt3A = vector.broadcast %reduce_max3A_383 : i32 to vector<16xi32>
        %lt3A_759 = arith.cmpi slt, %add3A_758, %lt3A : vector<16xi32>
        %add3A_760 = arith.constant 2048 : i32
        %add3A_761 = vector.broadcast %add3A_760 : i32 to vector<16xi32>
        %add3A_762 = arith.addi %add3A_761, %iota3A : vector<16xi32>
        %select_n3A_763 = arith.select %lt3A_759, %and3A_754, %add3A_762 : vector<16xi1>, vector<16xi32>
        tpu.vector_store_idx %arg14[%select_n3A_763], %broadcast_in_dim3A_0 {add = true} : memref<2064xi32, #tpu.memory_space<vmem>>[vector<16xi32>], vector<16xi32>,
        %while3A_764 = arith.constant 0 : i32
        scf.yield %while3A_764 : i32
      }
      %while3A_561 = arith.constant 1 : i32
      %while3A_562 = scf.for %while3A_742 = %while3A_558 to %while3A_554 step %while3A_561 iter_args(%while3A_743 = %while3A_560) -> (i32)  : i32 {
        %mul3A_744 = arith.constant 16 : i32
        %mul3A_745 = arith.muli %while3A_742, %mul3A_744 : i32
        %add3A_746 = arith.constant 6144 : i32
        %add3A_747 = arith.addi %add3A_746, %mul3A_745 : i32
        %get3A_748 = arith.index_cast %add3A_747 : i32 to index
        %get3A_749 = tpu.vector_load %arg8[%get3A_748] {strides = array<i32>} : memref<8192xi32, #tpu.memory_space<vmem>>, vector<16xi32>,
        %bitcast3A = vector.bitcast %get3A_749 : vector<16xi32> to vector<16xi32>
        %shift_right_logical3A = arith.constant 0 : i32
        %shift_right_logical3A_750 = vector.broadcast %shift_right_logical3A : i32 to vector<16xi32>
        %shift_right_logical3A_751 = arith.shrui %bitcast3A, %shift_right_logical3A_750 : vector<16xi32>
        %and3A_752 = arith.constant 2047 : i32
        %and3A_753 = vector.broadcast %and3A_752 : i32 to vector<16xi32>
        %and3A_754 = arith.andi %shift_right_logical3A_751, %and3A_753 : vector<16xi32>
        %mul3A_755 = arith.constant 16 : i32
        %mul3A_756 = arith.muli %while3A_742, %mul3A_755 : i32
        %add3A_757 = vector.broadcast %mul3A_756 : i32 to vector<16xi32>
        %add3A_758 = arith.addi %iota3A, %add3A_757 : vector<16xi32>
        %lt3A = vector.broadcast %reduce_max3A_383 : i32 to vector<16xi32>
        %lt3A_759 = arith.cmpi slt, %add3A_758, %lt3A : vector<16xi32>
        %add3A_760 = arith.constant 2048 : i32
        %add3A_761 = vector.broadcast %add3A_760 : i32 to vector<16xi32>
        %add3A_762 = arith.addi %add3A_761, %iota3A : vector<16xi32>
        %select_n3A_763 = arith.select %lt3A_759, %and3A_754, %add3A_762 : vector<16xi1>, vector<16xi32>
        tpu.vector_store_idx %arg14[%select_n3A_763], %broadcast_in_dim3A_0 {add = true} : memref<2064xi32, #tpu.memory_space<vmem>>[vector<16xi32>], vector<16xi32>,
        %while3A_764 = arith.constant 0 : i32
        scf.yield %while3A_764 : i32
      }
      "tpu.trace_stop"() : () -> ()
      %scan3A_563 = arith.constant 0 : i32
      %scan3A_564 = arith.constant 0 : i32
      %scan3A_565 = arith.constant 129 : i32
      %scan3A_566 = arith.addi %scan3A_564, %scan3A_565 : i32
      %scan3A_567 = arith.constant 1 : i32
      %scan3A_568 = scf.for %scan3A_742 = %scan3A_564 to %scan3A_566 step %scan3A_567 iter_args(%scan3A_743 = %scan3A_563) -> (i32)  : i32 {
        %mul3A_744 = arith.constant 16 : i32
        %mul3A_745 = arith.muli %scan3A_742, %mul3A_744 : i32
        %get3A_746 = arith.index_cast %mul3A_745 : i32 to index
        %get3A_747 = tpu.vector_load %arg14[%get3A_746] {strides = array<i32>} : memref<2064xi32, #tpu.memory_space<vmem>>, vector<16xi32>,
        %broadcast_in_dim3A_748 = arith.constant true
        %broadcast_in_dim3A_749 = vector.broadcast %broadcast_in_dim3A_748 : i1 to vector<16xi1>
        %masked_cumsum3A = tpu.scan <sum>, %get3A_747 masked %broadcast_in_dim3A_749 : vector<16xi32>, vector<16xi1> -> vector<16xi32>
        %sub3A_750 = arith.subi %masked_cumsum3A, %get3A_747 : vector<16xi32>
        %add3A_751 = vector.broadcast %scan3A_743 : i32 to vector<16xi32>
        %add3A_752 = arith.addi %sub3A_750, %add3A_751 : vector<16xi32>
        %swap3A_753 = arith.index_cast %mul3A_745 : i32 to index
        %swap3A_754 = tpu.vector_load %arg15[%swap3A_753] {strides = array<i32>} : memref<2064xi32, #tpu.memory_space<vmem>>, vector<16xi32>,
        tpu.vector_store %arg15[%swap3A_753], %add3A_752 {strides = array<i32>} : memref<2064xi32, #tpu.memory_space<vmem>>, vector<16xi32>,
        %reduce_max3A_755 = arith.constant true
        %reduce_max3A_756 = vector.broadcast %reduce_max3A_755 : i1 to vector<16xi1>
        %reduce_max3A_757 = arith.constant -2147483648 : i32
        %reduce_max3A_758 = vector.broadcast %reduce_max3A_757 : i32 to vector<16xi32>
        %reduce_max3A_759 = arith.xori %masked_cumsum3A, %reduce_max3A_758 : vector<16xi32>
        %reduce_max3A_760 = tpu.scan <max>, %reduce_max3A_759 masked %reduce_max3A_756 : vector<16xi32>, vector<16xi1> -> vector<16xi32>
        %reduce_max3A_761 = arith.xori %reduce_max3A_760, %reduce_max3A_758 : vector<16xi32>
        %reduce_max3A_762 = vector.extract %reduce_max3A_761[15] : i32 from vector<16xi32>
        %add3A_763 = arith.addi %scan3A_743, %reduce_max3A_762 : i32
        scf.yield %add3A_763 : i32
      }
      %scan3A_569 = arith.constant 129 : i32
      "tpu.trace_start"() <{level = 10 : i32, message = "p1_perm"}> : () -> ()
      %add3A_570 = arith.constant 15 : i32
      %add3A_571 = arith.addi %reduce_max3A_353, %add3A_570 : i32
      %jit3A_572 = arith.constant 16 : i32
      %div3A_573 = arith.divsi %add3A_571, %jit3A_572 : i32
      %sign3A_574 = arith.constant 0 : i32
      %sign3A_575 = arith.cmpi sgt, %add3A_571, %sign3A_574 : i32
      %sign3A_576 = arith.extui %sign3A_575 : i1 to i32
      %sign3A_577 = arith.constant 0 : i32
      %sign3A_578 = arith.cmpi slt, %add3A_571, %sign3A_577 : i32
      %sign3A_579 = arith.extui %sign3A_578 : i1 to i32
      %sign3A_580 = arith.subi %sign3A_576, %sign3A_579 : i32
      %sign3A_581 = arith.constant 0 : i32
      %sign3A_582 = arith.cmpi sgt, %jit3A_572, %sign3A_581 : i32
      %sign3A_583 = arith.extui %sign3A_582 : i1 to i32
      %sign3A_584 = arith.constant 0 : i32
      %sign3A_585 = arith.cmpi slt, %jit3A_572, %sign3A_584 : i32
      %sign3A_586 = arith.extui %sign3A_585 : i1 to i32
      %sign3A_587 = arith.subi %sign3A_583, %sign3A_586 : i32
      %ne3A_588 = arith.cmpi ne, %sign3A_580, %sign3A_587 : i32
      %rem3A_589 = arith.remsi %add3A_571, %jit3A_572 : i32
      %ne3A_590 = arith.constant 0 : i32
      %ne3A_591 = arith.cmpi ne, %rem3A_589, %ne3A_590 : i32
      %and3A_592 = arith.andi %ne3A_588, %ne3A_591 : i1
      %sub3A_593 = arith.constant 1 : i32
      %sub3A_594 = arith.subi %div3A_573, %sub3A_593 : i32
      %select_n3A_595 = arith.select %and3A_592, %sub3A_594, %div3A_573 : i32
      %while3A_596 = arith.constant 0 : i32
      %while3A_597 = arith.constant 0 : i32
      %while3A_598 = arith.subi %select_n3A_595, %while3A_596 : i32
      %while3A_599 = arith.addi %while3A_596, %while3A_598 : i32
      %while3A_600 = arith.constant 1 : i32
      %while3A_601 = arith.divsi %while3A_598, %while3A_600 : i32
      %while3A_602 = arith.muli %while3A_601, %while3A_600 : i32
      %while3A_603 = arith.addi %while3A_596, %while3A_602 : i32
      %while3A_604 = arith.constant 1 : i32
      %while3A_605 = scf.for %while3A_742 = %while3A_596 to %while3A_603 step %while3A_604 iter_args(%while3A_743 = %while3A_597) -> (i32)  : i32 {
        %mul3A_744 = arith.constant 16 : i32
        %mul3A_745 = arith.muli %while3A_742, %mul3A_744 : i32
        %add3A_746 = arith.constant 0 : i32
        %add3A_747 = arith.addi %add3A_746, %mul3A_745 : i32
        %get3A_748 = arith.index_cast %add3A_747 : i32 to index
        %get3A_749 = tpu.vector_load %arg8[%get3A_748] {strides = array<i32>} : memref<8192xi32, #tpu.memory_space<vmem>>, vector<16xi32>,
        %get3A_750 = arith.index_cast %add3A_747 : i32 to index
        %get3A_751 = tpu.vector_load %arg9[%get3A_750] {strides = array<i32>} : memref<8192xi32, #tpu.memory_space<vmem>>, vector<16xi32>,
        %bitcast3A = vector.bitcast %get3A_749 : vector<16xi32> to vector<16xi32>
        %shift_right_logical3A = arith.constant 0 : i32
        %shift_right_logical3A_752 = vector.broadcast %shift_right_logical3A : i32 to vector<16xi32>
        %shift_right_logical3A_753 = arith.shrui %bitcast3A, %shift_right_logical3A_752 : vector<16xi32>
        %and3A_754 = arith.constant 2047 : i32
        %and3A_755 = vector.broadcast %and3A_754 : i32 to vector<16xi32>
        %and3A_756 = arith.andi %shift_right_logical3A_753, %and3A_755 : vector<16xi32>
        %mul3A_757 = arith.constant 16 : i32
        %mul3A_758 = arith.muli %while3A_742, %mul3A_757 : i32
        %add3A_759 = vector.broadcast %mul3A_758 : i32 to vector<16xi32>
        %add3A_760 = arith.addi %iota3A, %add3A_759 : vector<16xi32>
        %lt3A = vector.broadcast %reduce_max3A_353 : i32 to vector<16xi32>
        %lt3A_761 = arith.cmpi slt, %add3A_760, %lt3A : vector<16xi32>
        %add3A_762 = arith.constant 2048 : i32
        %add3A_763 = vector.broadcast %add3A_762 : i32 to vector<16xi32>
        %add3A_764 = arith.addi %add3A_763, %iota3A : vector<16xi32>
        %select_n3A_765 = arith.select %lt3A_761, %and3A_756, %add3A_764 : vector<16xi1>, vector<16xi32>
        %gather3A_766 = tpu.vector_load_idx %arg15[%select_n3A_765] : memref<2064xi32, #tpu.memory_space<vmem>>[vector<16xi32>], vector<16xi32>,
        %broadcast_in_dim3A_767 = arith.constant true
        %broadcast_in_dim3A_768 = vector.broadcast %broadcast_in_dim3A_767 : i1 to vector<16xi1>
        %unique3A, %unique3A_769 = tpu.scan_count mask(%broadcast_in_dim3A_768 : vector<16xi1>) value(%select_n3A_765 : vector<16xi32>) : vector<16xi1>, vector<16xi32>
        %add3A_770 = arith.addi %gather3A_766, %unique3A_769 : vector<16xi32>
        %sub3A_771 = arith.constant 1 : i32
        %sub3A_772 = vector.broadcast %sub3A_771 : i32 to vector<16xi32>
        %sub3A_773 = arith.subi %add3A_770, %sub3A_772 : vector<16xi32>
        tpu.vector_store_idx %arg10[%sub3A_773], %get3A_749 masked %lt3A_761 : memref<8192xi32, #tpu.memory_space<vmem>>[vector<16xi32>], vector<16xi32>, vector<16xi1>
        tpu.vector_store_idx %arg11[%sub3A_773], %get3A_751 masked %lt3A_761 : memref<8192xi32, #tpu.memory_space<vmem>>[vector<16xi32>], vector<16xi32>, vector<16xi1>
        tpu.vector_store_idx %arg15[%select_n3A_765], %broadcast_in_dim3A_0 {add = true} : memref<2064xi32, #tpu.memory_space<vmem>>[vector<16xi32>], vector<16xi32>,
        %while3A_774 = arith.constant 0 : i32
        scf.yield %while3A_774 : i32
      }
      %while3A_606 = arith.constant 1 : i32
      %while3A_607 = scf.for %while3A_742 = %while3A_603 to %while3A_599 step %while3A_606 iter_args(%while3A_743 = %while3A_605) -> (i32)  : i32 {
        %mul3A_744 = arith.constant 16 : i32
        %mul3A_745 = arith.muli %while3A_742, %mul3A_744 : i32
        %add3A_746 = arith.constant 0 : i32
        %add3A_747 = arith.addi %add3A_746, %mul3A_745 : i32
        %get3A_748 = arith.index_cast %add3A_747 : i32 to index
        %get3A_749 = tpu.vector_load %arg8[%get3A_748] {strides = array<i32>} : memref<8192xi32, #tpu.memory_space<vmem>>, vector<16xi32>,
        %get3A_750 = arith.index_cast %add3A_747 : i32 to index
        %get3A_751 = tpu.vector_load %arg9[%get3A_750] {strides = array<i32>} : memref<8192xi32, #tpu.memory_space<vmem>>, vector<16xi32>,
        %bitcast3A = vector.bitcast %get3A_749 : vector<16xi32> to vector<16xi32>
        %shift_right_logical3A = arith.constant 0 : i32
        %shift_right_logical3A_752 = vector.broadcast %shift_right_logical3A : i32 to vector<16xi32>
        %shift_right_logical3A_753 = arith.shrui %bitcast3A, %shift_right_logical3A_752 : vector<16xi32>
        %and3A_754 = arith.constant 2047 : i32
        %and3A_755 = vector.broadcast %and3A_754 : i32 to vector<16xi32>
        %and3A_756 = arith.andi %shift_right_logical3A_753, %and3A_755 : vector<16xi32>
        %mul3A_757 = arith.constant 16 : i32
        %mul3A_758 = arith.muli %while3A_742, %mul3A_757 : i32
        %add3A_759 = vector.broadcast %mul3A_758 : i32 to vector<16xi32>
        %add3A_760 = arith.addi %iota3A, %add3A_759 : vector<16xi32>
        %lt3A = vector.broadcast %reduce_max3A_353 : i32 to vector<16xi32>
        %lt3A_761 = arith.cmpi slt, %add3A_760, %lt3A : vector<16xi32>
        %add3A_762 = arith.constant 2048 : i32
        %add3A_763 = vector.broadcast %add3A_762 : i32 to vector<16xi32>
        %add3A_764 = arith.addi %add3A_763, %iota3A : vector<16xi32>
        %select_n3A_765 = arith.select %lt3A_761, %and3A_756, %add3A_764 : vector<16xi1>, vector<16xi32>
        %gather3A_766 = tpu.vector_load_idx %arg15[%select_n3A_765] : memref<2064xi32, #tpu.memory_space<vmem>>[vector<16xi32>], vector<16xi32>,
        %broadcast_in_dim3A_767 = arith.constant true
        %broadcast_in_dim3A_768 = vector.broadcast %broadcast_in_dim3A_767 : i1 to vector<16xi1>
        %unique3A, %unique3A_769 = tpu.scan_count mask(%broadcast_in_dim3A_768 : vector<16xi1>) value(%select_n3A_765 : vector<16xi32>) : vector<16xi1>, vector<16xi32>
        %add3A_770 = arith.addi %gather3A_766, %unique3A_769 : vector<16xi32>
        %sub3A_771 = arith.constant 1 : i32
        %sub3A_772 = vector.broadcast %sub3A_771 : i32 to vector<16xi32>
        %sub3A_773 = arith.subi %add3A_770, %sub3A_772 : vector<16xi32>
        tpu.vector_store_idx %arg10[%sub3A_773], %get3A_749 masked %lt3A_761 : memref<8192xi32, #tpu.memory_space<vmem>>[vector<16xi32>], vector<16xi32>, vector<16xi1>
        tpu.vector_store_idx %arg11[%sub3A_773], %get3A_751 masked %lt3A_761 : memref<8192xi32, #tpu.memory_space<vmem>>[vector<16xi32>], vector<16xi32>, vector<16xi1>
        tpu.vector_store_idx %arg15[%select_n3A_765], %broadcast_in_dim3A_0 {add = true} : memref<2064xi32, #tpu.memory_space<vmem>>[vector<16xi32>], vector<16xi32>,
        %while3A_774 = arith.constant 0 : i32
        scf.yield %while3A_774 : i32
      }
      %add3A_608 = arith.constant 15 : i32
      %add3A_609 = arith.addi %reduce_max3A_363, %add3A_608 : i32
      %jit3A_610 = arith.constant 16 : i32
      %div3A_611 = arith.divsi %add3A_609, %jit3A_610 : i32
      %sign3A_612 = arith.constant 0 : i32
      %sign3A_613 = arith.cmpi sgt, %add3A_609, %sign3A_612 : i32
      %sign3A_614 = arith.extui %sign3A_613 : i1 to i32
      %sign3A_615 = arith.constant 0 : i32
      %sign3A_616 = arith.cmpi slt, %add3A_609, %sign3A_615 : i32
      %sign3A_617 = arith.extui %sign3A_616 : i1 to i32
      %sign3A_618 = arith.subi %sign3A_614, %sign3A_617 : i32
      %sign3A_619 = arith.constant 0 : i32
      %sign3A_620 = arith.cmpi sgt, %jit3A_610, %sign3A_619 : i32
      %sign3A_621 = arith.extui %sign3A_620 : i1 to i32
      %sign3A_622 = arith.constant 0 : i32
      %sign3A_623 = arith.cmpi slt, %jit3A_610, %sign3A_622 : i32
      %sign3A_624 = arith.extui %sign3A_623 : i1 to i32
      %sign3A_625 = arith.subi %sign3A_621, %sign3A_624 : i32
      %ne3A_626 = arith.cmpi ne, %sign3A_618, %sign3A_625 : i32
      %rem3A_627 = arith.remsi %add3A_609, %jit3A_610 : i32
      %ne3A_628 = arith.constant 0 : i32
      %ne3A_629 = arith.cmpi ne, %rem3A_627, %ne3A_628 : i32
      %and3A_630 = arith.andi %ne3A_626, %ne3A_629 : i1
      %sub3A_631 = arith.constant 1 : i32
      %sub3A_632 = arith.subi %div3A_611, %sub3A_631 : i32
      %select_n3A_633 = arith.select %and3A_630, %sub3A_632, %div3A_611 : i32
      %while3A_634 = arith.constant 0 : i32
      %while3A_635 = arith.constant 0 : i32
      %while3A_636 = arith.subi %select_n3A_633, %while3A_634 : i32
      %while3A_637 = arith.addi %while3A_634, %while3A_636 : i32
      %while3A_638 = arith.constant 1 : i32
      %while3A_639 = arith.divsi %while3A_636, %while3A_638 : i32
      %while3A_640 = arith.muli %while3A_639, %while3A_638 : i32
      %while3A_641 = arith.addi %while3A_634, %while3A_640 : i32
      %while3A_642 = arith.constant 1 : i32
      %while3A_643 = scf.for %while3A_742 = %while3A_634 to %while3A_641 step %while3A_642 iter_args(%while3A_743 = %while3A_635) -> (i32)  : i32 {
        %mul3A_744 = arith.constant 16 : i32
        %mul3A_745 = arith.muli %while3A_742, %mul3A_744 : i32
        %add3A_746 = arith.constant 2048 : i32
        %add3A_747 = arith.addi %add3A_746, %mul3A_745 : i32
        %get3A_748 = arith.index_cast %add3A_747 : i32 to index
        %get3A_749 = tpu.vector_load %arg8[%get3A_748] {strides = array<i32>} : memref<8192xi32, #tpu.memory_space<vmem>>, vector<16xi32>,
        %get3A_750 = arith.index_cast %add3A_747 : i32 to index
        %get3A_751 = tpu.vector_load %arg9[%get3A_750] {strides = array<i32>} : memref<8192xi32, #tpu.memory_space<vmem>>, vector<16xi32>,
        %bitcast3A = vector.bitcast %get3A_749 : vector<16xi32> to vector<16xi32>
        %shift_right_logical3A = arith.constant 0 : i32
        %shift_right_logical3A_752 = vector.broadcast %shift_right_logical3A : i32 to vector<16xi32>
        %shift_right_logical3A_753 = arith.shrui %bitcast3A, %shift_right_logical3A_752 : vector<16xi32>
        %and3A_754 = arith.constant 2047 : i32
        %and3A_755 = vector.broadcast %and3A_754 : i32 to vector<16xi32>
        %and3A_756 = arith.andi %shift_right_logical3A_753, %and3A_755 : vector<16xi32>
        %mul3A_757 = arith.constant 16 : i32
        %mul3A_758 = arith.muli %while3A_742, %mul3A_757 : i32
        %add3A_759 = vector.broadcast %mul3A_758 : i32 to vector<16xi32>
        %add3A_760 = arith.addi %iota3A, %add3A_759 : vector<16xi32>
        %lt3A = vector.broadcast %reduce_max3A_363 : i32 to vector<16xi32>
        %lt3A_761 = arith.cmpi slt, %add3A_760, %lt3A : vector<16xi32>
        %add3A_762 = arith.constant 2048 : i32
        %add3A_763 = vector.broadcast %add3A_762 : i32 to vector<16xi32>
        %add3A_764 = arith.addi %add3A_763, %iota3A : vector<16xi32>
        %select_n3A_765 = arith.select %lt3A_761, %and3A_756, %add3A_764 : vector<16xi1>, vector<16xi32>
        %gather3A_766 = tpu.vector_load_idx %arg15[%select_n3A_765] : memref<2064xi32, #tpu.memory_space<vmem>>[vector<16xi32>], vector<16xi32>,
        %broadcast_in_dim3A_767 = arith.constant true
        %broadcast_in_dim3A_768 = vector.broadcast %broadcast_in_dim3A_767 : i1 to vector<16xi1>
        %unique3A, %unique3A_769 = tpu.scan_count mask(%broadcast_in_dim3A_768 : vector<16xi1>) value(%select_n3A_765 : vector<16xi32>) : vector<16xi1>, vector<16xi32>
        %add3A_770 = arith.addi %gather3A_766, %unique3A_769 : vector<16xi32>
        %sub3A_771 = arith.constant 1 : i32
        %sub3A_772 = vector.broadcast %sub3A_771 : i32 to vector<16xi32>
        %sub3A_773 = arith.subi %add3A_770, %sub3A_772 : vector<16xi32>
        tpu.vector_store_idx %arg10[%sub3A_773], %get3A_749 masked %lt3A_761 : memref<8192xi32, #tpu.memory_space<vmem>>[vector<16xi32>], vector<16xi32>, vector<16xi1>
        tpu.vector_store_idx %arg11[%sub3A_773], %get3A_751 masked %lt3A_761 : memref<8192xi32, #tpu.memory_space<vmem>>[vector<16xi32>], vector<16xi32>, vector<16xi1>
        tpu.vector_store_idx %arg15[%select_n3A_765], %broadcast_in_dim3A_0 {add = true} : memref<2064xi32, #tpu.memory_space<vmem>>[vector<16xi32>], vector<16xi32>,
        %while3A_774 = arith.constant 0 : i32
        scf.yield %while3A_774 : i32
      }
      %while3A_644 = arith.constant 1 : i32
      %while3A_645 = scf.for %while3A_742 = %while3A_641 to %while3A_637 step %while3A_644 iter_args(%while3A_743 = %while3A_643) -> (i32)  : i32 {
        %mul3A_744 = arith.constant 16 : i32
        %mul3A_745 = arith.muli %while3A_742, %mul3A_744 : i32
        %add3A_746 = arith.constant 2048 : i32
        %add3A_747 = arith.addi %add3A_746, %mul3A_745 : i32
        %get3A_748 = arith.index_cast %add3A_747 : i32 to index
        %get3A_749 = tpu.vector_load %arg8[%get3A_748] {strides = array<i32>} : memref<8192xi32, #tpu.memory_space<vmem>>, vector<16xi32>,
        %get3A_750 = arith.index_cast %add3A_747 : i32 to index
        %get3A_751 = tpu.vector_load %arg9[%get3A_750] {strides = array<i32>} : memref<8192xi32, #tpu.memory_space<vmem>>, vector<16xi32>,
        %bitcast3A = vector.bitcast %get3A_749 : vector<16xi32> to vector<16xi32>
        %shift_right_logical3A = arith.constant 0 : i32
        %shift_right_logical3A_752 = vector.broadcast %shift_right_logical3A : i32 to vector<16xi32>
        %shift_right_logical3A_753 = arith.shrui %bitcast3A, %shift_right_logical3A_752 : vector<16xi32>
        %and3A_754 = arith.constant 2047 : i32
        %and3A_755 = vector.broadcast %and3A_754 : i32 to vector<16xi32>
        %and3A_756 = arith.andi %shift_right_logical3A_753, %and3A_755 : vector<16xi32>
        %mul3A_757 = arith.constant 16 : i32
        %mul3A_758 = arith.muli %while3A_742, %mul3A_757 : i32
        %add3A_759 = vector.broadcast %mul3A_758 : i32 to vector<16xi32>
        %add3A_760 = arith.addi %iota3A, %add3A_759 : vector<16xi32>
        %lt3A = vector.broadcast %reduce_max3A_363 : i32 to vector<16xi32>
        %lt3A_761 = arith.cmpi slt, %add3A_760, %lt3A : vector<16xi32>
        %add3A_762 = arith.constant 2048 : i32
        %add3A_763 = vector.broadcast %add3A_762 : i32 to vector<16xi32>
        %add3A_764 = arith.addi %add3A_763, %iota3A : vector<16xi32>
        %select_n3A_765 = arith.select %lt3A_761, %and3A_756, %add3A_764 : vector<16xi1>, vector<16xi32>
        %gather3A_766 = tpu.vector_load_idx %arg15[%select_n3A_765] : memref<2064xi32, #tpu.memory_space<vmem>>[vector<16xi32>], vector<16xi32>,
        %broadcast_in_dim3A_767 = arith.constant true
        %broadcast_in_dim3A_768 = vector.broadcast %broadcast_in_dim3A_767 : i1 to vector<16xi1>
        %unique3A, %unique3A_769 = tpu.scan_count mask(%broadcast_in_dim3A_768 : vector<16xi1>) value(%select_n3A_765 : vector<16xi32>) : vector<16xi1>, vector<16xi32>
        %add3A_770 = arith.addi %gather3A_766, %unique3A_769 : vector<16xi32>
        %sub3A_771 = arith.constant 1 : i32
        %sub3A_772 = vector.broadcast %sub3A_771 : i32 to vector<16xi32>
        %sub3A_773 = arith.subi %add3A_770, %sub3A_772 : vector<16xi32>
        tpu.vector_store_idx %arg10[%sub3A_773], %get3A_749 masked %lt3A_761 : memref<8192xi32, #tpu.memory_space<vmem>>[vector<16xi32>], vector<16xi32>, vector<16xi1>
        tpu.vector_store_idx %arg11[%sub3A_773], %get3A_751 masked %lt3A_761 : memref<8192xi32, #tpu.memory_space<vmem>>[vector<16xi32>], vector<16xi32>, vector<16xi1>
        tpu.vector_store_idx %arg15[%select_n3A_765], %broadcast_in_dim3A_0 {add = true} : memref<2064xi32, #tpu.memory_space<vmem>>[vector<16xi32>], vector<16xi32>,
        %while3A_774 = arith.constant 0 : i32
        scf.yield %while3A_774 : i32
      }
      %add3A_646 = arith.constant 15 : i32
      %add3A_647 = arith.addi %reduce_max3A_373, %add3A_646 : i32
      %jit3A_648 = arith.constant 16 : i32
      %div3A_649 = arith.divsi %add3A_647, %jit3A_648 : i32
      %sign3A_650 = arith.constant 0 : i32
      %sign3A_651 = arith.cmpi sgt, %add3A_647, %sign3A_650 : i32
      %sign3A_652 = arith.extui %sign3A_651 : i1 to i32
      %sign3A_653 = arith.constant 0 : i32
      %sign3A_654 = arith.cmpi slt, %add3A_647, %sign3A_653 : i32
      %sign3A_655 = arith.extui %sign3A_654 : i1 to i32
      %sign3A_656 = arith.subi %sign3A_652, %sign3A_655 : i32
      %sign3A_657 = arith.constant 0 : i32
      %sign3A_658 = arith.cmpi sgt, %jit3A_648, %sign3A_657 : i32
      %sign3A_659 = arith.extui %sign3A_658 : i1 to i32
      %sign3A_660 = arith.constant 0 : i32
      %sign3A_661 = arith.cmpi slt, %jit3A_648, %sign3A_660 : i32
      %sign3A_662 = arith.extui %sign3A_661 : i1 to i32
      %sign3A_663 = arith.subi %sign3A_659, %sign3A_662 : i32
      %ne3A_664 = arith.cmpi ne, %sign3A_656, %sign3A_663 : i32
      %rem3A_665 = arith.remsi %add3A_647, %jit3A_648 : i32
      %ne3A_666 = arith.constant 0 : i32
      %ne3A_667 = arith.cmpi ne, %rem3A_665, %ne3A_666 : i32
      %and3A_668 = arith.andi %ne3A_664, %ne3A_667 : i1
      %sub3A_669 = arith.constant 1 : i32
      %sub3A_670 = arith.subi %div3A_649, %sub3A_669 : i32
      %select_n3A_671 = arith.select %and3A_668, %sub3A_670, %div3A_649 : i32
      %while3A_672 = arith.constant 0 : i32
      %while3A_673 = arith.constant 0 : i32
      %while3A_674 = arith.subi %select_n3A_671, %while3A_672 : i32
      %while3A_675 = arith.addi %while3A_672, %while3A_674 : i32
      %while3A_676 = arith.constant 1 : i32
      %while3A_677 = arith.divsi %while3A_674, %while3A_676 : i32
      %while3A_678 = arith.muli %while3A_677, %while3A_676 : i32
      %while3A_679 = arith.addi %while3A_672, %while3A_678 : i32
      %while3A_680 = arith.constant 1 : i32
      %while3A_681 = scf.for %while3A_742 = %while3A_672 to %while3A_679 step %while3A_680 iter_args(%while3A_743 = %while3A_673) -> (i32)  : i32 {
        %mul3A_744 = arith.constant 16 : i32
        %mul3A_745 = arith.muli %while3A_742, %mul3A_744 : i32
        %add3A_746 = arith.constant 4096 : i32
        %add3A_747 = arith.addi %add3A_746, %mul3A_745 : i32
        %get3A_748 = arith.index_cast %add3A_747 : i32 to index
        %get3A_749 = tpu.vector_load %arg8[%get3A_748] {strides = array<i32>} : memref<8192xi32, #tpu.memory_space<vmem>>, vector<16xi32>,
        %get3A_750 = arith.index_cast %add3A_747 : i32 to index
        %get3A_751 = tpu.vector_load %arg9[%get3A_750] {strides = array<i32>} : memref<8192xi32, #tpu.memory_space<vmem>>, vector<16xi32>,
        %bitcast3A = vector.bitcast %get3A_749 : vector<16xi32> to vector<16xi32>
        %shift_right_logical3A = arith.constant 0 : i32
        %shift_right_logical3A_752 = vector.broadcast %shift_right_logical3A : i32 to vector<16xi32>
        %shift_right_logical3A_753 = arith.shrui %bitcast3A, %shift_right_logical3A_752 : vector<16xi32>
        %and3A_754 = arith.constant 2047 : i32
        %and3A_755 = vector.broadcast %and3A_754 : i32 to vector<16xi32>
        %and3A_756 = arith.andi %shift_right_logical3A_753, %and3A_755 : vector<16xi32>
        %mul3A_757 = arith.constant 16 : i32
        %mul3A_758 = arith.muli %while3A_742, %mul3A_757 : i32
        %add3A_759 = vector.broadcast %mul3A_758 : i32 to vector<16xi32>
        %add3A_760 = arith.addi %iota3A, %add3A_759 : vector<16xi32>
        %lt3A = vector.broadcast %reduce_max3A_373 : i32 to vector<16xi32>
        %lt3A_761 = arith.cmpi slt, %add3A_760, %lt3A : vector<16xi32>
        %add3A_762 = arith.constant 2048 : i32
        %add3A_763 = vector.broadcast %add3A_762 : i32 to vector<16xi32>
        %add3A_764 = arith.addi %add3A_763, %iota3A : vector<16xi32>
        %select_n3A_765 = arith.select %lt3A_761, %and3A_756, %add3A_764 : vector<16xi1>, vector<16xi32>
        %gather3A_766 = tpu.vector_load_idx %arg15[%select_n3A_765] : memref<2064xi32, #tpu.memory_space<vmem>>[vector<16xi32>], vector<16xi32>,
        %broadcast_in_dim3A_767 = arith.constant true
        %broadcast_in_dim3A_768 = vector.broadcast %broadcast_in_dim3A_767 : i1 to vector<16xi1>
        %unique3A, %unique3A_769 = tpu.scan_count mask(%broadcast_in_dim3A_768 : vector<16xi1>) value(%select_n3A_765 : vector<16xi32>) : vector<16xi1>, vector<16xi32>
        %add3A_770 = arith.addi %gather3A_766, %unique3A_769 : vector<16xi32>
        %sub3A_771 = arith.constant 1 : i32
        %sub3A_772 = vector.broadcast %sub3A_771 : i32 to vector<16xi32>
        %sub3A_773 = arith.subi %add3A_770, %sub3A_772 : vector<16xi32>
        tpu.vector_store_idx %arg10[%sub3A_773], %get3A_749 masked %lt3A_761 : memref<8192xi32, #tpu.memory_space<vmem>>[vector<16xi32>], vector<16xi32>, vector<16xi1>
        tpu.vector_store_idx %arg11[%sub3A_773], %get3A_751 masked %lt3A_761 : memref<8192xi32, #tpu.memory_space<vmem>>[vector<16xi32>], vector<16xi32>, vector<16xi1>
        tpu.vector_store_idx %arg15[%select_n3A_765], %broadcast_in_dim3A_0 {add = true} : memref<2064xi32, #tpu.memory_space<vmem>>[vector<16xi32>], vector<16xi32>,
        %while3A_774 = arith.constant 0 : i32
        scf.yield %while3A_774 : i32
      }
      %while3A_682 = arith.constant 1 : i32
      %while3A_683 = scf.for %while3A_742 = %while3A_679 to %while3A_675 step %while3A_682 iter_args(%while3A_743 = %while3A_681) -> (i32)  : i32 {
        %mul3A_744 = arith.constant 16 : i32
        %mul3A_745 = arith.muli %while3A_742, %mul3A_744 : i32
        %add3A_746 = arith.constant 4096 : i32
        %add3A_747 = arith.addi %add3A_746, %mul3A_745 : i32
        %get3A_748 = arith.index_cast %add3A_747 : i32 to index
        %get3A_749 = tpu.vector_load %arg8[%get3A_748] {strides = array<i32>} : memref<8192xi32, #tpu.memory_space<vmem>>, vector<16xi32>,
        %get3A_750 = arith.index_cast %add3A_747 : i32 to index
        %get3A_751 = tpu.vector_load %arg9[%get3A_750] {strides = array<i32>} : memref<8192xi32, #tpu.memory_space<vmem>>, vector<16xi32>,
        %bitcast3A = vector.bitcast %get3A_749 : vector<16xi32> to vector<16xi32>
        %shift_right_logical3A = arith.constant 0 : i32
        %shift_right_logical3A_752 = vector.broadcast %shift_right_logical3A : i32 to vector<16xi32>
        %shift_right_logical3A_753 = arith.shrui %bitcast3A, %shift_right_logical3A_752 : vector<16xi32>
        %and3A_754 = arith.constant 2047 : i32
        %and3A_755 = vector.broadcast %and3A_754 : i32 to vector<16xi32>
        %and3A_756 = arith.andi %shift_right_logical3A_753, %and3A_755 : vector<16xi32>
        %mul3A_757 = arith.constant 16 : i32
        %mul3A_758 = arith.muli %while3A_742, %mul3A_757 : i32
        %add3A_759 = vector.broadcast %mul3A_758 : i32 to vector<16xi32>
        %add3A_760 = arith.addi %iota3A, %add3A_759 : vector<16xi32>
        %lt3A = vector.broadcast %reduce_max3A_373 : i32 to vector<16xi32>
        %lt3A_761 = arith.cmpi slt, %add3A_760, %lt3A : vector<16xi32>
        %add3A_762 = arith.constant 2048 : i32
        %add3A_763 = vector.broadcast %add3A_762 : i32 to vector<16xi32>
        %add3A_764 = arith.addi %add3A_763, %iota3A : vector<16xi32>
        %select_n3A_765 = arith.select %lt3A_761, %and3A_756, %add3A_764 : vector<16xi1>, vector<16xi32>
        %gather3A_766 = tpu.vector_load_idx %arg15[%select_n3A_765] : memref<2064xi32, #tpu.memory_space<vmem>>[vector<16xi32>], vector<16xi32>,
        %broadcast_in_dim3A_767 = arith.constant true
        %broadcast_in_dim3A_768 = vector.broadcast %broadcast_in_dim3A_767 : i1 to vector<16xi1>
        %unique3A, %unique3A_769 = tpu.scan_count mask(%broadcast_in_dim3A_768 : vector<16xi1>) value(%select_n3A_765 : vector<16xi32>) : vector<16xi1>, vector<16xi32>
        %add3A_770 = arith.addi %gather3A_766, %unique3A_769 : vector<16xi32>
        %sub3A_771 = arith.constant 1 : i32
        %sub3A_772 = vector.broadcast %sub3A_771 : i32 to vector<16xi32>
        %sub3A_773 = arith.subi %add3A_770, %sub3A_772 : vector<16xi32>
        tpu.vector_store_idx %arg10[%sub3A_773], %get3A_749 masked %lt3A_761 : memref<8192xi32, #tpu.memory_space<vmem>>[vector<16xi32>], vector<16xi32>, vector<16xi1>
        tpu.vector_store_idx %arg11[%sub3A_773], %get3A_751 masked %lt3A_761 : memref<8192xi32, #tpu.memory_space<vmem>>[vector<16xi32>], vector<16xi32>, vector<16xi1>
        tpu.vector_store_idx %arg15[%select_n3A_765], %broadcast_in_dim3A_0 {add = true} : memref<2064xi32, #tpu.memory_space<vmem>>[vector<16xi32>], vector<16xi32>,
        %while3A_774 = arith.constant 0 : i32
        scf.yield %while3A_774 : i32
      }
      %add3A_684 = arith.constant 15 : i32
      %add3A_685 = arith.addi %reduce_max3A_383, %add3A_684 : i32
      %jit3A_686 = arith.constant 16 : i32
      %div3A_687 = arith.divsi %add3A_685, %jit3A_686 : i32
      %sign3A_688 = arith.constant 0 : i32
      %sign3A_689 = arith.cmpi sgt, %add3A_685, %sign3A_688 : i32
      %sign3A_690 = arith.extui %sign3A_689 : i1 to i32
      %sign3A_691 = arith.constant 0 : i32
      %sign3A_692 = arith.cmpi slt, %add3A_685, %sign3A_691 : i32
      %sign3A_693 = arith.extui %sign3A_692 : i1 to i32
      %sign3A_694 = arith.subi %sign3A_690, %sign3A_693 : i32
      %sign3A_695 = arith.constant 0 : i32
      %sign3A_696 = arith.cmpi sgt, %jit3A_686, %sign3A_695 : i32
      %sign3A_697 = arith.extui %sign3A_696 : i1 to i32
      %sign3A_698 = arith.constant 0 : i32
      %sign3A_699 = arith.cmpi slt, %jit3A_686, %sign3A_698 : i32
      %sign3A_700 = arith.extui %sign3A_699 : i1 to i32
      %sign3A_701 = arith.subi %sign3A_697, %sign3A_700 : i32
      %ne3A_702 = arith.cmpi ne, %sign3A_694, %sign3A_701 : i32
      %rem3A_703 = arith.remsi %add3A_685, %jit3A_686 : i32
      %ne3A_704 = arith.constant 0 : i32
      %ne3A_705 = arith.cmpi ne, %rem3A_703, %ne3A_704 : i32
      %and3A_706 = arith.andi %ne3A_702, %ne3A_705 : i1
      %sub3A_707 = arith.constant 1 : i32
      %sub3A_708 = arith.subi %div3A_687, %sub3A_707 : i32
      %select_n3A_709 = arith.select %and3A_706, %sub3A_708, %div3A_687 : i32
      %while3A_710 = arith.constant 0 : i32
      %while3A_711 = arith.constant 0 : i32
      %while3A_712 = arith.subi %select_n3A_709, %while3A_710 : i32
      %while3A_713 = arith.addi %while3A_710, %while3A_712 : i32
      %while3A_714 = arith.constant 1 : i32
      %while3A_715 = arith.divsi %while3A_712, %while3A_714 : i32
      %while3A_716 = arith.muli %while3A_715, %while3A_714 : i32
      %while3A_717 = arith.addi %while3A_710, %while3A_716 : i32
      %while3A_718 = arith.constant 1 : i32
      %while3A_719 = scf.for %while3A_742 = %while3A_710 to %while3A_717 step %while3A_718 iter_args(%while3A_743 = %while3A_711) -> (i32)  : i32 {
        %mul3A_744 = arith.constant 16 : i32
        %mul3A_745 = arith.muli %while3A_742, %mul3A_744 : i32
        %add3A_746 = arith.constant 6144 : i32
        %add3A_747 = arith.addi %add3A_746, %mul3A_745 : i32
        %get3A_748 = arith.index_cast %add3A_747 : i32 to index
        %get3A_749 = tpu.vector_load %arg8[%get3A_748] {strides = array<i32>} : memref<8192xi32, #tpu.memory_space<vmem>>, vector<16xi32>,
        %get3A_750 = arith.index_cast %add3A_747 : i32 to index
        %get3A_751 = tpu.vector_load %arg9[%get3A_750] {strides = array<i32>} : memref<8192xi32, #tpu.memory_space<vmem>>, vector<16xi32>,
        %bitcast3A = vector.bitcast %get3A_749 : vector<16xi32> to vector<16xi32>
        %shift_right_logical3A = arith.constant 0 : i32
        %shift_right_logical3A_752 = vector.broadcast %shift_right_logical3A : i32 to vector<16xi32>
        %shift_right_logical3A_753 = arith.shrui %bitcast3A, %shift_right_logical3A_752 : vector<16xi32>
        %and3A_754 = arith.constant 2047 : i32
        %and3A_755 = vector.broadcast %and3A_754 : i32 to vector<16xi32>
        %and3A_756 = arith.andi %shift_right_logical3A_753, %and3A_755 : vector<16xi32>
        %mul3A_757 = arith.constant 16 : i32
        %mul3A_758 = arith.muli %while3A_742, %mul3A_757 : i32
        %add3A_759 = vector.broadcast %mul3A_758 : i32 to vector<16xi32>
        %add3A_760 = arith.addi %iota3A, %add3A_759 : vector<16xi32>
        %lt3A = vector.broadcast %reduce_max3A_383 : i32 to vector<16xi32>
        %lt3A_761 = arith.cmpi slt, %add3A_760, %lt3A : vector<16xi32>
        %add3A_762 = arith.constant 2048 : i32
        %add3A_763 = vector.broadcast %add3A_762 : i32 to vector<16xi32>
        %add3A_764 = arith.addi %add3A_763, %iota3A : vector<16xi32>
        %select_n3A_765 = arith.select %lt3A_761, %and3A_756, %add3A_764 : vector<16xi1>, vector<16xi32>
        %gather3A_766 = tpu.vector_load_idx %arg15[%select_n3A_765] : memref<2064xi32, #tpu.memory_space<vmem>>[vector<16xi32>], vector<16xi32>,
        %broadcast_in_dim3A_767 = arith.constant true
        %broadcast_in_dim3A_768 = vector.broadcast %broadcast_in_dim3A_767 : i1 to vector<16xi1>
        %unique3A, %unique3A_769 = tpu.scan_count mask(%broadcast_in_dim3A_768 : vector<16xi1>) value(%select_n3A_765 : vector<16xi32>) : vector<16xi1>, vector<16xi32>
        %add3A_770 = arith.addi %gather3A_766, %unique3A_769 : vector<16xi32>
        %sub3A_771 = arith.constant 1 : i32
        %sub3A_772 = vector.broadcast %sub3A_771 : i32 to vector<16xi32>
        %sub3A_773 = arith.subi %add3A_770, %sub3A_772 : vector<16xi32>
        tpu.vector_store_idx %arg10[%sub3A_773], %get3A_749 masked %lt3A_761 : memref<8192xi32, #tpu.memory_space<vmem>>[vector<16xi32>], vector<16xi32>, vector<16xi1>
        tpu.vector_store_idx %arg11[%sub3A_773], %get3A_751 masked %lt3A_761 : memref<8192xi32, #tpu.memory_space<vmem>>[vector<16xi32>], vector<16xi32>, vector<16xi1>
        tpu.vector_store_idx %arg15[%select_n3A_765], %broadcast_in_dim3A_0 {add = true} : memref<2064xi32, #tpu.memory_space<vmem>>[vector<16xi32>], vector<16xi32>,
        %while3A_774 = arith.constant 0 : i32
        scf.yield %while3A_774 : i32
      }
      %while3A_720 = arith.constant 1 : i32
      %while3A_721 = scf.for %while3A_742 = %while3A_717 to %while3A_713 step %while3A_720 iter_args(%while3A_743 = %while3A_719) -> (i32)  : i32 {
        %mul3A_744 = arith.constant 16 : i32
        %mul3A_745 = arith.muli %while3A_742, %mul3A_744 : i32
        %add3A_746 = arith.constant 6144 : i32
        %add3A_747 = arith.addi %add3A_746, %mul3A_745 : i32
        %get3A_748 = arith.index_cast %add3A_747 : i32 to index
        %get3A_749 = tpu.vector_load %arg8[%get3A_748] {strides = array<i32>} : memref<8192xi32, #tpu.memory_space<vmem>>, vector<16xi32>,
        %get3A_750 = arith.index_cast %add3A_747 : i32 to index
        %get3A_751 = tpu.vector_load %arg9[%get3A_750] {strides = array<i32>} : memref<8192xi32, #tpu.memory_space<vmem>>, vector<16xi32>,
        %bitcast3A = vector.bitcast %get3A_749 : vector<16xi32> to vector<16xi32>
        %shift_right_logical3A = arith.constant 0 : i32
        %shift_right_logical3A_752 = vector.broadcast %shift_right_logical3A : i32 to vector<16xi32>
        %shift_right_logical3A_753 = arith.shrui %bitcast3A, %shift_right_logical3A_752 : vector<16xi32>
        %and3A_754 = arith.constant 2047 : i32
        %and3A_755 = vector.broadcast %and3A_754 : i32 to vector<16xi32>
        %and3A_756 = arith.andi %shift_right_logical3A_753, %and3A_755 : vector<16xi32>
        %mul3A_757 = arith.constant 16 : i32
        %mul3A_758 = arith.muli %while3A_742, %mul3A_757 : i32
        %add3A_759 = vector.broadcast %mul3A_758 : i32 to vector<16xi32>
        %add3A_760 = arith.addi %iota3A, %add3A_759 : vector<16xi32>
        %lt3A = vector.broadcast %reduce_max3A_383 : i32 to vector<16xi32>
        %lt3A_761 = arith.cmpi slt, %add3A_760, %lt3A : vector<16xi32>
        %add3A_762 = arith.constant 2048 : i32
        %add3A_763 = vector.broadcast %add3A_762 : i32 to vector<16xi32>
        %add3A_764 = arith.addi %add3A_763, %iota3A : vector<16xi32>
        %select_n3A_765 = arith.select %lt3A_761, %and3A_756, %add3A_764 : vector<16xi1>, vector<16xi32>
        %gather3A_766 = tpu.vector_load_idx %arg15[%select_n3A_765] : memref<2064xi32, #tpu.memory_space<vmem>>[vector<16xi32>], vector<16xi32>,
        %broadcast_in_dim3A_767 = arith.constant true
        %broadcast_in_dim3A_768 = vector.broadcast %broadcast_in_dim3A_767 : i1 to vector<16xi1>
        %unique3A, %unique3A_769 = tpu.scan_count mask(%broadcast_in_dim3A_768 : vector<16xi1>) value(%select_n3A_765 : vector<16xi32>) : vector<16xi1>, vector<16xi32>
        %add3A_770 = arith.addi %gather3A_766, %unique3A_769 : vector<16xi32>
        %sub3A_771 = arith.constant 1 : i32
        %sub3A_772 = vector.broadcast %sub3A_771 : i32 to vector<16xi32>
        %sub3A_773 = arith.subi %add3A_770, %sub3A_772 : vector<16xi32>
        tpu.vector_store_idx %arg10[%sub3A_773], %get3A_749 masked %lt3A_761 : memref<8192xi32, #tpu.memory_space<vmem>>[vector<16xi32>], vector<16xi32>, vector<16xi1>
        tpu.vector_store_idx %arg11[%sub3A_773], %get3A_751 masked %lt3A_761 : memref<8192xi32, #tpu.memory_space<vmem>>[vector<16xi32>], vector<16xi32>, vector<16xi1>
        tpu.vector_store_idx %arg15[%select_n3A_765], %broadcast_in_dim3A_0 {add = true} : memref<2064xi32, #tpu.memory_space<vmem>>[vector<16xi32>], vector<16xi32>,
        %while3A_774 = arith.constant 0 : i32
        scf.yield %while3A_774 : i32
      }
      "tpu.trace_stop"() : () -> ()
      %scan3A_722 = arith.constant 0 : i32
      %scan3A_723 = arith.constant 0 : i32
      %scan3A_724 = arith.constant 2 : i32
      %scan3A_725 = arith.addi %scan3A_723, %scan3A_724 : i32
      %scan3A_726 = arith.constant 1 : i32
      %scan3A_727 = scf.for %scan3A_742 = %scan3A_723 to %scan3A_725 step %scan3A_726 iter_args(%scan3A_743 = %scan3A_722) -> (i32)  : i32 {
        %add3A_744 = arith.constant 1 : i32
        %add3A_745 = arith.addi %scan3A_742, %add3A_744 : i32
        %mul3A_746 = arith.constant 11 : i32
        %mul3A_747 = arith.muli %mul3A_746, %add3A_745 : i32
        %scan3A_748 = arith.constant 0 : i32
        %scan3A_749 = arith.constant 0 : i32
        %scan3A_750 = arith.constant 128 : i32
        %scan3A_751 = arith.addi %scan3A_749, %scan3A_750 : i32
        %scan3A_752 = arith.constant 4 : i32
        %scan3A_753 = scf.for %scan3A_853 = %scan3A_749 to %scan3A_751 step %scan3A_752 iter_args(%scan3A_854 = %scan3A_748) -> (i32)  : i32 {
          %broadcast_in_dim3A_855 = arith.constant 0 : i32
          %broadcast_in_dim3A_856 = vector.broadcast %broadcast_in_dim3A_855 : i32 to vector<16xi32>
          %mul3A_857 = arith.constant 16 : i32
          %mul3A_858 = arith.muli %scan3A_853, %mul3A_857 : i32
          %swap3A_859 = arith.index_cast %mul3A_858 : i32 to index
          %swap3A_860 = tpu.vector_load %arg14[%swap3A_859] {strides = array<i32>} : memref<2064xi32, #tpu.memory_space<vmem>>, vector<16xi32>,
          tpu.vector_store %arg14[%swap3A_859], %broadcast_in_dim3A_856 {strides = array<i32>} : memref<2064xi32, #tpu.memory_space<vmem>>, vector<16xi32>,
          %scan3A_861 = arith.constant 0 : i32
          %scan3A_862 = arith.constant 1 : i32
          %scan3A_863 = arith.addi %scan3A_853, %scan3A_862 : i32
          %broadcast_in_dim3A_864 = arith.constant 0 : i32
          %broadcast_in_dim3A_865 = vector.broadcast %broadcast_in_dim3A_864 : i32 to vector<16xi32>
          %mul3A_866 = arith.constant 16 : i32
          %mul3A_867 = arith.muli %scan3A_863, %mul3A_866 : i32
          %swap3A_868 = arith.index_cast %mul3A_867 : i32 to index
          %swap3A_869 = tpu.vector_load %arg14[%swap3A_868] {strides = array<i32>} : memref<2064xi32, #tpu.memory_space<vmem>>, vector<16xi32>,
          tpu.vector_store %arg14[%swap3A_868], %broadcast_in_dim3A_865 {strides = array<i32>} : memref<2064xi32, #tpu.memory_space<vmem>>, vector<16xi32>,
          %scan3A_870 = arith.constant 0 : i32
          %scan3A_871 = arith.constant 2 : i32
          %scan3A_872 = arith.addi %scan3A_853, %scan3A_871 : i32
          %broadcast_in_dim3A_873 = arith.constant 0 : i32
          %broadcast_in_dim3A_874 = vector.broadcast %broadcast_in_dim3A_873 : i32 to vector<16xi32>
          %mul3A_875 = arith.constant 16 : i32
          %mul3A_876 = arith.muli %scan3A_872, %mul3A_875 : i32
          %swap3A_877 = arith.index_cast %mul3A_876 : i32 to index
          %swap3A_878 = tpu.vector_load %arg14[%swap3A_877] {strides = array<i32>} : memref<2064xi32, #tpu.memory_space<vmem>>, vector<16xi32>,
          tpu.vector_store %arg14[%swap3A_877], %broadcast_in_dim3A_874 {strides = array<i32>} : memref<2064xi32, #tpu.memory_space<vmem>>, vector<16xi32>,
          %scan3A_879 = arith.constant 0 : i32
          %scan3A_880 = arith.constant 3 : i32
          %scan3A_881 = arith.addi %scan3A_853, %scan3A_880 : i32
          %broadcast_in_dim3A_882 = arith.constant 0 : i32
          %broadcast_in_dim3A_883 = vector.broadcast %broadcast_in_dim3A_882 : i32 to vector<16xi32>
          %mul3A_884 = arith.constant 16 : i32
          %mul3A_885 = arith.muli %scan3A_881, %mul3A_884 : i32
          %swap3A_886 = arith.index_cast %mul3A_885 : i32 to index
          %swap3A_887 = tpu.vector_load %arg14[%swap3A_886] {strides = array<i32>} : memref<2064xi32, #tpu.memory_space<vmem>>, vector<16xi32>,
          tpu.vector_store %arg14[%swap3A_886], %broadcast_in_dim3A_883 {strides = array<i32>} : memref<2064xi32, #tpu.memory_space<vmem>>, vector<16xi32>,
          %scan3A_888 = arith.constant 0 : i32
          scf.yield %scan3A_888 : i32
        }
        %scan3A_754 = arith.constant 128 : i32
        %scan3A_755 = arith.addi %scan3A_749, %scan3A_754 : i32
        %broadcast_in_dim3A_756 = arith.constant 0 : i32
        %broadcast_in_dim3A_757 = vector.broadcast %broadcast_in_dim3A_756 : i32 to vector<16xi32>
        %mul3A_758 = arith.constant 16 : i32
        %mul3A_759 = arith.muli %scan3A_755, %mul3A_758 : i32
        %swap3A_760 = arith.index_cast %mul3A_759 : i32 to index
        %swap3A_761 = tpu.vector_load %arg14[%swap3A_760] {strides = array<i32>} : memref<2064xi32, #tpu.memory_space<vmem>>, vector<16xi32>,
        tpu.vector_store %arg14[%swap3A_760], %broadcast_in_dim3A_757 {strides = array<i32>} : memref<2064xi32, #tpu.memory_space<vmem>>, vector<16xi32>,
        %scan3A_762 = arith.constant 0 : i32
        %scan3A_763 = arith.constant 129 : i32
        "tpu.trace_start"() <{level = 10 : i32, message = "p1_hist"}> : () -> ()
        %add3A_764 = arith.constant 15 : i32
        %add3A_765 = arith.addi %add3A_394, %add3A_764 : i32
        %jit3A_766 = arith.constant 16 : i32
        %div3A_767 = arith.divsi %add3A_765, %jit3A_766 : i32
        %sign3A_768 = arith.constant 0 : i32
        %sign3A_769 = arith.cmpi sgt, %add3A_765, %sign3A_768 : i32
        %sign3A_770 = arith.extui %sign3A_769 : i1 to i32
        %sign3A_771 = arith.constant 0 : i32
        %sign3A_772 = arith.cmpi slt, %add3A_765, %sign3A_771 : i32
        %sign3A_773 = arith.extui %sign3A_772 : i1 to i32
        %sign3A_774 = arith.subi %sign3A_770, %sign3A_773 : i32
        %sign3A_775 = arith.constant 0 : i32
        %sign3A_776 = arith.cmpi sgt, %jit3A_766, %sign3A_775 : i32
        %sign3A_777 = arith.extui %sign3A_776 : i1 to i32
        %sign3A_778 = arith.constant 0 : i32
        %sign3A_779 = arith.cmpi slt, %jit3A_766, %sign3A_778 : i32
        %sign3A_780 = arith.extui %sign3A_779 : i1 to i32
        %sign3A_781 = arith.subi %sign3A_777, %sign3A_780 : i32
        %ne3A_782 = arith.cmpi ne, %sign3A_774, %sign3A_781 : i32
        %rem3A_783 = arith.remsi %add3A_765, %jit3A_766 : i32
        %ne3A_784 = arith.constant 0 : i32
        %ne3A_785 = arith.cmpi ne, %rem3A_783, %ne3A_784 : i32
        %and3A_786 = arith.andi %ne3A_782, %ne3A_785 : i1
        %sub3A_787 = arith.constant 1 : i32
        %sub3A_788 = arith.subi %div3A_767, %sub3A_787 : i32
        %select_n3A_789 = arith.select %and3A_786, %sub3A_788, %div3A_767 : i32
        %while3A_790 = arith.constant 0 : i32
        %while3A_791 = arith.constant 0 : i32
        %while3A_792 = arith.subi %select_n3A_789, %while3A_790 : i32
        %while3A_793 = arith.addi %while3A_790, %while3A_792 : i32
        %while3A_794 = arith.constant 1 : i32
        %while3A_795 = arith.divsi %while3A_792, %while3A_794 : i32
        %while3A_796 = arith.muli %while3A_795, %while3A_794 : i32
        %while3A_797 = arith.addi %while3A_790, %while3A_796 : i32
        %while3A_798 = arith.constant 1 : i32
        %while3A_799 = scf.for %while3A_853 = %while3A_790 to %while3A_797 step %while3A_798 iter_args(%while3A_854 = %while3A_791) -> (i32)  : i32 {
          %mul3A_855 = arith.constant 16 : i32
          %mul3A_856 = arith.muli %while3A_853, %mul3A_855 : i32
          %add3A_857 = arith.constant 0 : i32
          %add3A_858 = arith.addi %add3A_857, %mul3A_856 : i32
          %get3A_859 = arith.index_cast %add3A_858 : i32 to index
          %get3A_860 = tpu.vector_load %arg10[%get3A_859] {strides = array<i32>} : memref<8192xi32, #tpu.memory_space<vmem>>, vector<16xi32>,
          %bitcast3A = vector.bitcast %get3A_860 : vector<16xi32> to vector<16xi32>
          %shift_right_logical3A = vector.broadcast %mul3A_747 : i32 to vector<16xi32>
          %shift_right_logical3A_861 = arith.shrui %bitcast3A, %shift_right_logical3A : vector<16xi32>
          %and3A_862 = arith.constant 2047 : i32
          %and3A_863 = vector.broadcast %and3A_862 : i32 to vector<16xi32>
          %and3A_864 = arith.andi %shift_right_logical3A_861, %and3A_863 : vector<16xi32>
          %mul3A_865 = arith.constant 16 : i32
          %mul3A_866 = arith.muli %while3A_853, %mul3A_865 : i32
          %add3A_867 = vector.broadcast %mul3A_866 : i32 to vector<16xi32>
          %add3A_868 = arith.addi %iota3A, %add3A_867 : vector<16xi32>
          %lt3A = vector.broadcast %add3A_394 : i32 to vector<16xi32>
          %lt3A_869 = arith.cmpi slt, %add3A_868, %lt3A : vector<16xi32>
          %add3A_870 = arith.constant 2048 : i32
          %add3A_871 = vector.broadcast %add3A_870 : i32 to vector<16xi32>
          %add3A_872 = arith.addi %add3A_871, %iota3A : vector<16xi32>
          %select_n3A_873 = arith.select %lt3A_869, %and3A_864, %add3A_872 : vector<16xi1>, vector<16xi32>
          tpu.vector_store_idx %arg14[%select_n3A_873], %broadcast_in_dim3A_0 {add = true} : memref<2064xi32, #tpu.memory_space<vmem>>[vector<16xi32>], vector<16xi32>,
          %while3A_874 = arith.constant 0 : i32
          scf.yield %while3A_874 : i32
        }
        %while3A_800 = arith.constant 1 : i32
        %while3A_801 = scf.for %while3A_853 = %while3A_797 to %while3A_793 step %while3A_800 iter_args(%while3A_854 = %while3A_799) -> (i32)  : i32 {
          %mul3A_855 = arith.constant 16 : i32
          %mul3A_856 = arith.muli %while3A_853, %mul3A_855 : i32
          %add3A_857 = arith.constant 0 : i32
          %add3A_858 = arith.addi %add3A_857, %mul3A_856 : i32
          %get3A_859 = arith.index_cast %add3A_858 : i32 to index
          %get3A_860 = tpu.vector_load %arg10[%get3A_859] {strides = array<i32>} : memref<8192xi32, #tpu.memory_space<vmem>>, vector<16xi32>,
          %bitcast3A = vector.bitcast %get3A_860 : vector<16xi32> to vector<16xi32>
          %shift_right_logical3A = vector.broadcast %mul3A_747 : i32 to vector<16xi32>
          %shift_right_logical3A_861 = arith.shrui %bitcast3A, %shift_right_logical3A : vector<16xi32>
          %and3A_862 = arith.constant 2047 : i32
          %and3A_863 = vector.broadcast %and3A_862 : i32 to vector<16xi32>
          %and3A_864 = arith.andi %shift_right_logical3A_861, %and3A_863 : vector<16xi32>
          %mul3A_865 = arith.constant 16 : i32
          %mul3A_866 = arith.muli %while3A_853, %mul3A_865 : i32
          %add3A_867 = vector.broadcast %mul3A_866 : i32 to vector<16xi32>
          %add3A_868 = arith.addi %iota3A, %add3A_867 : vector<16xi32>
          %lt3A = vector.broadcast %add3A_394 : i32 to vector<16xi32>
          %lt3A_869 = arith.cmpi slt, %add3A_868, %lt3A : vector<16xi32>
          %add3A_870 = arith.constant 2048 : i32
          %add3A_871 = vector.broadcast %add3A_870 : i32 to vector<16xi32>
          %add3A_872 = arith.addi %add3A_871, %iota3A : vector<16xi32>
          %select_n3A_873 = arith.select %lt3A_869, %and3A_864, %add3A_872 : vector<16xi1>, vector<16xi32>
          tpu.vector_store_idx %arg14[%select_n3A_873], %broadcast_in_dim3A_0 {add = true} : memref<2064xi32, #tpu.memory_space<vmem>>[vector<16xi32>], vector<16xi32>,
          %while3A_874 = arith.constant 0 : i32
          scf.yield %while3A_874 : i32
        }
        "tpu.trace_stop"() : () -> ()
        %scan3A_802 = arith.constant 0 : i32
        %scan3A_803 = arith.constant 0 : i32
        %scan3A_804 = arith.constant 129 : i32
        %scan3A_805 = arith.addi %scan3A_803, %scan3A_804 : i32
        %scan3A_806 = arith.constant 1 : i32
        %scan3A_807 = scf.for %scan3A_853 = %scan3A_803 to %scan3A_805 step %scan3A_806 iter_args(%scan3A_854 = %scan3A_802) -> (i32)  : i32 {
          %mul3A_855 = arith.constant 16 : i32
          %mul3A_856 = arith.muli %scan3A_853, %mul3A_855 : i32
          %get3A_857 = arith.index_cast %mul3A_856 : i32 to index
          %get3A_858 = tpu.vector_load %arg14[%get3A_857] {strides = array<i32>} : memref<2064xi32, #tpu.memory_space<vmem>>, vector<16xi32>,
          %broadcast_in_dim3A_859 = arith.constant true
          %broadcast_in_dim3A_860 = vector.broadcast %broadcast_in_dim3A_859 : i1 to vector<16xi1>
          %masked_cumsum3A = tpu.scan <sum>, %get3A_858 masked %broadcast_in_dim3A_860 : vector<16xi32>, vector<16xi1> -> vector<16xi32>
          %sub3A_861 = arith.subi %masked_cumsum3A, %get3A_858 : vector<16xi32>
          %add3A_862 = vector.broadcast %scan3A_854 : i32 to vector<16xi32>
          %add3A_863 = arith.addi %sub3A_861, %add3A_862 : vector<16xi32>
          %swap3A_864 = arith.index_cast %mul3A_856 : i32 to index
          %swap3A_865 = tpu.vector_load %arg15[%swap3A_864] {strides = array<i32>} : memref<2064xi32, #tpu.memory_space<vmem>>, vector<16xi32>,
          tpu.vector_store %arg15[%swap3A_864], %add3A_863 {strides = array<i32>} : memref<2064xi32, #tpu.memory_space<vmem>>, vector<16xi32>,
          %reduce_max3A_866 = arith.constant true
          %reduce_max3A_867 = vector.broadcast %reduce_max3A_866 : i1 to vector<16xi1>
          %reduce_max3A_868 = arith.constant -2147483648 : i32
          %reduce_max3A_869 = vector.broadcast %reduce_max3A_868 : i32 to vector<16xi32>
          %reduce_max3A_870 = arith.xori %masked_cumsum3A, %reduce_max3A_869 : vector<16xi32>
          %reduce_max3A_871 = tpu.scan <max>, %reduce_max3A_870 masked %reduce_max3A_867 : vector<16xi32>, vector<16xi1> -> vector<16xi32>
          %reduce_max3A_872 = arith.xori %reduce_max3A_871, %reduce_max3A_869 : vector<16xi32>
          %reduce_max3A_873 = vector.extract %reduce_max3A_872[15] : i32 from vector<16xi32>
          %add3A_874 = arith.addi %scan3A_854, %reduce_max3A_873 : i32
          scf.yield %add3A_874 : i32
        }
        %scan3A_808 = arith.constant 129 : i32
        "tpu.trace_start"() <{level = 10 : i32, message = "p1_perm"}> : () -> ()
        %add3A_809 = arith.constant 15 : i32
        %add3A_810 = arith.addi %add3A_394, %add3A_809 : i32
        %jit3A_811 = arith.constant 16 : i32
        %div3A_812 = arith.divsi %add3A_810, %jit3A_811 : i32
        %sign3A_813 = arith.constant 0 : i32
        %sign3A_814 = arith.cmpi sgt, %add3A_810, %sign3A_813 : i32
        %sign3A_815 = arith.extui %sign3A_814 : i1 to i32
        %sign3A_816 = arith.constant 0 : i32
        %sign3A_817 = arith.cmpi slt, %add3A_810, %sign3A_816 : i32
        %sign3A_818 = arith.extui %sign3A_817 : i1 to i32
        %sign3A_819 = arith.subi %sign3A_815, %sign3A_818 : i32
        %sign3A_820 = arith.constant 0 : i32
        %sign3A_821 = arith.cmpi sgt, %jit3A_811, %sign3A_820 : i32
        %sign3A_822 = arith.extui %sign3A_821 : i1 to i32
        %sign3A_823 = arith.constant 0 : i32
        %sign3A_824 = arith.cmpi slt, %jit3A_811, %sign3A_823 : i32
        %sign3A_825 = arith.extui %sign3A_824 : i1 to i32
        %sign3A_826 = arith.subi %sign3A_822, %sign3A_825 : i32
        %ne3A_827 = arith.cmpi ne, %sign3A_819, %sign3A_826 : i32
        %rem3A_828 = arith.remsi %add3A_810, %jit3A_811 : i32
        %ne3A_829 = arith.constant 0 : i32
        %ne3A_830 = arith.cmpi ne, %rem3A_828, %ne3A_829 : i32
        %and3A_831 = arith.andi %ne3A_827, %ne3A_830 : i1
        %sub3A_832 = arith.constant 1 : i32
        %sub3A_833 = arith.subi %div3A_812, %sub3A_832 : i32
        %select_n3A_834 = arith.select %and3A_831, %sub3A_833, %div3A_812 : i32
        %while3A_835 = arith.constant 0 : i32
        %while3A_836 = arith.constant 0 : i32
        %while3A_837 = arith.subi %select_n3A_834, %while3A_835 : i32
        %while3A_838 = arith.addi %while3A_835, %while3A_837 : i32
        %while3A_839 = arith.constant 1 : i32
        %while3A_840 = arith.divsi %while3A_837, %while3A_839 : i32
        %while3A_841 = arith.muli %while3A_840, %while3A_839 : i32
        %while3A_842 = arith.addi %while3A_835, %while3A_841 : i32
        %while3A_843 = arith.constant 1 : i32
        %while3A_844 = scf.for %while3A_853 = %while3A_835 to %while3A_842 step %while3A_843 iter_args(%while3A_854 = %while3A_836) -> (i32)  : i32 {
          %mul3A_855 = arith.constant 16 : i32
          %mul3A_856 = arith.muli %while3A_853, %mul3A_855 : i32
          %add3A_857 = arith.constant 0 : i32
          %add3A_858 = arith.addi %add3A_857, %mul3A_856 : i32
          %get3A_859 = arith.index_cast %add3A_858 : i32 to index
          %get3A_860 = tpu.vector_load %arg10[%get3A_859] {strides = array<i32>} : memref<8192xi32, #tpu.memory_space<vmem>>, vector<16xi32>,
          %get3A_861 = arith.index_cast %add3A_858 : i32 to index
          %get3A_862 = tpu.vector_load %arg11[%get3A_861] {strides = array<i32>} : memref<8192xi32, #tpu.memory_space<vmem>>, vector<16xi32>,
          %bitcast3A = vector.bitcast %get3A_860 : vector<16xi32> to vector<16xi32>
          %shift_right_logical3A = vector.broadcast %mul3A_747 : i32 to vector<16xi32>
          %shift_right_logical3A_863 = arith.shrui %bitcast3A, %shift_right_logical3A : vector<16xi32>
          %and3A_864 = arith.constant 2047 : i32
          %and3A_865 = vector.broadcast %and3A_864 : i32 to vector<16xi32>
          %and3A_866 = arith.andi %shift_right_logical3A_863, %and3A_865 : vector<16xi32>
          %mul3A_867 = arith.constant 16 : i32
          %mul3A_868 = arith.muli %while3A_853, %mul3A_867 : i32
          %add3A_869 = vector.broadcast %mul3A_868 : i32 to vector<16xi32>
          %add3A_870 = arith.addi %iota3A, %add3A_869 : vector<16xi32>
          %lt3A = vector.broadcast %add3A_394 : i32 to vector<16xi32>
          %lt3A_871 = arith.cmpi slt, %add3A_870, %lt3A : vector<16xi32>
          %add3A_872 = arith.constant 2048 : i32
          %add3A_873 = vector.broadcast %add3A_872 : i32 to vector<16xi32>
          %add3A_874 = arith.addi %add3A_873, %iota3A : vector<16xi32>
          %select_n3A_875 = arith.select %lt3A_871, %and3A_866, %add3A_874 : vector<16xi1>, vector<16xi32>
          %gather3A_876 = tpu.vector_load_idx %arg15[%select_n3A_875] : memref<2064xi32, #tpu.memory_space<vmem>>[vector<16xi32>], vector<16xi32>,
          %broadcast_in_dim3A_877 = arith.constant true
          %broadcast_in_dim3A_878 = vector.broadcast %broadcast_in_dim3A_877 : i1 to vector<16xi1>
          %unique3A, %unique3A_879 = tpu.scan_count mask(%broadcast_in_dim3A_878 : vector<16xi1>) value(%select_n3A_875 : vector<16xi32>) : vector<16xi1>, vector<16xi32>
          %add3A_880 = arith.addi %gather3A_876, %unique3A_879 : vector<16xi32>
          %sub3A_881 = arith.constant 1 : i32
          %sub3A_882 = vector.broadcast %sub3A_881 : i32 to vector<16xi32>
          %sub3A_883 = arith.subi %add3A_880, %sub3A_882 : vector<16xi32>
          tpu.vector_store_idx %arg8[%sub3A_883], %get3A_860 masked %lt3A_871 : memref<8192xi32, #tpu.memory_space<vmem>>[vector<16xi32>], vector<16xi32>, vector<16xi1>
          tpu.vector_store_idx %arg9[%sub3A_883], %get3A_862 masked %lt3A_871 : memref<8192xi32, #tpu.memory_space<vmem>>[vector<16xi32>], vector<16xi32>, vector<16xi1>
          tpu.vector_store_idx %arg15[%select_n3A_875], %broadcast_in_dim3A_0 {add = true} : memref<2064xi32, #tpu.memory_space<vmem>>[vector<16xi32>], vector<16xi32>,
          %while3A_884 = arith.constant 0 : i32
          scf.yield %while3A_884 : i32
        }
        %while3A_845 = arith.constant 1 : i32
        %while3A_846 = scf.for %while3A_853 = %while3A_842 to %while3A_838 step %while3A_845 iter_args(%while3A_854 = %while3A_844) -> (i32)  : i32 {
          %mul3A_855 = arith.constant 16 : i32
          %mul3A_856 = arith.muli %while3A_853, %mul3A_855 : i32
          %add3A_857 = arith.constant 0 : i32
          %add3A_858 = arith.addi %add3A_857, %mul3A_856 : i32
          %get3A_859 = arith.index_cast %add3A_858 : i32 to index
          %get3A_860 = tpu.vector_load %arg10[%get3A_859] {strides = array<i32>} : memref<8192xi32, #tpu.memory_space<vmem>>, vector<16xi32>,
          %get3A_861 = arith.index_cast %add3A_858 : i32 to index
          %get3A_862 = tpu.vector_load %arg11[%get3A_861] {strides = array<i32>} : memref<8192xi32, #tpu.memory_space<vmem>>, vector<16xi32>,
          %bitcast3A = vector.bitcast %get3A_860 : vector<16xi32> to vector<16xi32>
          %shift_right_logical3A = vector.broadcast %mul3A_747 : i32 to vector<16xi32>
          %shift_right_logical3A_863 = arith.shrui %bitcast3A, %shift_right_logical3A : vector<16xi32>
          %and3A_864 = arith.constant 2047 : i32
          %and3A_865 = vector.broadcast %and3A_864 : i32 to vector<16xi32>
          %and3A_866 = arith.andi %shift_right_logical3A_863, %and3A_865 : vector<16xi32>
          %mul3A_867 = arith.constant 16 : i32
          %mul3A_868 = arith.muli %while3A_853, %mul3A_867 : i32
          %add3A_869 = vector.broadcast %mul3A_868 : i32 to vector<16xi32>
          %add3A_870 = arith.addi %iota3A, %add3A_869 : vector<16xi32>
          %lt3A = vector.broadcast %add3A_394 : i32 to vector<16xi32>
          %lt3A_871 = arith.cmpi slt, %add3A_870, %lt3A : vector<16xi32>
          %add3A_872 = arith.constant 2048 : i32
          %add3A_873 = vector.broadcast %add3A_872 : i32 to vector<16xi32>
          %add3A_874 = arith.addi %add3A_873, %iota3A : vector<16xi32>
          %select_n3A_875 = arith.select %lt3A_871, %and3A_866, %add3A_874 : vector<16xi1>, vector<16xi32>
          %gather3A_876 = tpu.vector_load_idx %arg15[%select_n3A_875] : memref<2064xi32, #tpu.memory_space<vmem>>[vector<16xi32>], vector<16xi32>,
          %broadcast_in_dim3A_877 = arith.constant true
          %broadcast_in_dim3A_878 = vector.broadcast %broadcast_in_dim3A_877 : i1 to vector<16xi1>
          %unique3A, %unique3A_879 = tpu.scan_count mask(%broadcast_in_dim3A_878 : vector<16xi1>) value(%select_n3A_875 : vector<16xi32>) : vector<16xi1>, vector<16xi32>
          %add3A_880 = arith.addi %gather3A_876, %unique3A_879 : vector<16xi32>
          %sub3A_881 = arith.constant 1 : i32
          %sub3A_882 = vector.broadcast %sub3A_881 : i32 to vector<16xi32>
          %sub3A_883 = arith.subi %add3A_880, %sub3A_882 : vector<16xi32>
          tpu.vector_store_idx %arg8[%sub3A_883], %get3A_860 masked %lt3A_871 : memref<8192xi32, #tpu.memory_space<vmem>>[vector<16xi32>], vector<16xi32>, vector<16xi1>
          tpu.vector_store_idx %arg9[%sub3A_883], %get3A_862 masked %lt3A_871 : memref<8192xi32, #tpu.memory_space<vmem>>[vector<16xi32>], vector<16xi32>, vector<16xi1>
          tpu.vector_store_idx %arg15[%select_n3A_875], %broadcast_in_dim3A_0 {add = true} : memref<2064xi32, #tpu.memory_space<vmem>>[vector<16xi32>], vector<16xi32>,
          %while3A_884 = arith.constant 0 : i32
          scf.yield %while3A_884 : i32
        }
        %eq3A_847 = arith.constant 0 : i32
        "tpu.trace_stop"() : () -> ()
        %eq3A_848 = arith.cmpi eq, %scan3A_742, %eq3A_847 : i32
        %convert_element_type3A_849 = arith.extui %eq3A_848 : i1 to i32
        %cond3A_850 = arith.constant 0 : i32
        %cond3A_851 = arith.cmpi ne, %convert_element_type3A_849, %cond3A_850 : i32
        scf.if %cond3A_851 {
          %mul3A_853 = arith.constant 4 : i32
          %mul3A_854 = arith.muli %select_n3A, %mul3A_853 : i32
          %mul3A_855 = arith.constant 2048 : i32
          %mul3A_856 = arith.muli %mul3A_854, %mul3A_855 : i32
          "tpu.region"() ({
            %run_scoped3A = tpu.sem_alloc : memref<!tpu.dma_semaphore, #tpu.memory_space<semaphore_mem>>
            %dma_start3A_869 = tpu.memref_slice %arg29[%mul3A_856] : memref<32768xi32, #tpu.memory_space<vmem_shared>> -> memref<8192xi32, #tpu.memory_space<vmem_shared>>
            %dma_start3A_870 = tpu.memref_slice %arg29[%mul3A_856] : memref<32768xi32, #tpu.memory_space<vmem_shared>> -> memref<8192xi32, #tpu.memory_space<vmem_shared>>
            tpu.enqueue_dma source(%arg8 : memref<8192xi32, #tpu.memory_space<vmem>>) target(%dma_start3A_870 : memref<8192xi32, #tpu.memory_space<vmem_shared>>) target_semaphore(%run_scoped3A : memref<!tpu.dma_semaphore, #tpu.memory_space<semaphore_mem>>)
            %dma_wait3A_871 = tpu.memref_slice %arg29[%mul3A_856] : memref<32768xi32, #tpu.memory_space<vmem_shared>> -> memref<8192xi32, #tpu.memory_space<vmem_shared>>
            %dma_wait3A_872 = tpu.memref_slice %arg29[%mul3A_856] : memref<32768xi32, #tpu.memory_space<vmem_shared>> -> memref<8192xi32, #tpu.memory_space<vmem_shared>>
            tpu.wait_dma2 semaphore(%run_scoped3A : memref<!tpu.dma_semaphore, #tpu.memory_space<semaphore_mem>>) src(%arg8 : memref<8192xi32, #tpu.memory_space<vmem>>) dst(%dma_wait3A_872 : memref<8192xi32, #tpu.memory_space<vmem_shared>>)
            tpu.yield
          }) : () -> ()
          %mul3A_857 = arith.constant 4 : i32
          %mul3A_858 = arith.muli %select_n3A, %mul3A_857 : i32
          %mul3A_859 = arith.constant 2048 : i32
          %mul3A_860 = arith.muli %mul3A_858, %mul3A_859 : i32
          "tpu.region"() ({
            %run_scoped3A = tpu.sem_alloc : memref<!tpu.dma_semaphore, #tpu.memory_space<semaphore_mem>>
            %dma_start3A_869 = tpu.memref_slice %arg30[%mul3A_860] : memref<32768xi32, #tpu.memory_space<vmem_shared>> -> memref<8192xi32, #tpu.memory_space<vmem_shared>>
            %dma_start3A_870 = tpu.memref_slice %arg30[%mul3A_860] : memref<32768xi32, #tpu.memory_space<vmem_shared>> -> memref<8192xi32, #tpu.memory_space<vmem_shared>>
            tpu.enqueue_dma source(%arg9 : memref<8192xi32, #tpu.memory_space<vmem>>) target(%dma_start3A_870 : memref<8192xi32, #tpu.memory_space<vmem_shared>>) target_semaphore(%run_scoped3A : memref<!tpu.dma_semaphore, #tpu.memory_space<semaphore_mem>>)
            %dma_wait3A_871 = tpu.memref_slice %arg30[%mul3A_860] : memref<32768xi32, #tpu.memory_space<vmem_shared>> -> memref<8192xi32, #tpu.memory_space<vmem_shared>>
            %dma_wait3A_872 = tpu.memref_slice %arg30[%mul3A_860] : memref<32768xi32, #tpu.memory_space<vmem_shared>> -> memref<8192xi32, #tpu.memory_space<vmem_shared>>
            tpu.wait_dma2 semaphore(%run_scoped3A : memref<!tpu.dma_semaphore, #tpu.memory_space<semaphore_mem>>) src(%arg9 : memref<8192xi32, #tpu.memory_space<vmem>>) dst(%dma_wait3A_872 : memref<8192xi32, #tpu.memory_space<vmem_shared>>)
            tpu.yield
          }) : () -> ()
          %mul3A_861 = arith.constant 4 : i32
          %mul3A_862 = arith.muli %select_n3A, %mul3A_861 : i32
          %mul3A_863 = arith.constant 2048 : i32
          %mul3A_864 = arith.muli %mul3A_862, %mul3A_863 : i32
          "tpu.region"() ({
            %run_scoped3A = tpu.sem_alloc : memref<!tpu.dma_semaphore, #tpu.memory_space<semaphore_mem>>
            %dma_start3A_869 = tpu.memref_slice %arg29[%mul3A_864] : memref<32768xi32, #tpu.memory_space<vmem_shared>> -> memref<8192xi32, #tpu.memory_space<vmem_shared>>
            %dma_start3A_870 = tpu.memref_slice %arg29[%mul3A_864] : memref<32768xi32, #tpu.memory_space<vmem_shared>> -> memref<8192xi32, #tpu.memory_space<vmem_shared>>
            tpu.enqueue_dma source(%dma_start3A_870 : memref<8192xi32, #tpu.memory_space<vmem_shared>>) target(%arg10 : memref<8192xi32, #tpu.memory_space<vmem>>) target_semaphore(%run_scoped3A : memref<!tpu.dma_semaphore, #tpu.memory_space<semaphore_mem>>)
            %dma_wait3A_871 = tpu.memref_slice %arg29[%mul3A_864] : memref<32768xi32, #tpu.memory_space<vmem_shared>> -> memref<8192xi32, #tpu.memory_space<vmem_shared>>
            %dma_wait3A_872 = tpu.memref_slice %arg29[%mul3A_864] : memref<32768xi32, #tpu.memory_space<vmem_shared>> -> memref<8192xi32, #tpu.memory_space<vmem_shared>>
            tpu.wait_dma2 semaphore(%run_scoped3A : memref<!tpu.dma_semaphore, #tpu.memory_space<semaphore_mem>>) src(%dma_wait3A_872 : memref<8192xi32, #tpu.memory_space<vmem_shared>>) dst(%arg10 : memref<8192xi32, #tpu.memory_space<vmem>>)
            tpu.yield
          }) : () -> ()
          %mul3A_865 = arith.constant 4 : i32
          %mul3A_866 = arith.muli %select_n3A, %mul3A_865 : i32
          %mul3A_867 = arith.constant 2048 : i32
          %mul3A_868 = arith.muli %mul3A_866, %mul3A_867 : i32
          "tpu.region"() ({
            %run_scoped3A = tpu.sem_alloc : memref<!tpu.dma_semaphore, #tpu.memory_space<semaphore_mem>>
            %dma_start3A_869 = tpu.memref_slice %arg30[%mul3A_868] : memref<32768xi32, #tpu.memory_space<vmem_shared>> -> memref<8192xi32, #tpu.memory_space<vmem_shared>>
            %dma_start3A_870 = tpu.memref_slice %arg30[%mul3A_868] : memref<32768xi32, #tpu.memory_space<vmem_shared>> -> memref<8192xi32, #tpu.memory_space<vmem_shared>>
            tpu.enqueue_dma source(%dma_start3A_870 : memref<8192xi32, #tpu.memory_space<vmem_shared>>) target(%arg11 : memref<8192xi32, #tpu.memory_space<vmem>>) target_semaphore(%run_scoped3A : memref<!tpu.dma_semaphore, #tpu.memory_space<semaphore_mem>>)
            %dma_wait3A_871 = tpu.memref_slice %arg30[%mul3A_868] : memref<32768xi32, #tpu.memory_space<vmem_shared>> -> memref<8192xi32, #tpu.memory_space<vmem_shared>>
            %dma_wait3A_872 = tpu.memref_slice %arg30[%mul3A_868] : memref<32768xi32, #tpu.memory_space<vmem_shared>> -> memref<8192xi32, #tpu.memory_space<vmem_shared>>
            tpu.wait_dma2 semaphore(%run_scoped3A : memref<!tpu.dma_semaphore, #tpu.memory_space<semaphore_mem>>) src(%dma_wait3A_872 : memref<8192xi32, #tpu.memory_space<vmem_shared>>) dst(%arg11 : memref<8192xi32, #tpu.memory_space<vmem>>)
            tpu.yield
          }) : () -> ()
        } else {
        }
        %scan3A_852 = arith.constant 0 : i32
        scf.yield %scan3A_852 : i32
      }
      %scan3A_728 = arith.constant 2 : i32
      %scan3A_729 = arith.constant 0 : i32
      %scan3A_730 = arith.constant 0 : i32
      %scan3A_731 = arith.constant 128 : i32
      %scan3A_732 = arith.addi %scan3A_730, %scan3A_731 : i32
      %scan3A_733 = arith.constant 4 : i32
      %scan3A_734 = scf.for %scan3A_742 = %scan3A_730 to %scan3A_732 step %scan3A_733 iter_args(%scan3A_743 = %scan3A_729) -> (i32)  : i32 {
        %mul3A_744 = arith.constant 16 : i32
        %mul3A_745 = arith.muli %scan3A_742, %mul3A_744 : i32
        %get3A_746 = arith.index_cast %mul3A_745 : i32 to index
        %get3A_747 = tpu.vector_load %arg8[%get3A_746] {strides = array<i32>} : memref<8192xi32, #tpu.memory_space<vmem>>, vector<16xi32>,
        %bitcast3A = vector.bitcast %get3A_747 : vector<16xi32> to vector<16xi32>
        %ge3A = arith.constant -2147483648 : i32
        %ge3A_748 = vector.broadcast %ge3A : i32 to vector<16xi32>
        %ge3A_749 = arith.cmpi uge, %bitcast3A, %ge3A_748 : vector<16xi32>
        %not3A = arith.constant dense<-1> : vector<16xi32>
        %not3A_750 = arith.xori %bitcast3A, %not3A : vector<16xi32>
        %and3A_751 = arith.constant 2147483647 : i32
        %and3A_752 = vector.broadcast %and3A_751 : i32 to vector<16xi32>
        %and3A_753 = arith.andi %not3A_750, %and3A_752 : vector<16xi32>
        %select_n3A_754 = arith.select %ge3A_749, %bitcast3A, %and3A_753 : vector<16xi1>, vector<16xi32>
        %bitcast3A_755 = vector.bitcast %select_n3A_754 : vector<16xi32> to vector<16xf32>
        %swap3A_756 = arith.index_cast %mul3A_745 : i32 to index
        %swap3A_757 = tpu.vector_load %arg16[%swap3A_756] {strides = array<i32>} : memref<2048xf32, #tpu.memory_space<vmem>>, vector<16xf32>,
        tpu.vector_store %arg16[%swap3A_756], %bitcast3A_755 {strides = array<i32>} : memref<2048xf32, #tpu.memory_space<vmem>>, vector<16xf32>,
        %scan3A_758 = arith.constant 0 : i32
        %scan3A_759 = arith.constant 1 : i32
        %scan3A_760 = arith.addi %scan3A_742, %scan3A_759 : i32
        %mul3A_761 = arith.constant 16 : i32
        %mul3A_762 = arith.muli %scan3A_760, %mul3A_761 : i32
        %get3A_763 = arith.index_cast %mul3A_762 : i32 to index
        %get3A_764 = tpu.vector_load %arg8[%get3A_763] {strides = array<i32>} : memref<8192xi32, #tpu.memory_space<vmem>>, vector<16xi32>,
        %bitcast3A_765 = vector.bitcast %get3A_764 : vector<16xi32> to vector<16xi32>
        %ge3A_766 = arith.constant -2147483648 : i32
        %ge3A_767 = vector.broadcast %ge3A_766 : i32 to vector<16xi32>
        %ge3A_768 = arith.cmpi uge, %bitcast3A_765, %ge3A_767 : vector<16xi32>
        %not3A_769 = arith.constant dense<-1> : vector<16xi32>
        %not3A_770 = arith.xori %bitcast3A_765, %not3A_769 : vector<16xi32>
        %and3A_771 = arith.constant 2147483647 : i32
        %and3A_772 = vector.broadcast %and3A_771 : i32 to vector<16xi32>
        %and3A_773 = arith.andi %not3A_770, %and3A_772 : vector<16xi32>
        %select_n3A_774 = arith.select %ge3A_768, %bitcast3A_765, %and3A_773 : vector<16xi1>, vector<16xi32>
        %bitcast3A_775 = vector.bitcast %select_n3A_774 : vector<16xi32> to vector<16xf32>
        %swap3A_776 = arith.index_cast %mul3A_762 : i32 to index
        %swap3A_777 = tpu.vector_load %arg16[%swap3A_776] {strides = array<i32>} : memref<2048xf32, #tpu.memory_space<vmem>>, vector<16xf32>,
        tpu.vector_store %arg16[%swap3A_776], %bitcast3A_775 {strides = array<i32>} : memref<2048xf32, #tpu.memory_space<vmem>>, vector<16xf32>,
        %scan3A_778 = arith.constant 0 : i32
        %scan3A_779 = arith.constant 2 : i32
        %scan3A_780 = arith.addi %scan3A_742, %scan3A_779 : i32
        %mul3A_781 = arith.constant 16 : i32
        %mul3A_782 = arith.muli %scan3A_780, %mul3A_781 : i32
        %get3A_783 = arith.index_cast %mul3A_782 : i32 to index
        %get3A_784 = tpu.vector_load %arg8[%get3A_783] {strides = array<i32>} : memref<8192xi32, #tpu.memory_space<vmem>>, vector<16xi32>,
        %bitcast3A_785 = vector.bitcast %get3A_784 : vector<16xi32> to vector<16xi32>
        %ge3A_786 = arith.constant -2147483648 : i32
        %ge3A_787 = vector.broadcast %ge3A_786 : i32 to vector<16xi32>
        %ge3A_788 = arith.cmpi uge, %bitcast3A_785, %ge3A_787 : vector<16xi32>
        %not3A_789 = arith.constant dense<-1> : vector<16xi32>
        %not3A_790 = arith.xori %bitcast3A_785, %not3A_789 : vector<16xi32>
        %and3A_791 = arith.constant 2147483647 : i32
        %and3A_792 = vector.broadcast %and3A_791 : i32 to vector<16xi32>
        %and3A_793 = arith.andi %not3A_790, %and3A_792 : vector<16xi32>
        %select_n3A_794 = arith.select %ge3A_788, %bitcast3A_785, %and3A_793 : vector<16xi1>, vector<16xi32>
        %bitcast3A_795 = vector.bitcast %select_n3A_794 : vector<16xi32> to vector<16xf32>
        %swap3A_796 = arith.index_cast %mul3A_782 : i32 to index
        %swap3A_797 = tpu.vector_load %arg16[%swap3A_796] {strides = array<i32>} : memref<2048xf32, #tpu.memory_space<vmem>>, vector<16xf32>,
        tpu.vector_store %arg16[%swap3A_796], %bitcast3A_795 {strides = array<i32>} : memref<2048xf32, #tpu.memory_space<vmem>>, vector<16xf32>,
        %scan3A_798 = arith.constant 0 : i32
        %scan3A_799 = arith.constant 3 : i32
        %scan3A_800 = arith.addi %scan3A_742, %scan3A_799 : i32
        %mul3A_801 = arith.constant 16 : i32
        %mul3A_802 = arith.muli %scan3A_800, %mul3A_801 : i32
        %get3A_803 = arith.index_cast %mul3A_802 : i32 to index
        %get3A_804 = tpu.vector_load %arg8[%get3A_803] {strides = array<i32>} : memref<8192xi32, #tpu.memory_space<vmem>>, vector<16xi32>,
        %bitcast3A_805 = vector.bitcast %get3A_804 : vector<16xi32> to vector<16xi32>
        %ge3A_806 = arith.constant -2147483648 : i32
        %ge3A_807 = vector.broadcast %ge3A_806 : i32 to vector<16xi32>
        %ge3A_808 = arith.cmpi uge, %bitcast3A_805, %ge3A_807 : vector<16xi32>
        %not3A_809 = arith.constant dense<-1> : vector<16xi32>
        %not3A_810 = arith.xori %bitcast3A_805, %not3A_809 : vector<16xi32>
        %and3A_811 = arith.constant 2147483647 : i32
        %and3A_812 = vector.broadcast %and3A_811 : i32 to vector<16xi32>
        %and3A_813 = arith.andi %not3A_810, %and3A_812 : vector<16xi32>
        %select_n3A_814 = arith.select %ge3A_808, %bitcast3A_805, %and3A_813 : vector<16xi1>, vector<16xi32>
        %bitcast3A_815 = vector.bitcast %select_n3A_814 : vector<16xi32> to vector<16xf32>
        %swap3A_816 = arith.index_cast %mul3A_802 : i32 to index
        %swap3A_817 = tpu.vector_load %arg16[%swap3A_816] {strides = array<i32>} : memref<2048xf32, #tpu.memory_space<vmem>>, vector<16xf32>,
        tpu.vector_store %arg16[%swap3A_816], %bitcast3A_815 {strides = array<i32>} : memref<2048xf32, #tpu.memory_space<vmem>>, vector<16xf32>,
        %scan3A_818 = arith.constant 0 : i32
        scf.yield %scan3A_818 : i32
      }
      %scan3A_735 = arith.constant 128 : i32
      %mul3A_736 = arith.constant 2048 : i32
      %mul3A_737 = arith.muli %add3A, %mul3A_736 : i32
      "tpu.region"() ({
        %run_scoped3A = tpu.sem_alloc : memref<!tpu.dma_semaphore, #tpu.memory_space<semaphore_mem>>
        %dma_start3A_742 = arith.constant 0 : i32
        %dma_start3A_743 = tpu.memref_slice %arg16[%dma_start3A_742] : memref<2048xf32, #tpu.memory_space<vmem>> -> memref<2048xf32, #tpu.memory_space<vmem>>
        %dma_start3A_744 = tpu.memref_slice %arg7[%mul3A_737] : memref<16384xf32, #tpu.memory_space<hbm>> -> memref<2048xf32, #tpu.memory_space<hbm>>
        %dma_start3A_745 = tpu.memref_slice %arg7[%mul3A_737] : memref<16384xf32, #tpu.memory_space<hbm>> -> memref<2048xf32, #tpu.memory_space<hbm>>
        %dma_start3A_746 = arith.constant 0 : i32
        %dma_start3A_747 = tpu.memref_slice %arg16[%dma_start3A_746] : memref<2048xf32, #tpu.memory_space<vmem>> -> memref<2048xf32, #tpu.memory_space<vmem>>
        tpu.enqueue_dma source(%dma_start3A_747 : memref<2048xf32, #tpu.memory_space<vmem>>) target(%dma_start3A_745 : memref<2048xf32, #tpu.memory_space<hbm>>) target_semaphore(%run_scoped3A : memref<!tpu.dma_semaphore, #tpu.memory_space<semaphore_mem>>)
        %dma_wait3A_748 = arith.constant 0 : i32
        %dma_wait3A_749 = tpu.memref_slice %arg16[%dma_wait3A_748] : memref<2048xf32, #tpu.memory_space<vmem>> -> memref<2048xf32, #tpu.memory_space<vmem>>
        %dma_wait3A_750 = tpu.memref_slice %arg7[%mul3A_737] : memref<16384xf32, #tpu.memory_space<hbm>> -> memref<2048xf32, #tpu.memory_space<hbm>>
        %dma_wait3A_751 = tpu.memref_slice %arg7[%mul3A_737] : memref<16384xf32, #tpu.memory_space<hbm>> -> memref<2048xf32, #tpu.memory_space<hbm>>
        %dma_wait3A_752 = arith.constant 0 : i32
        %dma_wait3A_753 = tpu.memref_slice %arg16[%dma_wait3A_752] : memref<2048xf32, #tpu.memory_space<vmem>> -> memref<2048xf32, #tpu.memory_space<vmem>>
        tpu.wait_dma2 semaphore(%run_scoped3A : memref<!tpu.dma_semaphore, #tpu.memory_space<semaphore_mem>>) src(%dma_wait3A_753 : memref<2048xf32, #tpu.memory_space<vmem>>) dst(%dma_wait3A_751 : memref<2048xf32, #tpu.memory_space<hbm>>)
        tpu.yield
      }) : () -> ()
      %mul3A_738 = arith.constant 2048 : i32
      %mul3A_739 = arith.muli %select_n3A, %mul3A_738 : i32
      "tpu.region"() ({
        %run_scoped3A = tpu.sem_alloc : memref<!tpu.dma_semaphore, #tpu.memory_space<semaphore_mem>>
        %dma_start3A_742 = arith.constant 0 : i32
        %dma_start3A_743 = tpu.memref_slice %arg9[%dma_start3A_742] : memref<8192xi32, #tpu.memory_space<vmem>> -> memref<2048xi32, #tpu.memory_space<vmem>>
        %dma_start3A_744 = tpu.memref_slice %arg31[%mul3A_739] : memref<8192xi32, #tpu.memory_space<vmem_shared>> -> memref<2048xi32, #tpu.memory_space<vmem_shared>>
        %dma_start3A_745 = tpu.memref_slice %arg31[%mul3A_739] : memref<8192xi32, #tpu.memory_space<vmem_shared>> -> memref<2048xi32, #tpu.memory_space<vmem_shared>>
        %dma_start3A_746 = arith.constant 0 : i32
        %dma_start3A_747 = tpu.memref_slice %arg9[%dma_start3A_746] : memref<8192xi32, #tpu.memory_space<vmem>> -> memref<2048xi32, #tpu.memory_space<vmem>>
        tpu.enqueue_dma source(%dma_start3A_747 : memref<2048xi32, #tpu.memory_space<vmem>>) target(%dma_start3A_745 : memref<2048xi32, #tpu.memory_space<vmem_shared>>) target_semaphore(%run_scoped3A : memref<!tpu.dma_semaphore, #tpu.memory_space<semaphore_mem>>)
        %dma_wait3A_748 = arith.constant 0 : i32
        %dma_wait3A_749 = tpu.memref_slice %arg9[%dma_wait3A_748] : memref<8192xi32, #tpu.memory_space<vmem>> -> memref<2048xi32, #tpu.memory_space<vmem>>
        %dma_wait3A_750 = tpu.memref_slice %arg31[%mul3A_739] : memref<8192xi32, #tpu.memory_space<vmem_shared>> -> memref<2048xi32, #tpu.memory_space<vmem_shared>>
        %dma_wait3A_751 = tpu.memref_slice %arg31[%mul3A_739] : memref<8192xi32, #tpu.memory_space<vmem_shared>> -> memref<2048xi32, #tpu.memory_space<vmem_shared>>
        %dma_wait3A_752 = arith.constant 0 : i32
        %dma_wait3A_753 = tpu.memref_slice %arg9[%dma_wait3A_752] : memref<8192xi32, #tpu.memory_space<vmem>> -> memref<2048xi32, #tpu.memory_space<vmem>>
        tpu.wait_dma2 semaphore(%run_scoped3A : memref<!tpu.dma_semaphore, #tpu.memory_space<semaphore_mem>>) src(%dma_wait3A_753 : memref<2048xi32, #tpu.memory_space<vmem>>) dst(%dma_wait3A_751 : memref<2048xi32, #tpu.memory_space<vmem_shared>>)
        tpu.yield
      }) : () -> ()
      %mul3A_740 = arith.constant 2048 : i32
      %mul3A_741 = arith.muli %select_n3A, %mul3A_740 : i32
      "tpu.region"() ({
        %run_scoped3A = tpu.sem_alloc : memref<!tpu.dma_semaphore, #tpu.memory_space<semaphore_mem>>
        %dma_start3A_742 = arith.constant 0 : i32
        %dma_start3A_743 = tpu.memref_slice %arg16[%dma_start3A_742] : memref<2048xf32, #tpu.memory_space<vmem>> -> memref<2048xf32, #tpu.memory_space<vmem>>
        %dma_start3A_744 = tpu.memref_slice %arg32[%mul3A_741] : memref<8192xf32, #tpu.memory_space<vmem_shared>> -> memref<2048xf32, #tpu.memory_space<vmem_shared>>
        %dma_start3A_745 = tpu.memref_slice %arg32[%mul3A_741] : memref<8192xf32, #tpu.memory_space<vmem_shared>> -> memref<2048xf32, #tpu.memory_space<vmem_shared>>
        %dma_start3A_746 = arith.constant 0 : i32
        %dma_start3A_747 = tpu.memref_slice %arg16[%dma_start3A_746] : memref<2048xf32, #tpu.memory_space<vmem>> -> memref<2048xf32, #tpu.memory_space<vmem>>
        tpu.enqueue_dma source(%dma_start3A_747 : memref<2048xf32, #tpu.memory_space<vmem>>) target(%dma_start3A_745 : memref<2048xf32, #tpu.memory_space<vmem_shared>>) target_semaphore(%run_scoped3A : memref<!tpu.dma_semaphore, #tpu.memory_space<semaphore_mem>>)
        %dma_wait3A_748 = arith.constant 0 : i32
        %dma_wait3A_749 = tpu.memref_slice %arg16[%dma_wait3A_748] : memref<2048xf32, #tpu.memory_space<vmem>> -> memref<2048xf32, #tpu.memory_space<vmem>>
        %dma_wait3A_750 = tpu.memref_slice %arg32[%mul3A_741] : memref<8192xf32, #tpu.memory_space<vmem_shared>> -> memref<2048xf32, #tpu.memory_space<vmem_shared>>
        %dma_wait3A_751 = tpu.memref_slice %arg32[%mul3A_741] : memref<8192xf32, #tpu.memory_space<vmem_shared>> -> memref<2048xf32, #tpu.memory_space<vmem_shared>>
        %dma_wait3A_752 = arith.constant 0 : i32
        %dma_wait3A_753 = tpu.memref_slice %arg16[%dma_wait3A_752] : memref<2048xf32, #tpu.memory_space<vmem>> -> memref<2048xf32, #tpu.memory_space<vmem>>
        tpu.wait_dma2 semaphore(%run_scoped3A : memref<!tpu.dma_semaphore, #tpu.memory_space<semaphore_mem>>) src(%dma_wait3A_753 : memref<2048xf32, #tpu.memory_space<vmem>>) dst(%dma_wait3A_751 : memref<2048xf32, #tpu.memory_space<vmem_shared>>)
        tpu.yield
      }) : () -> ()
    } else {
    }
    %barrier3A_263 = arith.constant 0 : index
    tpu.barrier barrier_id(%barrier3A_263)
    %mul3A_264 = arith.constant 2048 : i32
    %mul3A_265 = arith.muli %add3A, %mul3A_264 : i32
    %mul3A_266 = arith.constant 512 : i32
    %mul3A_267 = arith.muli %sub3A_18, %mul3A_266 : i32
    %add3A_268 = arith.addi %mul3A_265, %mul3A_267 : i32
    %mul3A_269 = arith.constant 2048 : i32
    %mul3A_270 = arith.muli %select_n3A, %mul3A_269 : i32
    %mul3A_271 = arith.constant 512 : i32
    %mul3A_272 = arith.muli %sub3A_18, %mul3A_271 : i32
    %add3A_273 = arith.addi %mul3A_270, %mul3A_272 : i32
    "tpu.region"() ({
      %run_scoped3A = tpu.sem_alloc : memref<!tpu.dma_semaphore, #tpu.memory_space<semaphore_mem>>
      %dma_start3A_341 = tpu.memref_slice %arg31[%add3A_273] : memref<8192xi32, #tpu.memory_space<vmem_shared>> -> memref<512xi32, #tpu.memory_space<vmem_shared>>
      %dma_start3A_342 = tpu.memref_slice %arg31[%add3A_273] : memref<8192xi32, #tpu.memory_space<vmem_shared>> -> memref<512xi32, #tpu.memory_space<vmem_shared>>
      tpu.enqueue_dma source(%dma_start3A_342 : memref<512xi32, #tpu.memory_space<vmem_shared>>) target(%arg22 : memref<512xi32, #tpu.memory_space<vmem>>) target_semaphore(%run_scoped3A : memref<!tpu.dma_semaphore, #tpu.memory_space<semaphore_mem>>)
      %dma_wait3A_343 = tpu.memref_slice %arg31[%add3A_273] : memref<8192xi32, #tpu.memory_space<vmem_shared>> -> memref<512xi32, #tpu.memory_space<vmem_shared>>
      %dma_wait3A_344 = tpu.memref_slice %arg31[%add3A_273] : memref<8192xi32, #tpu.memory_space<vmem_shared>> -> memref<512xi32, #tpu.memory_space<vmem_shared>>
      tpu.wait_dma2 semaphore(%run_scoped3A : memref<!tpu.dma_semaphore, #tpu.memory_space<semaphore_mem>>) src(%dma_wait3A_344 : memref<512xi32, #tpu.memory_space<vmem_shared>>) dst(%arg22 : memref<512xi32, #tpu.memory_space<vmem>>)
      tpu.yield
    }) : () -> ()
    %mul3A_274 = arith.constant 2048 : i32
    %mul3A_275 = arith.muli %select_n3A, %mul3A_274 : i32
    %mul3A_276 = arith.constant 512 : i32
    %mul3A_277 = arith.muli %sub3A_18, %mul3A_276 : i32
    %add3A_278 = arith.addi %mul3A_275, %mul3A_277 : i32
    "tpu.region"() ({
      %run_scoped3A = tpu.sem_alloc : memref<!tpu.dma_semaphore, #tpu.memory_space<semaphore_mem>>
      %dma_start3A_341 = tpu.memref_slice %arg32[%add3A_278] : memref<8192xf32, #tpu.memory_space<vmem_shared>> -> memref<512xf32, #tpu.memory_space<vmem_shared>>
      %dma_start3A_342 = tpu.memref_slice %arg32[%add3A_278] : memref<8192xf32, #tpu.memory_space<vmem_shared>> -> memref<512xf32, #tpu.memory_space<vmem_shared>>
      tpu.enqueue_dma source(%dma_start3A_342 : memref<512xf32, #tpu.memory_space<vmem_shared>>) target(%arg24 : memref<512xf32, #tpu.memory_space<vmem>>) target_semaphore(%run_scoped3A : memref<!tpu.dma_semaphore, #tpu.memory_space<semaphore_mem>>)
      %dma_wait3A_343 = tpu.memref_slice %arg32[%add3A_278] : memref<8192xf32, #tpu.memory_space<vmem_shared>> -> memref<512xf32, #tpu.memory_space<vmem_shared>>
      %dma_wait3A_344 = tpu.memref_slice %arg32[%add3A_278] : memref<8192xf32, #tpu.memory_space<vmem_shared>> -> memref<512xf32, #tpu.memory_space<vmem_shared>>
      tpu.wait_dma2 semaphore(%run_scoped3A : memref<!tpu.dma_semaphore, #tpu.memory_space<semaphore_mem>>) src(%dma_wait3A_344 : memref<512xf32, #tpu.memory_space<vmem_shared>>) dst(%arg24 : memref<512xf32, #tpu.memory_space<vmem>>)
      tpu.yield
    }) : () -> ()
    %scan3A_279 = arith.constant 0 : i32
    %scan3A_280 = arith.constant 0 : i32
    %scan3A_281 = arith.constant 32 : i32
    %scan3A_282 = arith.addi %scan3A_280, %scan3A_281 : i32
    %scan3A_283 = arith.constant 4 : i32
    %scan3A_284 = scf.for %scan3A_341 = %scan3A_280 to %scan3A_282 step %scan3A_283 iter_args(%scan3A_342 = %scan3A_279) -> (i32)  : i32 {
      %mul3A_343 = arith.constant 16 : i32
      %mul3A_344 = arith.muli %scan3A_341, %mul3A_343 : i32
      %get3A = arith.index_cast %mul3A_344 : i32 to index
      %get3A_345 = tpu.vector_load %arg22[%get3A] {strides = array<i32>} : memref<512xi32, #tpu.memory_space<vmem>>, vector<16xi32>,
      %mul3A_346 = arith.constant 8192 : i32
      %mul3A_347 = arith.muli %add3A, %mul3A_346 : i32
      %add3A_348 = vector.broadcast %mul3A_347 : i32 to vector<16xi32>
      %add3A_349 = arith.addi %get3A_345, %add3A_348 : vector<16xi32>
      %swap3A_350 = arith.index_cast %mul3A_344 : i32 to index
      %swap3A_351 = tpu.vector_load %arg23[%swap3A_350] {strides = array<i32>} : memref<512xi32, #tpu.memory_space<vmem>>, vector<16xi32>,
      tpu.vector_store %arg23[%swap3A_350], %add3A_349 {strides = array<i32>} : memref<512xi32, #tpu.memory_space<vmem>>, vector<16xi32>,
      %scan3A_352 = arith.constant 0 : i32
      %scan3A_353 = arith.constant 1 : i32
      %scan3A_354 = arith.addi %scan3A_341, %scan3A_353 : i32
      %mul3A_355 = arith.constant 16 : i32
      %mul3A_356 = arith.muli %scan3A_354, %mul3A_355 : i32
      %get3A_357 = arith.index_cast %mul3A_356 : i32 to index
      %get3A_358 = tpu.vector_load %arg22[%get3A_357] {strides = array<i32>} : memref<512xi32, #tpu.memory_space<vmem>>, vector<16xi32>,
      %mul3A_359 = arith.constant 8192 : i32
      %mul3A_360 = arith.muli %add3A, %mul3A_359 : i32
      %add3A_361 = vector.broadcast %mul3A_360 : i32 to vector<16xi32>
      %add3A_362 = arith.addi %get3A_358, %add3A_361 : vector<16xi32>
      %swap3A_363 = arith.index_cast %mul3A_356 : i32 to index
      %swap3A_364 = tpu.vector_load %arg23[%swap3A_363] {strides = array<i32>} : memref<512xi32, #tpu.memory_space<vmem>>, vector<16xi32>,
      tpu.vector_store %arg23[%swap3A_363], %add3A_362 {strides = array<i32>} : memref<512xi32, #tpu.memory_space<vmem>>, vector<16xi32>,
      %scan3A_365 = arith.constant 0 : i32
      %scan3A_366 = arith.constant 2 : i32
      %scan3A_367 = arith.addi %scan3A_341, %scan3A_366 : i32
      %mul3A_368 = arith.constant 16 : i32
      %mul3A_369 = arith.muli %scan3A_367, %mul3A_368 : i32
      %get3A_370 = arith.index_cast %mul3A_369 : i32 to index
      %get3A_371 = tpu.vector_load %arg22[%get3A_370] {strides = array<i32>} : memref<512xi32, #tpu.memory_space<vmem>>, vector<16xi32>,
      %mul3A_372 = arith.constant 8192 : i32
      %mul3A_373 = arith.muli %add3A, %mul3A_372 : i32
      %add3A_374 = vector.broadcast %mul3A_373 : i32 to vector<16xi32>
      %add3A_375 = arith.addi %get3A_371, %add3A_374 : vector<16xi32>
      %swap3A_376 = arith.index_cast %mul3A_369 : i32 to index
      %swap3A_377 = tpu.vector_load %arg23[%swap3A_376] {strides = array<i32>} : memref<512xi32, #tpu.memory_space<vmem>>, vector<16xi32>,
      tpu.vector_store %arg23[%swap3A_376], %add3A_375 {strides = array<i32>} : memref<512xi32, #tpu.memory_space<vmem>>, vector<16xi32>,
      %scan3A_378 = arith.constant 0 : i32
      %scan3A_379 = arith.constant 3 : i32
      %scan3A_380 = arith.addi %scan3A_341, %scan3A_379 : i32
      %mul3A_381 = arith.constant 16 : i32
      %mul3A_382 = arith.muli %scan3A_380, %mul3A_381 : i32
      %get3A_383 = arith.index_cast %mul3A_382 : i32 to index
      %get3A_384 = tpu.vector_load %arg22[%get3A_383] {strides = array<i32>} : memref<512xi32, #tpu.memory_space<vmem>>, vector<16xi32>,
      %mul3A_385 = arith.constant 8192 : i32
      %mul3A_386 = arith.muli %add3A, %mul3A_385 : i32
      %add3A_387 = vector.broadcast %mul3A_386 : i32 to vector<16xi32>
      %add3A_388 = arith.addi %get3A_384, %add3A_387 : vector<16xi32>
      %swap3A_389 = arith.index_cast %mul3A_382 : i32 to index
      %swap3A_390 = tpu.vector_load %arg23[%swap3A_389] {strides = array<i32>} : memref<512xi32, #tpu.memory_space<vmem>>, vector<16xi32>,
      tpu.vector_store %arg23[%swap3A_389], %add3A_388 {strides = array<i32>} : memref<512xi32, #tpu.memory_space<vmem>>, vector<16xi32>,
      %scan3A_391 = arith.constant 0 : i32
      scf.yield %scan3A_391 : i32
    }
    %scan3A_285 = arith.constant 32 : i32
    %dma_start3A_286 = arith.constant 0 : i32
    %dma_start3A_287 = tpu.memref_slice %arg23[%dma_start3A_286] : memref<512xi32, #tpu.memory_space<vmem>> -> memref<32xi32, #tpu.memory_space<vmem>>
    %dma_start3A_288 = arith.constant 0 : i32
    %dma_start3A_289 = arith.constant 0 : i32
    %dma_start3A_290 = tpu.memref_slice %arg3[%dma_start3A_288, %dma_start3A_289] : memref<65536x512xf32, #tpu.memory_space<hbm>> -> memref<65536x512xf32, #tpu.memory_space<hbm>>
    tpu.enqueue_indirect_dma source(%dma_start3A_290 : memref<65536x512xf32, #tpu.memory_space<hbm>>) target(%arg25 : memref<32x512xf32, #tpu.memory_space<vmem>>) offsets(%dma_start3A_287 : memref<32xi32, #tpu.memory_space<vmem>>) semaphore(%arg33 : memref<!tpu.dma_semaphore, #tpu.memory_space<semaphore_mem>>)
    %dma_start3A_291 = arith.constant 32 : i32
    %dma_start3A_292 = tpu.memref_slice %arg23[%dma_start3A_291] : memref<512xi32, #tpu.memory_space<vmem>> -> memref<32xi32, #tpu.memory_space<vmem>>
    %dma_start3A_293 = arith.constant 0 : i32
    %dma_start3A_294 = arith.constant 0 : i32
    %dma_start3A_295 = tpu.memref_slice %arg3[%dma_start3A_293, %dma_start3A_294] : memref<65536x512xf32, #tpu.memory_space<hbm>> -> memref<65536x512xf32, #tpu.memory_space<hbm>>
    tpu.enqueue_indirect_dma source(%dma_start3A_295 : memref<65536x512xf32, #tpu.memory_space<hbm>>) target(%arg26 : memref<32x512xf32, #tpu.memory_space<vmem>>) offsets(%dma_start3A_292 : memref<32xi32, #tpu.memory_space<vmem>>) semaphore(%arg34 : memref<!tpu.dma_semaphore, #tpu.memory_space<semaphore_mem>>)
    %dma_wait3A = arith.constant 0 : i32
    %dma_wait3A_296 = tpu.memref_slice %arg20[%dma_wait3A] : memref<24576xf32, #tpu.memory_space<vmem>> -> memref<8192xf32, #tpu.memory_space<vmem>>
    %dma_wait3A_297 = tpu.memref_slice %arg4[%mul3A_29] : memref<196608xf32, #tpu.memory_space<hbm>> -> memref<8192xf32, #tpu.memory_space<hbm>>
    %dma_wait3A_298 = arith.constant 0 : i32
    %dma_wait3A_299 = tpu.memref_slice %arg20[%dma_wait3A_298] : memref<24576xf32, #tpu.memory_space<vmem>> -> memref<8192xf32, #tpu.memory_space<vmem>>
    %dma_wait3A_300 = tpu.memref_slice %arg4[%mul3A_29] : memref<196608xf32, #tpu.memory_space<hbm>> -> memref<8192xf32, #tpu.memory_space<hbm>>
    tpu.wait_dma2 semaphore(%arg37 : memref<!tpu.dma_semaphore, #tpu.memory_space<semaphore_mem>>) src(%dma_wait3A_300 : memref<8192xf32, #tpu.memory_space<hbm>>) dst(%dma_wait3A_299 : memref<8192xf32, #tpu.memory_space<vmem>>)
    %dma_wait3A_301 = arith.constant 8192 : i32
    %dma_wait3A_302 = tpu.memref_slice %arg20[%dma_wait3A_301] : memref<24576xf32, #tpu.memory_space<vmem>> -> memref<8192xf32, #tpu.memory_space<vmem>>
    %dma_wait3A_303 = tpu.memref_slice %arg4[%mul3A_38] : memref<196608xf32, #tpu.memory_space<hbm>> -> memref<8192xf32, #tpu.memory_space<hbm>>
    %dma_wait3A_304 = arith.constant 8192 : i32
    %dma_wait3A_305 = tpu.memref_slice %arg20[%dma_wait3A_304] : memref<24576xf32, #tpu.memory_space<vmem>> -> memref<8192xf32, #tpu.memory_space<vmem>>
    %dma_wait3A_306 = tpu.memref_slice %arg4[%mul3A_38] : memref<196608xf32, #tpu.memory_space<hbm>> -> memref<8192xf32, #tpu.memory_space<hbm>>
    tpu.wait_dma2 semaphore(%arg37 : memref<!tpu.dma_semaphore, #tpu.memory_space<semaphore_mem>>) src(%dma_wait3A_306 : memref<8192xf32, #tpu.memory_space<hbm>>) dst(%dma_wait3A_305 : memref<8192xf32, #tpu.memory_space<vmem>>)
    %dma_wait3A_307 = arith.constant 16384 : i32
    %dma_wait3A_308 = tpu.memref_slice %arg20[%dma_wait3A_307] : memref<24576xf32, #tpu.memory_space<vmem>> -> memref<8192xf32, #tpu.memory_space<vmem>>
    %dma_wait3A_309 = tpu.memref_slice %arg4[%mul3A_48] : memref<196608xf32, #tpu.memory_space<hbm>> -> memref<8192xf32, #tpu.memory_space<hbm>>
    %dma_wait3A_310 = arith.constant 16384 : i32
    %dma_wait3A_311 = tpu.memref_slice %arg20[%dma_wait3A_310] : memref<24576xf32, #tpu.memory_space<vmem>> -> memref<8192xf32, #tpu.memory_space<vmem>>
    %dma_wait3A_312 = tpu.memref_slice %arg4[%mul3A_48] : memref<196608xf32, #tpu.memory_space<hbm>> -> memref<8192xf32, #tpu.memory_space<hbm>>
    tpu.wait_dma2 semaphore(%arg37 : memref<!tpu.dma_semaphore, #tpu.memory_space<semaphore_mem>>) src(%dma_wait3A_312 : memref<8192xf32, #tpu.memory_space<hbm>>) dst(%dma_wait3A_311 : memref<8192xf32, #tpu.memory_space<vmem>>)
    "tpu.trace_start"() <{level = 10 : i32, message = "p2_coords"}> : () -> ()
    %scan3A_313 = arith.constant 0 : i32
    %scan3A_314 = arith.constant 0 : i32
    %scan3A_315 = arith.constant 32 : i32
    %scan3A_316 = arith.addi %scan3A_314, %scan3A_315 : i32
    %scan3A_317 = arith.constant 2 : i32
    %scan3A_318 = scf.for %scan3A_341 = %scan3A_314 to %scan3A_316 step %scan3A_317 iter_args(%scan3A_342 = %scan3A_313) -> (i32)  : i32 {
      %mul3A_343 = arith.constant 16 : i32
      %mul3A_344 = arith.muli %scan3A_341, %mul3A_343 : i32
      %add3A_345 = vector.broadcast %mul3A_344 : i32 to vector<16xi32>
      %add3A_346 = arith.addi %iota3A, %add3A_345 : vector<16xi32>
      %mul3A_347 = arith.constant 16 : i32
      %mul3A_348 = arith.muli %scan3A_341, %mul3A_347 : i32
      %get3A = arith.index_cast %mul3A_348 : i32 to index
      %get3A_349 = tpu.vector_load %arg22[%get3A] {strides = array<i32>} : memref<512xi32, #tpu.memory_space<vmem>>, vector<16xi32>,
      %add3A_350 = arith.constant 0 : i32
      %add3A_351 = vector.broadcast %add3A_350 : i32 to vector<16xi32>
      %add3A_352 = arith.addi %get3A_349, %add3A_351 : vector<16xi32>
      %gather3A_353 = tpu.vector_load_idx %arg20[%add3A_352] : memref<24576xf32, #tpu.memory_space<vmem>>[vector<16xi32>], vector<16xf32>,
      %mul3A_354 = arith.constant 3 : i32
      %mul3A_355 = vector.broadcast %mul3A_354 : i32 to vector<16xi32>
      %mul3A_356 = arith.muli %add3A_346, %mul3A_355 : vector<16xi32>
      %add3A_357 = arith.constant 0 : i32
      %add3A_358 = vector.broadcast %add3A_357 : i32 to vector<16xi32>
      %add3A_359 = arith.addi %mul3A_356, %add3A_358 : vector<16xi32>
      tpu.vector_store_idx %arg21[%add3A_359], %gather3A_353 : memref<1536xf32, #tpu.memory_space<vmem>>[vector<16xi32>], vector<16xf32>,
      %add3A_360 = arith.constant 8192 : i32
      %add3A_361 = vector.broadcast %add3A_360 : i32 to vector<16xi32>
      %add3A_362 = arith.addi %get3A_349, %add3A_361 : vector<16xi32>
      %gather3A_363 = tpu.vector_load_idx %arg20[%add3A_362] : memref<24576xf32, #tpu.memory_space<vmem>>[vector<16xi32>], vector<16xf32>,
      %mul3A_364 = arith.constant 3 : i32
      %mul3A_365 = vector.broadcast %mul3A_364 : i32 to vector<16xi32>
      %mul3A_366 = arith.muli %add3A_346, %mul3A_365 : vector<16xi32>
      %add3A_367 = arith.constant 1 : i32
      %add3A_368 = vector.broadcast %add3A_367 : i32 to vector<16xi32>
      %add3A_369 = arith.addi %mul3A_366, %add3A_368 : vector<16xi32>
      tpu.vector_store_idx %arg21[%add3A_369], %gather3A_363 : memref<1536xf32, #tpu.memory_space<vmem>>[vector<16xi32>], vector<16xf32>,
      %add3A_370 = arith.constant 16384 : i32
      %add3A_371 = vector.broadcast %add3A_370 : i32 to vector<16xi32>
      %add3A_372 = arith.addi %get3A_349, %add3A_371 : vector<16xi32>
      %gather3A_373 = tpu.vector_load_idx %arg20[%add3A_372] : memref<24576xf32, #tpu.memory_space<vmem>>[vector<16xi32>], vector<16xf32>,
      %mul3A_374 = arith.constant 3 : i32
      %mul3A_375 = vector.broadcast %mul3A_374 : i32 to vector<16xi32>
      %mul3A_376 = arith.muli %add3A_346, %mul3A_375 : vector<16xi32>
      %add3A_377 = arith.constant 2 : i32
      %add3A_378 = vector.broadcast %add3A_377 : i32 to vector<16xi32>
      %add3A_379 = arith.addi %mul3A_376, %add3A_378 : vector<16xi32>
      tpu.vector_store_idx %arg21[%add3A_379], %gather3A_373 : memref<1536xf32, #tpu.memory_space<vmem>>[vector<16xi32>], vector<16xf32>,
      %scan3A_380 = arith.constant 0 : i32
      %scan3A_381 = arith.constant 1 : i32
      %scan3A_382 = arith.addi %scan3A_341, %scan3A_381 : i32
      %mul3A_383 = arith.constant 16 : i32
      %mul3A_384 = arith.muli %scan3A_382, %mul3A_383 : i32
      %add3A_385 = vector.broadcast %mul3A_384 : i32 to vector<16xi32>
      %add3A_386 = arith.addi %iota3A, %add3A_385 : vector<16xi32>
      %mul3A_387 = arith.constant 16 : i32
      %mul3A_388 = arith.muli %scan3A_382, %mul3A_387 : i32
      %get3A_389 = arith.index_cast %mul3A_388 : i32 to index
      %get3A_390 = tpu.vector_load %arg22[%get3A_389] {strides = array<i32>} : memref<512xi32, #tpu.memory_space<vmem>>, vector<16xi32>,
      %add3A_391 = arith.constant 0 : i32
      %add3A_392 = vector.broadcast %add3A_391 : i32 to vector<16xi32>
      %add3A_393 = arith.addi %get3A_390, %add3A_392 : vector<16xi32>
      %gather3A_394 = tpu.vector_load_idx %arg20[%add3A_393] : memref<24576xf32, #tpu.memory_space<vmem>>[vector<16xi32>], vector<16xf32>,
      %mul3A_395 = arith.constant 3 : i32
      %mul3A_396 = vector.broadcast %mul3A_395 : i32 to vector<16xi32>
      %mul3A_397 = arith.muli %add3A_386, %mul3A_396 : vector<16xi32>
      %add3A_398 = arith.constant 0 : i32
      %add3A_399 = vector.broadcast %add3A_398 : i32 to vector<16xi32>
      %add3A_400 = arith.addi %mul3A_397, %add3A_399 : vector<16xi32>
      tpu.vector_store_idx %arg21[%add3A_400], %gather3A_394 : memref<1536xf32, #tpu.memory_space<vmem>>[vector<16xi32>], vector<16xf32>,
      %add3A_401 = arith.constant 8192 : i32
      %add3A_402 = vector.broadcast %add3A_401 : i32 to vector<16xi32>
      %add3A_403 = arith.addi %get3A_390, %add3A_402 : vector<16xi32>
      %gather3A_404 = tpu.vector_load_idx %arg20[%add3A_403] : memref<24576xf32, #tpu.memory_space<vmem>>[vector<16xi32>], vector<16xf32>,
      %mul3A_405 = arith.constant 3 : i32
      %mul3A_406 = vector.broadcast %mul3A_405 : i32 to vector<16xi32>
      %mul3A_407 = arith.muli %add3A_386, %mul3A_406 : vector<16xi32>
      %add3A_408 = arith.constant 1 : i32
      %add3A_409 = vector.broadcast %add3A_408 : i32 to vector<16xi32>
      %add3A_410 = arith.addi %mul3A_407, %add3A_409 : vector<16xi32>
      tpu.vector_store_idx %arg21[%add3A_410], %gather3A_404 : memref<1536xf32, #tpu.memory_space<vmem>>[vector<16xi32>], vector<16xf32>,
      %add3A_411 = arith.constant 16384 : i32
      %add3A_412 = vector.broadcast %add3A_411 : i32 to vector<16xi32>
      %add3A_413 = arith.addi %get3A_390, %add3A_412 : vector<16xi32>
      %gather3A_414 = tpu.vector_load_idx %arg20[%add3A_413] : memref<24576xf32, #tpu.memory_space<vmem>>[vector<16xi32>], vector<16xf32>,
      %mul3A_415 = arith.constant 3 : i32
      %mul3A_416 = vector.broadcast %mul3A_415 : i32 to vector<16xi32>
      %mul3A_417 = arith.muli %add3A_386, %mul3A_416 : vector<16xi32>
      %add3A_418 = arith.constant 2 : i32
      %add3A_419 = vector.broadcast %add3A_418 : i32 to vector<16xi32>
      %add3A_420 = arith.addi %mul3A_417, %add3A_419 : vector<16xi32>
      tpu.vector_store_idx %arg21[%add3A_420], %gather3A_414 : memref<1536xf32, #tpu.memory_space<vmem>>[vector<16xi32>], vector<16xf32>,
      %scan3A_421 = arith.constant 0 : i32
      scf.yield %scan3A_421 : i32
    }
    %scan3A_319 = arith.constant 32 : i32
    "tpu.trace_stop"() : () -> ()
    %mul3A_320 = arith.constant 3 : i32
    %mul3A_321 = arith.muli %add3A_268, %mul3A_320 : i32
    "tpu.region"() ({
      %run_scoped3A = tpu.sem_alloc : memref<!tpu.dma_semaphore, #tpu.memory_space<semaphore_mem>>
      %dma_start3A_341 = tpu.memref_slice %arg6[%mul3A_321] : memref<49152xf32, #tpu.memory_space<hbm>> -> memref<1536xf32, #tpu.memory_space<hbm>>
      %dma_start3A_342 = tpu.memref_slice %arg6[%mul3A_321] : memref<49152xf32, #tpu.memory_space<hbm>> -> memref<1536xf32, #tpu.memory_space<hbm>>
      tpu.enqueue_dma source(%arg21 : memref<1536xf32, #tpu.memory_space<vmem>>) target(%dma_start3A_342 : memref<1536xf32, #tpu.memory_space<hbm>>) target_semaphore(%run_scoped3A : memref<!tpu.dma_semaphore, #tpu.memory_space<semaphore_mem>>)
      %dma_wait3A_343 = tpu.memref_slice %arg6[%mul3A_321] : memref<49152xf32, #tpu.memory_space<hbm>> -> memref<1536xf32, #tpu.memory_space<hbm>>
      %dma_wait3A_344 = tpu.memref_slice %arg6[%mul3A_321] : memref<49152xf32, #tpu.memory_space<hbm>> -> memref<1536xf32, #tpu.memory_space<hbm>>
      tpu.wait_dma2 semaphore(%run_scoped3A : memref<!tpu.dma_semaphore, #tpu.memory_space<semaphore_mem>>) src(%arg21 : memref<1536xf32, #tpu.memory_space<vmem>>) dst(%dma_wait3A_344 : memref<1536xf32, #tpu.memory_space<hbm>>)
      tpu.yield
    }) : () -> ()
    %scan3A_322 = arith.constant 0 : i32
    %scan3A_323 = arith.constant 0 : i32
    %scan3A_324 = arith.constant 8 : i32
    %scan3A_325 = arith.addi %scan3A_323, %scan3A_324 : i32
    %scan3A_326 = arith.constant 1 : i32
    %scan3A_327 = scf.for %scan3A_341 = %scan3A_323 to %scan3A_325 step %scan3A_326 iter_args(%scan3A_342 = %scan3A_322) -> (i32)  : i32 {
      %mul3A_343 = arith.constant 2 : i32
      %mul3A_344 = arith.muli %mul3A_343, %scan3A_341 : i32
      %mul3A_345 = arith.constant 32 : i32
      %mul3A_346 = arith.muli %mul3A_344, %mul3A_345 : i32
      %add3A_347 = arith.addi %add3A_268, %mul3A_346 : i32
      %mul3A_348 = arith.constant 2 : i32
      %mul3A_349 = arith.muli %mul3A_348, %scan3A_341 : i32
      %add3A_350 = arith.constant 1 : i32
      %add3A_351 = arith.addi %mul3A_349, %add3A_350 : i32
      %mul3A_352 = arith.constant 32 : i32
      %mul3A_353 = arith.muli %add3A_351, %mul3A_352 : i32
      %add3A_354 = arith.addi %add3A_268, %mul3A_353 : i32
      %dma_wait3A_355 = arith.constant 0 : i32
      %dma_wait3A_356 = arith.constant 0 : i32
      %dma_wait3A_357 = tpu.memref_slice %arg3[%dma_wait3A_355, %dma_wait3A_356] : memref<65536x512xf32, #tpu.memory_space<hbm>> -> memref<32x512xf32, #tpu.memory_space<hbm>>
      %dma_wait3A_358 = arith.constant 0 : i32
      %dma_wait3A_359 = arith.constant 0 : i32
      %dma_wait3A_360 = tpu.memref_slice %arg3[%dma_wait3A_358, %dma_wait3A_359] : memref<65536x512xf32, #tpu.memory_space<hbm>> -> memref<32x512xf32, #tpu.memory_space<hbm>>
      tpu.wait_dma2 semaphore(%arg33 : memref<!tpu.dma_semaphore, #tpu.memory_space<semaphore_mem>>) src(%dma_wait3A_360 : memref<32x512xf32, #tpu.memory_space<hbm>>) dst(%arg25 : memref<32x512xf32, #tpu.memory_space<vmem>>)
      %mul3A_361 = arith.constant 2 : i32
      %mul3A_362 = arith.muli %mul3A_361, %scan3A_341 : i32
      "tpu.trace_start"() <{level = 10 : i32, message = "p2_scale"}> : () -> ()
      %scan3A_363 = arith.constant 0 : i32
      %scan3A_364 = arith.constant 0 : i32
      %scan3A_365 = arith.constant 32 : i32
      %scan3A_366 = arith.addi %scan3A_364, %scan3A_365 : i32
      %scan3A_367 = arith.constant 1 : i32
      %scan3A_368 = scf.for %scan3A_402 = %scan3A_364 to %scan3A_366 step %scan3A_367 iter_args(%scan3A_403 = %scan3A_363) -> (i32)  : i32 {
        %mul3A_404 = arith.constant 32 : i32
        %mul3A_405 = arith.muli %mul3A_362, %mul3A_404 : i32
        %add3A_406 = arith.addi %mul3A_405, %scan3A_402 : i32
        %broadcast_in_dim3A_407 = arith.constant 0 : i32
        %broadcast_in_dim3A_408 = vector.broadcast %broadcast_in_dim3A_407 : i32 to vector<16xi32>
        %add3A_409 = vector.broadcast %add3A_406 : i32 to vector<16xi32>
        %add3A_410 = arith.addi %add3A_409, %broadcast_in_dim3A_408 : vector<16xi32>
        %gather3A_411 = tpu.vector_load_idx %arg24[%add3A_410] : memref<512xf32, #tpu.memory_space<vmem>>[vector<16xi32>], vector<16xf32>,
        %scan3A_412 = arith.constant 0 : i32
        %scan3A_413 = arith.constant 0 : i32
        %scan3A_414 = arith.constant 32 : i32
        %scan3A_415 = arith.addi %scan3A_413, %scan3A_414 : i32
        %scan3A_416 = arith.constant 8 : i32
        %scan3A_417 = scf.for %scan3A_420 = %scan3A_413 to %scan3A_415 step %scan3A_416 iter_args(%scan3A_421 = %scan3A_412) -> (i32)  : i32 {
          %mul3A_422 = arith.constant 16 : i32
          %mul3A_423 = arith.muli %scan3A_420, %mul3A_422 : i32
          %get3A = arith.index_cast %scan3A_402 : i32 to index
          %get3A_424 = arith.index_cast %mul3A_423 : i32 to index
          %get3A_425 = tpu.vector_load %arg25[%get3A, %get3A_424] {strides = array<i32>} : memref<32x512xf32, #tpu.memory_space<vmem>>, vector<16xf32>,
          %mul3A_426 = arith.mulf %get3A_425, %gather3A_411 : vector<16xf32>
          %swap3A_427 = arith.index_cast %scan3A_402 : i32 to index
          %swap3A_428 = arith.index_cast %mul3A_423 : i32 to index
          %swap3A_429 = tpu.vector_load %arg25[%swap3A_427, %swap3A_428] {strides = array<i32>} : memref<32x512xf32, #tpu.memory_space<vmem>>, vector<16xf32>,
          tpu.vector_store %arg25[%swap3A_427, %swap3A_428], %mul3A_426 {strides = array<i32>} : memref<32x512xf32, #tpu.memory_space<vmem>>, vector<16xf32>,
          %scan3A_430 = arith.constant 0 : i32
          %scan3A_431 = arith.constant 1 : i32
          %scan3A_432 = arith.addi %scan3A_420, %scan3A_431 : i32
          %mul3A_433 = arith.constant 16 : i32
          %mul3A_434 = arith.muli %scan3A_432, %mul3A_433 : i32
          %get3A_435 = arith.index_cast %scan3A_402 : i32 to index
          %get3A_436 = arith.index_cast %mul3A_434 : i32 to index
          %get3A_437 = tpu.vector_load %arg25[%get3A_435, %get3A_436] {strides = array<i32>} : memref<32x512xf32, #tpu.memory_space<vmem>>, vector<16xf32>,
          %mul3A_438 = arith.mulf %get3A_437, %gather3A_411 : vector<16xf32>
          %swap3A_439 = arith.index_cast %scan3A_402 : i32 to index
          %swap3A_440 = arith.index_cast %mul3A_434 : i32 to index
          %swap3A_441 = tpu.vector_load %arg25[%swap3A_439, %swap3A_440] {strides = array<i32>} : memref<32x512xf32, #tpu.memory_space<vmem>>, vector<16xf32>,
          tpu.vector_store %arg25[%swap3A_439, %swap3A_440], %mul3A_438 {strides = array<i32>} : memref<32x512xf32, #tpu.memory_space<vmem>>, vector<16xf32>,
          %scan3A_442 = arith.constant 0 : i32
          %scan3A_443 = arith.constant 2 : i32
          %scan3A_444 = arith.addi %scan3A_420, %scan3A_443 : i32
          %mul3A_445 = arith.constant 16 : i32
          %mul3A_446 = arith.muli %scan3A_444, %mul3A_445 : i32
          %get3A_447 = arith.index_cast %scan3A_402 : i32 to index
          %get3A_448 = arith.index_cast %mul3A_446 : i32 to index
          %get3A_449 = tpu.vector_load %arg25[%get3A_447, %get3A_448] {strides = array<i32>} : memref<32x512xf32, #tpu.memory_space<vmem>>, vector<16xf32>,
          %mul3A_450 = arith.mulf %get3A_449, %gather3A_411 : vector<16xf32>
          %swap3A_451 = arith.index_cast %scan3A_402 : i32 to index
          %swap3A_452 = arith.index_cast %mul3A_446 : i32 to index
          %swap3A_453 = tpu.vector_load %arg25[%swap3A_451, %swap3A_452] {strides = array<i32>} : memref<32x512xf32, #tpu.memory_space<vmem>>, vector<16xf32>,
          tpu.vector_store %arg25[%swap3A_451, %swap3A_452], %mul3A_450 {strides = array<i32>} : memref<32x512xf32, #tpu.memory_space<vmem>>, vector<16xf32>,
          %scan3A_454 = arith.constant 0 : i32
          %scan3A_455 = arith.constant 3 : i32
          %scan3A_456 = arith.addi %scan3A_420, %scan3A_455 : i32
          %mul3A_457 = arith.constant 16 : i32
          %mul3A_458 = arith.muli %scan3A_456, %mul3A_457 : i32
          %get3A_459 = arith.index_cast %scan3A_402 : i32 to index
          %get3A_460 = arith.index_cast %mul3A_458 : i32 to index
          %get3A_461 = tpu.vector_load %arg25[%get3A_459, %get3A_460] {strides = array<i32>} : memref<32x512xf32, #tpu.memory_space<vmem>>, vector<16xf32>,
          %mul3A_462 = arith.mulf %get3A_461, %gather3A_411 : vector<16xf32>
          %swap3A_463 = arith.index_cast %scan3A_402 : i32 to index
          %swap3A_464 = arith.index_cast %mul3A_458 : i32 to index
          %swap3A_465 = tpu.vector_load %arg25[%swap3A_463, %swap3A_464] {strides = array<i32>} : memref<32x512xf32, #tpu.memory_space<vmem>>, vector<16xf32>,
          tpu.vector_store %arg25[%swap3A_463, %swap3A_464], %mul3A_462 {strides = array<i32>} : memref<32x512xf32, #tpu.memory_space<vmem>>, vector<16xf32>,
          %scan3A_466 = arith.constant 0 : i32
          %scan3A_467 = arith.constant 4 : i32
          %scan3A_468 = arith.addi %scan3A_420, %scan3A_467 : i32
          %mul3A_469 = arith.constant 16 : i32
          %mul3A_470 = arith.muli %scan3A_468, %mul3A_469 : i32
          %get3A_471 = arith.index_cast %scan3A_402 : i32 to index
          %get3A_472 = arith.index_cast %mul3A_470 : i32 to index
          %get3A_473 = tpu.vector_load %arg25[%get3A_471, %get3A_472] {strides = array<i32>} : memref<32x512xf32, #tpu.memory_space<vmem>>, vector<16xf32>,
          %mul3A_474 = arith.mulf %get3A_473, %gather3A_411 : vector<16xf32>
          %swap3A_475 = arith.index_cast %scan3A_402 : i32 to index
          %swap3A_476 = arith.index_cast %mul3A_470 : i32 to index
          %swap3A_477 = tpu.vector_load %arg25[%swap3A_475, %swap3A_476] {strides = array<i32>} : memref<32x512xf32, #tpu.memory_space<vmem>>, vector<16xf32>,
          tpu.vector_store %arg25[%swap3A_475, %swap3A_476], %mul3A_474 {strides = array<i32>} : memref<32x512xf32, #tpu.memory_space<vmem>>, vector<16xf32>,
          %scan3A_478 = arith.constant 0 : i32
          %scan3A_479 = arith.constant 5 : i32
          %scan3A_480 = arith.addi %scan3A_420, %scan3A_479 : i32
          %mul3A_481 = arith.constant 16 : i32
          %mul3A_482 = arith.muli %scan3A_480, %mul3A_481 : i32
          %get3A_483 = arith.index_cast %scan3A_402 : i32 to index
          %get3A_484 = arith.index_cast %mul3A_482 : i32 to index
          %get3A_485 = tpu.vector_load %arg25[%get3A_483, %get3A_484] {strides = array<i32>} : memref<32x512xf32, #tpu.memory_space<vmem>>, vector<16xf32>,
          %mul3A_486 = arith.mulf %get3A_485, %gather3A_411 : vector<16xf32>
          %swap3A_487 = arith.index_cast %scan3A_402 : i32 to index
          %swap3A_488 = arith.index_cast %mul3A_482 : i32 to index
          %swap3A_489 = tpu.vector_load %arg25[%swap3A_487, %swap3A_488] {strides = array<i32>} : memref<32x512xf32, #tpu.memory_space<vmem>>, vector<16xf32>,
          tpu.vector_store %arg25[%swap3A_487, %swap3A_488], %mul3A_486 {strides = array<i32>} : memref<32x512xf32, #tpu.memory_space<vmem>>, vector<16xf32>,
          %scan3A_490 = arith.constant 0 : i32
          %scan3A_491 = arith.constant 6 : i32
          %scan3A_492 = arith.addi %scan3A_420, %scan3A_491 : i32
          %mul3A_493 = arith.constant 16 : i32
          %mul3A_494 = arith.muli %scan3A_492, %mul3A_493 : i32
          %get3A_495 = arith.index_cast %scan3A_402 : i32 to index
          %get3A_496 = arith.index_cast %mul3A_494 : i32 to index
          %get3A_497 = tpu.vector_load %arg25[%get3A_495, %get3A_496] {strides = array<i32>} : memref<32x512xf32, #tpu.memory_space<vmem>>, vector<16xf32>,
          %mul3A_498 = arith.mulf %get3A_497, %gather3A_411 : vector<16xf32>
          %swap3A_499 = arith.index_cast %scan3A_402 : i32 to index
          %swap3A_500 = arith.index_cast %mul3A_494 : i32 to index
          %swap3A_501 = tpu.vector_load %arg25[%swap3A_499, %swap3A_500] {strides = array<i32>} : memref<32x512xf32, #tpu.memory_space<vmem>>, vector<16xf32>,
          tpu.vector_store %arg25[%swap3A_499, %swap3A_500], %mul3A_498 {strides = array<i32>} : memref<32x512xf32, #tpu.memory_space<vmem>>, vector<16xf32>,
          %scan3A_502 = arith.constant 0 : i32
          %scan3A_503 = arith.constant 7 : i32
          %scan3A_504 = arith.addi %scan3A_420, %scan3A_503 : i32
          %mul3A_505 = arith.constant 16 : i32
          %mul3A_506 = arith.muli %scan3A_504, %mul3A_505 : i32
          %get3A_507 = arith.index_cast %scan3A_402 : i32 to index
          %get3A_508 = arith.index_cast %mul3A_506 : i32 to index
          %get3A_509 = tpu.vector_load %arg25[%get3A_507, %get3A_508] {strides = array<i32>} : memref<32x512xf32, #tpu.memory_space<vmem>>, vector<16xf32>,
          %mul3A_510 = arith.mulf %get3A_509, %gather3A_411 : vector<16xf32>
          %swap3A_511 = arith.index_cast %scan3A_402 : i32 to index
          %swap3A_512 = arith.index_cast %mul3A_506 : i32 to index
          %swap3A_513 = tpu.vector_load %arg25[%swap3A_511, %swap3A_512] {strides = array<i32>} : memref<32x512xf32, #tpu.memory_space<vmem>>, vector<16xf32>,
          tpu.vector_store %arg25[%swap3A_511, %swap3A_512], %mul3A_510 {strides = array<i32>} : memref<32x512xf32, #tpu.memory_space<vmem>>, vector<16xf32>,
          %scan3A_514 = arith.constant 0 : i32
          scf.yield %scan3A_514 : i32
        }
        %scan3A_418 = arith.constant 32 : i32
        %scan3A_419 = arith.constant 0 : i32
        scf.yield %scan3A_419 : i32
      }
      %scan3A_369 = arith.constant 32 : i32
      "tpu.trace_stop"() : () -> ()
      %dma_start3A_370 = arith.constant 0 : i32
      %dma_start3A_371 = tpu.memref_slice %arg5[%add3A_347, %dma_start3A_370] : memref<16384x512xf32, #tpu.memory_space<hbm>> -> memref<32x512xf32, #tpu.memory_space<hbm>>
      %dma_start3A_372 = arith.constant 0 : i32
      %dma_start3A_373 = tpu.memref_slice %arg5[%add3A_347, %dma_start3A_372] : memref<16384x512xf32, #tpu.memory_space<hbm>> -> memref<32x512xf32, #tpu.memory_space<hbm>>
      tpu.enqueue_dma source(%arg25 : memref<32x512xf32, #tpu.memory_space<vmem>>) target(%dma_start3A_373 : memref<32x512xf32, #tpu.memory_space<hbm>>) target_semaphore(%arg35 : memref<!tpu.dma_semaphore, #tpu.memory_space<semaphore_mem>>)
      %dma_wait3A_374 = arith.constant 0 : i32
      %dma_wait3A_375 = arith.constant 0 : i32
      %dma_wait3A_376 = tpu.memref_slice %arg3[%dma_wait3A_374, %dma_wait3A_375] : memref<65536x512xf32, #tpu.memory_space<hbm>> -> memref<32x512xf32, #tpu.memory_space<hbm>>
      %dma_wait3A_377 = arith.constant 0 : i32
      %dma_wait3A_378 = arith.constant 0 : i32
      %dma_wait3A_379 = tpu.memref_slice %arg3[%dma_wait3A_377, %dma_wait3A_378] : memref<65536x512xf32, #tpu.memory_space<hbm>> -> memref<32x512xf32, #tpu.memory_space<hbm>>
      tpu.wait_dma2 semaphore(%arg34 : memref<!tpu.dma_semaphore, #tpu.memory_space<semaphore_mem>>) src(%dma_wait3A_379 : memref<32x512xf32, #tpu.memory_space<hbm>>) dst(%arg26 : memref<32x512xf32, #tpu.memory_space<vmem>>)
      %mul3A_380 = arith.constant 2 : i32
      %mul3A_381 = arith.muli %mul3A_380, %scan3A_341 : i32
      %add3A_382 = arith.constant 1 : i32
      %add3A_383 = arith.addi %mul3A_381, %add3A_382 : i32
      "tpu.trace_start"() <{level = 10 : i32, message = "p2_scale"}> : () -> ()
      %scan3A_384 = arith.constant 0 : i32
      %scan3A_385 = arith.constant 0 : i32
      %scan3A_386 = arith.constant 32 : i32
      %scan3A_387 = arith.addi %scan3A_385, %scan3A_386 : i32
      %scan3A_388 = arith.constant 1 : i32
      %scan3A_389 = scf.for %scan3A_402 = %scan3A_385 to %scan3A_387 step %scan3A_388 iter_args(%scan3A_403 = %scan3A_384) -> (i32)  : i32 {
        %mul3A_404 = arith.constant 32 : i32
        %mul3A_405 = arith.muli %add3A_383, %mul3A_404 : i32
        %add3A_406 = arith.addi %mul3A_405, %scan3A_402 : i32
        %broadcast_in_dim3A_407 = arith.constant 0 : i32
        %broadcast_in_dim3A_408 = vector.broadcast %broadcast_in_dim3A_407 : i32 to vector<16xi32>
        %add3A_409 = vector.broadcast %add3A_406 : i32 to vector<16xi32>
        %add3A_410 = arith.addi %add3A_409, %broadcast_in_dim3A_408 : vector<16xi32>
        %gather3A_411 = tpu.vector_load_idx %arg24[%add3A_410] : memref<512xf32, #tpu.memory_space<vmem>>[vector<16xi32>], vector<16xf32>,
        %scan3A_412 = arith.constant 0 : i32
        %scan3A_413 = arith.constant 0 : i32
        %scan3A_414 = arith.constant 32 : i32
        %scan3A_415 = arith.addi %scan3A_413, %scan3A_414 : i32
        %scan3A_416 = arith.constant 8 : i32
        %scan3A_417 = scf.for %scan3A_420 = %scan3A_413 to %scan3A_415 step %scan3A_416 iter_args(%scan3A_421 = %scan3A_412) -> (i32)  : i32 {
          %mul3A_422 = arith.constant 16 : i32
          %mul3A_423 = arith.muli %scan3A_420, %mul3A_422 : i32
          %get3A = arith.index_cast %scan3A_402 : i32 to index
          %get3A_424 = arith.index_cast %mul3A_423 : i32 to index
          %get3A_425 = tpu.vector_load %arg26[%get3A, %get3A_424] {strides = array<i32>} : memref<32x512xf32, #tpu.memory_space<vmem>>, vector<16xf32>,
          %mul3A_426 = arith.mulf %get3A_425, %gather3A_411 : vector<16xf32>
          %swap3A_427 = arith.index_cast %scan3A_402 : i32 to index
          %swap3A_428 = arith.index_cast %mul3A_423 : i32 to index
          %swap3A_429 = tpu.vector_load %arg26[%swap3A_427, %swap3A_428] {strides = array<i32>} : memref<32x512xf32, #tpu.memory_space<vmem>>, vector<16xf32>,
          tpu.vector_store %arg26[%swap3A_427, %swap3A_428], %mul3A_426 {strides = array<i32>} : memref<32x512xf32, #tpu.memory_space<vmem>>, vector<16xf32>,
          %scan3A_430 = arith.constant 0 : i32
          %scan3A_431 = arith.constant 1 : i32
          %scan3A_432 = arith.addi %scan3A_420, %scan3A_431 : i32
          %mul3A_433 = arith.constant 16 : i32
          %mul3A_434 = arith.muli %scan3A_432, %mul3A_433 : i32
          %get3A_435 = arith.index_cast %scan3A_402 : i32 to index
          %get3A_436 = arith.index_cast %mul3A_434 : i32 to index
          %get3A_437 = tpu.vector_load %arg26[%get3A_435, %get3A_436] {strides = array<i32>} : memref<32x512xf32, #tpu.memory_space<vmem>>, vector<16xf32>,
          %mul3A_438 = arith.mulf %get3A_437, %gather3A_411 : vector<16xf32>
          %swap3A_439 = arith.index_cast %scan3A_402 : i32 to index
          %swap3A_440 = arith.index_cast %mul3A_434 : i32 to index
          %swap3A_441 = tpu.vector_load %arg26[%swap3A_439, %swap3A_440] {strides = array<i32>} : memref<32x512xf32, #tpu.memory_space<vmem>>, vector<16xf32>,
          tpu.vector_store %arg26[%swap3A_439, %swap3A_440], %mul3A_438 {strides = array<i32>} : memref<32x512xf32, #tpu.memory_space<vmem>>, vector<16xf32>,
          %scan3A_442 = arith.constant 0 : i32
          %scan3A_443 = arith.constant 2 : i32
          %scan3A_444 = arith.addi %scan3A_420, %scan3A_443 : i32
          %mul3A_445 = arith.constant 16 : i32
          %mul3A_446 = arith.muli %scan3A_444, %mul3A_445 : i32
          %get3A_447 = arith.index_cast %scan3A_402 : i32 to index
          %get3A_448 = arith.index_cast %mul3A_446 : i32 to index
          %get3A_449 = tpu.vector_load %arg26[%get3A_447, %get3A_448] {strides = array<i32>} : memref<32x512xf32, #tpu.memory_space<vmem>>, vector<16xf32>,
          %mul3A_450 = arith.mulf %get3A_449, %gather3A_411 : vector<16xf32>
          %swap3A_451 = arith.index_cast %scan3A_402 : i32 to index
          %swap3A_452 = arith.index_cast %mul3A_446 : i32 to index
          %swap3A_453 = tpu.vector_load %arg26[%swap3A_451, %swap3A_452] {strides = array<i32>} : memref<32x512xf32, #tpu.memory_space<vmem>>, vector<16xf32>,
          tpu.vector_store %arg26[%swap3A_451, %swap3A_452], %mul3A_450 {strides = array<i32>} : memref<32x512xf32, #tpu.memory_space<vmem>>, vector<16xf32>,
          %scan3A_454 = arith.constant 0 : i32
          %scan3A_455 = arith.constant 3 : i32
          %scan3A_456 = arith.addi %scan3A_420, %scan3A_455 : i32
          %mul3A_457 = arith.constant 16 : i32
          %mul3A_458 = arith.muli %scan3A_456, %mul3A_457 : i32
          %get3A_459 = arith.index_cast %scan3A_402 : i32 to index
          %get3A_460 = arith.index_cast %mul3A_458 : i32 to index
          %get3A_461 = tpu.vector_load %arg26[%get3A_459, %get3A_460] {strides = array<i32>} : memref<32x512xf32, #tpu.memory_space<vmem>>, vector<16xf32>,
          %mul3A_462 = arith.mulf %get3A_461, %gather3A_411 : vector<16xf32>
          %swap3A_463 = arith.index_cast %scan3A_402 : i32 to index
          %swap3A_464 = arith.index_cast %mul3A_458 : i32 to index
          %swap3A_465 = tpu.vector_load %arg26[%swap3A_463, %swap3A_464] {strides = array<i32>} : memref<32x512xf32, #tpu.memory_space<vmem>>, vector<16xf32>,
          tpu.vector_store %arg26[%swap3A_463, %swap3A_464], %mul3A_462 {strides = array<i32>} : memref<32x512xf32, #tpu.memory_space<vmem>>, vector<16xf32>,
          %scan3A_466 = arith.constant 0 : i32
          %scan3A_467 = arith.constant 4 : i32
          %scan3A_468 = arith.addi %scan3A_420, %scan3A_467 : i32
          %mul3A_469 = arith.constant 16 : i32
          %mul3A_470 = arith.muli %scan3A_468, %mul3A_469 : i32
          %get3A_471 = arith.index_cast %scan3A_402 : i32 to index
          %get3A_472 = arith.index_cast %mul3A_470 : i32 to index
          %get3A_473 = tpu.vector_load %arg26[%get3A_471, %get3A_472] {strides = array<i32>} : memref<32x512xf32, #tpu.memory_space<vmem>>, vector<16xf32>,
          %mul3A_474 = arith.mulf %get3A_473, %gather3A_411 : vector<16xf32>
          %swap3A_475 = arith.index_cast %scan3A_402 : i32 to index
          %swap3A_476 = arith.index_cast %mul3A_470 : i32 to index
          %swap3A_477 = tpu.vector_load %arg26[%swap3A_475, %swap3A_476] {strides = array<i32>} : memref<32x512xf32, #tpu.memory_space<vmem>>, vector<16xf32>,
          tpu.vector_store %arg26[%swap3A_475, %swap3A_476], %mul3A_474 {strides = array<i32>} : memref<32x512xf32, #tpu.memory_space<vmem>>, vector<16xf32>,
          %scan3A_478 = arith.constant 0 : i32
          %scan3A_479 = arith.constant 5 : i32
          %scan3A_480 = arith.addi %scan3A_420, %scan3A_479 : i32
          %mul3A_481 = arith.constant 16 : i32
          %mul3A_482 = arith.muli %scan3A_480, %mul3A_481 : i32
          %get3A_483 = arith.index_cast %scan3A_402 : i32 to index
          %get3A_484 = arith.index_cast %mul3A_482 : i32 to index
          %get3A_485 = tpu.vector_load %arg26[%get3A_483, %get3A_484] {strides = array<i32>} : memref<32x512xf32, #tpu.memory_space<vmem>>, vector<16xf32>,
          %mul3A_486 = arith.mulf %get3A_485, %gather3A_411 : vector<16xf32>
          %swap3A_487 = arith.index_cast %scan3A_402 : i32 to index
          %swap3A_488 = arith.index_cast %mul3A_482 : i32 to index
          %swap3A_489 = tpu.vector_load %arg26[%swap3A_487, %swap3A_488] {strides = array<i32>} : memref<32x512xf32, #tpu.memory_space<vmem>>, vector<16xf32>,
          tpu.vector_store %arg26[%swap3A_487, %swap3A_488], %mul3A_486 {strides = array<i32>} : memref<32x512xf32, #tpu.memory_space<vmem>>, vector<16xf32>,
          %scan3A_490 = arith.constant 0 : i32
          %scan3A_491 = arith.constant 6 : i32
          %scan3A_492 = arith.addi %scan3A_420, %scan3A_491 : i32
          %mul3A_493 = arith.constant 16 : i32
          %mul3A_494 = arith.muli %scan3A_492, %mul3A_493 : i32
          %get3A_495 = arith.index_cast %scan3A_402 : i32 to index
          %get3A_496 = arith.index_cast %mul3A_494 : i32 to index
          %get3A_497 = tpu.vector_load %arg26[%get3A_495, %get3A_496] {strides = array<i32>} : memref<32x512xf32, #tpu.memory_space<vmem>>, vector<16xf32>,
          %mul3A_498 = arith.mulf %get3A_497, %gather3A_411 : vector<16xf32>
          %swap3A_499 = arith.index_cast %scan3A_402 : i32 to index
          %swap3A_500 = arith.index_cast %mul3A_494 : i32 to index
          %swap3A_501 = tpu.vector_load %arg26[%swap3A_499, %swap3A_500] {strides = array<i32>} : memref<32x512xf32, #tpu.memory_space<vmem>>, vector<16xf32>,
          tpu.vector_store %arg26[%swap3A_499, %swap3A_500], %mul3A_498 {strides = array<i32>} : memref<32x512xf32, #tpu.memory_space<vmem>>, vector<16xf32>,
          %scan3A_502 = arith.constant 0 : i32
          %scan3A_503 = arith.constant 7 : i32
          %scan3A_504 = arith.addi %scan3A_420, %scan3A_503 : i32
          %mul3A_505 = arith.constant 16 : i32
          %mul3A_506 = arith.muli %scan3A_504, %mul3A_505 : i32
          %get3A_507 = arith.index_cast %scan3A_402 : i32 to index
          %get3A_508 = arith.index_cast %mul3A_506 : i32 to index
          %get3A_509 = tpu.vector_load %arg26[%get3A_507, %get3A_508] {strides = array<i32>} : memref<32x512xf32, #tpu.memory_space<vmem>>, vector<16xf32>,
          %mul3A_510 = arith.mulf %get3A_509, %gather3A_411 : vector<16xf32>
          %swap3A_511 = arith.index_cast %scan3A_402 : i32 to index
          %swap3A_512 = arith.index_cast %mul3A_506 : i32 to index
          %swap3A_513 = tpu.vector_load %arg26[%swap3A_511, %swap3A_512] {strides = array<i32>} : memref<32x512xf32, #tpu.memory_space<vmem>>, vector<16xf32>,
          tpu.vector_store %arg26[%swap3A_511, %swap3A_512], %mul3A_510 {strides = array<i32>} : memref<32x512xf32, #tpu.memory_space<vmem>>, vector<16xf32>,
          %scan3A_514 = arith.constant 0 : i32
          scf.yield %scan3A_514 : i32
        }
        %scan3A_418 = arith.constant 32 : i32
        %scan3A_419 = arith.constant 0 : i32
        scf.yield %scan3A_419 : i32
      }
      %scan3A_390 = arith.constant 32 : i32
      "tpu.trace_stop"() : () -> ()
      %dma_start3A_391 = arith.constant 0 : i32
      %dma_start3A_392 = tpu.memref_slice %arg5[%add3A_354, %dma_start3A_391] : memref<16384x512xf32, #tpu.memory_space<hbm>> -> memref<32x512xf32, #tpu.memory_space<hbm>>
      %dma_start3A_393 = arith.constant 0 : i32
      %dma_start3A_394 = tpu.memref_slice %arg5[%add3A_354, %dma_start3A_393] : memref<16384x512xf32, #tpu.memory_space<hbm>> -> memref<32x512xf32, #tpu.memory_space<hbm>>
      tpu.enqueue_dma source(%arg26 : memref<32x512xf32, #tpu.memory_space<vmem>>) target(%dma_start3A_394 : memref<32x512xf32, #tpu.memory_space<hbm>>) target_semaphore(%arg36 : memref<!tpu.dma_semaphore, #tpu.memory_space<semaphore_mem>>)
      %add3A_395 = arith.constant 1 : i32
      %add3A_396 = arith.addi %scan3A_341, %add3A_395 : i32
      %lt3A = arith.constant 8 : i32
      %lt3A_397 = arith.cmpi slt, %add3A_396, %lt3A : i32
      %convert_element_type3A_398 = arith.extui %lt3A_397 : i1 to i32
      %cond3A_399 = arith.constant 0 : i32
      %cond3A_400 = arith.cmpi ne, %convert_element_type3A_398, %cond3A_399 : i32
      scf.if %cond3A_400 {
        %dma_wait3A_402 = arith.constant 0 : i32
        %dma_wait3A_403 = arith.constant 0 : i32
        %dma_wait3A_404 = tpu.memref_slice %arg5[%dma_wait3A_402, %dma_wait3A_403] : memref<16384x512xf32, #tpu.memory_space<hbm>> -> memref<32x512xf32, #tpu.memory_space<hbm>>
        %dma_wait3A_405 = arith.constant 0 : i32
        %dma_wait3A_406 = arith.constant 0 : i32
        %dma_wait3A_407 = tpu.memref_slice %arg5[%dma_wait3A_405, %dma_wait3A_406] : memref<16384x512xf32, #tpu.memory_space<hbm>> -> memref<32x512xf32, #tpu.memory_space<hbm>>
        tpu.wait_dma2 semaphore(%arg35 : memref<!tpu.dma_semaphore, #tpu.memory_space<semaphore_mem>>) src(%arg25 : memref<32x512xf32, #tpu.memory_space<vmem>>) dst(%dma_wait3A_407 : memref<32x512xf32, #tpu.memory_space<hbm>>)
        %mul3A_408 = arith.constant 2 : i32
        %mul3A_409 = arith.muli %mul3A_408, %scan3A_341 : i32
        %add3A_410 = arith.constant 2 : i32
        %add3A_411 = arith.addi %mul3A_409, %add3A_410 : i32
        %mul3A_412 = arith.constant 32 : i32
        %mul3A_413 = arith.muli %add3A_411, %mul3A_412 : i32
        %dma_start3A_414 = tpu.memref_slice %arg23[%mul3A_413] : memref<512xi32, #tpu.memory_space<vmem>> -> memref<32xi32, #tpu.memory_space<vmem>>
        %dma_start3A_415 = arith.constant 0 : i32
        %dma_start3A_416 = arith.constant 0 : i32
        %dma_start3A_417 = tpu.memref_slice %arg3[%dma_start3A_415, %dma_start3A_416] : memref<65536x512xf32, #tpu.memory_space<hbm>> -> memref<65536x512xf32, #tpu.memory_space<hbm>>
        tpu.enqueue_indirect_dma source(%dma_start3A_417 : memref<65536x512xf32, #tpu.memory_space<hbm>>) target(%arg25 : memref<32x512xf32, #tpu.memory_space<vmem>>) offsets(%dma_start3A_414 : memref<32xi32, #tpu.memory_space<vmem>>) semaphore(%arg33 : memref<!tpu.dma_semaphore, #tpu.memory_space<semaphore_mem>>)
        %dma_wait3A_418 = arith.constant 0 : i32
        %dma_wait3A_419 = arith.constant 0 : i32
        %dma_wait3A_420 = tpu.memref_slice %arg5[%dma_wait3A_418, %dma_wait3A_419] : memref<16384x512xf32, #tpu.memory_space<hbm>> -> memref<32x512xf32, #tpu.memory_space<hbm>>
        %dma_wait3A_421 = arith.constant 0 : i32
        %dma_wait3A_422 = arith.constant 0 : i32
        %dma_wait3A_423 = tpu.memref_slice %arg5[%dma_wait3A_421, %dma_wait3A_422] : memref<16384x512xf32, #tpu.memory_space<hbm>> -> memref<32x512xf32, #tpu.memory_space<hbm>>
        tpu.wait_dma2 semaphore(%arg36 : memref<!tpu.dma_semaphore, #tpu.memory_space<semaphore_mem>>) src(%arg26 : memref<32x512xf32, #tpu.memory_space<vmem>>) dst(%dma_wait3A_423 : memref<32x512xf32, #tpu.memory_space<hbm>>)
        %mul3A_424 = arith.constant 2 : i32
        %mul3A_425 = arith.muli %mul3A_424, %scan3A_341 : i32
        %add3A_426 = arith.constant 3 : i32
        %add3A_427 = arith.addi %mul3A_425, %add3A_426 : i32
        %mul3A_428 = arith.constant 32 : i32
        %mul3A_429 = arith.muli %add3A_427, %mul3A_428 : i32
        %dma_start3A_430 = tpu.memref_slice %arg23[%mul3A_429] : memref<512xi32, #tpu.memory_space<vmem>> -> memref<32xi32, #tpu.memory_space<vmem>>
        %dma_start3A_431 = arith.constant 0 : i32
        %dma_start3A_432 = arith.constant 0 : i32
        %dma_start3A_433 = tpu.memref_slice %arg3[%dma_start3A_431, %dma_start3A_432] : memref<65536x512xf32, #tpu.memory_space<hbm>> -> memref<65536x512xf32, #tpu.memory_space<hbm>>
        tpu.enqueue_indirect_dma source(%dma_start3A_433 : memref<65536x512xf32, #tpu.memory_space<hbm>>) target(%arg26 : memref<32x512xf32, #tpu.memory_space<vmem>>) offsets(%dma_start3A_430 : memref<32xi32, #tpu.memory_space<vmem>>) semaphore(%arg34 : memref<!tpu.dma_semaphore, #tpu.memory_space<semaphore_mem>>)
      } else {
      }
      %scan3A_401 = arith.constant 0 : i32
      scf.yield %scan3A_401 : i32
    }
    %scan3A_328 = arith.constant 8 : i32
    %dma_wait3A_329 = arith.constant 0 : i32
    %dma_wait3A_330 = arith.constant 0 : i32
    %dma_wait3A_331 = tpu.memref_slice %arg5[%dma_wait3A_329, %dma_wait3A_330] : memref<16384x512xf32, #tpu.memory_space<hbm>> -> memref<32x512xf32, #tpu.memory_space<hbm>>
    %dma_wait3A_332 = arith.constant 0 : i32
    %dma_wait3A_333 = arith.constant 0 : i32
    %dma_wait3A_334 = tpu.memref_slice %arg5[%dma_wait3A_332, %dma_wait3A_333] : memref<16384x512xf32, #tpu.memory_space<hbm>> -> memref<32x512xf32, #tpu.memory_space<hbm>>
    tpu.wait_dma2 semaphore(%arg35 : memref<!tpu.dma_semaphore, #tpu.memory_space<semaphore_mem>>) src(%arg25 : memref<32x512xf32, #tpu.memory_space<vmem>>) dst(%dma_wait3A_334 : memref<32x512xf32, #tpu.memory_space<hbm>>)
    %dma_wait3A_335 = arith.constant 0 : i32
    %dma_wait3A_336 = arith.constant 0 : i32
    %dma_wait3A_337 = tpu.memref_slice %arg5[%dma_wait3A_335, %dma_wait3A_336] : memref<16384x512xf32, #tpu.memory_space<hbm>> -> memref<32x512xf32, #tpu.memory_space<hbm>>
    %dma_wait3A_338 = arith.constant 0 : i32
    %dma_wait3A_339 = arith.constant 0 : i32
    %dma_wait3A_340 = tpu.memref_slice %arg5[%dma_wait3A_338, %dma_wait3A_339] : memref<16384x512xf32, #tpu.memory_space<hbm>> -> memref<32x512xf32, #tpu.memory_space<hbm>>
    tpu.wait_dma2 semaphore(%arg36 : memref<!tpu.dma_semaphore, #tpu.memory_space<semaphore_mem>>) src(%arg26 : memref<32x512xf32, #tpu.memory_space<vmem>>) dst(%dma_wait3A_340 : memref<32x512xf32, #tpu.memory_space<hbm>>)
    return
  }
}

</mosaic_0001>

<sc_bundles>
// kernel: kernel.3.cloned.1.call-start
scs
__scs_entry_jumppad:
0x0: {  	(pc) =	sbr.rel $0x88, $3  }
0x1: {  	(tag) =	ssettag $0x0;
	lr =	simm.s32 $0x1  }
0x2: {  	[smem:$0x3F9E] =	sst lr;
	_ =	strace $0xD0000000  }
0x3: {  	_ = 	snop  }
0x4: {  	_ = 	snop  }
0x5: {  	_ = 	snop  }
0x6: {  	_ = 	snop  }
0x7: {  	_ = 	snop  }
__scs_overlays_trampoline_lowered:
0x8: {  	[smem:$0x3FAD] =	sst s0  }
0x9: {  	[smem:$0x3FAE] =	sst s1  }
0xa: {  	[smem:$0x3FAF] =	sst s2  }
0xb: {  	[smem:$0x3FB0] =	sst s3  }
0xc: {  	[smem:$0x3FB1] =	sst s4  }
0xd: {  	[smem:$0x3FB2] =	sst s5  }
0xe: {  	[smem:$0x3FB3] =	sst s6  }
0xf: {  	[smem:$0x3FB4] =	sst s7  }
0x10: {  	[smem:$0x3FB5] =	sst s8  }
0x11: {  	[smem:$0x3FB6] =	sst s9;
	s0 =	simm.s32 @!p0 $0x0  }
0x12: {  	s1 =	sld [smem:$0x3F9C];
	s0 =	simm.s32 @p0 $0x1  }
0x13: {  	[smem:$0x3FB7] =	sst s0;
	s0 =	simm.s32 @!p1 $0x0  }
0x14: {  	s2 =	sld [smem:$0x3F9B];
	s0 =	simm.s32 @p1 $0x1  }
0x15: {  	[smem:$0x3FB8] =	sst s0;
	s0 =	simm.s32 @!p2 $0x0  }
0x16: {  	s3 =	sld [smem:$0x3FDB];
	s0 =	simm.s32 @p2 $0x1  }
0x17: {  	s4 =	simm.s32 $0x1BF5;
	[smem:$0x3FBA] =	sst s0  }
0x18: {  	s0 =	sld [smem:$0x3F9D];
	_ =	swait.ge [sflag:s4], $0x0  }
0x19: {  	s7 =	sld [smem:$0x3F9E]  }
0x1a: {  	s8 =	sadd.s32 $0xFFFFE003, lr  }
0x1b: {  	s9 =	sadd.s32 $0xFFFFFEF7, lr;
	s5 =	simm.s32 $0xFFFFFFFF;
	p2 =	slt.u32 s8, $0xFFFFF086  }
0x1c: {  	p1 =	slt.u32 s9, $0xF7A;
	s5 =	simm.s32 @!p2 $0x0  }
0x1d: {  	s5 =	simm.s32 @p1 $0x1;
	p0 =	seq.s32 s7, s2  }
0x1e: {  	s7 =	smul.u32 @!p0 $0xF7A, s2;
	p2 =	seq.s32 @!p0 s5, $0x0  }
0x1f: {  	s9 =	smul.u32 $0xF7A, s1;
	s8 =	simm.s32 @!p0 $0x1BF5;
	p2 =	por !p2, p0  }
0x20: {  	[sflag:s8] =	ssyncset.s32 @!p0 $0xFFFFF086;
	s6 =	sadd.s32 @!p0 s3, s7;
	s7 =	simm.s32 @!p0 $0x108  }
0x21: {  	s3 =	sadd.s32 s3, s9;
	s6 =	sadd.s32 @!p0 $0x88, s6;
	s7 =	simm.s32 @p2 $0x1082  }
0x22: {  	[simem:s7], [sflag:s8] =	dma.local @!p0 [hbm:s6], $0xF7A  }
0x23: {  	s9 =	sor.u32 $0xD0000000, s2;
	s6 =	simm.s32 $0x108;
	_ =	swait.ge @!p0 [sflag:s8], $0x0  }
0x24: {  	s3 =	sadd.s32 $0x88, s3;
	s6 =	simm.s32 @!p1 $0x1082;
	[sflag:s4] =	ssyncset.s32 $0xFFFFF086  }
0x25: {  	[simem:s6], [sflag:s4] =	dma.local [hbm:s3], $0xF7A  }
0x26: {  	[smem:$0x3F9E] =	sst s1;
	(tag) =	ssettag s2;
	_ =	strace s9  }
0x27: {  	s1 =	sld [smem:$0x3FAE]  }
0x28: {  	s2 =	sld [smem:$0x3FAF]  }
0x29: {  	s4 =	sld [smem:$0x3FB1]  }
0x2a: {  	p0 =	seq.s32 s5, $0x0;
	s5 =	sld [smem:$0x3FB2]  }
0x2b: {  	s6 =	sld [smem:$0x3FB3]  }
0x2c: {  	s7 =	sld [smem:$0x3FB4]  }
0x2d: {  	s3 =	simm.s32 $0x108;
	s8 =	sld [smem:$0x3FB5]  }
0x2e: {  	s3 =	simm.s32 @!p0 $0x1082;
	s9 =	sld [smem:$0x3FB6]  }
0x2f: {  	lr =	sadd.s32 s0, s3;
	s0 =	sld [smem:$0x3FAD]  }
0x30: {  	s3 =	sld [smem:$0x3FB0]  }
0x31: {  	[smem:$0x3FB9] =	sst s10  }
0x32: {  	s10 =	sld [smem:$0x3FB7];
	_ =	sdelay $0x3  }
0x33: {  	p0 =	seq.s32 s10, $0x1;
	s10 =	sld [smem:$0x3FB9];
	_ =	sdelay $0x3  }
0x34: {  	[smem:$0x3FB9] =	sst s10  }
0x35: {  	s10 =	sld [smem:$0x3FB8];
	_ =	sdelay $0x3  }
0x36: {  	p1 =	seq.s32 s10, $0x1;
	s10 =	sld [smem:$0x3FB9];
	_ =	sdelay $0x3  }
0x37: {  	[smem:$0x3FB9] =	sst s10  }
0x38: {  	s10 =	sld [smem:$0x3FBA]  }
0x39: {  	_ = 	snop;
	(pc) =	sbr.ind lr, $3  }
0x3a: {  	_ = 	snop  }
0x3b: {  	_ = 	snop  }
0x3c: {  	p2 =	seq.s32 s10, $0x1;
	s10 =	sld [smem:$0x3FB9]  }
0x3d: {  	_ =	shalt  }
0x3e: {  	_ =	shalt  }
0x3f: {  	_ =	shalt  }
0x40: {  	_ =	shalt  }
0x41: {  	_ =	shalt  }
0x42: {  	_ =	shalt  }
0x43: {  	_ =	shalt  }
0x44: {  	_ =	shalt  }
0x45: {  	_ =	shalt  }
0x46: {  	_ =	shalt  }
0x47: {  	_ =	shalt  }
0x48: {  	_ =	shalt  }
0x49: {  	_ =	shalt  }
0x4a: {  	_ =	shalt  }
0x4b: {  	_ =	shalt  }
0x4c: {  	_ =	shalt  }
0x4d: {  	_ =	shalt  }
0x4e: {  	_ =	shalt  }
0x4f: {  	_ =	shalt  }
0x50: {  	_ =	shalt  }
0x51: {  	_ =	shalt  }
0x52: {  	_ =	shalt  }
0x53: {  	_ =	shalt  }
0x54: {  	_ =	shalt  }
0x55: {  	_ =	shalt  }
0x56: {  	_ =	shalt  }
0x57: {  	_ =	shalt  }
0x58: {  	_ =	shalt  }
0x59: {  	_ =	shalt  }
0x5a: {  	_ =	shalt  }
0x5b: {  	_ =	shalt  }
0x5c: {  	_ =	shalt  }
0x5d: {  	_ =	shalt  }
0x5e: {  	_ =	shalt  }
0x5f: {  	_ =	shalt  }
0x60: {  	_ =	shalt  }
0x61: {  	_ =	shalt  }
0x62: {  	_ =	shalt  }
0x63: {  	_ =	shalt  }
0x64: {  	_ =	shalt  }
0x65: {  	_ =	shalt  }
0x66: {  	_ =	shalt  }
0x67: {  	_ =	shalt  }
0x68: {  	_ =	shalt  }
0x69: {  	_ =	shalt  }
0x6a: {  	_ =	shalt  }
0x6b: {  	_ =	shalt  }
0x6c: {  	_ =	shalt  }
0x6d: {  	_ =	shalt  }
0x6e: {  	_ =	shalt  }
0x6f: {  	_ =	shalt  }
0x70: {  	_ =	shalt  }
0x71: {  	_ =	shalt  }
0x72: {  	_ =	shalt  }
0x73: {  	_ =	shalt  }
0x74: {  	_ =	shalt  }
0x75: {  	_ =	shalt  }
0x76: {  	_ =	shalt  }
0x77: {  	_ =	shalt  }
0x78: {  	_ =	shalt  }
0x79: {  	_ =	shalt  }
0x7a: {  	_ =	shalt  }
0x7b: {  	_ =	shalt  }
0x7c: {  	_ =	shalt  }
0x7d: {  	_ =	shalt  }
0x7e: {  	_ =	shalt  }
0x7f: {  	_ =	shalt  }
0x80: {  	_ =	shalt  }
0x81: {  	_ =	shalt  }
0x82: {  	_ =	shalt  }
0x83: {  	_ =	shalt  }
0x84: {  	_ =	shalt  }
0x85: {  	_ =	shalt  }
0x86: {  	_ =	shalt  }
0x87: {  	_ =	shalt  }
.Lfunc_end0:
.L_simem_size_0:
called_computation_lowered:
.L_overlay_start_0:
0x88: {  	s2 =	sld [smem:$0x3FD9]  }
0x89: {  	s3 =	sld [smem:$0x3FFE];
	_ =	sdelay $0x1  }
0x8a: {  	s1 =	srdreg.scid  }
0x8b: {  	s0 =	sand.u32 $0x1, s1  }
0x8c: {  	s14 =	sshll.u32 s0, $0xA;
	s2 =	sadd.s32 s3, s2  }
0x8d: {  	s2 =	sadd.s32 s2, s14  }
0x8e: {  	[smem:$0x3FC5] =	sst s2  }
0x8f: {  	_ = 	snop  }
0x90: {  	s2 =	sld [smem:$0x3FD0];
	_ =	sdelay $0x2  }
0x91: {  	s4 =	simm.s32 $0xA;
	s5 =	simm.s32 $0x10;
	s15 =	sld [smem:$0x3FC8]  }
0x92: {  	[smem:s5], [sflag:s4] =	dma.local [hbm:s2], $0x1  }
0x93: {  	_ =	swait.eq [sflag:s4], $0x1  }
0x94: {  	[sflag:s4] =	ssyncset.done $0x0  }
0x95: {  	s16 =	sld [smem:$0x10];
	[sflag:s4] =	ssyncadd.s32 $0xFFFFFFFF  }
0x96: {  	s17 =	sld [smem:$0x11];
	(tm) =	ssettm $0x1  }
0x97: {  	s18 =	sld [smem:$0x3FFB];
	_ =	sdelay $0x3  }
0x98: {  	_ =	strace s18  }
0x99: {  	s5 =	sld [smem:$0x3FFC];
	_ =	sdelay $0x3  }
0x9a: {  	_ =	strace s5  }
0x9b: {  	s5 =	sld [smem:$0x3FFD];
	_ =	sdelay $0x3  }
0x9c: {  	_ =	strace s5  }
0x9d: {  	_ =	strace $0x8FFFFFFF  }
0x9e: {  	s19 =	sld [smem:$0x3FDB];
	_ =	sdelay $0x1  }
0x9f: {  	s6 =	simm.s32 $_scs_section_size  }
0xa0: {  	s7 =	simm.s32 $_size__tile_overlayer_lowered;
	s8 =	simm.s32 $_tile_overlayer_lowered  }
0xa1: {  	s22 =	simm.s32 $0x1BFF;
	s21 =	sshll.u32 s8, $0x1;
	s5 =	sadd.s32 s6, s19  }
0xa2: {  	s9 =	simm.s32 $0x0;
	s20 =	sshll.u32 s7, $0x1;
	s7 =	sadd.s32 s21, s5  }
0xa3: {  	[timem:s9], [sflag:s22] =	dma.local [hbm:s7], s20  }
0xa4: {  	_ =	swait.ge [sflag:s22], s20  }
0xa5: {  	s6 =	ssub.s32 $0x0, s20;
	[sflag:s22] =	ssyncset.done $0x0  }
0xa6: {  	[sflag:s22] =	ssyncadd.s32 s6;
	_ =	sdelay $0x1  }
0xa7: {  	s23 =	simm.s32 $0x1B8B  }
0xa8: {  	_ =	swait.ge [sflag:s23], $0x1  }
0xa9: {  	[sflag:s23] =	ssyncset.done $0x0  }
0xaa: {  	s25 =	simm.s32 $0x1B8E;
	s24 =	sld [smem:$0x3FFE];
	[sflag:s23] =	ssyncadd.s32 $0xFFFFFFFF  }
0xab: {  	s26 =	simm.s32 $execute0_lowered;
	[smem:$0x3FD2] =	sst s25  }
0xac: {  	s7 =	sshll.u32 s26, $0x1;
	_ =	strace $0x80000046;
	[dreg:$0x1] =	wrdreg $0xFFFFFFFF  }
0xad: {  	s28 =	simm.s32 $_size_execute0_lowered;
	s5 =	sadd.s32 s5, s7;
	[dreg:$0x0] =	wrdreg $0x0  }
0xae: {  	s7 =	sshll.u32 s28, $0x1;
	[dreg:$0x2] =	wrdreg s5  }
0xaf: {  	[dreg:$0x3] =	wrdreg s7  }
0xb0: {  	[dreg:$0x4] =	wrdreg $0xC0  }
0xb1: {  	_ =	task [dreg:s9], $0x5FFFF  }
0xb2: {  	[dreg:$0x1] =	wrdreg $0xFFFFFFFF  }
0xb3: {  	[dreg:$0x0] =	wrdreg $0x60  }
0xb4: {  	[dreg:$0x2] =	wrdreg s24  }
0xb5: {  	[dreg:$0x3] =	wrdreg s15  }
0xb6: {  	[dreg:$0x4] =	wrdreg s16  }
0xb7: {  	[dreg:$0x5] =	wrdreg s17  }
0xb8: {  	[dreg:$0x6] =	wrdreg $0x18E000  }
0xb9: {  	[dreg:$0x7] =	wrdreg $0x18F100  }
0xba: {  	[dreg:$0x8] =	wrdreg $0x197100  }
0xbb: {  	[dreg:$0x9] =	wrdreg $0x18F000  }
0xbc: {  	[dreg:$0xa] =	wrdreg $0x19F100  }
0xbd: {  	[dreg:$0xb] =	wrdreg $0x1A1100  }
0xbe: {  	[dreg:$0xc] =	wrdreg $0x9  }
0xbf: {  	_ =	task.clear_ibuf [dreg:s9], $0xDFFFF;
	_ =	strace $0x90000046  }
0xc0: {  	s29 =	simm.s32 $0x9;
	_ =	strace $0x80000052  }
0xc1: {  	_ =	swait.ge [sflag:s29], $0x1  }
0xc2: {  	[sflag:s29] =	ssyncadd.s32 $0xFFFFFFFF  }
0xc3: {  	_ =	strace $0x90000052  }
0xc4: {  	_ =	sfence  }
0xc5: {  	s30 =	sld [smem:$0x0];
	_ =	sdelay $0x2  }
0xc6: {  	s31 =	sshll.u32 s1, $0xD;
	s1 =	sshrl.u32 s1, $0x2  }
0xc7: {  	s3 =	sand.u32 $0x4000, s31;
	s1 =	sadd.s32 s1, s30  }
0xc8: {  	s0 =	sor.u32 s3, s0;
	s1 =	sshll.u32 s1, $0x11  }
0xc9: {  	s0 =	sor.u32 s1, s0  }
0xca: {  	s0 =	sadd.s32 $0x8F2B, s0  }
0xcb: {  	[sflag:s0] =	ssyncadd.remote.s32 $0x1  }
0xcc: {  	_ =	sfence.sel $0xFFFF  }
0xcd: {  	[dreg:$0x0] =	wrdreg $0xFFFFFFFF;
	(pc) =	sbr.abs _section_cstart, $3  }
0xce: {  	[dreg:$0x1] =	wrdreg $0xFFFFFFFF  }
0xcf: {  	_ =	task.clear_ibuf [dreg:s9], $0x2FFFF;
	_ =	strace $0x9FFFFFFF  }
0xd0: {  	(tm) =	ssettm $0x7FFFFFFF  }
0xd1: {  	_ =	shalt  }
tec
execute0_lowered:
.L_overlay_start_1:
0x0: {  	(tag) =	ssettag $0x1  }
0x1: {  	s0 =	rddreg [dreg:$0x0]  }
0x2: {  	s1 =	rddreg [dreg:$0x1]  }
0x3: {  	s2 =	rddreg [dreg:$0x2]  }
0x4: {  	s4 =	rddreg [dreg:$0x3]  }
0x5: {  	s6 =	rddreg [dreg:$0x4]  }
0x6: {  	s8 =	rddreg [dreg:$0x5]  }
0x7: {  	s11 =	rddreg [dreg:$0x6]  }
0x8: {  	s13 =	rddreg [dreg:$0x7]  }
0x9: {  	s3 =	srdreg.scid;
	s15 =	rddreg [dreg:$0x8]  }
0xa: {  	s20 =	stileid.u32;
	s17 =	rddreg [dreg:$0x9]  }
0xb: {  	s29 =	simm.s32 $0x6;
	s30 =	simm.s32 $0xA200;
	s5 =	sand.u32 $0x1, s3  }
0xc: {  	s7 =	sshrl.u32 s20, $0x2;
	s9 =	sand.u32 $0x3, s20;
	s25 =	sshll.u32 s20, $0x8  }
0xd: {  	s21 =	sshll.u32 s20, $0xB;
	s3 =	sshll.u32 s5, $0x2;
	s12 =	sshll.u32 s9, $0xB  }
0xe: {  	s5 =	ssub.s32 $0x2, s5;
	s26 =	sshll.u32 s7, $0xA;
	s22 =	sadd.s32 s25, s6  }
0xf: {  	s23 =	sadd.s32 s21, s8;
	s25 =	sshll.u32 s20, $0x4;
	s20 =	sshll.u32 s7, $0xD  }
0x10: {  	s10 =	sor.u32 s7, s3;
	s24 =	sshrl.u32 s5, $0x1;
	[dreg:$0xd] =	wrdreg s23  }
0x11: {  	s8 =	sadd.s32 s20, s8;
	s3 =	sshll.u32 s10, $0xD;
	s16 =	sshll.u32 s10, $0xA  }
0x12: {  	s18 =	sshll.u32 s10, $0x8;
	s5 =	ssub.s32 s5, s24;
	s24 =	sadd.s32 s26, s6  }
0x13: {  	s26 =	sshll.u32 s7, $0x6;
	s6 =	sadd.s32 s21, s11;
	s10 =	sshll.u32 s10, $0xB  }
0x14: {  	s21 =	sshll.u32 s9, $0x9;
	[dreg:$0x11] =	wrdreg s8;
	s7 =	sshll.u32 s7, $0xB  }
0x15: {  	s14 =	sor.u32 s12, s3;
	s19 =	sadd.s32 s16, s0;
	[dreg:$0xe] =	wrdreg s6  }
0x16: {  	s16 =	sadd.s32 s25, s13;
	s10 =	sor.u32 s21, s10;
	s23 =	sor.u32 s21, s7  }
0x17: {  	s14 =	sshrl.u32 s14, $0x3;
	[dreg:$0xf] =	wrdreg s16;
	s6 =	sadd.s32 s23, s17  }
0x18: {  	s16 =	simm.s32 $0x0;
	s14 =	sadd.s32 s14, s0;
	[dreg:$0x16] =	wrdreg s6  }
0x19: {  	s0 =	sadd.s32 s18, s0;
	s18 =	sadd.s32 s26, s13;
	[smem:$0x7FF] =	sst s16  }
0x1a: {  	s25 =	smul.u32 $0x3, s10;
	s26 =	sadd.s32 s7, s15;
	[dreg:$0x10] =	wrdreg s18  }
0x1b: {  	s31 =	simm.s32 $0x6000;
	s7 =	sadd.s32 s7, s17;
	[dreg:$0x13] =	wrdreg s26  }
0x1c: {  	s13 =	sadd.s32 s23, s15;
	[dreg:$0x14] =	wrdreg s7;
	s15 =	sshrl.u32 s25, $0x3  }
0x1d: {  	s28 =	simm.s32 $0x8C80;
	[dreg:$0x15] =	wrdreg s13;
	s4 =	sadd.s32 s4, s15  }
0x1e: {  	s11 =	sadd.s32 s20, s11;
	s18 =	sadd.s32 $0x800, s14;
	[dreg:$0x17] =	wrdreg s4  }
0x1f: {  	s20 =	sadd.s32 $0x2800, s19;
	_ =	strace $0x80000047;
	[dreg:$0x18] =	wrdreg s18  }
0x20: {  	p0 =	sne.s32 s9, $0x0;
	s21 =	sadd.s32 $0x4800, s19;
	[dreg:$0x19] =	wrdreg s20  }
0x21: {  	s8 =	simm.s32 $0x7;
	s23 =	sadd.s32 $0x6800, s19;
	[dreg:$0x1a] =	wrdreg s21  }
0x22: {  	s17 =	simm.s32 $0x10200;
	s0 =	sadd.s32 $0x8800, s0;
	[dreg:$0x1b] =	wrdreg s23  }
0x23: {  	s6 =	simm.s32 $0x0;
	s25 =	smax.u32 s5, $0x1;
	[dreg:$0x1c] =	wrdreg s0  }
0x24: {  	s26 =	sor.u32 $0x30, s12;
	s14 =	simm.s32 $0x4000;
	[dreg:$0x1d] =	wrdreg s25  }
0x25: {  	s13 =	simm.s32 $0x2000;
	s12 =	simm.s32 $0x8400;
	[dreg:$0x1e] =	wrdreg s26  }
0x26: {  	s5 =	simm.s32 $0x10C00;
	s26 =	sadd.s32 $0x100, s1;
	[dreg:$0xb] =	wrdreg s22  }
0x27: {  	v1 =	vlaneseq.u32;
	v2 =	vimm.s32 $0x0;
	s0 =	simm.s32 $0x8000;
	s25 =	simm.s32 $0x9D00;
	[dreg:$0xc] =	wrdreg s24  }
0x28: {  	v3 =	vimm.s32 $0x1;
	v4 =	vor.u32 $0x100, v1;
	v0 =	vmov s3;
	s23 =	simm.s32 $0x1;
	s18 =	simm.s32 $0x2;
	[dreg:$0x12] =	wrdreg s11  }
.LBB2_1:
0x29: {  	[dreg:$0x1f] =	wrdreg s6  }
0x2a: {  	s3 =	rddreg [dreg:$0x18];
	s4 =	simm.s32 $0x9500  }
0x2b: {  	[tilespmem:s4], [sflag:$0x6] =	stream.linear.gather [hbm4b:s3+s16], $0x800, $0x38;
	[tilespmem:$0x1A310] =	vst v63  }
0x2c: {  	_ =	swait.ge [sflag:s29], $0x800  }
0x2d: {  	[sflag:s29] =	ssyncset.done $0x0  }
0x2e: {  	s21 =	rddreg [dreg:$0x19];
	[sflag:s29] =	ssyncadd.s32 $0xFFFFF800  }
0x2f: {  	[tilespmem:s30], [sflag:$0x5] =	stream.linear.gather [hbm4b:s21+s16], $0x2000, $0x38;
	[tilespmem:$0x1A310] =	vst v63  }
0x30: {  	s6 =	simm.s32 $0xC200;
	s4 =	rddreg [dreg:$0x1a]  }
0x31: {  	[tilespmem:s6], [sflag:$0x5] =	stream.linear.gather [hbm4b:s4+s16], $0x2000, $0x38;
	[tilespmem:$0x1A310] =	vst v63  }
0x32: {  	s9 =	simm.s32 $0xE200;
	s7 =	rddreg [dreg:$0x1b]  }
0x33: {  	[tilespmem:s9], [sflag:$0x5] =	stream.linear.gather [hbm4b:s7+s16], $0x2000, $0x38;
	[tilespmem:$0x1A310] =	vst v63  }
0x34: {  	s11 =	simm.s32 $0x9520;
	_ =	strace $0x80000048  }
0x35: {  	v5 =	vld [tilespmem:s11+$0xFFFFFFE0];
	_ =	sdelay $0x4  }
0x36: {  	s15 =	rddreg [dreg:$0x1e];
	vm0 =	vlt.s32 v5, $0x0;
	v6 =	vandn.u32 $0x7FFFFFFF, v5  }
0x37: {  	s19 =	simm.s32 $0x20;
	s7 =	sadd.s32 $0xFFFFFFD0, s15;
	v5 =	vsel vm0, v5, v6  }
0x38: {  	s3 =	simm.s32 $0x2020;
	[tilespmem:s19+$0xFFFFFFE0] =	vst v5;
	v5 =	vor.u32 s7, v1  }
0x39: {  	[tilespmem:s3+$0xFFFFFFE0] =	vst v5  }
0x3a: {  	v5 =	vld [tilespmem:s11+$0xFFFFFFF0];
	_ =	sdelay $0x4  }
0x3b: {  	vm13 =	vlt.s32 v5, $0x0;
	v6 =	vandn.u32 $0x7FFFFFFF, v5  }
0x3c: {  	s20 =	sadd.s32 $0xFFFFFFE0, s15;
	v5 =	vsel vm13, v5, v6  }
0x3d: {  	[tilespmem:s19+$0xFFFFFFF0] =	vst v5;
	v5 =	vor.u32 s20, v1  }
0x3e: {  	[tilespmem:s3+$0xFFFFFFF0] =	vst v5  }
0x3f: {  	v5 =	vld [tilespmem:s11+$0x0];
	_ =	sdelay $0x4  }
0x40: {  	vm14 =	vlt.s32 v5, $0x0;
	v6 =	vandn.u32 $0x7FFFFFFF, v5  }
0x41: {  	s21 =	sadd.s32 $0xFFFFFFF0, s15;
	v5 =	vsel vm14, v5, v6  }
0x42: {  	[tilespmem:s19+$0x0] =	vst v5;
	v5 =	vor.u32 s21, v1  }
0x43: {  	[tilespmem:s3+$0x0] =	vst v5  }
0x44: {  	v5 =	vld [tilespmem:s11+$0x10];
	_ =	sdelay $0x4  }
0x45: {  	vm15 =	vlt.s32 v5, $0x0;
	v6 =	vandn.u32 $0x7FFFFFFF, v5  }
0x46: {  	v5 =	vsel vm15, v5, v6  }
0x47: {  	s4 =	simm.s32 $0x0;
	s6 =	simm.s32 $0x9560;
	s7 =	simm.s32 $0x60;
	[tilespmem:s19+$0x10] =	vst v5;
	v5 =	vor.u32 s15, v1  }
.LBB2_2:
0x48: {  	s4 =	sadd.s32 $0x4, s4;
	[tilespmem:s3+$0x10] =	vst v5;
	s15 =	sadd.s32 $0x40, s15;
	s3 =	sadd.s32 $0x40, s3  }
0x49: {  	v5 =	vld [tilespmem:s6+$0xFFFFFFE0];
	p1 =	slt.u32 s4, $0x7C;
	_ =	sdelay $0x4  }
0x4a: {  	vm0 =	vlt.s32 v5, $0x0;
	v6 =	vandn.u32 $0x7FFFFFFF, v5  }
0x4b: {  	s9 =	sadd.s32 $0xFFFFFFD0, s15;
	v5 =	vsel vm0, v5, v6  }
0x4c: {  	[tilespmem:s7+$0xFFFFFFE0] =	vst v5;
	v5 =	vor.u32 s9, v1  }
0x4d: {  	[tilespmem:s3+$0xFFFFFFE0] =	vst v5  }
0x4e: {  	v5 =	vld [tilespmem:s6+$0xFFFFFFF0];
	_ =	sdelay $0x4  }
0x4f: {  	vm0 =	vlt.s32 v5, $0x0;
	v6 =	vandn.u32 $0x7FFFFFFF, v5  }
0x50: {  	s9 =	sadd.s32 $0xFFFFFFE0, s15;
	v5 =	vsel vm0, v5, v6  }
0x51: {  	[tilespmem:s7+$0xFFFFFFF0] =	vst v5;
	v5 =	vor.u32 s9, v1  }
0x52: {  	[tilespmem:s3+$0xFFFFFFF0] =	vst v5  }
0x53: {  	v5 =	vld [tilespmem:s6+$0x0];
	_ =	sdelay $0x4  }
0x54: {  	vm0 =	vlt.s32 v5, $0x0;
	v6 =	vandn.u32 $0x7FFFFFFF, v5  }
0x55: {  	s9 =	sadd.s32 $0xFFFFFFF0, s15;
	v5 =	vsel vm0, v5, v6  }
0x56: {  	[tilespmem:s7+$0x0] =	vst v5;
	v5 =	vor.u32 s9, v1  }
0x57: {  	[tilespmem:s3+$0x0] =	vst v5  }
0x58: {  	v5 =	vld [tilespmem:s6+$0x10];
	_ =	sdelay $0x2  }
.Ltmp0:
0x59: {  	(pc) =	sbr.rel @p1 .LBB2_2-.Ltmp0, $4  }
0x5a: {  	_ = 	snop  }
0x5b: {  	vm0 =	vlt.s32 v5, $0x0;
	v6 =	vandn.u32 $0x7FFFFFFF, v5  }
0x5c: {  	v5 =	vsel vm0, v5, v6  }
0x5d: {  	s6 =	sadd.s32 $0x40, s6;
	[tilespmem:s7+$0x10] =	vst v5;
	v5 =	vor.u32 s15, v1;
	s7 =	sadd.s32 $0x40, s7  }
0x5e: {  	[tilespmem:s3+$0x10] =	vst v5  }
0x5f: {  	_ =	strace $0x90000048  }
0x60: {  	_ =	strace $0x80000049;
	[tilespmem:$0x8000] =	vst v2  }
0x61: {  	[tilespmem:$0x8010] =	vst v2  }
0x62: {  	[tilespmem:$0x8020] =	vst v2  }
0x63: {  	[tilespmem:$0x8030] =	vst v2  }
0x64: {  	[tilespmem:$0x8040] =	vst v2  }
0x65: {  	[tilespmem:$0x8050] =	vst v2  }
0x66: {  	[tilespmem:$0x8060] =	vst v2  }
0x67: {  	[tilespmem:$0x8070] =	vst v2  }
0x68: {  	[tilespmem:$0x8080] =	vst v2  }
0x69: {  	[tilespmem:$0x8090] =	vst v2  }
0x6a: {  	[tilespmem:$0x80A0] =	vst v2  }
0x6b: {  	[tilespmem:$0x80B0] =	vst v2  }
0x6c: {  	[tilespmem:$0x80C0] =	vst v2  }
0x6d: {  	[tilespmem:$0x80D0] =	vst v2  }
0x6e: {  	[tilespmem:$0x80E0] =	vst v2  }
0x6f: {  	[tilespmem:$0x80F0] =	vst v2  }
0x70: {  	[tilespmem:$0x8100] =	vst v2  }
0x71: {  	[tilespmem:$0x8110] =	vst v2  }
0x72: {  	[tilespmem:$0x8120] =	vst v2  }
0x73: {  	[tilespmem:$0x8130] =	vst v2  }
0x74: {  	[tilespmem:$0x8140] =	vst v2  }
0x75: {  	[tilespmem:$0x8150] =	vst v2  }
0x76: {  	[tilespmem:$0x8160] =	vst v2  }
0x77: {  	[tilespmem:$0x8170] =	vst v2  }
0x78: {  	[tilespmem:$0x8180] =	vst v2  }
0x79: {  	[tilespmem:$0x8190] =	vst v2  }
0x7a: {  	[tilespmem:$0x81A0] =	vst v2  }
0x7b: {  	[tilespmem:$0x81B0] =	vst v2  }
0x7c: {  	[tilespmem:$0x81C0] =	vst v2  }
0x7d: {  	[tilespmem:$0x81D0] =	vst v2  }
0x7e: {  	[tilespmem:$0x81E0] =	vst v2  }
0x7f: {  	s3 =	simm.s32 $0xFFFFFFFC;
	s4 =	simm.s32 $0x20;
	[tilespmem:$0x81F0] =	vst v2  }
.LBB2_4:
0x80: {  	v5 =	vld [tilespmem:s4+$0xFFFFFFE0];
	_ =	sdelay $0x4  }
0x81: {  	v5 =	vshrl.u32 v5, $0x18;
	_ =	sdelay $0x4  }
0x82: {  	[tilespmem:v5+s0+$0x0] =	vst.idx.add.s32.msk $0xffff, v3  }
0x83: {  	v5 =	vld [tilespmem:s4+$0xFFFFFFF0];
	_ =	sdelay $0x4  }
0x84: {  	v5 =	vshrl.u32 v5, $0x18;
	_ =	sdelay $0x4  }
0x85: {  	[tilespmem:v5+s0+$0x0] =	vst.idx.add.s32.msk $0xffff, v3  }
0x86: {  	v5 =	vld [tilespmem:s4+$0x0];
	_ =	sdelay $0x4  }
0x87: {  	v5 =	vshrl.u32 v5, $0x18;
	_ =	sdelay $0x4  }
0x88: {  	[tilespmem:v5+s0+$0x0] =	vst.idx.add.s32.msk $0xffff, v3  }
0x89: {  	v5 =	vld [tilespmem:s4+$0x10];
	_ =	sdelay $0x3  }
0x8a: {  	s3 =	sadd.s32 $0x4, s3  }
0x8b: {  	p1 =	slt.u32 s3, $0x7C;
	v5 =	vshrl.u32 v5, $0x18  }
.Ltmp1:
0x8c: {  	_ = 	snop;
	(pc) =	sbr.rel @p1 .LBB2_4-.Ltmp1, $2  }
0x8d: {  	_ =	sdelay $0x2  }
0x8e: {  	s4 =	sadd.s32 $0x40, s4;
	[tilespmem:v5+s0+$0x0] =	vst.idx.add.s32.msk $0xffff, v3  }
0x8f: {  	[spmem:s22] =	stream.linear.scatter [tilespmem:s0], [sflag:$0x6], $0x100, $0x200038;
	[tilespmem:$0x1A310] =	vst v63  }
0x90: {  	_ =	swait.ge [sflag:s29], $0x100  }
0x91: {  	[sflag:s29] =	ssyncset.done $0x0  }
0x92: {  	[sflag:s29] =	ssyncadd.s32 $0xFFFFFF00  }
0x93: {  	[bflag:$0x0] =	sbarrier.arrive $0xFFFF  }
0x94: {  	[tilespmem:s25], [sflag:$0x6] =	stream.linear.gather [spmem:s24], $0x400, $0x200038;
	[tilespmem:$0x1A310] =	vst v63  }
0x95: {  	_ =	swait.ge [sflag:s29], $0x400  }
0x96: {  	[sflag:s29] =	ssyncset.done $0x0  }
0x97: {  	[sflag:s29] =	ssyncadd.s32 $0xFFFFFC00  }
0x98: {  	v5 =	vld [tilespmem:$0x9D00]  }
0x99: {  	v6 =	vld [tilespmem:$0x9E00]  }
0x9a: {  	v7 =	vld [tilespmem:$0x9F00]  }
0x9b: {  	v8 =	vld [tilespmem:$0xA000]  }
0x9c: {  	v9 =	vld [tilespmem:$0x9D10]  }
0x9d: {  	v10 =	vld [tilespmem:$0x9E10]  }
0x9e: {  	v11 =	vld [tilespmem:$0x9F10]  }
0x9f: {  	v12 =	vld [tilespmem:$0xA010]  }
0xa0: {  	v13 =	vld [tilespmem:$0x9D20]  }
0xa1: {  	v14 =	vld [tilespmem:$0x9E20]  }
0xa2: {  	v15 =	vld [tilespmem:$0x9F20]  }
0xa3: {  	v16 =	vld [tilespmem:$0xA020]  }
0xa4: {  	v17 =	vld [tilespmem:$0x9D30]  }
0xa5: {  	v18 =	vld [tilespmem:$0x9E30]  }
0xa6: {  	v19 =	vld [tilespmem:$0x9F30]  }
0xa7: {  	v20 =	vld [tilespmem:$0xA030]  }
0xa8: {  	v21 =	vld [tilespmem:$0x9D40]  }
0xa9: {  	v22 =	vld [tilespmem:$0x9E40]  }
0xaa: {  	v23 =	vld [tilespmem:$0x9F40]  }
0xab: {  	v24 =	vld [tilespmem:$0xA040]  }
0xac: {  	v25 =	vld [tilespmem:$0x9D50]  }
0xad: {  	v26 =	vld [tilespmem:$0x9E50]  }
0xae: {  	v27 =	vld [tilespmem:$0x9F50]  }
0xaf: {  	v28 =	vld [tilespmem:$0xA050]  }
0xb0: {  	v29 =	vld [tilespmem:$0x9D60]  }
0xb1: {  	v30 =	vld [tilespmem:$0x9E60]  }
0xb2: {  	v31 =	vld [tilespmem:$0x9F60]  }
0xb3: {  	v32 =	vld [tilespmem:$0xA060]  }
0xb4: {  	v33 =	vld [tilespmem:$0x9D70]  }
0xb5: {  	v34 =	vld [tilespmem:$0x9E70]  }
0xb6: {  	v35 =	vld [tilespmem:$0x9F70]  }
0xb7: {  	v36 =	vld [tilespmem:$0xA070]  }
0xb8: {  	v37 =	vld [tilespmem:$0x9D80]  }
0xb9: {  	v38 =	vld [tilespmem:$0x9E80]  }
0xba: {  	v39 =	vld [tilespmem:$0x9F80]  }
0xbb: {  	v40 =	vld [tilespmem:$0xA080]  }
0xbc: {  	v41 =	vld [tilespmem:$0x9D90]  }
0xbd: {  	v42 =	vld [tilespmem:$0x9E90]  }
0xbe: {  	v43 =	vld [tilespmem:$0x9F90]  }
0xbf: {  	v44 =	vld [tilespmem:$0xA090]  }
0xc0: {  	v45 =	vld [tilespmem:$0x9DA0]  }
0xc1: {  	v46 =	vld [tilespmem:$0x9EA0]  }
0xc2: {  	v47 =	vld [tilespmem:$0x9FA0]  }
0xc3: {  	v48 =	vld [tilespmem:$0xA0A0]  }
0xc4: {  	v49 =	vld [tilespmem:$0x9DB0]  }
0xc5: {  	v50 =	vld [tilespmem:$0x9EB0]  }
0xc6: {  	v51 =	vld [tilespmem:$0x9FB0]  }
0xc7: {  	v52 =	vld [tilespmem:$0xA0B0]  }
0xc8: {  	v53 =	vld [tilespmem:$0x9DC0]  }
0xc9: {  	v54 =	vld [tilespmem:$0x9EC0]  }
0xca: {  	v55 =	vld [tilespmem:$0x9FC0]  }
0xcb: {  	v56 =	vld [tilespmem:$0x9DE0];
	v5 =	vadd.s32 v5, v6  }
0xcc: {  	v57 =	vld [tilespmem:$0x9EE0];
	v5 =	vadd.s32 v7, v5;
	v7 =	vadd.s32 v9, v10  }
0xcd: {  	v58 =	vld [tilespmem:$0x9FE0];
	v5 =	vadd.s32 v8, v5;
	v7 =	vadd.s32 v11, v7;
	v8 =	vadd.s32 v13, v14  }
0xce: {  	v59 =	vld [tilespmem:$0xA0E0];
	[tilespmem:$0x8000] =	vst v5;
	v5 =	vadd.s32 v12, v7;
	v7 =	vadd.s32 v15, v8;
	v8 =	vadd.s32 v17, v18  }
0xcf: {  	v60 =	vld [tilespmem:$0x9DF0];
	[tilespmem:$0x8010] =	vst v5;
	v5 =	vadd.s32 v16, v7;
	v7 =	vadd.s32 v19, v8;
	v8 =	vadd.s32 v21, v22  }
0xd0: {  	v61 =	vld [tilespmem:$0x9EF0];
	[tilespmem:$0x8020] =	vst v5;
	v5 =	vadd.s32 v20, v7;
	v7 =	vadd.s32 v23, v8;
	v8 =	vadd.s32 v25, v26  }
0xd1: {  	v6 =	vld [tilespmem:$0xA0C0];
	[tilespmem:$0x8030] =	vst v5;
	v5 =	vadd.s32 v24, v7;
	v7 =	vadd.s32 v27, v8;
	v8 =	vadd.s32 v29, v30  }
0xd2: {  	v9 =	vld [tilespmem:$0x9DD0];
	[tilespmem:$0x8040] =	vst v5;
	v5 =	vadd.s32 v28, v7;
	v7 =	vadd.s32 v31, v8;
	v8 =	vadd.s32 v33, v34  }
0xd3: {  	v10 =	vld [tilespmem:$0x9ED0];
	[tilespmem:$0x8050] =	vst v5;
	v5 =	vadd.s32 v32, v7;
	v7 =	vadd.s32 v35, v8;
	v8 =	vadd.s32 v37, v38  }
0xd4: {  	v11 =	vld [tilespmem:$0x9FD0];
	[tilespmem:$0x8060] =	vst v5;
	v5 =	vadd.s32 v36, v7;
	v7 =	vadd.s32 v39, v8;
	v8 =	vadd.s32 v41, v42  }
0xd5: {  	v12 =	vld [tilespmem:$0xA0D0];
	[tilespmem:$0x8070] =	vst v5;
	v5 =	vadd.s32 v40, v7;
	v7 =	vadd.s32 v43, v8;
	v8 =	vadd.s32 v45, v46  }
0xd6: {  	v62 =	vld [tilespmem:$0x9FF0];
	[tilespmem:$0x8080] =	vst v5;
	v5 =	vadd.s32 v44, v7;
	v7 =	vadd.s32 v47, v8;
	v8 =	vadd.s32 v49, v50  }
0xd7: {  	v63 =	vld [tilespmem:$0xA0F0];
	[tilespmem:$0x8090] =	vst v5;
	v5 =	vadd.s32 v48, v7;
	v7 =	vadd.s32 v51, v8;
	v8 =	vadd.s32 v53, v54  }
0xd8: {  	[tilespmem:$0x80A0] =	vst v5;
	v5 =	vadd.s32 v52, v7;
	v7 =	vadd.s32 v55, v8;
	v8 =	vadd.s32 v9, v10  }
0xd9: {  	[tilespmem:$0x80B0] =	vst v5;
	v5 =	vadd.s32 v6, v7;
	v6 =	vadd.s32 v11, v8;
	v7 =	vadd.s32 v56, v57  }
0xda: {  	[tilespmem:$0x80C0] =	vst v5;
	v5 =	vadd.s32 v12, v6;
	v6 =	vadd.s32 v58, v7;
	v7 =	vadd.s32 v60, v61  }
0xdb: {  	[tilespmem:$0x80D0] =	vst v5;
	v5 =	vadd.s32 v59, v6;
	v6 =	vadd.s32 v62, v7  }
0xdc: {  	[tilespmem:$0x80E0] =	vst v5;
	v5 =	vadd.s32 v63, v6  }
0xdd: {  	[tilespmem:$0x80F0] =	vst v5  }
0xde: {  	s20 =	simm.s32 $0x0;
	[bflag:$0x0] =	sbarrier.arrive $0xFFFF  }
0xdf: {  	v5 =	vld [tilespmem:s20+$0x8000];
	_ =	sdelay $0x4  }
0xe0: {  	s4 =	simm.s32 $0x10;
	(xrf0) =	vadd.scan.msk.s32 $0xffff, v5  }
0xe1: {  	v5 =	vld [tilespmem:s4+$0x8000];
	_ =	sdelay $0x2  }
0xe2: {  	s3 =	simm.s32 $0x20  }
0xe3: {  	v6 =	vld [tilespmem:s3+$0x8000]  }
0xe4: {  	v9, _, _ =	vpop (xrf0);
	(xrf0) =	vadd.scan.msk.s32 $0xffff, v5;
	_ =	sdelay $0x1  }
0xe5: {  	v5 =	vxor.u32 $0x80000000, v9  }
0xe6: {  	(xrf0) =	vmax.scan.msk.u32 $0xffff, v5  }
0xe7: {  	(xrf0) =	vadd.scan.msk.s32 $0xffff, v6  }
0xe8: {  	s6 =	simm.s32 $0x30  }
0xe9: {  	v7 =	vld [tilespmem:s6+$0x8000];
	v5, _, _ =	vpop (xrf0)  }
0xea: {  	v6 =	vxor.u32 $0x80000000, v5;
	_ =	sdelay $0x1  }
0xeb: {  	v8, _, _ =	vpop (xrf0)  }
0xec: {  	(xrf0) =	vmax.scan.msk.u32 $0xffff, v6;
	v6, _, _ =	vpop (xrf0)  }
0xed: {  	(xrf0) =	vadd.scan.msk.s32 $0xffff, v7;
	v7 =	vxor.u32 $0x80000000, v6  }
0xee: {  	(xrf0) =	vmax.scan.msk.u32 $0xffff, v7;
	_ =	sdelay $0x2  }
0xef: {  	(v2sf) =	vpush v8, $0xF  }
0xf0: {  	v11, _, _ =	vpop (xrf0)  }
0xf1: {  	v7, _, _ =	vpop (xrf0)  }
0xf2: {  	s15 =	simm.s32 $0x40;
	(v2sf) =	vpush v11, $0xF;
	v11, _, _ =	vpop (xrf0)  }
0xf3: {  	v10 =	vld [tilespmem:s15+$0x8000];
	(v2sf) =	vpush v11, $0xF;
	_ =	sdelay $0x4  }
0xf4: {  	s7 =	simm.s32 $0x50;
	(xrf0) =	vadd.scan.msk.s32 $0xffff, v10  }
0xf5: {  	s9 =	simm.s32 $0x0;
	v8 =	vld [tilespmem:s7+$0x8000];
	v10 =	vxor.u32 $0x80000000, v7  }
0xf6: {  	v9 =	vadd.s32 s9, v9;
	(xrf0) =	vmax.scan.msk.u32 $0xffff, v10  }
0xf7: {  	s19 =	simm.s32 $0x180;
	[tilespmem:s20+$0x8200] =	vst v9  }
.LBB2_6:
0xf8: {  	s20 =	smov.u32 s15  }
0xf9: {  	s15 =	smov.u32 s7;
	s7 =	sshra.s32 s19, $0x2;
	p1 =	sne.s32 s19, $0x3C0  }
.Ltmp2:
0xfa: {  	s19 =	sadd.s32 $0x40, s19;
	(xrf0) =	vadd.scan.msk.s32 $0xffff, v8;
	v9, _, _ =	vpop (xrf0);
	s21 =	spop (v2sf);
	(pc) =	sbr.rel @p1 .LBB2_6-.Ltmp2, $4  }
0xfb: {  	v8 =	vld [tilespmem:s7+$0x8000];
	v11 =	vxor.u32 $0x80000000, v9;
	s9 =	sadd.s32 s21, s9  }
0xfc: {  	(xrf0) =	vmax.scan.msk.u32 $0xffff, v11;
	v10, _, _ =	vpop (xrf0);
	s9 =	sadd.s32 $0x80000000, s9  }
0xfd: {  	(v2sf) =	vpush v10, $0xF;
	v10 =	vadd.s32 s9, v5;
	v5 =	vmovc v6;
	v6 =	vmovc v7;
	v7 =	vmov v9  }
0xfe: {  	[tilespmem:s4+$0x8200] =	vst v10;
	s4 =	smov.u32 s3;
	s3 =	smov.u32 s6;
	s6 =	smov.u32 s20  }
0xff: {  	_ = 	snop  }
0x100: {  	v9, _, _ =	vpop (xrf0)  }
0x101: {  	(xrf0) =	vadd.scan.msk.s32 $0xffff, v8;
	v8 =	vxor.u32 $0x80000000, v9  }
0x102: {  	(xrf0) =	vmax.scan.msk.u32 $0xffff, v8;
	_ =	sdelay $0x3  }
0x103: {  	v8, _, _ =	vpop (xrf0)  }
0x104: {  	(v2sf) =	vpush v8, $0xF;
	v8, _, _ =	vpop (xrf0)  }
0x105: {  	v10, _, _ =	vpop (xrf0)  }
0x106: {  	(v2sf) =	vpush v10, $0xF;
	_ =	sdelay $0x6  }
0x107: {  	s19 =	spop (v2sf)  }
0x108: {  	s9 =	sadd.s32 s19, s9  }
0x109: {  	s21 =	spop (v2sf);
	s9 =	sadd.s32 $0x80000000, s9  }
0x10a: {  	s19 =	sadd.s32 s21, s9  }
0x10b: {  	s19 =	sadd.s32 $0x80000000, s19;
	s20 =	spop (v2sf)  }
0x10c: {  	s20 =	sadd.s32 s20, s19  }
0x10d: {  	s20 =	sadd.s32 $0x80000000, s20;
	s21 =	spop (v2sf)  }
0x10e: {  	v5 =	vadd.s32 s9, v5;
	s11 =	sadd.s32 s21, s20  }
0x10f: {  	[tilespmem:s4+$0x8200] =	vst v5;
	v5 =	vadd.s32 s19, v6;
	s19 =	sadd.s32 $0x80000000, s11;
	s21 =	spop (v2sf)  }
0x110: {  	[tilespmem:s3+$0x8200] =	vst v5;
	v5 =	vadd.s32 s20, v7;
	s11 =	sadd.s32 s21, s19  }
0x111: {  	[tilespmem:s6+$0x8200] =	vst v5;
	v5 =	vadd.s32 s19, v9;
	s3 =	sadd.s32 $0x80000000, s11  }
0x112: {  	[tilespmem:s15+$0x8200] =	vst v5;
	v5 =	vadd.s32 s3, v8  }
0x113: {  	[tilespmem:s7+$0x8200] =	vst v5  }
0x114: {  	v5 =	vld [tilespmem:$0x8200]  }
0x115: {  	v6 =	vld [tilespmem:$0x8210]  }
0x116: {  	v7 =	vld [tilespmem:$0x8220]  }
0x117: {  	v51 =	vld [tilespmem:$0x8230]  }
0x118: {  	v52 =	vld [tilespmem:$0x8240]  }
0x119: {  	v8 =	vxor.u32 $0x80000000, v8;
	vm0 =	vlt.s32 v5, $0x800;
	v5 =	vld [tilespmem:$0x8250]  }
0x11a: {  	(xrf0) =	vmax.scan.msk.u32 $0xffff, v8;
	vm12 =	vlt.s32 v6, $0x800;
	v6 =	vld [tilespmem:$0x8260];
	v8 =	vsel vm0, $0x1, v2  }
0x11b: {  	vm13 =	vlt.s32 v7, $0x800;
	v7 =	vld [tilespmem:$0x8270];
	(xrf0) =	vadd.scan.msk.s32 $0xffff, v8;
	v8 =	vsel vm12, $0x1, v2  }
0x11c: {  	v53 =	vld [tilespmem:$0x8280];
	vm14 =	vlt.s32 v51, $0x800;
	(xrf0) =	vadd.scan.msk.s32 $0xffff, v8;
	v8 =	vsel vm13, $0x1, v2  }
0x11d: {  	v54 =	vld [tilespmem:$0x8290];
	vm15 =	vlt.s32 v52, $0x800;
	(xrf0) =	vadd.scan.msk.s32 $0xffff, v8;
	v8 =	vsel vm14, $0x1, v2  }
0x11e: {  	(xrf0) =	vadd.scan.msk.s32 $0xffff, v8;
	v8 =	vsel vm15, $0x1, v2;
	vm4 =	vlt.s32 v5, $0x800;
	v5 =	vld [tilespmem:$0x82A0]  }
0x11f: {  	v56 =	vld [tilespmem:$0x82D0];
	vm5 =	vlt.s32 v6, $0x800;
	(xrf0) =	vadd.scan.msk.s32 $0xffff, v8;
	v8 =	vsel vm4, $0x1, v2  }
0x120: {  	v11, _, _ =	vpop (xrf0);
	v6 =	vld [tilespmem:$0x82B0];
	vm6 =	vlt.s32 v7, $0x800;
	(xrf0) =	vadd.scan.msk.s32 $0xffff, v8;
	v8 =	vsel vm5, $0x1, v2  }
0x121: {  	(v2sf) =	vpush v11, $0xF;
	v7 =	vld [tilespmem:$0x82C0];
	v55, _, _ =	vpop (xrf0);
	(xrf0) =	vadd.scan.msk.s32 $0xffff, v8;
	v8 =	vsel vm6, $0x1, v2  }
0x122: {  	v58 =	vld [tilespmem:$0x82E0];
	vm7 =	vlt.s32 v53, $0x800;
	vm8 =	vlt.s32 v54, $0x800;
	(v2sf) =	vpush v55, $0xF;
	v57, _, _ =	vpop (xrf0);
	(xrf0) =	vadd.scan.msk.s32 $0xffff, v8  }
0x123: {  	v8 =	vsel vm7, $0x1, v2;
	(v2sf) =	vpush v57, $0xF;
	v59, _, _ =	vpop (xrf0);
	vm9 =	vlt.s32 v5, $0x800;
	v5 =	vld [tilespmem:$0x82F0]  }
0x124: {  	vm12 =	vlt.s32 v56, $0x800;
	(xrf0) =	vadd.scan.msk.s32 $0xffff, v8;
	v8 =	vsel vm8, $0x1, v2;
	(v2sf) =	vpush v59, $0xF;
	v60, _, _ =	vpop (xrf0)  }
0x125: {  	vm10 =	vlt.s32 v6, $0x800;
	(xrf0) =	vadd.scan.msk.s32 $0xffff, v8;
	v8 =	vsel vm9, $0x1, v2;
	(v2sf) =	vpush v60, $0xF;
	v6, _, _ =	vpop (xrf0)  }
0x126: {  	vm11 =	vlt.s32 v7, $0x800;
	(xrf0) =	vadd.scan.msk.s32 $0xffff, v8;
	v8 =	vsel vm10, $0x1, v2;
	(v2sf) =	vpush v6, $0xF;
	v6, _, _ =	vpop (xrf0)  }
0x127: {  	vm13 =	vlt.s32 v58, $0x800;
	v7 =	vsel vm11, $0x1, v2;
	(xrf0) =	vadd.scan.msk.s32 $0xffff, v8;
	(v2sf) =	vpush v6, $0xF;
	v6, _, _ =	vpop (xrf0)  }
0x128: {  	(xrf0) =	vadd.scan.msk.s32 $0xffff, v7;
	v7 =	vsel vm12, $0x1, v2;
	(v2sf) =	vpush v6, $0xF;
	v6, _, _ =	vpop (xrf0);
	vm14 =	vlt.s32 v5, $0x800  }
0x129: {  	(xrf0) =	vadd.scan.msk.s32 $0xffff, v7;
	v7 =	vsel vm13, $0x1, v2;
	(v2sf) =	vpush v6, $0xF;
	v6 =	vsel vm14, $0x1, v2  }
0x12a: {  	v5, _, _ =	vpop (xrf0);
	(xrf0) =	vadd.scan.msk.s32 $0xffff, v7  }
0x12b: {  	(v2sf) =	vpush v5, $0xF;
	v5, _, _ =	vpop (xrf0);
	(xrf0) =	vadd.scan.msk.s32 $0xffff, v6  }
0x12c: {  	(v2sf) =	vpush v5, $0xF;
	v6, _, _ =	vpop (xrf0)  }
0x12d: {  	v5, _, _ =	vpop (xrf0);
	(v2sf) =	vpush v6, $0xF  }
0x12e: {  	v6, _, _ =	vpop (xrf0);
	(v2sf) =	vpush v5, $0xF  }
0x12f: {  	(v2sf) =	vpush v6, $0xF;
	v5, _, _ =	vpop (xrf0)  }
0x130: {  	(v2sf) =	vpush v5, $0xF;
	v5, _, _ =	vpop (xrf0)  }
0x131: {  	s15 =	spop (v2sf);
	(v2sf) =	vpush v5, $0xF;
	v5, _, _ =	vpop (xrf0)  }
0x132: {  	s3 =	spop (v2sf);
	(v2sf) =	vpush v5, $0xF  }
0x133: {  	s19 =	spop (v2sf)  }
0x134: {  	s20 =	spop (v2sf);
	s3 =	sadd.s32 s3, s19  }
0x135: {  	s21 =	spop (v2sf);
	s3 =	sadd.s32 s3, s20  }
0x136: {  	s7 =	spop (v2sf);
	s3 =	sadd.s32 s3, s21  }
0x137: {  	s9 =	spop (v2sf);
	s3 =	sadd.s32 s3, s7  }
0x138: {  	s11 =	spop (v2sf);
	s3 =	sadd.s32 s3, s9  }
0x139: {  	s15 =	spop (v2sf);
	s3 =	sadd.s32 s3, s11  }
0x13a: {  	s19 =	spop (v2sf);
	s3 =	sadd.s32 s3, s15  }
0x13b: {  	s20 =	spop (v2sf);
	s3 =	sadd.s32 s3, s19  }
0x13c: {  	s3 =	sadd.s32 s3, s20;
	s21 =	spop (v2sf)  }
0x13d: {  	s9 =	simm.s32 $0x0;
	s7 =	spop (v2sf);
	s3 =	sadd.s32 s3, s21  }
0x13e: {  	v7 =	vld [tilespmem:s9+$0x0];
	s11 =	spop (v2sf);
	s3 =	sadd.s32 s3, s7  }
0x13f: {  	s3 =	sadd.s32 s3, s11;
	s15 =	spop (v2sf)  }
0x140: {  	s3 =	sadd.s32 s3, s15;
	s19 =	spop (v2sf)  }
0x141: {  	s3 =	sadd.s32 s3, s19;
	s20 =	spop (v2sf)  }
0x142: {  	s3 =	sadd.s32 s3, s20  }
0x143: {  	v5 =	vshrl.u32 v7, $0x18;
	v6 =	vmov s3  }
0x144: {  	vm15 =	veq.s32 v5, v6  }
0x145: {  	v5 =	vsel vm15, $0x1, v2  }
0x146: {  	(xrf0) =	vadd.scan.msk.s32 $0xffff, v5;
	_ =	sdelay $0x5  }
0x147: {  	v5, _, _ =	vpop (xrf0)  }
0x148: {  	s4 =	simm.s32 $0x0;
	s6 =	sadd.s32 $0xFFFFFFFF, s3;
	v62 =	vxor.u32 $0x80000000, v5  }
0x149: {  	v8 =	vmov s4;
	p1 =	sgt.s32 s6, $0x0;
	(xrf0) =	vmax.scan.msk.u32 $0xffff, v62  }
0x14a: {  	v8 =	vadd.s32 $0xFFFFFFFF, v8;
	s6 =	simm.s32 @!p1 $0x0  }
0x14b: {  	v8 =	vbroadcast v8, $0x0;
	v61 =	vmov s6  }
0x14c: {  	v9 =	vbroadcast v61, $0x0  }
0x14d: {  	v8 =	vadd.s32 v5, v8;
	_ =	sdelay $0x1  }
0x14e: {  	v63, _, _ =	vpop (xrf0)  }
0x14f: {  	(v2sf) =	vpush v63, $0xF  }
0x150: {  	s21 =	simm.s32 $0x8200  }
0x151: {  	s7 =	simm.s32 $0x10;
	s6 =	simm.s32 $0x80;
	v5 =	vld.idx.msk [tilespmem:v9+s21+$0x0], $0xffff;
	[tilespmem:v8+s14+$0x0] =	vst.idx.msk vm15, v7  }
.LBB2_8:
0x152: {  	p1 =	sne.s32 s6, $0x1FC0;
	v7 =	vld [tilespmem:s7+$0x0];
	_ =	sdelay $0x4  }
0x153: {  	v8 =	vshrl.u32 v7, $0x18  }
0x154: {  	vm0 =	veq.s32 v8, v6  }
0x155: {  	v8 =	vsel vm0, $0x1, v2  }
0x156: {  	(xrf0) =	vadd.scan.msk.s32 $0xffff, v8;
	_ =	sdelay $0x3  }
0x157: {  	s7 =	spop (v2sf)  }
0x158: {  	s4 =	sadd.s32 s7, s4  }
0x159: {  	v8, _, _ =	vpop (xrf0);
	s4 =	sadd.s32 $0x80000000, s4  }
0x15a: {  	v9 =	vmov s4;
	v10 =	vxor.u32 $0x80000000, v8  }
0x15b: {  	v9 =	vadd.s32 $0xFFFFFFFF, v9;
	(xrf0) =	vmax.scan.msk.u32 $0xffff, v10  }
0x15c: {  	v9 =	vbroadcast v9, $0x0;
	_ =	sdelay $0x1  }
0x15d: {  	v8 =	vadd.s32 v8, v9;
	_ =	sdelay $0x1  }
.Ltmp3:
0x15e: {  	(pc) =	sbr.rel @p1 .LBB2_8-.Ltmp3, $4  }
0x15f: {  	v9, _, _ =	vpop (xrf0)  }
0x160: {  	(v2sf) =	vpush v9, $0xF  }
0x161: {  	[tilespmem:v8+s14+$0x0] =	vst.idx.msk vm0, v7  }
0x162: {  	s7 =	sshra.s32 s6, $0x2;
	s6 =	sadd.s32 $0x40, s6  }
0x163: {  	_ =	sdelay $0x2  }
0x164: {  	v7 =	vld [tilespmem:s7+$0x0];
	_ =	sdelay $0x4  }
0x165: {  	v8 =	vshrl.u32 v7, $0x18  }
0x166: {  	vm0 =	veq.s32 v8, v6  }
0x167: {  	v6 =	vsel vm0, $0x1, v2  }
0x168: {  	(xrf0) =	vadd.scan.msk.s32 $0xffff, v6  }
0x169: {  	s6 =	spop (v2sf)  }
0x16a: {  	s4 =	sadd.s32 s6, s4  }
0x16b: {  	s4 =	sadd.s32 $0x80000000, s4  }
0x16c: {  	v6 =	vmov s4  }
0x16d: {  	v6 =	vadd.s32 $0xFFFFFFFF, v6  }
0x16e: {  	v63, _, _ =	vpop (xrf0);
	v6 =	vbroadcast v6, $0x0  }
0x16f: {  	v8 =	vxor.u32 $0x80000000, v63  }
0x170: {  	(xrf0) =	vmax.scan.msk.u32 $0xffff, v8;
	v6 =	vadd.s32 v63, v6;
	_ =	sdelay $0x4  }
0x171: {  	[tilespmem:v6+s14+$0x0] =	vst.idx.msk vm0, v7  }
0x172: {  	v6, _, _ =	vpop (xrf0);
	[tilespmem:$0x8000] =	vst v2  }
0x173: {  	[tilespmem:$0x8010] =	vst v2;
	(v2sf) =	vpush v6, $0xF  }
0x174: {  	[tilespmem:$0x8020] =	vst v2  }
0x175: {  	[tilespmem:$0x8030] =	vst v2  }
0x176: {  	[tilespmem:$0x8040] =	vst v2  }
0x177: {  	[tilespmem:$0x8050] =	vst v2  }
0x178: {  	[tilespmem:$0x8060] =	vst v2  }
0x179: {  	[tilespmem:$0x8070] =	vst v2  }
0x17a: {  	v5 =	vxor.u32 $0x80000000, v5;
	[tilespmem:$0x8080] =	vst v2  }
0x17b: {  	(xrf0) =	vmax.scan.msk.u32 $0xffff, v5;
	[tilespmem:$0x8090] =	vst v2  }
0x17c: {  	[tilespmem:$0x80A0] =	vst v2  }
0x17d: {  	[tilespmem:$0x80B0] =	vst v2  }
0x17e: {  	[tilespmem:$0x80C0] =	vst v2  }
0x17f: {  	[tilespmem:$0x80D0] =	vst v2  }
0x180: {  	[tilespmem:$0x80E0] =	vst v2  }
0x181: {  	[tilespmem:$0x80F0] =	vst v2;
	v5, _, _ =	vpop (xrf0)  }
0x182: {  	[tilespmem:$0x8100] =	vst v2;
	(v2sf) =	vpush v5, $0xF;
	s19 =	spop (v2sf)  }
0x183: {  	[tilespmem:$0x8110] =	vst v2;
	s4 =	sadd.s32 s19, s4  }
0x184: {  	[tilespmem:$0x8120] =	vst v2;
	s6 =	sadd.s32 $0x80000000, s4  }
0x185: {  	[tilespmem:$0x8130] =	vst v2;
	s4 =	sadd.s32 $0xF, s6  }
0x186: {  	[tilespmem:$0x8140] =	vst v2;
	s20 =	sand.u32 $0xF, s4  }
0x187: {  	[tilespmem:$0x8150] =	vst v2;
	s9 =	sshra.s32 s4, $0x1F;
	p1 =	slt.s32 s4, $0x1;
	p2 =	sne.s32 s20, $0x0  }
0x188: {  	[tilespmem:$0x8160] =	vst v2;
	s21 =	sshrl.u32 s9, $0x1C;
	p1 =	por !p1, !p2  }
0x189: {  	s7 =	simm.s32 $0x1;
	[tilespmem:$0x8170] =	vst v2;
	s4 =	sadd.s32 s21, s4;
	p1 =	por !p1, !p1  }
0x18a: {  	[tilespmem:$0x8180] =	vst v2;
	s4 =	sshra.s32 s4, $0x4;
	s7 =	simm.s32 @!p1 $0x0  }
0x18b: {  	[tilespmem:$0x8190] =	vst v2;
	s19 =	ssub.s32 s4, s7  }
0x18c: {  	[tilespmem:$0x81A0] =	vst v2;
	p2 =	slt.s32 s19, $0x1  }
.Ltmp4:
0x18d: {  	[tilespmem:$0x81B0] =	vst v2;
	(pc) =	sbr.rel @p2 .LBB2_16-.Ltmp4, $4  }
0x18e: {  	[tilespmem:$0x81C0] =	vst v2  }
0x18f: {  	[tilespmem:$0x81D0] =	vst v2  }
0x190: {  	[tilespmem:$0x81E0] =	vst v2  }
0x191: {  	[tilespmem:$0x81F0] =	vst v2;
	v5 =	vmov s6;
	s4 =	spop (v2sf);
	p1 =	sne.s32 s19, $0x1  }
.Ltmp5:
0x192: {  	(pc) =	sbr.rel @!p1 .LBB2_11-.Ltmp5, $3  }
0x193: {  	_ =	sdelay $0x1  }
0x194: {  	s7 =	simm.s32 $0x4000  }
0x195: {  	s6 =	simm.s32 $0x0;
	p2 =	por $0x0, $0x0;
	v6 =	vld [tilespmem:s7+$0x0];
	s7 =	sadd.s32 $0xFFFFFFFF, s19  }
0x196: {  	_ =	sdelay $0x3  }
0x197: {  	v7 =	vor.u32 s6, v1;
	v6 =	vshrl.u32 v6, $0x10  }
0x198: {  	vm0 =	vlt.s32 v7, v5;
	v6 =	vand.u32 $0xFF, v6  }
0x199: {  	v6 =	vsel vm0, v6, v4  }
0x19a: {  	p3 =	sne.s32 s7, $0x1  }
.Ltmp6:
0x19b: {  	_ = 	snop;
	(pc) =	sbr.rel @!p3 .LBB2_13-.Ltmp6, $3  }
0x19c: {  	_ =	sdelay $0x1  }
0x19d: {  	s9 =	simm.s32 $0x4010;
	[tilespmem:v6+s0+$0x0] =	vst.idx.add.s32.msk $0xffff, v3  }
0x19e: {  	s15 =	sadd.s32 $0xFFFFFFFF, s7;
	p2 =	por $0x1, $0x1;
	s7 =	simm.s32 $0x0;
	v6 =	vld [tilespmem:s9+$0x0]  }
.LBB2_14:
0x19f: {  	p3 =	sne.s32 s15, $0x1;
	_ =	sdelay $0x2  }
0x1a0: {  	s7 =	sadd.s32 $0x10, s7  }
0x1a1: {  	v7 =	vor.u32 s7, v1;
	v6 =	vshrl.u32 v6, $0x10  }
0x1a2: {  	vm0 =	vlt.s32 v7, v5;
	v6 =	vand.u32 $0xFF, v6  }
0x1a3: {  	v6 =	vsel vm0, v6, v4;
	_ =	sdelay $0x1  }
.Ltmp7:
0x1a4: {  	(pc) =	sbr.rel @p3 .LBB2_14-.Ltmp7, $3  }
0x1a5: {  	_ =	sdelay $0x1  }
0x1a6: {  	s9 =	sadd.s32 $0x10, s9;
	[tilespmem:v6+s0+$0x0] =	vst.idx.add.s32.msk $0xffff, v3  }
0x1a7: {  	s15 =	sadd.s32 $0xFFFFFFFF, s15;
	v6 =	vld [tilespmem:s9+$0x0]  }
.LBB2_15:
0x1a8: {  	_ =	sdelay $0x1  }
0x1a9: {  	s7 =	sadd.s32 @p2 $0x10, s7  }
0x1aa: {  	s6 =	smov.u32 @p2 s7  }
0x1ab: {  	v7 =	vor.u32 s6, v1;
	v6 =	vshrl.u32 v6, $0x10  }
0x1ac: {  	vm0 =	vlt.s32 v7, v5;
	v6 =	vand.u32 $0xFF, v6  }
0x1ad: {  	v6 =	vsel vm0, v6, v4;
	_ =	sdelay $0x4  }
0x1ae: {  	[tilespmem:v6+s0+$0x0] =	vst.idx.add.s32.msk $0xffff, v3  }
.LBB2_16:
0x1af: {  	[spmem:s22] =	stream.linear.scatter [tilespmem:s0], [sflag:$0x6], $0x100, $0x200038;
	[tilespmem:$0x1A310] =	vst v63  }
0x1b0: {  	_ =	swait.ge [sflag:s29], $0x100  }
0x1b1: {  	[sflag:s29] =	ssyncset.done $0x0  }
0x1b2: {  	[sflag:s29] =	ssyncadd.s32 $0xFFFFFF00  }
0x1b3: {  	[bflag:$0x0] =	sbarrier.arrive $0xFFFF  }
0x1b4: {  	[tilespmem:s25], [sflag:$0x6] =	stream.linear.gather [spmem:s24], $0x400, $0x200038;
	[tilespmem:$0x1A310] =	vst v63  }
0x1b5: {  	_ =	swait.ge [sflag:s29], $0x400  }
0x1b6: {  	[sflag:s29] =	ssyncset.done $0x0  }
0x1b7: {  	[sflag:s29] =	ssyncadd.s32 $0xFFFFFC00  }
0x1b8: {  	v6 =	vld [tilespmem:$0x9D00]  }
0x1b9: {  	v7 =	vld [tilespmem:$0x9E00]  }
0x1ba: {  	v8 =	vld [tilespmem:$0x9F00]  }
0x1bb: {  	v9 =	vld [tilespmem:$0xA000]  }
0x1bc: {  	v10 =	vld [tilespmem:$0x9D10]  }
0x1bd: {  	v11 =	vld [tilespmem:$0x9E10]  }
0x1be: {  	v12 =	vld [tilespmem:$0x9F10]  }
0x1bf: {  	v13 =	vld [tilespmem:$0xA010]  }
0x1c0: {  	v14 =	vld [tilespmem:$0x9D20]  }
0x1c1: {  	v15 =	vld [tilespmem:$0x9E20]  }
0x1c2: {  	v16 =	vld [tilespmem:$0x9F20]  }
0x1c3: {  	v17 =	vld [tilespmem:$0xA020]  }
0x1c4: {  	v18 =	vld [tilespmem:$0x9D30]  }
0x1c5: {  	v19 =	vld [tilespmem:$0x9E30]  }
0x1c6: {  	v20 =	vld [tilespmem:$0x9F30]  }
0x1c7: {  	v21 =	vld [tilespmem:$0xA030]  }
0x1c8: {  	v22 =	vld [tilespmem:$0x9D40]  }
0x1c9: {  	v23 =	vld [tilespmem:$0x9E40]  }
0x1ca: {  	v24 =	vld [tilespmem:$0x9F40]  }
0x1cb: {  	v25 =	vld [tilespmem:$0xA040]  }
0x1cc: {  	v26 =	vld [tilespmem:$0x9D50]  }
0x1cd: {  	v27 =	vld [tilespmem:$0x9E50]  }
0x1ce: {  	v28 =	vld [tilespmem:$0x9F50]  }
0x1cf: {  	v29 =	vld [tilespmem:$0xA050]  }
0x1d0: {  	v30 =	vld [tilespmem:$0x9D60]  }
0x1d1: {  	v31 =	vld [tilespmem:$0x9E60]  }
0x1d2: {  	v32 =	vld [tilespmem:$0x9F60]  }
0x1d3: {  	v33 =	vld [tilespmem:$0xA060]  }
0x1d4: {  	v34 =	vld [tilespmem:$0x9D70]  }
0x1d5: {  	v35 =	vld [tilespmem:$0x9E70]  }
0x1d6: {  	v36 =	vld [tilespmem:$0x9F70]  }
0x1d7: {  	v37 =	vld [tilespmem:$0xA070]  }
0x1d8: {  	v38 =	vld [tilespmem:$0x9D80]  }
0x1d9: {  	v39 =	vld [tilespmem:$0x9E80]  }
0x1da: {  	v40 =	vld [tilespmem:$0x9F80]  }
0x1db: {  	v41 =	vld [tilespmem:$0xA080]  }
0x1dc: {  	v42 =	vld [tilespmem:$0x9D90]  }
0x1dd: {  	v43 =	vld [tilespmem:$0x9E90]  }
0x1de: {  	v44 =	vld [tilespmem:$0x9F90]  }
0x1df: {  	v45 =	vld [tilespmem:$0xA090]  }
0x1e0: {  	v46 =	vld [tilespmem:$0x9DA0]  }
0x1e1: {  	v47 =	vld [tilespmem:$0x9EA0]  }
0x1e2: {  	v48 =	vld [tilespmem:$0x9FA0]  }
0x1e3: {  	v49 =	vld [tilespmem:$0xA0A0]  }
0x1e4: {  	v50 =	vld [tilespmem:$0x9DB0]  }
0x1e5: {  	v51 =	vld [tilespmem:$0x9EB0]  }
0x1e6: {  	v52 =	vld [tilespmem:$0x9FB0]  }
0x1e7: {  	v53 =	vld [tilespmem:$0xA0B0]  }
0x1e8: {  	v54 =	vld [tilespmem:$0x9DC0]  }
0x1e9: {  	v55 =	vld [tilespmem:$0x9EC0]  }
0x1ea: {  	v56 =	vld [tilespmem:$0x9FC0]  }
0x1eb: {  	v62 =	vld [tilespmem:$0x9FD0];
	v6 =	vadd.s32 v6, v7  }
0x1ec: {  	v63 =	vld [tilespmem:$0xA0D0];
	v6 =	vadd.s32 v8, v6;
	v8 =	vadd.s32 v10, v11  }
0x1ed: {  	v57 =	vld [tilespmem:$0xA0E0];
	v6 =	vadd.s32 v9, v6;
	v8 =	vadd.s32 v12, v8;
	v9 =	vadd.s32 v14, v15  }
0x1ee: {  	v58 =	vld [tilespmem:$0x9DF0];
	[tilespmem:$0x8000] =	vst v6;
	v6 =	vadd.s32 v13, v8;
	v8 =	vadd.s32 v16, v9;
	v9 =	vadd.s32 v18, v19  }
0x1ef: {  	v59 =	vld [tilespmem:$0x9EF0];
	[tilespmem:$0x8010] =	vst v6;
	v6 =	vadd.s32 v17, v8;
	v8 =	vadd.s32 v20, v9;
	v9 =	vadd.s32 v22, v23  }
0x1f0: {  	v7 =	vld [tilespmem:$0xA0C0];
	[tilespmem:$0x8020] =	vst v6;
	v6 =	vadd.s32 v21, v8;
	v8 =	vadd.s32 v24, v9;
	v9 =	vadd.s32 v26, v27  }
0x1f1: {  	v10 =	vld [tilespmem:$0x9DD0];
	[tilespmem:$0x8030] =	vst v6;
	v6 =	vadd.s32 v25, v8;
	v8 =	vadd.s32 v28, v9;
	v9 =	vadd.s32 v30, v31  }
0x1f2: {  	v11 =	vld [tilespmem:$0x9ED0];
	[tilespmem:$0x8040] =	vst v6;
	v6 =	vadd.s32 v29, v8;
	v8 =	vadd.s32 v32, v9;
	v9 =	vadd.s32 v34, v35  }
0x1f3: {  	v27 =	vld [tilespmem:$0x9DE0];
	[tilespmem:$0x8050] =	vst v6;
	v6 =	vadd.s32 v33, v8;
	v8 =	vadd.s32 v36, v9;
	v9 =	vadd.s32 v38, v39  }
0x1f4: {  	v31 =	vld [tilespmem:$0x9EE0];
	[tilespmem:$0x8060] =	vst v6;
	v6 =	vadd.s32 v37, v8;
	v8 =	vadd.s32 v40, v9;
	v9 =	vadd.s32 v42, v43  }
0x1f5: {  	v35 =	vld [tilespmem:$0x9FE0];
	[tilespmem:$0x8070] =	vst v6;
	v6 =	vadd.s32 v41, v8;
	v8 =	vadd.s32 v44, v9;
	v9 =	vadd.s32 v46, v47  }
0x1f6: {  	v60 =	vld [tilespmem:$0x9FF0];
	[tilespmem:$0x8080] =	vst v6;
	v6 =	vadd.s32 v45, v8;
	v8 =	vadd.s32 v48, v9;
	v9 =	vadd.s32 v50, v51  }
0x1f7: {  	v61 =	vld [tilespmem:$0xA0F0];
	[tilespmem:$0x8090] =	vst v6;
	v6 =	vadd.s32 v49, v8;
	v8 =	vadd.s32 v52, v9;
	v9 =	vadd.s32 v54, v55  }
0x1f8: {  	[tilespmem:$0x80A0] =	vst v6;
	v6 =	vadd.s32 v53, v8;
	v8 =	vadd.s32 v56, v9;
	v9 =	vadd.s32 v10, v11  }
0x1f9: {  	[tilespmem:$0x80B0] =	vst v6;
	v6 =	vadd.s32 v7, v8;
	v7 =	vadd.s32 v62, v9;
	v8 =	vadd.s32 v27, v31  }
0x1fa: {  	[tilespmem:$0x80C0] =	vst v6;
	v6 =	vadd.s32 v63, v7;
	v7 =	vadd.s32 v35, v8;
	v8 =	vadd.s32 v58, v59  }
0x1fb: {  	[tilespmem:$0x80D0] =	vst v6;
	v6 =	vadd.s32 v57, v7;
	v7 =	vadd.s32 v60, v8  }
0x1fc: {  	[tilespmem:$0x80E0] =	vst v6;
	v6 =	vadd.s32 v61, v7  }
0x1fd: {  	[tilespmem:$0x80F0] =	vst v6  }
0x1fe: {  	s25 =	simm.s32 $0x0;
	[bflag:$0x0] =	sbarrier.arrive $0xFFFF  }
0x1ff: {  	v6 =	vld [tilespmem:s25+$0x8000];
	_ =	sdelay $0x4  }
0x200: {  	s15 =	simm.s32 $0x10;
	(xrf0) =	vadd.scan.msk.s32 $0xffff, v6  }
0x201: {  	v6 =	vld [tilespmem:s15+$0x8000];
	_ =	sdelay $0x2  }
0x202: {  	s6 =	simm.s32 $0x20  }
0x203: {  	v7 =	vld [tilespmem:s6+$0x8000]  }
0x204: {  	v10, _, _ =	vpop (xrf0);
	(xrf0) =	vadd.scan.msk.s32 $0xffff, v6;
	_ =	sdelay $0x1  }
0x205: {  	v6 =	vxor.u32 $0x80000000, v10  }
0x206: {  	(xrf0) =	vmax.scan.msk.u32 $0xffff, v6  }
0x207: {  	(xrf0) =	vadd.scan.msk.s32 $0xffff, v7  }
0x208: {  	s20 =	simm.s32 $0x30  }
0x209: {  	v8 =	vld [tilespmem:s20+$0x8000];
	v6, _, _ =	vpop (xrf0)  }
0x20a: {  	v7 =	vxor.u32 $0x80000000, v6;
	_ =	sdelay $0x1  }
0x20b: {  	v9, _, _ =	vpop (xrf0)  }
0x20c: {  	(xrf0) =	vmax.scan.msk.u32 $0xffff, v7;
	v7, _, _ =	vpop (xrf0)  }
0x20d: {  	(xrf0) =	vadd.scan.msk.s32 $0xffff, v8;
	v8 =	vxor.u32 $0x80000000, v7  }
0x20e: {  	(xrf0) =	vmax.scan.msk.u32 $0xffff, v8;
	_ =	sdelay $0x2  }
0x20f: {  	(v2sf) =	vpush v9, $0xF  }
0x210: {  	v62, _, _ =	vpop (xrf0)  }
0x211: {  	v8, _, _ =	vpop (xrf0)  }
0x212: {  	s21 =	simm.s32 $0x40;
	(v2sf) =	vpush v62, $0xF;
	v63, _, _ =	vpop (xrf0)  }
0x213: {  	v11 =	vld [tilespmem:s21+$0x8000];
	(v2sf) =	vpush v63, $0xF;
	_ =	sdelay $0x4  }
0x214: {  	s7 =	simm.s32 $0x50;
	(xrf0) =	vadd.scan.msk.s32 $0xffff, v11  }
0x215: {  	s4 =	sxor.u32 $0x80000000, s4;
	s22 =	simm.s32 $0x0;
	v9 =	vld [tilespmem:s7+$0x8000];
	v11 =	vxor.u32 $0x80000000, v8  }
0x216: {  	p2 =	sgt.s32 s3, $0x0;
	s4 =	ssub.s32 $0x800, s4;
	v10 =	vadd.s32 s22, v10;
	(xrf0) =	vmax.scan.msk.u32 $0xffff, v11  }
0x217: {  	s3 =	sshll.u32 s3, $0x18;
	s9 =	simm.s32 $0x180;
	s4 =	simm.s32 @!p2 $0x800;
	[tilespmem:s25+$0x8200] =	vst v10  }
.LBB2_17:
0x218: {  	s24 =	smov.u32 s21  }
0x219: {  	s21 =	smov.u32 s7;
	s7 =	sshra.s32 s9, $0x2;
	p2 =	seq.s32 s9, $0x3C0  }
.Ltmp8:
0x21a: {  	s9 =	sadd.s32 $0x40, s9;
	(xrf0) =	vadd.scan.msk.s32 $0xffff, v9;
	v10, _, _ =	vpop (xrf0);
	s25 =	spop (v2sf);
	(pc) =	sbr.rel @!p2 .LBB2_17-.Ltmp8, $4  }
0x21b: {  	v9 =	vld [tilespmem:s7+$0x8000];
	v12 =	vxor.u32 $0x80000000, v10;
	s22 =	sadd.s32 s25, s22  }
0x21c: {  	(xrf0) =	vmax.scan.msk.u32 $0xffff, v12;
	v11, _, _ =	vpop (xrf0);
	s22 =	sadd.s32 $0x80000000, s22  }
0x21d: {  	(v2sf) =	vpush v11, $0xF;
	v11 =	vadd.s32 s22, v6;
	v6 =	vmovc v7;
	v7 =	vmovc v8;
	v8 =	vmov v10  }
0x21e: {  	[tilespmem:s15+$0x8200] =	vst v11;
	s15 =	smov.u32 s6;
	s6 =	smov.u32 s20;
	s20 =	smov.u32 s24  }
0x21f: {  	_ = 	snop  }
0x220: {  	v33, _, _ =	vpop (xrf0)  }
0x221: {  	(xrf0) =	vadd.scan.msk.s32 $0xffff, v9;
	v10 =	vxor.u32 $0x80000000, v33  }
0x222: {  	(xrf0) =	vmax.scan.msk.u32 $0xffff, v10;
	_ =	sdelay $0x3  }
0x223: {  	v34, _, _ =	vpop (xrf0)  }
0x224: {  	(v2sf) =	vpush v34, $0xF;
	v11, _, _ =	vpop (xrf0)  }
0x225: {  	v35, _, _ =	vpop (xrf0)  }
0x226: {  	(v2sf) =	vpush v35, $0xF;
	_ =	sdelay $0x6  }
0x227: {  	s9 =	spop (v2sf)  }
0x228: {  	s9 =	sadd.s32 s9, s22  }
0x229: {  	s25 =	spop (v2sf);
	s9 =	sadd.s32 $0x80000000, s9  }
0x22a: {  	s22 =	sadd.s32 s25, s9  }
0x22b: {  	s22 =	sadd.s32 $0x80000000, s22;
	s24 =	spop (v2sf)  }
0x22c: {  	s24 =	sadd.s32 s24, s22  }
0x22d: {  	s24 =	sadd.s32 $0x80000000, s24;
	s25 =	spop (v2sf)  }
0x22e: {  	v6 =	vadd.s32 s9, v6;
	s11 =	sadd.s32 s25, s24  }
0x22f: {  	[tilespmem:s15+$0x8200] =	vst v6;
	v6 =	vadd.s32 s22, v7;
	s9 =	sadd.s32 $0x80000000, s11;
	s22 =	spop (v2sf)  }
0x230: {  	[tilespmem:s6+$0x8200] =	vst v6;
	v12 =	vxor.u32 $0x80000000, v11;
	v6 =	vadd.s32 s24, v8;
	s25 =	sadd.s32 s22, s9  }
0x231: {  	(xrf0) =	vmax.scan.msk.u32 $0xffff, v12;
	[tilespmem:s20+$0x8200] =	vst v6;
	v6 =	vadd.s32 s9, v33;
	s6 =	sadd.s32 $0x80000000, s25  }
0x232: {  	[tilespmem:s21+$0x8200] =	vst v6;
	v6 =	vadd.s32 s6, v11  }
0x233: {  	[tilespmem:s7+$0x8200] =	vst v6  }
0x234: {  	v6 =	vld [tilespmem:$0x8200]  }
0x235: {  	v7 =	vld [tilespmem:$0x8210]  }
0x236: {  	v37 =	vld [tilespmem:$0x8220]  }
0x237: {  	v36, _, _ =	vpop (xrf0);
	v38 =	vld [tilespmem:$0x8230]  }
0x238: {  	(v2sf) =	vpush v36, $0xF;
	v39 =	vld [tilespmem:$0x8240]  }
0x239: {  	vm0 =	vlt.s32 v6, s4;
	v6 =	vld [tilespmem:$0x8250]  }
0x23a: {  	vm13 =	vlt.s32 v7, s4;
	v7 =	vld [tilespmem:$0x8260];
	v40 =	vsel vm0, $0x1, v2  }
0x23b: {  	v42 =	vld [tilespmem:$0x8270];
	vm14 =	vlt.s32 v37, s4;
	v41 =	vsel vm13, $0x1, v2;
	(xrf0) =	vadd.scan.msk.s32 $0xffff, v40  }
0x23c: {  	v44 =	vld [tilespmem:$0x8280];
	vm15 =	vlt.s32 v38, s4;
	v43 =	vsel vm14, $0x1, v2;
	(xrf0) =	vadd.scan.msk.s32 $0xffff, v41  }
0x23d: {  	v46 =	vld [tilespmem:$0x8290];
	vm4 =	vlt.s32 v39, s4;
	v45 =	vsel vm15, $0x1, v2;
	(xrf0) =	vadd.scan.msk.s32 $0xffff, v43  }
0x23e: {  	v47 =	vsel vm4, $0x1, v2;
	(xrf0) =	vadd.scan.msk.s32 $0xffff, v45;
	vm5 =	vlt.s32 v6, s4;
	v6 =	vld [tilespmem:$0x82A0]  }
0x23f: {  	v50 =	vld [tilespmem:$0x82C0];
	vm6 =	vlt.s32 v7, s4;
	(xrf0) =	vadd.scan.msk.s32 $0xffff, v47;
	v48 =	vsel vm5, $0x1, v2  }
0x240: {  	vm7 =	vlt.s32 v42, s4;
	v7 =	vld [tilespmem:$0x82B0];
	v49 =	vsel vm6, $0x1, v2;
	(xrf0) =	vadd.scan.msk.s32 $0xffff, v48  }
0x241: {  	v53 =	vld [tilespmem:$0x82D0];
	v52 =	vsel vm7, $0x1, v2;
	v51, _, _ =	vpop (xrf0);
	(xrf0) =	vadd.scan.msk.s32 $0xffff, v49  }
0x242: {  	v56 =	vld [tilespmem:$0x82E0];
	vm8 =	vlt.s32 v44, s4;
	vm9 =	vlt.s32 v46, s4;
	(v2sf) =	vpush v51, $0xF;
	v54, _, _ =	vpop (xrf0);
	(xrf0) =	vadd.scan.msk.s32 $0xffff, v52  }
0x243: {  	v55 =	vsel vm8, $0x1, v2;
	(v2sf) =	vpush v54, $0xF;
	v57, _, _ =	vpop (xrf0);
	vm10 =	vlt.s32 v6, s4;
	v6 =	vld [tilespmem:$0x82F0]  }
0x244: {  	vm12 =	vlt.s32 v50, s4;
	v58 =	vsel vm9, $0x1, v2;
	(xrf0) =	vadd.scan.msk.s32 $0xffff, v55;
	(v2sf) =	vpush v57, $0xF;
	v59, _, _ =	vpop (xrf0)  }
0x245: {  	vm11 =	vlt.s32 v7, s4;
	(xrf0) =	vadd.scan.msk.s32 $0xffff, v58;
	v60 =	vsel vm10, $0x1, v2;
	(v2sf) =	vpush v59, $0xF;
	v7, _, _ =	vpop (xrf0)  }
0x246: {  	v8 =	vsel vm12, $0x1, v2;
	v61 =	vsel vm11, $0x1, v2;
	(xrf0) =	vadd.scan.msk.s32 $0xffff, v60;
	(v2sf) =	vpush v7, $0xF;
	v7, _, _ =	vpop (xrf0)  }
0x247: {  	s9 =	spop (v2sf);
	vm13 =	vlt.s32 v53, s4;
	vm14 =	vlt.s32 v56, s4;
	(xrf0) =	vadd.scan.msk.s32 $0xffff, v61;
	(v2sf) =	vpush v7, $0xF;
	v7, _, _ =	vpop (xrf0)  }
0x248: {  	v62 =	vsel vm13, $0x1, v2;
	(xrf0) =	vadd.scan.msk.s32 $0xffff, v8;
	(v2sf) =	vpush v7, $0xF;
	v7, _, _ =	vpop (xrf0);
	vm15 =	vlt.s32 v6, s4  }
0x249: {  	v63 =	vsel vm14, $0x1, v2;
	(xrf0) =	vadd.scan.msk.s32 $0xffff, v62;
	(v2sf) =	vpush v7, $0xF;
	v7 =	vsel vm15, $0x1, v2  }
0x24a: {  	v6, _, _ =	vpop (xrf0);
	(xrf0) =	vadd.scan.msk.s32 $0xffff, v63  }
0x24b: {  	(v2sf) =	vpush v6, $0xF;
	v6, _, _ =	vpop (xrf0);
	(xrf0) =	vadd.scan.msk.s32 $0xffff, v7  }
0x24c: {  	(v2sf) =	vpush v6, $0xF;
	v7, _, _ =	vpop (xrf0)  }
0x24d: {  	v6, _, _ =	vpop (xrf0);
	(v2sf) =	vpush v7, $0xF  }
0x24e: {  	v7, _, _ =	vpop (xrf0);
	(v2sf) =	vpush v6, $0xF  }
0x24f: {  	v6, _, _ =	vpop (xrf0);
	(v2sf) =	vpush v7, $0xF  }
0x250: {  	v7, _, _ =	vpop (xrf0);
	(v2sf) =	vpush v6, $0xF  }
0x251: {  	(v2sf) =	vpush v7, $0xF;
	v6, _, _ =	vpop (xrf0)  }
0x252: {  	s11 =	spop (v2sf);
	(v2sf) =	vpush v6, $0xF  }
0x253: {  	s6 =	spop (v2sf)  }
0x254: {  	s15 =	spop (v2sf);
	s4 =	sadd.s32 s11, s6  }
0x255: {  	s20 =	spop (v2sf);
	s4 =	sadd.s32 s4, s15  }
0x256: {  	s21 =	spop (v2sf);
	s4 =	sadd.s32 s4, s20  }
0x257: {  	s22 =	spop (v2sf);
	s4 =	sadd.s32 s4, s21  }
0x258: {  	s24 =	spop (v2sf);
	s4 =	sadd.s32 s4, s22  }
0x259: {  	s25 =	spop (v2sf);
	s4 =	sadd.s32 s4, s24  }
0x25a: {  	s9 =	spop (v2sf);
	s4 =	sadd.s32 s4, s25  }
0x25b: {  	s11 =	spop (v2sf);
	s4 =	sadd.s32 s4, s9  }
0x25c: {  	s4 =	sadd.s32 s4, s11;
	s15 =	spop (v2sf)  }
0x25d: {  	p2 =	sgt.s32 s19, $0x0;
	s20 =	spop (v2sf);
	s4 =	sadd.s32 s4, s15  }
.Ltmp9:
0x25e: {  	s21 =	spop (v2sf);
	s4 =	sadd.s32 s4, s20;
	(pc) =	sbr.rel @!p2 .LBB2_25-.Ltmp9, $4  }
0x25f: {  	s22 =	spop (v2sf);
	s4 =	sadd.s32 s4, s21  }
0x260: {  	s24 =	spop (v2sf);
	s4 =	sadd.s32 s4, s22  }
0x261: {  	s11 =	rddreg [dreg:$0x11];
	s4 =	sadd.s32 s4, s24;
	s25 =	spop (v2sf)  }
0x262: {  	s21 =	rddreg [dreg:$0x12];
	s4 =	sadd.s32 s4, s25  }
.Ltmp10:
0x263: {  	(pc) =	sbr.rel @!p1 .LBB2_20-.Ltmp10, $3  }
0x264: {  	_ =	sdelay $0x1  }
0x265: {  	s7 =	simm.s32 $0x4000  }
0x266: {  	v7 =	vmov s4;
	s6 =	simm.s32 $0x0;
	p2 =	por $0x0, $0x0;
	v6 =	vld [tilespmem:s7+$0x0];
	s7 =	sadd.s32 $0xFFFFFFFF, s19  }
0x267: {  	_ =	sdelay $0x3  }
0x268: {  	v8 =	vshrl.u32 v6, $0x10  }
0x269: {  	v9 =	vor.u32 s6, v1;
	v8 =	vand.u32 $0xFF, v8  }
0x26a: {  	vm1 =	vlt.s32 v9, v5;
	vm0 =	veq.s32 v8, v7  }
0x26b: {  	vm0 =	vmand vm1, vm0  }
0x26c: {  	v8 =	vsel vm0, $0x1, v2  }
0x26d: {  	(xrf0) =	vadd.scan.msk.s32 $0xffff, v8;
	_ =	sdelay $0x5  }
0x26e: {  	v62, _, _ =	vpop (xrf0)  }
0x26f: {  	v8 =	vmov s6;
	v10 =	vxor.u32 $0x80000000, v62  }
0x270: {  	v8 =	vadd.s32 $0xFFFFFFFF, v8;
	(xrf0) =	vmax.scan.msk.u32 $0xffff, v10  }
0x271: {  	v8 =	vbroadcast v8, $0x0;
	_ =	sdelay $0x1  }
0x272: {  	v8 =	vadd.s32 v62, v8  }
0x273: {  	p1 =	sne.s32 s7, $0x1  }
.Ltmp11:
0x274: {  	_ = 	snop;
	(pc) =	sbr.rel @!p1 .LBB2_22-.Ltmp11, $4  }
0x275: {  	v63, _, _ =	vpop (xrf0)  }
0x276: {  	(v2sf) =	vpush v63, $0xF  }
0x277: {  	s15 =	simm.s32 $0x4010;
	s19 =	sadd.s32 $0xFFFFFFFF, s7;
	[tilespmem:v8+s14+$0x0] =	vst.idx.msk vm0, v6  }
0x278: {  	p2 =	por $0x1, $0x1;
	s9 =	simm.s32 $0x0;
	s7 =	simm.s32 $0x0;
	v6 =	vld [tilespmem:s15+$0x0]  }
.LBB2_23:
0x279: {  	p1 =	sne.s32 s19, $0x1;
	_ =	sdelay $0x3  }
0x27a: {  	s9 =	sadd.s32 $0x10, s9;
	v8 =	vshrl.u32 v6, $0x10  }
0x27b: {  	v9 =	vor.u32 s9, v1;
	v8 =	vand.u32 $0xFF, v8  }
0x27c: {  	vm1 =	vlt.s32 v9, v5;
	vm0 =	veq.s32 v8, v7  }
0x27d: {  	vm0 =	vmand vm1, vm0  }
0x27e: {  	v8 =	vsel vm0, $0x1, v2  }
0x27f: {  	(xrf0) =	vadd.scan.msk.s32 $0xffff, v8;
	_ =	sdelay $0x2  }
0x280: {  	s20 =	spop (v2sf)  }
0x281: {  	s7 =	sadd.s32 s20, s7  }
0x282: {  	s7 =	sadd.s32 $0x80000000, s7  }
0x283: {  	v8 =	vmov s7;
	v9, _, _ =	vpop (xrf0)  }
0x284: {  	v8 =	vadd.s32 $0xFFFFFFFF, v8;
	v10 =	vxor.u32 $0x80000000, v9  }
0x285: {  	v8 =	vbroadcast v8, $0x0;
	(xrf0) =	vmax.scan.msk.u32 $0xffff, v10;
	_ =	sdelay $0x1  }
0x286: {  	v8 =	vadd.s32 v9, v8;
	_ =	sdelay $0x2  }
.Ltmp12:
0x287: {  	(pc) =	sbr.rel @p1 .LBB2_23-.Ltmp12, $4  }
0x288: {  	v9, _, _ =	vpop (xrf0)  }
0x289: {  	[tilespmem:v8+s14+$0x0] =	vst.idx.msk vm0, v6;
	(v2sf) =	vpush v9, $0xF  }
0x28a: {  	s15 =	sadd.s32 $0x10, s15  }
0x28b: {  	s19 =	sadd.s32 $0xFFFFFFFF, s19;
	v6 =	vld [tilespmem:s15+$0x0]  }
.LBB2_24:
0x28c: {  	_ =	sdelay $0x2  }
0x28d: {  	s9 =	sadd.s32 @p2 $0x10, s9;
	s15 =	simm.s32 $0x0  }
0x28e: {  	s15 =	smov.u32 @p2 s9;
	v8 =	vshrl.u32 v6, $0x10  }
0x28f: {  	v9 =	vor.u32 s15, v1;
	v8 =	vand.u32 $0xFF, v8  }
0x290: {  	vm1 =	vlt.s32 v9, v5;
	vm0 =	veq.s32 v8, v7  }
0x291: {  	vm0 =	vmand vm1, vm0  }
0x292: {  	v5 =	vsel vm0, $0x1, v2  }
0x293: {  	(xrf0) =	vadd.scan.msk.s32 $0xffff, v5;
	_ =	sdelay $0x5  }
0x294: {  	v5, _, _ =	vpop (xrf0)  }
0x295: {  	v7 =	vxor.u32 $0x80000000, v5  }
0x296: {  	(xrf0) =	vmax.scan.msk.u32 $0xffff, v7;
	_ =	sdelay $0x5  }
0x297: {  	v7, _, _ =	vpop (xrf0)  }
0x298: {  	(v2sf) =	vpush v7, $0xF;
	_ =	sdelay $0x1  }
0x299: {  	s9 =	spop @p2 (v2sf)  }
0x29a: {  	s7 =	sadd.s32 @p2 s9, s7  }
0x29b: {  	s7 =	sadd.s32 @p2 $0x80000000, s7  }
0x29c: {  	s6 =	smov.u32 @p2 s7  }
0x29d: {  	v7 =	vmov s6  }
0x29e: {  	v7 =	vadd.s32 $0xFFFFFFFF, v7  }
0x29f: {  	v7 =	vbroadcast v7, $0x0;
	_ =	sdelay $0x1  }
0x2a0: {  	v5 =	vadd.s32 v5, v7;
	_ =	sdelay $0x4  }
0x2a1: {  	[tilespmem:v5+s14+$0x0] =	vst.idx.msk vm0, v6;
	s25 =	spop (v2sf)  }
.LBB2_25:
0x2a2: {  	_ =	strace $0x90000049  }
0x2a3: {  	s6 =	simm.s32 $0x10;
	_ =	strace $0x8000004A  }
0x2a4: {  	v6 =	vld [tilespmem:s6+$0xFFFFFFF0]  }
0x2a5: {  	s4 =	sshll.u32 s4, $0x10  }
0x2a6: {  	s3 =	sor.u32 s4, s3  }
0x2a7: {  	s3 =	sor.u32 $0xFFFF, s3  }
0x2a8: {  	v5 =	vmov s3  }
0x2a9: {  	vm0 =	vle.u32 v6, v5  }
0x2aa: {  	v7 =	vsel vm0, $0x1, v2  }
0x2ab: {  	(xrf0) =	vadd.scan.msk.s32 $0xffff, v7;
	_ =	sdelay $0x1  }
0x2ac: {  	s24 =	simm.s32 $0x0  }
0x2ad: {  	v7 =	vmov s24  }
0x2ae: {  	v7 =	vadd.s32 $0xFFFFFFFF, v7  }
0x2af: {  	v7 =	vbroadcast v7, $0x0  }
0x2b0: {  	v8, _, _ =	vpop (xrf0)  }
0x2b1: {  	s3 =	simm.s32 $0x2010;
	v7 =	vadd.s32 v8, v7;
	v8 =	vxor.u32 $0x80000000, v8  }
0x2b2: {  	v9 =	vld [tilespmem:s3+$0xFFFFFFF0];
	(xrf0) =	vmax.scan.msk.u32 $0xffff, v8;
	_ =	sdelay $0x3  }
0x2b3: {  	[tilespmem:v7+s14+$0x0] =	vst.idx.msk vm0, v6  }
0x2b4: {  	[tilespmem:v7+s31+$0x0] =	vst.idx.msk vm0, v9  }
0x2b5: {  	v6 =	vld [tilespmem:s6+$0x0];
	v7, _, _ =	vpop (xrf0)  }
0x2b6: {  	(v2sf) =	vpush v7, $0xF;
	_ =	sdelay $0x3  }
0x2b7: {  	vm0 =	vle.u32 v6, v5  }
0x2b8: {  	v7 =	vsel vm0, $0x1, v2  }
0x2b9: {  	(xrf0) =	vadd.scan.msk.s32 $0xffff, v7;
	_ =	sdelay $0x5  }
0x2ba: {  	v7, _, _ =	vpop (xrf0)  }
0x2bb: {  	v8 =	vxor.u32 $0x80000000, v7  }
0x2bc: {  	(xrf0) =	vmax.scan.msk.u32 $0xffff, v8  }
0x2bd: {  	s25 =	spop (v2sf)  }
0x2be: {  	s4 =	sadd.s32 $0x0, s25  }
0x2bf: {  	s7 =	sadd.s32 $0x80000000, s4  }
0x2c0: {  	v8 =	vmov s7  }
0x2c1: {  	v8 =	vadd.s32 $0xFFFFFFFF, v8  }
0x2c2: {  	v63, _, _ =	vpop (xrf0);
	v8 =	vbroadcast v8, $0x0  }
0x2c3: {  	(v2sf) =	vpush v63, $0xF  }
0x2c4: {  	v7 =	vadd.s32 v7, v8  }
0x2c5: {  	v8 =	vld [tilespmem:s3+$0x0];
	_ =	sdelay $0x3  }
0x2c6: {  	[tilespmem:v7+s14+$0x0] =	vst.idx.msk vm0, v6  }
0x2c7: {  	s4 =	simm.s32 $0x30;
	[tilespmem:v7+s31+$0x0] =	vst.idx.msk vm0, v8  }
0x2c8: {  	v6 =	vld [tilespmem:s4+$0xFFFFFFF0];
	_ =	sdelay $0x4  }
0x2c9: {  	vm0 =	vle.u32 v6, v5  }
0x2ca: {  	v7 =	vsel vm0, $0x1, v2  }
0x2cb: {  	s9 =	spop (v2sf);
	(xrf0) =	vadd.scan.msk.s32 $0xffff, v7  }
0x2cc: {  	s6 =	simm.s32 $0x2;
	s7 =	sadd.s32 s9, s7  }
.LBB2_26:
0x2cd: {  	s6 =	sadd.s32 $0x2, s6;
	s7 =	sadd.s32 $0x80000000, s7;
	s3 =	sadd.s32 $0x20, s3  }
0x2ce: {  	p1 =	slt.u32 s6, $0x7E;
	v7 =	vmov s7  }
0x2cf: {  	v7 =	vadd.s32 $0xFFFFFFFF, v7  }
0x2d0: {  	v7 =	vbroadcast v7, $0x0  }
0x2d1: {  	v8, _, _ =	vpop (xrf0)  }
0x2d2: {  	v7 =	vadd.s32 v8, v7;
	v8 =	vxor.u32 $0x80000000, v8  }
0x2d3: {  	v9 =	vld [tilespmem:s3+$0xFFFFFFF0];
	(xrf0) =	vmax.scan.msk.u32 $0xffff, v8;
	_ =	sdelay $0x3  }
0x2d4: {  	[tilespmem:v7+s14+$0x0] =	vst.idx.msk vm0, v6  }
0x2d5: {  	[tilespmem:v7+s31+$0x0] =	vst.idx.msk vm0, v9  }
0x2d6: {  	v6 =	vld [tilespmem:s4+$0x0];
	v7, _, _ =	vpop (xrf0)  }
0x2d7: {  	(v2sf) =	vpush v7, $0xF;
	_ =	sdelay $0x3  }
0x2d8: {  	vm0 =	vle.u32 v6, v5  }
0x2d9: {  	v7 =	vsel vm0, $0x1, v2  }
0x2da: {  	(xrf0) =	vadd.scan.msk.s32 $0xffff, v7;
	_ =	sdelay $0x5  }
0x2db: {  	v7, _, _ =	vpop (xrf0)  }
0x2dc: {  	v8 =	vxor.u32 $0x80000000, v7  }
0x2dd: {  	(xrf0) =	vmax.scan.msk.u32 $0xffff, v8  }
0x2de: {  	s9 =	spop (v2sf)  }
0x2df: {  	s7 =	sadd.s32 s9, s7  }
0x2e0: {  	s7 =	sadd.s32 $0x80000000, s7  }
0x2e1: {  	v8 =	vmov s7  }
0x2e2: {  	v8 =	vadd.s32 $0xFFFFFFFF, v8  }
0x2e3: {  	v8 =	vbroadcast v8, $0x0;
	v9, _, _ =	vpop (xrf0)  }
0x2e4: {  	(v2sf) =	vpush v9, $0xF  }
0x2e5: {  	v7 =	vadd.s32 v7, v8  }
0x2e6: {  	v8 =	vld [tilespmem:s3+$0x0];
	_ =	sdelay $0x3  }
0x2e7: {  	[tilespmem:v7+s14+$0x0] =	vst.idx.msk vm0, v6  }
0x2e8: {  	s4 =	sadd.s32 $0x20, s4;
	[tilespmem:v7+s31+$0x0] =	vst.idx.msk vm0, v8  }
0x2e9: {  	v6 =	vld [tilespmem:s4+$0xFFFFFFF0];
	_ =	sdelay $0x3  }
.Ltmp13:
0x2ea: {  	(pc) =	sbr.rel @p1 .LBB2_26-.Ltmp13, $4  }
0x2eb: {  	vm0 =	vle.u32 v6, v5  }
0x2ec: {  	v7 =	vsel vm0, $0x1, v2  }
0x2ed: {  	(xrf0) =	vadd.scan.msk.s32 $0xffff, v7;
	s9 =	spop (v2sf)  }
0x2ee: {  	s7 =	sadd.s32 s9, s7  }
0x2ef: {  	s6 =	sadd.s32 $0x80000000, s7  }
0x2f0: {  	v7 =	vmov s6  }
0x2f1: {  	v7 =	vadd.s32 $0xFFFFFFFF, v7  }
0x2f2: {  	v7 =	vbroadcast v7, $0x0  }
0x2f3: {  	v8, _, _ =	vpop (xrf0)  }
0x2f4: {  	s3 =	sadd.s32 $0x20, s3;
	v7 =	vadd.s32 v8, v7  }
0x2f5: {  	v9 =	vld [tilespmem:s3+$0xFFFFFFF0];
	_ =	sdelay $0x3  }
0x2f6: {  	[tilespmem:v7+s14+$0x0] =	vst.idx.msk vm0, v6  }
0x2f7: {  	[tilespmem:v7+s31+$0x0] =	vst.idx.msk vm0, v9  }
0x2f8: {  	v6 =	vld [tilespmem:s4+$0x0];
	_ =	sdelay $0x1  }
0x2f9: {  	v7 =	vxor.u32 $0x80000000, v8  }
0x2fa: {  	(xrf0) =	vmax.scan.msk.u32 $0xffff, v7;
	_ =	sdelay $0x1  }
0x2fb: {  	vm15 =	vle.u32 v6, v5  }
0x2fc: {  	v5 =	vsel vm15, $0x1, v2;
	_ =	sdelay $0x1  }
0x2fd: {  	(xrf0) =	vadd.scan.msk.s32 $0xffff, v5  }
0x2fe: {  	v5, _, _ =	vpop (xrf0)  }
0x2ff: {  	(v2sf) =	vpush v5, $0xF;
	_ =	sdelay $0x3  }
0x300: {  	v5, _, _ =	vpop (xrf0)  }
0x301: {  	v7 =	vxor.u32 $0x80000000, v5  }
0x302: {  	(xrf0) =	vmax.scan.msk.u32 $0xffff, v7;
	_ =	sdelay $0x5  }
0x303: {  	v7, _, _ =	vpop (xrf0)  }
0x304: {  	(v2sf) =	vpush v7, $0xF;
	_ =	sdelay $0x1  }
0x305: {  	s15 =	spop (v2sf)  }
0x306: {  	s4 =	sadd.s32 s15, s6  }
0x307: {  	s4 =	sadd.s32 $0x80000000, s4  }
0x308: {  	v7 =	vmov s4  }
0x309: {  	v7 =	vadd.s32 $0xFFFFFFFF, v7  }
0x30a: {  	v7 =	vbroadcast v7, $0x0;
	_ =	sdelay $0x1  }
0x30b: {  	v5 =	vadd.s32 v5, v7  }
0x30c: {  	v7 =	vld [tilespmem:s3+$0x0];
	_ =	sdelay $0x3  }
0x30d: {  	[tilespmem:v5+s14+$0x0] =	vst.idx.msk vm15, v6  }
0x30e: {  	s20 =	rddreg [dreg:$0xd];
	s19 =	spop (v2sf);
	[tilespmem:v5+s31+$0x0] =	vst.idx.msk vm15, v7  }
0x30f: {  	[spmem:s20] =	stream.linear.scatter [tilespmem:s14], [sflag:$0x6], $0x800, $0x200038;
	[tilespmem:$0x1A310] =	vst v63  }
0x310: {  	_ =	swait.ge [sflag:s29], $0x800  }
0x311: {  	[sflag:s29] =	ssyncset.done $0x0  }
0x312: {  	s22 =	rddreg [dreg:$0xe];
	[sflag:s29] =	ssyncadd.s32 $0xFFFFF800  }
0x313: {  	[spmem:s22] =	stream.linear.scatter [tilespmem:s31], [sflag:$0x6], $0x800, $0x200038;
	[tilespmem:$0x1A310] =	vst v63  }
0x314: {  	s3 =	sadd.s32 s19, s4;
	_ =	swait.ge [sflag:s29], $0x800  }
0x315: {  	s3 =	sadd.s32 $0x80000000, s3;
	[sflag:s29] =	ssyncset.done $0x0  }
0x316: {  	v5 =	vmov s3;
	[sflag:s29] =	ssyncadd.s32 $0xFFFFF800  }
0x317: {  	s25 =	simm.s32 $0xA180;
	s24 =	rddreg [dreg:$0xf];
	[tilespmem:$0xA180] =	vst v5  }
0x318: {  	[spmem:s24] =	stream.linear.scatter [tilespmem:s25], [sflag:$0x6], $0x10, $0x200038;
	[tilespmem:$0x1A310] =	vst v63  }
0x319: {  	_ =	swait.ge [sflag:s29], $0x10  }
.Ltmp14:
0x31a: {  	[sflag:s29] =	ssyncset.done $0x0;
	(pc) =	sbr.rel @p0 .LBB2_93-.Ltmp14, $3  }
0x31b: {  	[sflag:s29] =	ssyncadd.s32 $0xFFFFFFF0  }
0x31c: {  	_ =	strace $0x9000004A  }
0x31d: {  	[bflag:$0x0] =	sbarrier.arrive $0xFFFF;
	_ =	sdelay $0x1  }
0x31e: {  	s3 =	rddreg [dreg:$0x10];
	s4 =	simm.s32 $0xA100  }
0x31f: {  	[tilespmem:s4], [sflag:$0x6] =	stream.linear.gather [spmem:s3], $0x40, $0x38;
	[tilespmem:$0x1A310] =	vst v63  }
0x320: {  	_ =	swait.ge [sflag:s29], $0x40  }
0x321: {  	[sflag:s29] =	ssyncset.done $0x0  }
0x322: {  	[sflag:s29] =	ssyncadd.s32 $0xFFFFFFC0  }
0x323: {  	v8 =	vld [tilespmem:$0xA100]  }
0x324: {  	v7 =	vld [tilespmem:$0xA110]  }
0x325: {  	v6 =	vld [tilespmem:$0xA120]  }
0x326: {  	v5 =	vld [tilespmem:$0xA130];
	[tilespmem:s16], [sflag:$0x6] =	stream.linear.gather [spmem:s11], $0x2000, $0x38  }
0x327: {  	_ =	swait.ge [sflag:s29], $0x2000  }
0x328: {  	[sflag:s29] =	ssyncset.done $0x0  }
0x329: {  	[sflag:s29] =	ssyncadd.s32 $0xFFFFE000  }
0x32a: {  	[tilespmem:s13], [sflag:$0x6] =	stream.linear.gather [spmem:s21], $0x2000, $0x38;
	[tilespmem:$0x1A310] =	vst v63  }
0x32b: {  	_ =	swait.ge [sflag:s29], $0x2000  }
0x32c: {  	[sflag:s29] =	ssyncset.done $0x0  }
0x32d: {  	s4 =	simm.s32 $0x8420;
	[sflag:s29] =	ssyncadd.s32 $0xFFFFE000  }
0x32e: {  	[tilespmem:s4+$0xFFFFFFE0] =	vst v2  }
0x32f: {  	[tilespmem:s4+$0x10] =	vst v2  }
0x330: {  	s3 =	simm.s32 $0x0;
	[tilespmem:s4+$0x0] =	vst v2  }
.LBB2_29:
0x331: {  	s3 =	sadd.s32 $0x4, s3  }
0x332: {  	[tilespmem:s4+$0xFFFFFFF0] =	vst v2;
	s4 =	sadd.s32 $0x40, s4;
	p1 =	slt.u32 s3, $0x7C  }
.Ltmp15:
0x333: {  	[tilespmem:s4+$0xFFFFFFE0] =	vst v2;
	(pc) =	sbr.rel @p1 .LBB2_29-.Ltmp15, $3  }
0x334: {  	_ =	sdelay $0x1  }
0x335: {  	[tilespmem:s4+$0x10] =	vst v2  }
0x336: {  	[tilespmem:s4+$0x0] =	vst v2  }
0x337: {  	v8 =	vxor.u32 $0x80000000, v8  }
0x338: {  	(xrf0) =	vmax.scan.msk.u32 $0xffff, v8;
	_ =	sdelay $0x5  }
0x339: {  	v8, _, _ =	vpop (xrf0)  }
0x33a: {  	(v2sf) =	vpush v8, $0xF;
	_ =	sdelay $0x1  }
0x33b: {  	v7 =	vxor.u32 $0x80000000, v7  }
0x33c: {  	v6 =	vxor.u32 $0x80000000, v6;
	(xrf0) =	vmax.scan.msk.u32 $0xffff, v7  }
0x33d: {  	v5 =	vxor.u32 $0x80000000, v5;
	(xrf0) =	vmax.scan.msk.u32 $0xffff, v6  }
0x33e: {  	(xrf0) =	vmax.scan.msk.u32 $0xffff, v5;
	_ =	sdelay $0x3  }
0x33f: {  	v5, _, _ =	vpop (xrf0)  }
0x340: {  	v6, _, _ =	vpop (xrf0);
	(v2sf) =	vpush v5, $0xF  }
0x341: {  	(v2sf) =	vpush v6, $0xF;
	v5, _, _ =	vpop (xrf0)  }
0x342: {  	(v2sf) =	vpush v5, $0xF;
	_ =	sdelay $0x2  }
0x343: {  	s7 =	spop (v2sf)  }
0x344: {  	s3 =	sadd.s32 $0x8000000F, s7  }
0x345: {  	s6 =	sand.u32 $0xF, s3  }
0x346: {  	s9 =	sshra.s32 s3, $0x1F;
	p1 =	slt.s32 s3, $0x1;
	p2 =	sne.s32 s6, $0x0  }
0x347: {  	s24 =	sshrl.u32 s9, $0x1C;
	p1 =	por !p1, !p2  }
0x348: {  	s9 =	simm.s32 $0x1;
	s6 =	sadd.s32 s24, s3;
	p1 =	por !p1, !p1  }
0x349: {  	s15 =	sshra.s32 s6, $0x4;
	s9 =	simm.s32 @!p1 $0x0  }
0x34a: {  	s20 =	ssub.s32 s15, s9  }
0x34b: {  	p5 =	slt.s32 s20, $0x1  }
.Ltmp16:
0x34c: {  	_ = 	snop;
	(pc) =	sbr.rel @p5 .LBB2_37-.Ltmp16, $4  }
0x34d: {  	s3 =	spop (v2sf)  }
0x34e: {  	[tilespmem:s4+$0xFFFFFFF0] =	vst v2;
	s6 =	spop (v2sf)  }
0x34f: {  	[tilespmem:$0x8C00] =	vst v2;
	s25 =	sxor.u32 $0x80000000, s7;
	s19 =	spop (v2sf)  }
0x350: {  	v8 =	vmov s25;
	s11 =	sadd.s32 $0xFFFFFFFF, s20;
	_ =	strace $0x8000004B;
	[smem:$0x7FD] =	sst s25  }
0x351: {  	p2 =	sne.s32 s20, $0x1  }
.Ltmp17:
0x352: {  	_ = 	snop;
	(pc) =	sbr.rel @!p2 .LBB2_32-.Ltmp17, $3  }
0x353: {  	_ =	sdelay $0x1  }
0x354: {  	s4 =	simm.s32 $0x0  }
0x355: {  	p1 =	por $0x0, $0x0;
	v6 =	vld [tilespmem:s4+$0x0]  }
0x356: {  	_ =	sdelay $0x2  }
0x357: {  	v5 =	vor.u32 s4, v1  }
0x358: {  	vm0 =	vlt.s32 v5, v8;
	v5 =	vor.u32 $0x800, v1;
	v6 =	vand.u32 $0x7FF, v6  }
0x359: {  	v6 =	vsel vm0, v6, v5  }
0x35a: {  	p2 =	sne.s32 s11, $0x1  }
.Ltmp18:
0x35b: {  	_ = 	snop;
	(pc) =	sbr.rel @!p2 .LBB2_34-.Ltmp18, $3  }
0x35c: {  	_ =	sdelay $0x1  }
0x35d: {  	s9 =	simm.s32 $0x10;
	[tilespmem:v6+s12+$0x0] =	vst.idx.add.s32.msk $0xffff, v3  }
0x35e: {  	s15 =	sadd.s32 $0xFFFFFFFF, s11;
	p1 =	por $0x1, $0x1;
	s7 =	simm.s32 $0x0;
	v6 =	vld [tilespmem:s9+$0x0]  }
.LBB2_35:
0x35f: {  	p2 =	sne.s32 s15, $0x1;
	_ =	sdelay $0x1  }
0x360: {  	s7 =	sadd.s32 $0x10, s7  }
0x361: {  	v7 =	vor.u32 s7, v1  }
0x362: {  	vm0 =	vlt.s32 v7, v8;
	v6 =	vand.u32 $0x7FF, v6  }
0x363: {  	v6 =	vsel vm0, v6, v5;
	_ =	sdelay $0x1  }
.Ltmp19:
0x364: {  	(pc) =	sbr.rel @p2 .LBB2_35-.Ltmp19, $3  }
0x365: {  	_ =	sdelay $0x1  }
0x366: {  	s9 =	sadd.s32 $0x10, s9;
	[tilespmem:v6+s12+$0x0] =	vst.idx.add.s32.msk $0xffff, v3  }
0x367: {  	s15 =	sadd.s32 $0xFFFFFFFF, s15;
	v6 =	vld [tilespmem:s9+$0x0]  }
.LBB2_36:
0x368: {  	_ = 	snop  }
0x369: {  	s7 =	sadd.s32 @p1 $0x10, s7  }
0x36a: {  	s4 =	smov.u32 @p1 s7  }
0x36b: {  	v5 =	vor.u32 s4, v1  }
0x36c: {  	vm0 =	vlt.s32 v5, v8;
	v5 =	vor.u32 $0x800, v1;
	v6 =	vand.u32 $0x7FF, v6  }
0x36d: {  	v5 =	vsel vm0, v6, v5;
	_ =	sdelay $0x4  }
0x36e: {  	[tilespmem:v5+s12+$0x0] =	vst.idx.add.s32.msk $0xffff, v3  }
.LBB2_37:
0x36f: {  	s4 =	sadd.s32 $0x8000000F, s3  }
0x370: {  	s7 =	sand.u32 $0xF, s4  }
0x371: {  	s25 =	sshra.s32 s4, $0x1F;
	p2 =	slt.s32 s4, $0x1;
	p1 =	sne.s32 s7, $0x0  }
0x372: {  	s7 =	sshrl.u32 s25, $0x1C;
	p1 =	por !p2, !p1  }
0x373: {  	s4 =	sadd.s32 s7, s4;
	s7 =	simm.s32 $0x1;
	p1 =	por !p1, !p1  }
0x374: {  	s4 =	sshra.s32 s4, $0x4;
	s7 =	simm.s32 @!p1 $0x0  }
0x375: {  	s9 =	ssub.s32 s4, s7  }
0x376: {  	p4 =	slt.s32 s9, $0x1  }
.Ltmp20:
0x377: {  	_ = 	snop;
	(pc) =	sbr.rel @p4 .LBB2_41-.Ltmp20, $3  }
0x378: {  	_ =	sdelay $0x1  }
0x379: {  	s21 =	sxor.u32 $0x80000000, s3  }
0x37a: {  	v7 =	vmov s21;
	s22 =	sadd.s32 $0xFFFFFFFF, s9  }
0x37b: {  	p1 =	sne.s32 s9, $0x1  }
.Ltmp21:
0x37c: {  	_ = 	snop;
	(pc) =	sbr.rel @!p1 .LBB2_40-.Ltmp21, $3  }
0x37d: {  	_ =	sdelay $0x1  }
0x37e: {  	s3 =	simm.s32 $0x0  }
0x37f: {  	s4 =	sadd.s32 $0xFFFFFFFF, s9;
	s7 =	sand.u32 $0xFFFFFFF0, s3  }
.LBB2_39:
0x380: {  	p1 =	sne.s32 s4, $0x1;
	v5 =	vld [tilespmem:s7+$0x800];
	_ =	sdelay $0x3  }
0x381: {  	v6 =	vor.u32 s3, v1  }
0x382: {  	vm0 =	vlt.s32 v6, v7;
	v6 =	vor.u32 $0x800, v1;
	v5 =	vand.u32 $0x7FF, v5  }
0x383: {  	v5 =	vsel vm0, v5, v6  }
.Ltmp22:
0x384: {  	(pc) =	sbr.rel @p1 .LBB2_39-.Ltmp22, $3  }
0x385: {  	_ =	sdelay $0x1  }
0x386: {  	s3 =	sadd.s32 $0x10, s3  }
0x387: {  	s4 =	sadd.s32 $0xFFFFFFFF, s4;
	s7 =	sand.u32 $0xFFFFFFF0, s3;
	[tilespmem:v5+s12+$0x0] =	vst.idx.add.s32.msk $0xffff, v3  }
.LBB2_40:
0x388: {  	v5 =	vld [tilespmem:s7+$0x800];
	_ =	sdelay $0x3  }
0x389: {  	v6 =	vor.u32 s3, v1  }
0x38a: {  	vm0 =	vlt.s32 v6, v7;
	v6 =	vor.u32 $0x800, v1;
	v5 =	vand.u32 $0x7FF, v5  }
0x38b: {  	v5 =	vsel vm0, v5, v6;
	_ =	sdelay $0x4  }
0x38c: {  	[tilespmem:v5+s12+$0x0] =	vst.idx.add.s32.msk $0xffff, v3  }
.LBB2_41:
0x38d: {  	s3 =	sadd.s32 $0x8000000F, s6  }
0x38e: {  	s4 =	sand.u32 $0xF, s3  }
0x38f: {  	s25 =	sshra.s32 s3, $0x1F;
	p2 =	slt.s32 s3, $0x1;
	p1 =	sne.s32 s4, $0x0  }
0x390: {  	s4 =	sshrl.u32 s25, $0x1C;
	p1 =	por !p2, !p1  }
0x391: {  	s3 =	sadd.s32 s4, s3;
	s4 =	simm.s32 $0x1;
	p1 =	por !p1, !p1  }
0x392: {  	s3 =	sshra.s32 s3, $0x4;
	s4 =	simm.s32 @!p1 $0x0  }
0x393: {  	[smem:$0x7FB] =	sst s11;
	s11 =	ssub.s32 s3, s4  }
0x394: {  	p3 =	slt.s32 s11, $0x1  }
.Ltmp23:
0x395: {  	_ = 	snop;
	(pc) =	sbr.rel @p3 .LBB2_45-.Ltmp23, $3  }
0x396: {  	_ =	sdelay $0x1  }
0x397: {  	[smem:$0x7FA] =	sst s20;
	s6 =	sxor.u32 $0x80000000, s6  }
0x398: {  	[smem:$0x7FC] =	sst s9;
	v6 =	vmov s6;
	s20 =	sadd.s32 $0xFFFFFFFF, s11  }
0x399: {  	p1 =	sne.s32 s11, $0x1  }
.Ltmp24:
0x39a: {  	_ = 	snop;
	(pc) =	sbr.rel @!p1 .LBB2_44-.Ltmp24, $3  }
0x39b: {  	_ =	sdelay $0x1  }
0x39c: {  	s3 =	simm.s32 $0x0  }
0x39d: {  	s4 =	sadd.s32 $0xFFFFFFFF, s11;
	s7 =	sand.u32 $0xFFFFFFF0, s3  }
.LBB2_43:
0x39e: {  	p1 =	sne.s32 s4, $0x1;
	v5 =	vld [tilespmem:s7+$0x1000];
	_ =	sdelay $0x3  }
0x39f: {  	v9 =	vor.u32 s3, v1  }
0x3a0: {  	vm0 =	vlt.s32 v9, v6;
	v9 =	vor.u32 $0x800, v1;
	v5 =	vand.u32 $0x7FF, v5  }
0x3a1: {  	v5 =	vsel vm0, v5, v9  }
.Ltmp25:
0x3a2: {  	(pc) =	sbr.rel @p1 .LBB2_43-.Ltmp25, $3  }
0x3a3: {  	_ =	sdelay $0x1  }
0x3a4: {  	s3 =	sadd.s32 $0x10, s3  }
0x3a5: {  	s4 =	sadd.s32 $0xFFFFFFFF, s4;
	s7 =	sand.u32 $0xFFFFFFF0, s3;
	[tilespmem:v5+s12+$0x0] =	vst.idx.add.s32.msk $0xffff, v3  }
.LBB2_44:
0x3a6: {  	v5 =	vld [tilespmem:s7+$0x1000];
	_ =	sdelay $0x3  }
0x3a7: {  	v9 =	vor.u32 s3, v1  }
0x3a8: {  	vm0 =	vlt.s32 v9, v6;
	v9 =	vor.u32 $0x800, v1;
	v5 =	vand.u32 $0x7FF, v5  }
0x3a9: {  	v5 =	vsel vm0, v5, v9;
	_ =	sdelay $0x4  }
0x3aa: {  	[tilespmem:v5+s12+$0x0] =	vst.idx.add.s32.msk $0xffff, v3  }
.LBB2_45:
0x3ab: {  	s3 =	sadd.s32 $0x8000000F, s19  }
0x3ac: {  	s4 =	sand.u32 $0xF, s3  }
0x3ad: {  	s25 =	sshra.s32 s3, $0x1F;
	p2 =	slt.s32 s3, $0x1;
	p1 =	sne.s32 s4, $0x0  }
0x3ae: {  	s4 =	sshrl.u32 s25, $0x1C;
	p1 =	por !p2, !p1  }
0x3af: {  	s3 =	sadd.s32 s4, s3;
	s4 =	simm.s32 $0x1;
	p1 =	por !p1, !p1  }
0x3b0: {  	s3 =	sshra.s32 s3, $0x4;
	s4 =	simm.s32 @!p1 $0x0  }
0x3b1: {  	s4 =	ssub.s32 s3, s4  }
0x3b2: {  	p2 =	slt.s32 s4, $0x1  }
.Ltmp26:
0x3b3: {  	_ = 	snop;
	(pc) =	sbr.rel @p2 .LBB2_49-.Ltmp26, $3  }
0x3b4: {  	_ =	sdelay $0x1  }
0x3b5: {  	s7 =	sxor.u32 $0x80000000, s19  }
0x3b6: {  	v5 =	vmov s7;
	p1 =	sne.s32 s4, $0x1;
	s19 =	sadd.s32 $0xFFFFFFFF, s4  }
.Ltmp27:
0x3b7: {  	(pc) =	sbr.rel @!p1 .LBB2_48-.Ltmp27, $3  }
0x3b8: {  	_ =	sdelay $0x1  }
0x3b9: {  	s3 =	simm.s32 $0x0  }
0x3ba: {  	s4 =	sadd.s32 $0xFFFFFFFF, s4;
	s9 =	sand.u32 $0xFFFFFFF0, s3  }
.LBB2_47:
0x3bb: {  	p6 =	sne.s32 s4, $0x1;
	v9 =	vld [tilespmem:s9+$0x1800];
	_ =	sdelay $0x3  }
0x3bc: {  	v10 =	vor.u32 s3, v1  }
0x3bd: {  	vm0 =	vlt.s32 v10, v5;
	v10 =	vor.u32 $0x800, v1;
	v9 =	vand.u32 $0x7FF, v9  }
0x3be: {  	v9 =	vsel vm0, v9, v10  }
.Ltmp28:
0x3bf: {  	(pc) =	sbr.rel @p6 .LBB2_47-.Ltmp28, $3  }
0x3c0: {  	_ =	sdelay $0x1  }
0x3c1: {  	s3 =	sadd.s32 $0x10, s3  }
0x3c2: {  	s4 =	sadd.s32 $0xFFFFFFFF, s4;
	s9 =	sand.u32 $0xFFFFFFF0, s3;
	[tilespmem:v9+s12+$0x0] =	vst.idx.add.s32.msk $0xffff, v3  }
.LBB2_48:
0x3c3: {  	v9 =	vld [tilespmem:s9+$0x1800];
	_ =	sdelay $0x3  }
0x3c4: {  	v10 =	vor.u32 s3, v1  }
0x3c5: {  	vm0 =	vlt.s32 v10, v5;
	v10 =	vor.u32 $0x800, v1;
	v9 =	vand.u32 $0x7FF, v9  }
0x3c6: {  	v9 =	vsel vm0, v9, v10;
	_ =	sdelay $0x4  }
0x3c7: {  	[tilespmem:v9+s12+$0x0] =	vst.idx.add.s32.msk $0xffff, v3  }
.LBB2_49:
0x3c8: {  	[smem:$0x7F8] =	sst s11  }
0x3c9: {  	s25 =	simm.s32 $0x0;
	_ =	strace $0x9000004B  }
0x3ca: {  	v16 =	vld [tilespmem:s25+$0x8400];
	_ =	sdelay $0x4  }
0x3cb: {  	s15 =	simm.s32 $0x10;
	(xrf0) =	vadd.scan.msk.s32 $0xffff, v16  }
0x3cc: {  	v10 =	vld [tilespmem:s15+$0x8400];
	_ =	sdelay $0x2  }
0x3cd: {  	s3 =	simm.s32 $0x20  }
0x3ce: {  	v9 =	vld [tilespmem:s3+$0x8400]  }
0x3cf: {  	v17, _, _ =	vpop (xrf0);
	(xrf0) =	vadd.scan.msk.s32 $0xffff, v10;
	_ =	sdelay $0x1  }
0x3d0: {  	v11 =	vxor.u32 $0x80000000, v17  }
0x3d1: {  	(xrf0) =	vmax.scan.msk.u32 $0xffff, v11  }
0x3d2: {  	(xrf0) =	vadd.scan.msk.s32 $0xffff, v9  }
0x3d3: {  	s24 =	simm.s32 $0x30  }
0x3d4: {  	v11 =	vld [tilespmem:s24+$0x8400];
	v13, _, _ =	vpop (xrf0)  }
0x3d5: {  	v12 =	vxor.u32 $0x80000000, v13;
	_ =	sdelay $0x1  }
0x3d6: {  	v15, _, _ =	vpop (xrf0)  }
0x3d7: {  	(xrf0) =	vmax.scan.msk.u32 $0xffff, v12;
	v12, _, _ =	vpop (xrf0)  }
0x3d8: {  	(xrf0) =	vadd.scan.msk.s32 $0xffff, v11;
	v14 =	vxor.u32 $0x80000000, v12  }
0x3d9: {  	(xrf0) =	vmax.scan.msk.u32 $0xffff, v14;
	_ =	sdelay $0x2  }
0x3da: {  	(v2sf) =	vpush v15, $0xF  }
0x3db: {  	v18, _, _ =	vpop (xrf0)  }
0x3dc: {  	v15, _, _ =	vpop (xrf0)  }
0x3dd: {  	s4 =	simm.s32 $0x40;
	(v2sf) =	vpush v18, $0xF;
	v19, _, _ =	vpop (xrf0)  }
0x3de: {  	v14 =	vld [tilespmem:s4+$0x8400];
	(v2sf) =	vpush v19, $0xF  }
0x3df: {  	s9 =	sld [smem:$0x7FD];
	_ =	sdelay $0x2  }
0x3e0: {  	s21 =	sadd.s32 s9, s21  }
0x3e1: {  	s9 =	simm.s32 $0x0;
	s6 =	sadd.s32 s6, s21;
	s21 =	simm.s32 $0x50;
	(xrf0) =	vadd.scan.msk.s32 $0xffff, v14  }
0x3e2: {  	v20 =	vsub.s32 s9, v16;
	v16 =	vld [tilespmem:s21+$0x8400];
	v18 =	vxor.u32 $0x80000000, v15  }
0x3e3: {  	s6 =	sadd.s32 s7, s6;
	(xrf0) =	vmax.scan.msk.u32 $0xffff, v18  }
0x3e4: {  	s7 =	simm.s32 $0x180;
	[smem:$0x7F9] =	sst s6;
	v17 =	vadd.s32 v17, v20  }
.LBB2_50:
0x3e5: {  	s6 =	sshra.s32 s7, $0x2  }
0x3e6: {  	[tilespmem:s25+$0x8C80] =	vst v17;
	s25 =	smov.u32 s15;
	s15 =	smov.u32 s3;
	p6 =	sne.s32 s7, $0x2000  }
.Ltmp29:
0x3e7: {  	s7 =	sadd.s32 $0x40, s7;
	(xrf0) =	vadd.scan.msk.s32 $0xffff, v16;
	v18, _, _ =	vpop (xrf0);
	s3 =	spop (v2sf);
	(pc) =	sbr.rel @p6 .LBB2_50-.Ltmp29, $4  }
0x3e8: {  	v19 =	vmov v16;
	v20 =	vxor.u32 $0x80000000, v18;
	s9 =	sadd.s32 s3, s9;
	v16 =	vld [tilespmem:s6+$0x8400];
	s3 =	smov.u32 s24;
	s24 =	smov.u32 s4  }
0x3e9: {  	s4 =	smov.u32 s21;
	s21 =	smov.u32 s6;
	(xrf0) =	vmax.scan.msk.u32 $0xffff, v20;
	v17, _, _ =	vpop (xrf0);
	s9 =	sadd.s32 $0x80000000, s9  }
0x3ea: {  	(v2sf) =	vpush v17, $0xF;
	v17 =	vsub.s32 s9, v10;
	v10 =	vmovc v9;
	v9 =	vmovc v11;
	v11 =	vmov v14  }
0x3eb: {  	v14 =	vmovc v19;
	v17 =	vadd.s32 v13, v17;
	v13 =	vmovc v12;
	v12 =	vmov v15;
	v15 =	vmov v18  }
0x3ec: {  	_ = 	snop  }
0x3ed: {  	(xrf0) =	vadd.scan.msk.s32 $0xffff, v16  }
0x3ee: {  	v18, _, _ =	vpop (xrf0)  }
0x3ef: {  	v19 =	vxor.u32 $0x80000000, v18  }
0x3f0: {  	(xrf0) =	vmax.scan.msk.u32 $0xffff, v19;
	_ =	sdelay $0x1  }
0x3f1: {  	v61, _, _ =	vpop (xrf0)  }
0x3f2: {  	v20, _, _ =	vpop (xrf0)  }
0x3f3: {  	v21 =	vxor.u32 $0x80000000, v20  }
0x3f4: {  	(v2sf) =	vpush v61, $0xF;
	(xrf0) =	vmax.scan.msk.u32 $0xffff, v21  }
0x3f5: {  	v62, _, _ =	vpop (xrf0)  }
0x3f6: {  	(v2sf) =	vpush v62, $0xF;
	_ =	sdelay $0x3  }
0x3f7: {  	v63, _, _ =	vpop (xrf0)  }
0x3f8: {  	(v2sf) =	vpush v63, $0xF;
	_ =	sdelay $0x1  }
0x3f9: {  	s6 =	spop (v2sf)  }
0x3fa: {  	s6 =	sadd.s32 s6, s9  }
0x3fb: {  	s7 =	spop (v2sf);
	s6 =	sadd.s32 $0x80000000, s6  }
0x3fc: {  	s7 =	sadd.s32 s7, s6  }
0x3fd: {  	s7 =	sadd.s32 $0x80000000, s7;
	s11 =	spop (v2sf)  }
0x3fe: {  	s9 =	sadd.s32 s11, s7  }
0x3ff: {  	s9 =	sadd.s32 $0x80000000, s9;
	s11 =	spop (v2sf)  }
0x400: {  	v10 =	vsub.s32 s6, v10;
	s11 =	sadd.s32 s11, s9  }
0x401: {  	[tilespmem:s25+$0x8C80] =	vst v17;
	v10 =	vadd.s32 v13, v10;
	v9 =	vsub.s32 s7, v9;
	s6 =	sadd.s32 $0x80000000, s11;
	s11 =	spop (v2sf)  }
0x402: {  	[tilespmem:s15+$0x8C80] =	vst v10;
	v9 =	vadd.s32 v12, v9;
	v10 =	vsub.s32 s9, v11;
	s7 =	sadd.s32 s11, s6  }
0x403: {  	[tilespmem:s3+$0x8C80] =	vst v9;
	v9 =	vadd.s32 v15, v10;
	v10 =	vsub.s32 s6, v14;
	s15 =	sadd.s32 $0x80000000, s7  }
0x404: {  	[tilespmem:s24+$0x8C80] =	vst v9;
	v9 =	vadd.s32 v18, v10;
	v10 =	vsub.s32 s15, v16  }
.Ltmp30:
0x405: {  	[tilespmem:s4+$0x8C80] =	vst v9;
	v9 =	vadd.s32 v20, v10;
	(pc) =	sbr.rel @p5 .LBB2_54-.Ltmp30, $4  }
0x406: {  	[tilespmem:s21+$0x8C80] =	vst v9;
	s25 =	spop (v2sf)  }
0x407: {  	_ =	strace $0x8000004C  }
0x408: {  	s24 =	rddreg [dreg:$0x11]  }
0x409: {  	s25 =	rddreg [dreg:$0x12]  }
0x40a: {  	s6 =	sld [smem:$0x7FA];
	_ =	sdelay $0x2  }
0x40b: {  	p6 =	seq.s32 s6, $0x1  }
.Ltmp31:
0x40c: {  	_ = 	snop;
	(pc) =	sbr.rel @p6 .LBB2_53-.Ltmp31, $4  }
0x40d: {  	_ = 	snop  }
0x40e: {  	s3 =	simm.s32 $0x0  }
0x40f: {  	s4 =	simm.s32 $0x2000;
	v9 =	vld [tilespmem:s3+$0x0]  }
0x410: {  	p5 =	por $0x0, $0x0;
	v10 =	vld [tilespmem:s4+$0x0]  }
0x411: {  	_ =	sdelay $0x1  }
0x412: {  	v11 =	vor.u32 s3, v1  }
0x413: {  	vm0 =	vlt.s32 v11, v8;
	v11 =	vor.u32 $0x800, v1;
	v12 =	vand.u32 $0x7FF, v9  }
0x414: {  	v12 =	vsel vm0, v12, v11  }
0x415: {  	(xrf1) =	vunique.msk.u32 $0xffff, v12;
	_ =	sdelay $0x9  }
0x416: {  	v13 =	vld.idx.msk [tilespmem:v12+s28+$0x0], $0xffff;
	_ =	sdelay $0x3  }
0x417: {  	_, v14, _ =	vpop (xrf1)  }
0x418: {  	v13 =	vadd.s32 v14, v13  }
0x419: {  	v13 =	vadd.s32 $0xFFFFFFFF, v13;
	_ =	sdelay $0x1  }
0x41a: {  	s6 =	sld [smem:$0x7FB];
	_ =	sdelay $0x2  }
0x41b: {  	p6 =	seq.s32 s6, $0x1;
	[tilespmem:v13+s14+$0x0] =	vst.idx.msk vm0, v9  }
.Ltmp32:
0x41c: {  	[tilespmem:v13+s31+$0x0] =	vst.idx.msk vm0, v10;
	(pc) =	sbr.rel @p6 .LBB2_73-.Ltmp32, $4  }
0x41d: {  	s4 =	simm.s32 $0x10;
	[tilespmem:v12+s28+$0x0] =	vst.idx.add.s32.msk $0xffff, v3  }
0x41e: {  	v9 =	vld [tilespmem:s4+$0x0]  }
0x41f: {  	s9 =	simm.s32 $0x2010  }
0x420: {  	p5 =	por $0x1, $0x1;
	s7 =	simm.s32 $0x0;
	s15 =	sadd.s32 $0xFFFFFFFF, s6;
	v10 =	vld [tilespmem:s9+$0x0]  }
.LBB2_74:
0x421: {  	p6 =	seq.s32 s15, $0x1;
	s7 =	sadd.s32 $0x10, s7  }
0x422: {  	v12 =	vor.u32 s7, v1  }
0x423: {  	v13 =	vand.u32 $0x7FF, v9;
	vm0 =	vlt.s32 v12, v8  }
0x424: {  	v12 =	vsel vm0, v13, v11  }
0x425: {  	(xrf1) =	vunique.msk.u32 $0xffff, v12;
	_ =	sdelay $0x8  }
0x426: {  	v13 =	vld.idx.msk [tilespmem:v12+s28+$0x0], $0xffff;
	_ =	sdelay $0x4  }
0x427: {  	_, v14, _ =	vpop (xrf1)  }
0x428: {  	v13 =	vadd.s32 v14, v13  }
0x429: {  	v13 =	vadd.s32 $0xFFFFFFFF, v13;
	_ =	sdelay $0x4  }
0x42a: {  	[tilespmem:v13+s14+$0x0] =	vst.idx.msk vm0, v9  }
.Ltmp33:
0x42b: {  	[tilespmem:v13+s31+$0x0] =	vst.idx.msk vm0, v10;
	(pc) =	sbr.rel @!p6 .LBB2_74-.Ltmp33, $4  }
0x42c: {  	s4 =	sadd.s32 $0x10, s4;
	[tilespmem:v12+s28+$0x0] =	vst.idx.add.s32.msk $0xffff, v3  }
0x42d: {  	s9 =	sadd.s32 $0x10, s9;
	v9 =	vld [tilespmem:s4+$0x0]  }
0x42e: {  	v10 =	vld [tilespmem:s9+$0x0]  }
0x42f: {  	s15 =	sadd.s32 $0xFFFFFFFF, s15  }
.LBB2_75:
0x430: {  	s4 =	sadd.s32 @p5 $0x10, s7  }
0x431: {  	s3 =	smov.u32 @p5 s4  }
0x432: {  	v11 =	vor.u32 s3, v1  }
0x433: {  	v12 =	vand.u32 $0x7FF, v9;
	vm0 =	vlt.s32 v11, v8;
	v8 =	vor.u32 $0x800, v1  }
0x434: {  	v8 =	vsel vm0, v12, v8  }
0x435: {  	(xrf1) =	vunique.msk.u32 $0xffff, v8;
	_ =	sdelay $0x9  }
0x436: {  	v62 =	vld.idx.msk [tilespmem:v8+s28+$0x0], $0xffff;
	_ =	sdelay $0x3  }
0x437: {  	_, v63, _ =	vpop (xrf1)  }
0x438: {  	v11 =	vadd.s32 v63, v62  }
0x439: {  	v11 =	vadd.s32 $0xFFFFFFFF, v11;
	_ =	sdelay $0x4  }
0x43a: {  	[tilespmem:v11+s14+$0x0] =	vst.idx.msk vm0, v9  }
0x43b: {  	[tilespmem:v11+s31+$0x0] =	vst.idx.msk vm0, v10  }
0x43c: {  	[tilespmem:v8+s28+$0x0] =	vst.idx.add.s32.msk $0xffff, v3  }
.LBB2_54:
.Ltmp34:
0x43d: {  	(pc) =	sbr.rel @p4 .LBB2_58-.Ltmp34, $1  }
0x43e: {  	_ =	sdelay $0x3  }
0x43f: {  	s6 =	sld [smem:$0x7FC];
	_ =	sdelay $0x2  }
0x440: {  	p4 =	seq.s32 s6, $0x1  }
.Ltmp35:
0x441: {  	_ = 	snop;
	(pc) =	sbr.rel @p4 .LBB2_57-.Ltmp35, $4  }
0x442: {  	s3 =	simm.s32 $0x0  }
0x443: {  	s4 =	sand.u32 $0xFFFFFFF0, s3  }
0x444: {  	v8 =	vld [tilespmem:s4+$0x800]  }
0x445: {  	v9 =	vld [tilespmem:s4+$0x2800]  }
.LBB2_56:
0x446: {  	p4 =	seq.s32 s22, $0x1;
	_ =	sdelay $0x1  }
0x447: {  	v10 =	vor.u32 s3, v1  }
0x448: {  	vm0 =	vlt.s32 v10, v7;
	v10 =	vor.u32 $0x800, v1;
	v11 =	vand.u32 $0x7FF, v8  }
0x449: {  	v10 =	vsel vm0, v11, v10  }
0x44a: {  	(xrf1) =	vunique.msk.u32 $0xffff, v10;
	_ =	sdelay $0x8  }
0x44b: {  	v11 =	vld.idx.msk [tilespmem:v10+s28+$0x0], $0xffff;
	_ =	sdelay $0x4  }
0x44c: {  	_, v12, _ =	vpop (xrf1)  }
0x44d: {  	v11 =	vadd.s32 v12, v11  }
0x44e: {  	v11 =	vadd.s32 $0xFFFFFFFF, v11;
	_ =	sdelay $0x4  }
.Ltmp36:
0x44f: {  	[tilespmem:v11+s14+$0x0] =	vst.idx.msk vm0, v8;
	(pc) =	sbr.rel @!p4 .LBB2_56-.Ltmp36, $4  }
0x450: {  	s3 =	sadd.s32 $0x10, s3;
	[tilespmem:v11+s31+$0x0] =	vst.idx.msk vm0, v9  }
0x451: {  	s4 =	sand.u32 $0xFFFFFFF0, s3;
	[tilespmem:v10+s28+$0x0] =	vst.idx.add.s32.msk $0xffff, v3  }
0x452: {  	v8 =	vld [tilespmem:s4+$0x800]  }
0x453: {  	s22 =	sadd.s32 $0xFFFFFFFF, s22;
	v9 =	vld [tilespmem:s4+$0x2800]  }
.LBB2_57:
0x454: {  	_ =	sdelay $0x1  }
0x455: {  	v10 =	vor.u32 s3, v1  }
0x456: {  	vm0 =	vlt.s32 v10, v7;
	v7 =	vor.u32 $0x800, v1;
	v11 =	vand.u32 $0x7FF, v8  }
0x457: {  	v7 =	vsel vm0, v11, v7  }
0x458: {  	(xrf1) =	vunique.msk.u32 $0xffff, v7;
	_ =	sdelay $0x9  }
0x459: {  	v62 =	vld.idx.msk [tilespmem:v7+s28+$0x0], $0xffff;
	_ =	sdelay $0x3  }
0x45a: {  	_, v63, _ =	vpop (xrf1)  }
0x45b: {  	v10 =	vadd.s32 v63, v62  }
0x45c: {  	v10 =	vadd.s32 $0xFFFFFFFF, v10;
	_ =	sdelay $0x4  }
0x45d: {  	[tilespmem:v10+s14+$0x0] =	vst.idx.msk vm0, v8  }
0x45e: {  	[tilespmem:v10+s31+$0x0] =	vst.idx.msk vm0, v9  }
0x45f: {  	[tilespmem:v7+s28+$0x0] =	vst.idx.add.s32.msk $0xffff, v3  }
.LBB2_58:
.Ltmp37:
0x460: {  	(pc) =	sbr.rel @p3 .LBB2_62-.Ltmp37, $1  }
0x461: {  	_ =	sdelay $0x3  }
0x462: {  	s6 =	sld [smem:$0x7F8];
	_ =	sdelay $0x2  }
0x463: {  	p3 =	seq.s32 s6, $0x1  }
.Ltmp38:
0x464: {  	_ = 	snop;
	(pc) =	sbr.rel @p3 .LBB2_61-.Ltmp38, $4  }
0x465: {  	s3 =	simm.s32 $0x0  }
0x466: {  	s4 =	sand.u32 $0xFFFFFFF0, s3  }
0x467: {  	v7 =	vld [tilespmem:s4+$0x1000]  }
0x468: {  	v8 =	vld [tilespmem:s4+$0x3000]  }
.LBB2_60:
0x469: {  	p3 =	seq.s32 s20, $0x1;
	_ =	sdelay $0x1  }
0x46a: {  	v9 =	vor.u32 s3, v1  }
0x46b: {  	vm0 =	vlt.s32 v9, v6;
	v9 =	vor.u32 $0x800, v1;
	v10 =	vand.u32 $0x7FF, v7  }
0x46c: {  	v9 =	vsel vm0, v10, v9  }
0x46d: {  	(xrf1) =	vunique.msk.u32 $0xffff, v9;
	_ =	sdelay $0x8  }
0x46e: {  	v10 =	vld.idx.msk [tilespmem:v9+s28+$0x0], $0xffff;
	_ =	sdelay $0x4  }
0x46f: {  	_, v11, _ =	vpop (xrf1)  }
0x470: {  	v10 =	vadd.s32 v11, v10  }
0x471: {  	v10 =	vadd.s32 $0xFFFFFFFF, v10;
	_ =	sdelay $0x4  }
.Ltmp39:
0x472: {  	[tilespmem:v10+s14+$0x0] =	vst.idx.msk vm0, v7;
	(pc) =	sbr.rel @!p3 .LBB2_60-.Ltmp39, $4  }
0x473: {  	s3 =	sadd.s32 $0x10, s3;
	[tilespmem:v10+s31+$0x0] =	vst.idx.msk vm0, v8  }
0x474: {  	s4 =	sand.u32 $0xFFFFFFF0, s3;
	[tilespmem:v9+s28+$0x0] =	vst.idx.add.s32.msk $0xffff, v3  }
0x475: {  	v7 =	vld [tilespmem:s4+$0x1000]  }
0x476: {  	s20 =	sadd.s32 $0xFFFFFFFF, s20;
	v8 =	vld [tilespmem:s4+$0x3000]  }
.LBB2_61:
0x477: {  	_ =	sdelay $0x1  }
0x478: {  	v9 =	vor.u32 s3, v1  }
0x479: {  	vm0 =	vlt.s32 v9, v6;
	v6 =	vor.u32 $0x800, v1;
	v10 =	vand.u32 $0x7FF, v7  }
0x47a: {  	v6 =	vsel vm0, v10, v6  }
0x47b: {  	(xrf1) =	vunique.msk.u32 $0xffff, v6;
	_ =	sdelay $0x9  }
0x47c: {  	v62 =	vld.idx.msk [tilespmem:v6+s28+$0x0], $0xffff;
	_ =	sdelay $0x3  }
0x47d: {  	_, v63, _ =	vpop (xrf1)  }
0x47e: {  	v9 =	vadd.s32 v63, v62  }
0x47f: {  	v9 =	vadd.s32 $0xFFFFFFFF, v9;
	_ =	sdelay $0x4  }
0x480: {  	[tilespmem:v9+s14+$0x0] =	vst.idx.msk vm0, v7  }
0x481: {  	[tilespmem:v9+s31+$0x0] =	vst.idx.msk vm0, v8  }
0x482: {  	[tilespmem:v6+s28+$0x0] =	vst.idx.add.s32.msk $0xffff, v3  }
.LBB2_62:
.Ltmp40:
0x483: {  	(pc) =	sbr.rel @p2 .LBB2_66-.Ltmp40, $1  }
0x484: {  	_ =	sdelay $0x3  }
.Ltmp41:
0x485: {  	(pc) =	sbr.rel @!p1 .LBB2_65-.Ltmp41, $4  }
0x486: {  	s3 =	simm.s32 $0x0  }
0x487: {  	s4 =	sand.u32 $0xFFFFFFF0, s3  }
0x488: {  	v6 =	vld [tilespmem:s4+$0x1800]  }
0x489: {  	v7 =	vld [tilespmem:s4+$0x3800]  }
.LBB2_64:
0x48a: {  	p1 =	sne.s32 s19, $0x1;
	_ =	sdelay $0x1  }
0x48b: {  	v8 =	vor.u32 s3, v1  }
0x48c: {  	vm0 =	vlt.s32 v8, v5;
	v8 =	vor.u32 $0x800, v1;
	v9 =	vand.u32 $0x7FF, v6  }
0x48d: {  	v8 =	vsel vm0, v9, v8  }
0x48e: {  	(xrf1) =	vunique.msk.u32 $0xffff, v8;
	_ =	sdelay $0x8  }
0x48f: {  	v9 =	vld.idx.msk [tilespmem:v8+s28+$0x0], $0xffff;
	_ =	sdelay $0x4  }
0x490: {  	_, v10, _ =	vpop (xrf1)  }
0x491: {  	v9 =	vadd.s32 v10, v9  }
0x492: {  	v9 =	vadd.s32 $0xFFFFFFFF, v9;
	_ =	sdelay $0x4  }
.Ltmp42:
0x493: {  	[tilespmem:v9+s14+$0x0] =	vst.idx.msk vm0, v6;
	(pc) =	sbr.rel @p1 .LBB2_64-.Ltmp42, $4  }
0x494: {  	s3 =	sadd.s32 $0x10, s3;
	[tilespmem:v9+s31+$0x0] =	vst.idx.msk vm0, v7  }
0x495: {  	s4 =	sand.u32 $0xFFFFFFF0, s3;
	[tilespmem:v8+s28+$0x0] =	vst.idx.add.s32.msk $0xffff, v3  }
0x496: {  	v6 =	vld [tilespmem:s4+$0x1800]  }
0x497: {  	s19 =	sadd.s32 $0xFFFFFFFF, s19;
	v7 =	vld [tilespmem:s4+$0x3800]  }
.LBB2_65:
0x498: {  	_ =	sdelay $0x1  }
0x499: {  	v8 =	vor.u32 s3, v1  }
0x49a: {  	vm0 =	vlt.s32 v8, v5;
	v5 =	vor.u32 $0x800, v1;
	v9 =	vand.u32 $0x7FF, v6  }
0x49b: {  	v5 =	vsel vm0, v9, v5  }
0x49c: {  	(xrf1) =	vunique.msk.u32 $0xffff, v5;
	_ =	sdelay $0x9  }
0x49d: {  	v62 =	vld.idx.msk [tilespmem:v5+s28+$0x0], $0xffff;
	_ =	sdelay $0x3  }
0x49e: {  	_, v63, _ =	vpop (xrf1)  }
0x49f: {  	v8 =	vadd.s32 v63, v62  }
0x4a0: {  	v8 =	vadd.s32 $0xFFFFFFFF, v8;
	_ =	sdelay $0x4  }
0x4a1: {  	[tilespmem:v8+s14+$0x0] =	vst.idx.msk vm0, v6  }
0x4a2: {  	[tilespmem:v8+s31+$0x0] =	vst.idx.msk vm0, v7  }
0x4a3: {  	[tilespmem:v5+s28+$0x0] =	vst.idx.add.s32.msk $0xffff, v3  }
.LBB2_66:
0x4a4: {  	s6 =	sld [smem:$0x7F9];
	_ =	sdelay $0x2  }
0x4a5: {  	s3 =	sadd.s32 $0xF, s6  }
0x4a6: {  	s4 =	sand.u32 $0xF, s3  }
0x4a7: {  	s22 =	sshra.s32 s3, $0x1F;
	p2 =	slt.s32 s3, $0x1;
	p1 =	sne.s32 s4, $0x0  }
0x4a8: {  	s4 =	sshrl.u32 s22, $0x1C;
	p1 =	por !p2, !p1  }
0x4a9: {  	s3 =	sadd.s32 s4, s3;
	s4 =	simm.s32 $0x1;
	p1 =	por !p1, !p1  }
0x4aa: {  	s3 =	sshra.s32 s3, $0x4;
	s4 =	simm.s32 @!p1 $0x0  }
0x4ab: {  	_ =	strace $0x9000004C;
	s3 =	ssub.s32 s3, s4  }
0x4ac: {  	v5 =	vmov s6;
	p2 =	por $0x1, $0x1;
	s4 =	simm.s32 $0xB;
	p1 =	slt.s32 s3, $0x1  }
.LBB2_67:
0x4ad: {  	s6 =	simm.s32 $0x8420  }
0x4ae: {  	[tilespmem:s6+$0xFFFFFFE0] =	vst v2  }
0x4af: {  	[tilespmem:s6+$0x10] =	vst v2  }
0x4b0: {  	s7 =	simm.s32 $0x0;
	[tilespmem:s6+$0x0] =	vst v2  }
.LBB2_68:
0x4b1: {  	s7 =	sadd.s32 $0x4, s7  }
0x4b2: {  	[tilespmem:s6+$0xFFFFFFF0] =	vst v2;
	s6 =	sadd.s32 $0x40, s6;
	p3 =	slt.u32 s7, $0x7C  }
.Ltmp43:
0x4b3: {  	[tilespmem:s6+$0xFFFFFFE0] =	vst v2;
	(pc) =	sbr.rel @p3 .LBB2_68-.Ltmp43, $3  }
0x4b4: {  	_ =	sdelay $0x1  }
0x4b5: {  	[tilespmem:s6+$0x10] =	vst v2  }
0x4b6: {  	[tilespmem:s6+$0x0] =	vst v2  }
.Ltmp44:
0x4b7: {  	(pc) =	sbr.rel @p1 .LBB2_80-.Ltmp44, $4  }
0x4b8: {  	_ = 	snop  }
0x4b9: {  	[tilespmem:s6+$0xFFFFFFF0] =	vst v2  }
0x4ba: {  	[tilespmem:$0x8C00] =	vst v2  }
0x4bb: {  	v6 =	vmov s4;
	p3 =	sne.s32 s3, $0x1;
	_ =	strace $0x8000004D  }
.Ltmp45:
0x4bc: {  	(pc) =	sbr.rel @!p3 .LBB2_71-.Ltmp45, $3  }
0x4bd: {  	_ =	sdelay $0x1  }
0x4be: {  	s6 =	simm.s32 $0x4000  }
0x4bf: {  	s4 =	simm.s32 $0x0;
	p4 =	por $0x0, $0x0;
	v8 =	vld [tilespmem:s6+$0x0];
	s6 =	sadd.s32 $0xFFFFFFFF, s3  }
0x4c0: {  	_ =	sdelay $0x3  }
0x4c1: {  	v7 =	vshrl.u32 v8, v6;
	v8 =	vor.u32 s4, v1  }
0x4c2: {  	v9 =	vand.u32 $0x7FF, v7;
	vm0 =	vlt.s32 v8, v5;
	v7 =	vor.u32 $0x800, v1  }
0x4c3: {  	v8 =	vsel vm0, v9, v7  }
0x4c4: {  	p5 =	sne.s32 s6, $0x1  }
.Ltmp46:
0x4c5: {  	_ = 	snop;
	(pc) =	sbr.rel @!p5 .LBB2_77-.Ltmp46, $3  }
0x4c6: {  	_ =	sdelay $0x1  }
0x4c7: {  	s7 =	simm.s32 $0x4010;
	[tilespmem:v8+s12+$0x0] =	vst.idx.add.s32.msk $0xffff, v3  }
0x4c8: {  	s9 =	sadd.s32 $0xFFFFFFFF, s6;
	p4 =	por $0x1, $0x1;
	s6 =	simm.s32 $0x0;
	v8 =	vld [tilespmem:s7+$0x0]  }
.LBB2_78:
0x4c9: {  	p5 =	sne.s32 s9, $0x1;
	_ =	sdelay $0x2  }
0x4ca: {  	s6 =	sadd.s32 $0x10, s6  }
0x4cb: {  	v9 =	vor.u32 s6, v1;
	v8 =	vshrl.u32 v8, v6  }
0x4cc: {  	vm0 =	vlt.s32 v9, v5;
	v8 =	vand.u32 $0x7FF, v8  }
0x4cd: {  	v8 =	vsel vm0, v8, v7;
	_ =	sdelay $0x1  }
.Ltmp47:
0x4ce: {  	(pc) =	sbr.rel @p5 .LBB2_78-.Ltmp47, $3  }
0x4cf: {  	_ =	sdelay $0x1  }
0x4d0: {  	s7 =	sadd.s32 $0x10, s7;
	[tilespmem:v8+s12+$0x0] =	vst.idx.add.s32.msk $0xffff, v3  }
0x4d1: {  	s9 =	sadd.s32 $0xFFFFFFFF, s9;
	v8 =	vld [tilespmem:s7+$0x0]  }
.LBB2_79:
0x4d2: {  	_ =	sdelay $0x1  }
0x4d3: {  	s6 =	sadd.s32 @p4 $0x10, s6  }
0x4d4: {  	s4 =	smov.u32 @p4 s6  }
0x4d5: {  	v7 =	vshrl.u32 v8, v6;
	v8 =	vor.u32 s4, v1  }
0x4d6: {  	v7 =	vand.u32 $0x7FF, v7;
	vm0 =	vlt.s32 v8, v5;
	v8 =	vor.u32 $0x800, v1  }
0x4d7: {  	v7 =	vsel vm0, v7, v8;
	_ =	sdelay $0x4  }
0x4d8: {  	[tilespmem:v7+s12+$0x0] =	vst.idx.add.s32.msk $0xffff, v3  }
.LBB2_80:
0x4d9: {  	_ =	strace $0x9000004D;
	s15 =	simm.s32 $0x0  }
0x4da: {  	v14 =	vld [tilespmem:s15+$0x8400];
	_ =	sdelay $0x4  }
0x4db: {  	s4 =	simm.s32 $0x10;
	(xrf0) =	vadd.scan.msk.s32 $0xffff, v14  }
0x4dc: {  	v8 =	vld [tilespmem:s4+$0x8400];
	_ =	sdelay $0x2  }
0x4dd: {  	s19 =	simm.s32 $0x20  }
0x4de: {  	v7 =	vld [tilespmem:s19+$0x8400]  }
0x4df: {  	v15, _, _ =	vpop (xrf0);
	(xrf0) =	vadd.scan.msk.s32 $0xffff, v8;
	_ =	sdelay $0x1  }
0x4e0: {  	v9 =	vxor.u32 $0x80000000, v15  }
0x4e1: {  	(xrf0) =	vmax.scan.msk.u32 $0xffff, v9  }
0x4e2: {  	(xrf0) =	vadd.scan.msk.s32 $0xffff, v7  }
0x4e3: {  	s6 =	simm.s32 $0x30  }
0x4e4: {  	v9 =	vld [tilespmem:s6+$0x8400];
	v11, _, _ =	vpop (xrf0)  }
0x4e5: {  	v10 =	vxor.u32 $0x80000000, v11;
	_ =	sdelay $0x1  }
0x4e6: {  	v13, _, _ =	vpop (xrf0)  }
0x4e7: {  	(xrf0) =	vmax.scan.msk.u32 $0xffff, v10;
	v10, _, _ =	vpop (xrf0)  }
0x4e8: {  	(xrf0) =	vadd.scan.msk.s32 $0xffff, v9;
	v12 =	vxor.u32 $0x80000000, v10  }
0x4e9: {  	(xrf0) =	vmax.scan.msk.u32 $0xffff, v12;
	_ =	sdelay $0x2  }
0x4ea: {  	(v2sf) =	vpush v13, $0xF  }
0x4eb: {  	v16, _, _ =	vpop (xrf0)  }
0x4ec: {  	v13, _, _ =	vpop (xrf0)  }
0x4ed: {  	s20 =	simm.s32 $0x40;
	(v2sf) =	vpush v16, $0xF;
	v17, _, _ =	vpop (xrf0)  }
0x4ee: {  	v12 =	vld [tilespmem:s20+$0x8400];
	(v2sf) =	vpush v17, $0xF;
	_ =	sdelay $0x4  }
0x4ef: {  	s7 =	simm.s32 $0x0;
	s21 =	simm.s32 $0x50;
	(xrf0) =	vadd.scan.msk.s32 $0xffff, v12  }
0x4f0: {  	v18 =	vsub.s32 s7, v14;
	v14 =	vld [tilespmem:s21+$0x8400];
	v16 =	vxor.u32 $0x80000000, v13  }
0x4f1: {  	(xrf0) =	vmax.scan.msk.u32 $0xffff, v16  }
0x4f2: {  	s9 =	simm.s32 $0x180;
	v15 =	vadd.s32 v15, v18  }
.LBB2_81:
0x4f3: {  	s11 =	sshra.s32 s9, $0x2  }
0x4f4: {  	[tilespmem:s15+$0x8C80] =	vst v15;
	s15 =	smov.u32 s4;
	s4 =	smov.u32 s19;
	p4 =	sne.s32 s9, $0x2000  }
.Ltmp48:
0x4f5: {  	s9 =	sadd.s32 $0x40, s9;
	(xrf0) =	vadd.scan.msk.s32 $0xffff, v14;
	v16, _, _ =	vpop (xrf0);
	s19 =	spop (v2sf);
	(pc) =	sbr.rel @p4 .LBB2_81-.Ltmp48, $4  }
0x4f6: {  	v17 =	vmov v14;
	v18 =	vxor.u32 $0x80000000, v16;
	s7 =	sadd.s32 s19, s7;
	v14 =	vld [tilespmem:s11+$0x8400];
	s19 =	smov.u32 s6;
	s6 =	smov.u32 s20  }
0x4f7: {  	s20 =	smov.u32 s21;
	s21 =	smov.u32 s11;
	(xrf0) =	vmax.scan.msk.u32 $0xffff, v18;
	v15, _, _ =	vpop (xrf0);
	s7 =	sadd.s32 $0x80000000, s7  }
0x4f8: {  	(v2sf) =	vpush v15, $0xF;
	v15 =	vsub.s32 s7, v8;
	v8 =	vmovc v7;
	v7 =	vmovc v9;
	v9 =	vmov v12  }
0x4f9: {  	v12 =	vmovc v17;
	v15 =	vadd.s32 v11, v15;
	v11 =	vmovc v10;
	v10 =	vmov v13;
	v13 =	vmov v16  }
0x4fa: {  	_ = 	snop  }
0x4fb: {  	(xrf0) =	vadd.scan.msk.s32 $0xffff, v14  }
0x4fc: {  	v16, _, _ =	vpop (xrf0)  }
0x4fd: {  	v17 =	vxor.u32 $0x80000000, v16  }
0x4fe: {  	(xrf0) =	vmax.scan.msk.u32 $0xffff, v17;
	_ =	sdelay $0x1  }
0x4ff: {  	v61, _, _ =	vpop (xrf0)  }
0x500: {  	v18, _, _ =	vpop (xrf0)  }
0x501: {  	v19 =	vxor.u32 $0x80000000, v18  }
0x502: {  	(v2sf) =	vpush v61, $0xF;
	(xrf0) =	vmax.scan.msk.u32 $0xffff, v19  }
0x503: {  	v62, _, _ =	vpop (xrf0)  }
0x504: {  	(v2sf) =	vpush v62, $0xF;
	_ =	sdelay $0x3  }
0x505: {  	v63, _, _ =	vpop (xrf0)  }
0x506: {  	(v2sf) =	vpush v63, $0xF;
	_ =	sdelay $0x1  }
0x507: {  	s9 =	spop (v2sf)  }
0x508: {  	s7 =	sadd.s32 s9, s7  }
0x509: {  	s11 =	spop (v2sf);
	s7 =	sadd.s32 $0x80000000, s7  }
0x50a: {  	s9 =	sadd.s32 s11, s7  }
0x50b: {  	s9 =	sadd.s32 $0x80000000, s9;
	s11 =	spop (v2sf)  }
0x50c: {  	s11 =	sadd.s32 s11, s9  }
0x50d: {  	s11 =	sadd.s32 $0x80000000, s11;
	s22 =	spop (v2sf)  }
0x50e: {  	v8 =	vsub.s32 s7, v8;
	s22 =	sadd.s32 s22, s11  }
0x50f: {  	[tilespmem:s15+$0x8C80] =	vst v15;
	v8 =	vadd.s32 v11, v8;
	v7 =	vsub.s32 s9, v7;
	s7 =	sadd.s32 $0x80000000, s22;
	s22 =	spop (v2sf)  }
0x510: {  	[tilespmem:s4+$0x8C80] =	vst v8;
	v7 =	vadd.s32 v10, v7;
	v8 =	vsub.s32 s11, v9;
	s15 =	sadd.s32 s22, s7  }
.Ltmp49:
0x511: {  	[tilespmem:s19+$0x8C80] =	vst v7;
	v7 =	vadd.s32 v13, v8;
	v8 =	vsub.s32 s7, v12;
	s4 =	sadd.s32 $0x80000000, s15;
	(pc) =	sbr.rel @p1 .LBB2_89-.Ltmp49, $4  }
0x512: {  	[tilespmem:s6+$0x8C80] =	vst v7;
	v7 =	vadd.s32 v16, v8;
	v8 =	vsub.s32 s4, v14  }
0x513: {  	[tilespmem:s20+$0x8C80] =	vst v7;
	v7 =	vadd.s32 v18, v8  }
0x514: {  	[tilespmem:s21+$0x8C80] =	vst v7;
	s22 =	spop (v2sf)  }
0x515: {  	_ =	strace $0x8000004E  }
.Ltmp50:
0x516: {  	(pc) =	sbr.rel @!p3 .LBB2_84-.Ltmp50, $4  }
0x517: {  	_ = 	snop  }
0x518: {  	s4 =	simm.s32 $0x4000  }
0x519: {  	s6 =	simm.s32 $0x6000;
	v7 =	vld [tilespmem:s4+$0x0]  }
0x51a: {  	s7 =	sadd.s32 $0xFFFFFFFF, s3;
	p4 =	por $0x0, $0x0;
	s4 =	simm.s32 $0x0;
	v8 =	vld [tilespmem:s6+$0x0]  }
0x51b: {  	_ =	sdelay $0x2  }
0x51c: {  	v10 =	vor.u32 s4, v1;
	v9 =	vshrl.u32 v7, v6  }
0x51d: {  	vm0 =	vlt.s32 v10, v5;
	v11 =	vand.u32 $0x7FF, v9;
	v9 =	vor.u32 $0x800, v1  }
0x51e: {  	v10 =	vsel vm0, v11, v9  }
0x51f: {  	(xrf1) =	vunique.msk.u32 $0xffff, v10;
	_ =	sdelay $0x9  }
0x520: {  	v11 =	vld.idx.msk [tilespmem:v10+s28+$0x0], $0xffff;
	_ =	sdelay $0x3  }
0x521: {  	_, v12, _ =	vpop (xrf1)  }
0x522: {  	v11 =	vadd.s32 v12, v11  }
0x523: {  	v11 =	vadd.s32 $0xFFFFFFFF, v11;
	_ =	sdelay $0x4  }
0x524: {  	p3 =	sne.s32 s7, $0x1;
	[tilespmem:v11+s16+$0x0] =	vst.idx.msk vm0, v7  }
.Ltmp51:
0x525: {  	[tilespmem:v11+s13+$0x0] =	vst.idx.msk vm0, v8;
	(pc) =	sbr.rel @!p3 .LBB2_86-.Ltmp51, $4  }
0x526: {  	s6 =	simm.s32 $0x4010;
	[tilespmem:v10+s28+$0x0] =	vst.idx.add.s32.msk $0xffff, v3  }
0x527: {  	v7 =	vld [tilespmem:s6+$0x0]  }
0x528: {  	s9 =	simm.s32 $0x6010  }
0x529: {  	s15 =	sadd.s32 $0xFFFFFFFF, s7;
	p4 =	por $0x1, $0x1;
	s7 =	simm.s32 $0x0;
	v8 =	vld [tilespmem:s9+$0x0]  }
.LBB2_87:
0x52a: {  	p3 =	sne.s32 s15, $0x1  }
0x52b: {  	s7 =	sadd.s32 $0x10, s7  }
0x52c: {  	v11 =	vor.u32 s7, v1;
	v10 =	vshrl.u32 v7, v6  }
0x52d: {  	vm0 =	vlt.s32 v11, v5;
	v10 =	vand.u32 $0x7FF, v10  }
0x52e: {  	v10 =	vsel vm0, v10, v9  }
0x52f: {  	(xrf1) =	vunique.msk.u32 $0xffff, v10;
	_ =	sdelay $0x8  }
0x530: {  	v11 =	vld.idx.msk [tilespmem:v10+s28+$0x0], $0xffff;
	_ =	sdelay $0x4  }
0x531: {  	_, v12, _ =	vpop (xrf1)  }
0x532: {  	v11 =	vadd.s32 v12, v11  }
0x533: {  	v11 =	vadd.s32 $0xFFFFFFFF, v11;
	_ =	sdelay $0x4  }
0x534: {  	[tilespmem:v11+s16+$0x0] =	vst.idx.msk vm0, v7  }
.Ltmp52:
0x535: {  	[tilespmem:v11+s13+$0x0] =	vst.idx.msk vm0, v8;
	(pc) =	sbr.rel @p3 .LBB2_87-.Ltmp52, $4  }
0x536: {  	s6 =	sadd.s32 $0x10, s6;
	[tilespmem:v10+s28+$0x0] =	vst.idx.add.s32.msk $0xffff, v3  }
0x537: {  	s9 =	sadd.s32 $0x10, s9;
	v7 =	vld [tilespmem:s6+$0x0]  }
0x538: {  	v8 =	vld [tilespmem:s9+$0x0]  }
0x539: {  	s15 =	sadd.s32 $0xFFFFFFFF, s15  }
.LBB2_88:
0x53a: {  	s6 =	sadd.s32 @p4 $0x10, s7  }
0x53b: {  	s4 =	smov.u32 @p4 s6  }
0x53c: {  	v6 =	vshrl.u32 v7, v6;
	v9 =	vor.u32 s4, v1  }
0x53d: {  	v63 =	vor.u32 $0x800, v1;
	v6 =	vand.u32 $0x7FF, v6;
	vm0 =	vlt.s32 v9, v5  }
0x53e: {  	v6 =	vsel vm0, v6, v63  }
0x53f: {  	(xrf1) =	vunique.msk.u32 $0xffff, v6;
	_ =	sdelay $0x9  }
0x540: {  	v9 =	vld.idx.msk [tilespmem:v6+s28+$0x0], $0xffff;
	_ =	sdelay $0x3  }
0x541: {  	_, v10, _ =	vpop (xrf1)  }
0x542: {  	v9 =	vadd.s32 v10, v9  }
0x543: {  	v9 =	vadd.s32 $0xFFFFFFFF, v9;
	_ =	sdelay $0x4  }
0x544: {  	[tilespmem:v9+s16+$0x0] =	vst.idx.msk vm0, v7  }
0x545: {  	[tilespmem:v9+s13+$0x0] =	vst.idx.msk vm0, v8  }
0x546: {  	[tilespmem:v6+s28+$0x0] =	vst.idx.add.s32.msk $0xffff, v3  }
.LBB2_89:
.Ltmp53:
0x547: {  	(pc) =	sbr.rel @!p2 .LBB2_90-.Ltmp53, $2  }
0x548: {  	_ =	sdelay $0x2  }
0x549: {  	_ =	strace $0x9000004E  }
0x54a: {  	[spmem:s24] =	stream.linear.scatter [tilespmem:s16], [sflag:$0x7], $0x2000, $0x38;
	[tilespmem:$0x1A310] =	vst v63  }
0x54b: {  	_ =	swait.ge [sflag:s8], $0x2000  }
0x54c: {  	[sflag:s8] =	ssyncset.done $0x0  }
0x54d: {  	[sflag:s8] =	ssyncadd.s32 $0xFFFFE000  }
0x54e: {  	[spmem:s25] =	stream.linear.scatter [tilespmem:s13], [sflag:$0x7], $0x2000, $0x38;
	[tilespmem:$0x1A310] =	vst v63  }
0x54f: {  	_ =	swait.ge [sflag:s8], $0x2000  }
0x550: {  	[sflag:s8] =	ssyncset.done $0x0  }
0x551: {  	[sflag:s8] =	ssyncadd.s32 $0xFFFFE000  }
0x552: {  	[tilespmem:s14], [sflag:$0x7] =	stream.linear.gather [spmem:s24], $0x2000, $0x38;
	[tilespmem:$0x1A310] =	vst v63  }
0x553: {  	_ =	swait.ge [sflag:s8], $0x2000  }
0x554: {  	[sflag:s8] =	ssyncset.done $0x0  }
.Ltmp54:
0x555: {  	[sflag:s8] =	ssyncadd.s32 $0xFFFFE000;
	(pc) =	sbr.rel .LBB2_67-.Ltmp54, $4  }
0x556: {  	[tilespmem:s31], [sflag:$0x6] =	stream.linear.gather [spmem:s25], $0x2000, $0x38;
	[tilespmem:$0x1A310] =	vst v63  }
0x557: {  	_ =	swait.ge [sflag:s29], $0x2000  }
0x558: {  	[sflag:s29] =	ssyncset.done $0x0  }
0x559: {  	s4 =	simm.s32 $0x16;
	p2 =	por $0x0, $0x0;
	[sflag:s29] =	ssyncadd.s32 $0xFFFFE000  }
.LBB2_71:
.Ltmp55:
0x55a: {  	(pc) =	sbr.rel .LBB2_79-.Ltmp55, $2  }
0x55b: {  	_ =	sdelay $0x2  }
0x55c: {  	s6 =	simm.s32 $0x0  }
.LBB2_84:
.Ltmp56:
0x55d: {  	(pc) =	sbr.rel .LBB2_88-.Ltmp56, $2  }
0x55e: {  	_ =	sdelay $0x2  }
0x55f: {  	s7 =	simm.s32 $0x0  }
.LBB2_77:
.Ltmp57:
0x560: {  	(pc) =	sbr.rel .LBB2_79-.Ltmp57, $2  }
0x561: {  	_ =	sdelay $0x2  }
0x562: {  	s6 =	simm.s32 $0x0  }
.LBB2_86:
.Ltmp58:
0x563: {  	(pc) =	sbr.rel .LBB2_88-.Ltmp58, $2  }
0x564: {  	_ =	sdelay $0x2  }
0x565: {  	s7 =	simm.s32 $0x0  }
.LBB2_90:
0x566: {  	s4 =	simm.s32 $0x20  }
0x567: {  	v5 =	vld [tilespmem:s4+$0xFFFFFFE0];
	_ =	sdelay $0x4  }
0x568: {  	vm0 =	vlt.s32 v5, $0x0;
	v6 =	vandn.u32 $0x7FFFFFFF, v5  }
0x569: {  	s3 =	simm.s32 $0x9520;
	v5 =	vsel vm0, v5, v6  }
0x56a: {  	[tilespmem:s3+$0xFFFFFFE0] =	vst v5  }
0x56b: {  	v5 =	vld [tilespmem:s4+$0xFFFFFFF0];
	_ =	sdelay $0x4  }
0x56c: {  	vm13 =	vlt.s32 v5, $0x0;
	v6 =	vandn.u32 $0x7FFFFFFF, v5  }
0x56d: {  	v5 =	vsel vm13, v5, v6  }
0x56e: {  	[tilespmem:s3+$0xFFFFFFF0] =	vst v5  }
0x56f: {  	v5 =	vld [tilespmem:s4+$0x0];
	_ =	sdelay $0x4  }
0x570: {  	vm14 =	vlt.s32 v5, $0x0;
	v6 =	vandn.u32 $0x7FFFFFFF, v5  }
0x571: {  	v5 =	vsel vm14, v5, v6  }
0x572: {  	[tilespmem:s3+$0x0] =	vst v5  }
0x573: {  	v5 =	vld [tilespmem:s4+$0x10];
	_ =	sdelay $0x4  }
0x574: {  	vm15 =	vlt.s32 v5, $0x0;
	v6 =	vandn.u32 $0x7FFFFFFF, v5  }
0x575: {  	v5 =	vsel vm15, v5, v6  }
0x576: {  	s6 =	simm.s32 $0x60;
	s4 =	simm.s32 $0x0;
	[tilespmem:s3+$0x10] =	vst v5  }
.LBB2_91:
0x577: {  	v5 =	vld [tilespmem:s6+$0xFFFFFFE0];
	s4 =	sadd.s32 $0x4, s4  }
0x578: {  	p1 =	slt.u32 s4, $0x7C;
	_ =	sdelay $0x3  }
0x579: {  	vm0 =	vlt.s32 v5, $0x0;
	v6 =	vandn.u32 $0x7FFFFFFF, v5  }
0x57a: {  	s3 =	sadd.s32 $0x40, s3;
	v5 =	vsel vm0, v5, v6  }
0x57b: {  	[tilespmem:s3+$0xFFFFFFE0] =	vst v5  }
0x57c: {  	v5 =	vld [tilespmem:s6+$0xFFFFFFF0];
	_ =	sdelay $0x4  }
0x57d: {  	vm0 =	vlt.s32 v5, $0x0;
	v6 =	vandn.u32 $0x7FFFFFFF, v5  }
0x57e: {  	v5 =	vsel vm0, v5, v6  }
0x57f: {  	[tilespmem:s3+$0xFFFFFFF0] =	vst v5  }
0x580: {  	v5 =	vld [tilespmem:s6+$0x0];
	_ =	sdelay $0x4  }
0x581: {  	vm0 =	vlt.s32 v5, $0x0;
	v6 =	vandn.u32 $0x7FFFFFFF, v5  }
0x582: {  	v5 =	vsel vm0, v5, v6  }
0x583: {  	[tilespmem:s3+$0x0] =	vst v5  }
0x584: {  	v5 =	vld [tilespmem:s6+$0x10];
	_ =	sdelay $0x2  }
.Ltmp59:
0x585: {  	(pc) =	sbr.rel @p1 .LBB2_91-.Ltmp59, $4  }
0x586: {  	_ = 	snop  }
0x587: {  	vm0 =	vlt.s32 v5, $0x0;
	v6 =	vandn.u32 $0x7FFFFFFF, v5  }
0x588: {  	v5 =	vsel vm0, v5, v6  }
0x589: {  	s6 =	sadd.s32 $0x40, s6;
	[tilespmem:s3+$0x10] =	vst v5  }
0x58a: {  	s3 =	rddreg [dreg:$0x1c];
	s4 =	simm.s32 $0x9500  }
0x58b: {  	[hbm4b:s3+s16] =	stream.linear.scatter [tilespmem:s4], [sflag:$0x6], $0x800, $0x38;
	[tilespmem:$0x1A310] =	vst v63  }
0x58c: {  	_ =	swait.ge [sflag:s29], $0x800  }
0x58d: {  	[sflag:s29] =	ssyncset.done $0x0  }
0x58e: {  	s24 =	rddreg [dreg:$0x13];
	[sflag:s29] =	ssyncadd.s32 $0xFFFFF800  }
0x58f: {  	[spmem:s24] =	stream.linear.scatter [tilespmem:s13], [sflag:$0x6], $0x800, $0x38;
	[tilespmem:$0x1A310] =	vst v63  }
0x590: {  	_ =	swait.ge [sflag:s29], $0x800  }
0x591: {  	[sflag:s29] =	ssyncset.done $0x0  }
0x592: {  	s25 =	rddreg [dreg:$0x14];
	[sflag:s29] =	ssyncadd.s32 $0xFFFFF800  }
0x593: {  	[spmem:s25] =	stream.linear.scatter [tilespmem:s4], [sflag:$0x6], $0x800, $0x38;
	[tilespmem:$0x1A310] =	vst v63  }
0x594: {  	_ =	swait.ge [sflag:s29], $0x800  }
0x595: {  	[sflag:s29] =	ssyncset.done $0x0  }
0x596: {  	[sflag:s29] =	ssyncadd.s32 $0xFFFFF800  }
.LBB2_93:
0x597: {  	[bflag:$0x0] =	sbarrier.arrive $0xFFFF  }
0x598: {  	s4 =	simm.s32 $0x10800;
	s3 =	rddreg [dreg:$0x15]  }
0x599: {  	[tilespmem:s4], [sflag:$0x6] =	stream.linear.gather [spmem:s3], $0x200, $0x38;
	[tilespmem:$0x1A310] =	vst v63  }
0x59a: {  	_ =	swait.ge [sflag:s29], $0x200  }
0x59b: {  	[sflag:s29] =	ssyncset.done $0x0  }
0x59c: {  	s19 =	rddreg [dreg:$0x16];
	[sflag:s29] =	ssyncadd.s32 $0xFFFFFE00  }
0x59d: {  	[tilespmem:s5], [sflag:$0x6] =	stream.linear.gather [spmem:s19], $0x200, $0x38;
	[tilespmem:$0x1A310] =	vst v63  }
0x59e: {  	_ =	swait.ge [sflag:s29], $0x200  }
0x59f: {  	[sflag:s29] =	ssyncset.done $0x0  }
0x5a0: {  	[sflag:s29] =	ssyncadd.s32 $0xFFFFFE00  }
0x5a1: {  	v5 =	vld [tilespmem:$0x10800]  }
0x5a2: {  	v6 =	vld [tilespmem:$0x10810]  }
0x5a3: {  	v7 =	vld [tilespmem:$0x10820]  }
0x5a4: {  	v8 =	vld [tilespmem:$0x10830]  }
0x5a5: {  	v9 =	vld [tilespmem:$0x10840]  }
0x5a6: {  	v10 =	vld [tilespmem:$0x10850]  }
0x5a7: {  	v11 =	vld [tilespmem:$0x10860];
	v5 =	vadd.s32 v0, v5  }
0x5a8: {  	v12 =	vld [tilespmem:$0x10870];
	[tilespmem:$0x10A00] =	vst v5;
	v5 =	vadd.s32 v0, v6  }
0x5a9: {  	v44 =	vld [tilespmem:$0x108A0];
	[tilespmem:$0x10A10] =	vst v5;
	v5 =	vadd.s32 v0, v7  }
0x5aa: {  	v6 =	vld [tilespmem:$0x10880];
	[tilespmem:$0x10A20] =	vst v5;
	v5 =	vadd.s32 v0, v8  }
0x5ab: {  	v7 =	vld [tilespmem:$0x10890];
	[tilespmem:$0x10A30] =	vst v5;
	v5 =	vadd.s32 v0, v9  }
0x5ac: {  	v45 =	vld [tilespmem:$0x108B0];
	[tilespmem:$0x10A40] =	vst v5;
	v5 =	vadd.s32 v0, v10  }
0x5ad: {  	v46 =	vld [tilespmem:$0x108C0];
	[tilespmem:$0x10A50] =	vst v5;
	v5 =	vadd.s32 v0, v11  }
0x5ae: {  	v47 =	vld [tilespmem:$0x108D0];
	[tilespmem:$0x10A60] =	vst v5;
	v5 =	vadd.s32 v0, v12  }
0x5af: {  	v48 =	vld [tilespmem:$0x108E0];
	[tilespmem:$0x10A70] =	vst v5;
	v5 =	vadd.s32 v0, v6  }
0x5b0: {  	v49 =	vld [tilespmem:$0x10910];
	[tilespmem:$0x10A80] =	vst v5;
	v5 =	vadd.s32 v0, v7  }
0x5b1: {  	v6 =	vld [tilespmem:$0x108F0];
	[tilespmem:$0x10A90] =	vst v5;
	v5 =	vadd.s32 v0, v44  }
0x5b2: {  	v7 =	vld [tilespmem:$0x10900];
	[tilespmem:$0x10AA0] =	vst v5;
	v5 =	vadd.s32 v0, v45  }
0x5b3: {  	v50 =	vld [tilespmem:$0x10920];
	[tilespmem:$0x10AB0] =	vst v5;
	v5 =	vadd.s32 v0, v46  }
0x5b4: {  	v51 =	vld [tilespmem:$0x10930];
	[tilespmem:$0x10AC0] =	vst v5;
	v5 =	vadd.s32 v0, v47  }
0x5b5: {  	v52 =	vld [tilespmem:$0x10940];
	[tilespmem:$0x10AD0] =	vst v5;
	v5 =	vadd.s32 v0, v48  }
0x5b6: {  	v53 =	vld [tilespmem:$0x10950];
	[tilespmem:$0x10AE0] =	vst v5;
	v5 =	vadd.s32 v0, v6  }
0x5b7: {  	v55 =	vld [tilespmem:$0x10A00];
	[tilespmem:$0x10AF0] =	vst v5;
	v5 =	vadd.s32 v0, v7  }
0x5b8: {  	v6 =	vld [tilespmem:$0x10960];
	[tilespmem:$0x10B00] =	vst v5;
	v5 =	vadd.s32 v0, v49  }
0x5b9: {  	v7 =	vld [tilespmem:$0x10970];
	[tilespmem:$0x10B10] =	vst v5;
	v5 =	vadd.s32 v0, v50  }
0x5ba: {  	v54 =	vld [tilespmem:$0x10980];
	[tilespmem:$0x10B20] =	vst v5;
	v5 =	vadd.s32 v0, v51  }
0x5bb: {  	v56 =	vld [tilespmem:$0x10990];
	[tilespmem:$0x10B30] =	vst v5;
	v5 =	vadd.s32 v0, v52  }
0x5bc: {  	v57 =	vld [tilespmem:$0x109A0];
	[tilespmem:$0x10B40] =	vst v5;
	v5 =	vadd.s32 v0, v53  }
0x5bd: {  	[tilespmem:$0x10B50] =	vst v5;
	v5 =	vadd.s32 v0, v6;
	v6 =	vld [tilespmem:$0x109B0]  }
0x5be: {  	v61 =	vand.u32 $0x7, v1;
	v58 =	vld [tilespmem:$0x109C0];
	v59 =	vshll.u32 v55, $0x2;
	[tilespmem:$0x10B60] =	vst v5;
	v5 =	vadd.s32 v0, v7  }
0x5bf: {  	v60 =	vld [tilespmem:$0x109D0];
	v9 =	vand.u32 $0x7, v55;
	v12 =	vand.u32 $0xFFFFFFE0, v59;
	v7 =	vadd.s32 v0, v54;
	[tilespmem:$0x10B70] =	vst v5  }
0x5c0: {  	v13 =	vshrl.u32 v1, $0x3;
	v9 =	vor.u32 v9, v12;
	v5 =	vadd.s32 v0, v56;
	[tilespmem:$0x10B80] =	vst v7;
	v7 =	vld [tilespmem:$0x109E0]  }
0x5c1: {  	v13 =	vmul.u32 $0x8, v13;
	v62 =	vld [tilespmem:$0x109F0];
	v14 =	vperm.xlane v9, v61;
	[tilespmem:$0x10B90] =	vst v5;
	v5 =	vadd.s32 v0, v57  }
0x5c2: {  	[tilespmem:$0x10BA0] =	vst v5;
	v5 =	vadd.s32 v0, v6  }
0x5c3: {  	v6 =	vadd.s32 v13, v14;
	[tilespmem:$0x10BB0] =	vst v5;
	v5 =	vadd.s32 v0, v58  }
0x5c4: {  	v63 =	vor.u32 $0x8, v1;
	[tilespmem:$0x10BC0] =	vst v5;
	v5 =	vadd.s32 v0, v60  }
0x5c5: {  	[tilespmem:$0x10BD0] =	vst v5;
	v5 =	vadd.s32 v0, v7;
	v7 =	vperm.xlane v9, v63  }
0x5c6: {  	[tilespmem:$0x10BE0] =	vst v5;
	v5 =	vadd.s32 v0, v62  }
0x5c7: {  	vm0 =	vmmov $0xffff;
	s11 =	simm.s32 $0x10E00;
	[tilespmem:$0x10BF0] =	vst v5;
	v5 =	vadd.s32 v13, v7  }
0x5c8: {  	[tilespmem:s11], [sflag:$0x1] =	stream.indirect_vreg.gather [hbm4b:s1+s16], $0x80, v6, vm0, $0xb8;
	[tilespmem:$0x1A310] =	vst v63  }
0x5c9: {  	s20 =	simm.s32 $0x11600  }
0x5ca: {  	[tilespmem:s20], [sflag:$0x1] =	stream.indirect_vreg.gather [hbm4b:s26+s16], $0x80, v6, vm0, $0xb8;
	[tilespmem:$0x1A310] =	vst v63  }
0x5cb: {  	s21 =	simm.s32 $0x11E00  }
0x5cc: {  	[tilespmem:s21], [sflag:$0x1] =	stream.indirect_vreg.gather [hbm4b:s1+s16], $0x80, v5, vm0, $0xb8;
	[tilespmem:$0x1A310] =	vst v63  }
0x5cd: {  	s22 =	simm.s32 $0x12600  }
0x5ce: {  	[tilespmem:s22], [sflag:$0x1] =	stream.indirect_vreg.gather [hbm4b:s26+s16], $0x80, v5, vm0, $0xb8;
	[tilespmem:$0x1A310] =	vst v63  }
0x5cf: {  	v5 =	vld [tilespmem:$0x10A10];
	_ =	sdelay $0x4  }
0x5d0: {  	v6 =	vshll.u32 v5, $0x2  }
0x5d1: {  	v5 =	vand.u32 $0x7, v5;
	v6 =	vand.u32 $0xFFFFFFE0, v6  }
0x5d2: {  	v5 =	vor.u32 v5, v6  }
0x5d3: {  	v6 =	vperm.xlane v5, v61;
	_ =	sdelay $0x1  }
0x5d4: {  	v6 =	vadd.s32 v13, v6;
	_ =	sdelay $0x1  }
0x5d5: {  	v5 =	vperm.xlane v5, v63;
	_ =	sdelay $0x1  }
0x5d6: {  	s24 =	simm.s32 $0x12E00;
	v5 =	vadd.s32 v13, v5  }
0x5d7: {  	[tilespmem:s24], [sflag:$0x1] =	stream.indirect_vreg.gather [hbm4b:s1+s16], $0x80, v6, vm0, $0xb8;
	[tilespmem:$0x1A310] =	vst v63  }
0x5d8: {  	s25 =	simm.s32 $0x13600  }
0x5d9: {  	[tilespmem:s25], [sflag:$0x1] =	stream.indirect_vreg.gather [hbm4b:s26+s16], $0x80, v6, vm0, $0xb8;
	[tilespmem:$0x1A310] =	vst v63  }
0x5da: {  	s4 =	simm.s32 $0x13E00  }
0x5db: {  	[tilespmem:s4], [sflag:$0x1] =	stream.indirect_vreg.gather [hbm4b:s1+s16], $0x80, v5, vm0, $0xb8;
	[tilespmem:$0x1A310] =	vst v63  }
0x5dc: {  	s6 =	simm.s32 $0x14600  }
0x5dd: {  	[tilespmem:s6], [sflag:$0x1] =	stream.indirect_vreg.gather [hbm4b:s26+s16], $0x80, v5, vm0, $0xb8;
	[tilespmem:$0x1A310] =	vst v63  }
0x5de: {  	v5 =	vld [tilespmem:$0x10A20];
	_ =	sdelay $0x4  }
0x5df: {  	v6 =	vshll.u32 v5, $0x2  }
0x5e0: {  	v5 =	vand.u32 $0x7, v5;
	v6 =	vand.u32 $0xFFFFFFE0, v6  }
0x5e1: {  	v5 =	vor.u32 v5, v6  }
0x5e2: {  	v6 =	vperm.xlane v5, v61;
	_ =	sdelay $0x1  }
0x5e3: {  	v6 =	vadd.s32 v13, v6;
	_ =	sdelay $0x1  }
0x5e4: {  	v5 =	vperm.xlane v5, v63;
	_ =	sdelay $0x1  }
0x5e5: {  	s7 =	simm.s32 $0x14E00;
	v5 =	vadd.s32 v13, v5  }
0x5e6: {  	[tilespmem:s7], [sflag:$0x2] =	stream.indirect_vreg.gather [hbm4b:s1+s16], $0x80, v6, vm0, $0xb8;
	[tilespmem:$0x1A310] =	vst v63  }
0x5e7: {  	s9 =	simm.s32 $0x15600  }
0x5e8: {  	[tilespmem:s9], [sflag:$0x2] =	stream.indirect_vreg.gather [hbm4b:s26+s16], $0x80, v6, vm0, $0xb8;
	[tilespmem:$0x1A310] =	vst v63  }
0x5e9: {  	s15 =	simm.s32 $0x15E00  }
0x5ea: {  	[tilespmem:s15], [sflag:$0x2] =	stream.indirect_vreg.gather [hbm4b:s1+s16], $0x80, v5, vm0, $0xb8;
	[tilespmem:$0x1A310] =	vst v63  }
0x5eb: {  	s19 =	simm.s32 $0x16600  }
0x5ec: {  	[tilespmem:s19], [sflag:$0x2] =	stream.indirect_vreg.gather [hbm4b:s26+s16], $0x80, v5, vm0, $0xb8;
	[tilespmem:$0x1A310] =	vst v63  }
0x5ed: {  	v5 =	vld [tilespmem:$0x10A30];
	_ =	sdelay $0x4  }
0x5ee: {  	v6 =	vshll.u32 v5, $0x2  }
0x5ef: {  	v5 =	vand.u32 $0x7, v5;
	v6 =	vand.u32 $0xFFFFFFE0, v6  }
0x5f0: {  	v5 =	vor.u32 v5, v6  }
0x5f1: {  	v6 =	vperm.xlane v5, v61;
	_ =	sdelay $0x1  }
0x5f2: {  	v6 =	vadd.s32 v13, v6;
	_ =	sdelay $0x1  }
0x5f3: {  	v5 =	vperm.xlane v5, v63;
	_ =	sdelay $0x1  }
0x5f4: {  	s20 =	simm.s32 $0x16E00;
	v5 =	vadd.s32 v13, v5  }
0x5f5: {  	[tilespmem:s20], [sflag:$0x2] =	stream.indirect_vreg.gather [hbm4b:s1+s16], $0x80, v6, vm0, $0xb8;
	[tilespmem:$0x1A310] =	vst v63  }
0x5f6: {  	s21 =	simm.s32 $0x17600  }
0x5f7: {  	[tilespmem:s21], [sflag:$0x2] =	stream.indirect_vreg.gather [hbm4b:s26+s16], $0x80, v6, vm0, $0xb8;
	[tilespmem:$0x1A310] =	vst v63  }
0x5f8: {  	s22 =	simm.s32 $0x17E00  }
0x5f9: {  	[tilespmem:s22], [sflag:$0x2] =	stream.indirect_vreg.gather [hbm4b:s1+s16], $0x80, v5, vm0, $0xb8;
	[tilespmem:$0x1A310] =	vst v63  }
0x5fa: {  	s24 =	simm.s32 $0x18600;
	s25 =	simm.s32 $0x5  }
0x5fb: {  	[tilespmem:s24], [sflag:$0x2] =	stream.indirect_vreg.gather [hbm4b:s26+s16], $0x80, v5, vm0, $0xb8;
	[tilespmem:$0x1A310] =	vst v63  }
0x5fc: {  	_ =	swait.ge [sflag:s25], $0x2000  }
0x5fd: {  	[sflag:s25] =	ssyncset.done $0x0  }
0x5fe: {  	[sflag:s25] =	ssyncadd.s32 $0xFFFFE000  }
0x5ff: {  	_ =	swait.ge [sflag:s25], $0x2000  }
0x600: {  	[sflag:s25] =	ssyncset.done $0x0  }
0x601: {  	[sflag:s25] =	ssyncadd.s32 $0xFFFFE000  }
0x602: {  	_ =	swait.ge [sflag:s25], $0x2000  }
0x603: {  	[sflag:s25] =	ssyncset.done $0x0  }
0x604: {  	s3 =	simm.s32 $0xFFFFFFFE;
	[sflag:s25] =	ssyncadd.s32 $0xFFFFE000  }
0x605: {  	s4 =	simm.s32 $0x10810;
	s6 =	simm.s32 $0x10;
	_ =	strace $0x8000004F  }
.LBB2_94:
0x606: {  	v5 =	vld [tilespmem:s4+$0xFFFFFFF0];
	_ =	sdelay $0x1  }
0x607: {  	s7 =	sadd.s32 $0xFFFFFFF0, s6  }
0x608: {  	v6 =	vmov s7  }
0x609: {  	v6 =	vmul.u32 $0x3, v6;
	_ =	sdelay $0x1  }
0x60a: {  	v7 =	vmul.u32 $0x3, v1;
	v6 =	vbroadcast v6, $0x0;
	_ =	sdelay $0x1  }
0x60b: {  	v9 =	vadd.s32 v7, v6;
	v8 =	vld.idx.msk [tilespmem:v5+s30+$0x0], $0xffff  }
0x60c: {  	v10 =	vadd.s32 $0x2000, v5;
	_ =	sdelay $0x3  }
0x60d: {  	v61 =	vadd.s32 $0x1, v7;
	[tilespmem:v9+s17+$0x0] =	vst.idx.msk $0xffff, v8  }
0x60e: {  	v62 =	vadd.s32 v61, v6;
	v9 =	vld.idx.msk [tilespmem:v10+s30+$0x0], $0xffff  }
0x60f: {  	v5 =	vadd.s32 $0x4000, v5;
	_ =	sdelay $0x3  }
0x610: {  	v63 =	vadd.s32 $0x2, v7;
	[tilespmem:v62+s17+$0x0] =	vst.idx.msk $0xffff, v9  }
0x611: {  	v6 =	vadd.s32 v63, v6;
	v5 =	vld.idx.msk [tilespmem:v5+s30+$0x0], $0xffff;
	_ =	sdelay $0x4  }
0x612: {  	[tilespmem:v6+s17+$0x0] =	vst.idx.msk $0xffff, v5  }
0x613: {  	v5 =	vld [tilespmem:s4+$0x0];
	_ =	sdelay $0x2  }
0x614: {  	v6 =	vmov s6  }
0x615: {  	v6 =	vmul.u32 $0x3, v6;
	_ =	sdelay $0x1  }
0x616: {  	v6 =	vbroadcast v6, $0x0;
	_ =	sdelay $0x1  }
0x617: {  	v7 =	vadd.s32 v7, v6;
	v10 =	vld.idx.msk [tilespmem:v5+s30+$0x0], $0xffff  }
0x618: {  	v11 =	vadd.s32 $0x2000, v5;
	_ =	sdelay $0x3  }
0x619: {  	[tilespmem:v7+s17+$0x0] =	vst.idx.msk $0xffff, v10  }
0x61a: {  	v8 =	vadd.s32 v61, v6;
	v7 =	vld.idx.msk [tilespmem:v11+s30+$0x0], $0xffff  }
0x61b: {  	v5 =	vadd.s32 $0x4000, v5;
	_ =	sdelay $0x3  }
0x61c: {  	s3 =	sadd.s32 $0x2, s3;
	[tilespmem:v8+s17+$0x0] =	vst.idx.msk $0xffff, v7  }
0x61d: {  	p1 =	slt.u32 s3, $0x1E;
	v6 =	vadd.s32 v63, v6;
	v5 =	vld.idx.msk [tilespmem:v5+s30+$0x0], $0xffff  }
.Ltmp60:
0x61e: {  	_ = 	snop;
	(pc) =	sbr.rel @p1 .LBB2_94-.Ltmp60, $2  }
0x61f: {  	_ =	sdelay $0x2  }
0x620: {  	s6 =	sadd.s32 $0x20, s6;
	s4 =	sadd.s32 $0x20, s4;
	[tilespmem:v6+s17+$0x0] =	vst.idx.msk $0xffff, v5  }
0x621: {  	_ =	strace $0x9000004F  }
0x622: {  	s22 =	simm.s32 $0x0;
	s3 =	rddreg [dreg:$0x17]  }
0x623: {  	[hbm4b:s3+s22] =	stream.linear.scatter [tilespmem:s17], [sflag:$0x6], $0x600, $0x38;
	[tilespmem:$0x1A310] =	vst v63  }
0x624: {  	_ =	swait.ge [sflag:s29], $0x600  }
0x625: {  	s24 =	simm.s32 $0x20;
	[sflag:s29] =	ssyncset.done $0x0  }
0x626: {  	s6 =	simm.s32 $0x0;
	s20 =	simm.s32 $0x0;
	[sflag:s29] =	ssyncadd.s32 $0xFFFFFA00  }
.LBB2_96:
0x627: {  	_ =	swait.ge [sflag:s23], $0x4000  }
0x628: {  	s3 =	sand.u32 $0x3000, s22;
	s4 =	sand.u32 $0x380, s22;
	[sflag:s23] =	ssyncset.done $0x0  }
0x629: {  	s15 =	sor.u32 s4, s3;
	[sflag:s23] =	ssyncadd.s32 $0xFFFFC000  }
0x62a: {  	s4 =	sadd.s32 $0x10E00, s15;
	_ =	strace $0x80000050  }
0x62b: {  	v7 =	vld [tilespmem:s4+$0xC50]  }
0x62c: {  	v5 =	vmov s6;
	v8 =	vld [tilespmem:s15+$0x10E00]  }
0x62d: {  	v9 =	vld [tilespmem:s4+$0x40]  }
0x62e: {  	v6 =	vld [tilespmem:s4+$0xC60]  }
0x62f: {  	v10 =	vld [tilespmem:s4+$0xC70]  }
0x630: {  	v12 =	vld [tilespmem:s4+$0x470]  }
0x631: {  	s21 =	simm.s32 $0x200;
	v5 =	vld.idx.msk [tilespmem:v5+s5+$0x0], $0xffff  }
0x632: {  	s25 =	simm.s32 $0x0;
	s19 =	smov.u32 s6;
	s3 =	sshll.u32 s20, $0x6;
	v11 =	vld [tilespmem:s4+$0x830]  }
.LBB2_97:
0x633: {  	p1 =	sne.s32 s21, $0x3E00;
	v13 =	vld [tilespmem:s4+$0x860];
	s25 =	sadd.s32 $0x80, s25;
	s19 =	sadd.s32 $0x1, s19  }
0x634: {  	s7 =	smov.u32 s21;
	s21 =	sadd.s32 $0x200, s21;
	v14 =	vld [tilespmem:s4+$0xC40]  }
0x635: {  	v15 =	vld [tilespmem:s4+$0x820]  }
0x636: {  	v10 =	vmul.f32 v10, v5;
	v12 =	vmul.f32 v12, v5;
	v16 =	vld [tilespmem:s4+$0x800]  }
0x637: {  	v9 =	vmul.f32 v9, v5;
	v11 =	vmul.f32 v11, v5;
	v17 =	vld [tilespmem:s4+$0xC20]  }
0x638: {  	v7 =	vmul.f32 v7, v5;
	[tilespmem:s4+$0x470] =	vst v12;
	v12 =	vmul.f32 v13, v5;
	v13 =	vld [tilespmem:s4+$0xC00]  }
0x639: {  	v18 =	vld [tilespmem:s4+$0x810];
	[tilespmem:s4+$0x830] =	vst v11;
	v11 =	vmul.f32 v14, v5  }
0x63a: {  	v14 =	vld [tilespmem:s4+$0x420];
	v15 =	vmul.f32 v15, v5;
	[tilespmem:s4+$0x860] =	vst v12  }
0x63b: {  	v12 =	vld [tilespmem:s4+$0x430];
	v16 =	vmul.f32 v16, v5;
	[tilespmem:s4+$0xC40] =	vst v11  }
0x63c: {  	v11 =	vld [tilespmem:s4+$0x440];
	[tilespmem:s4+$0x820] =	vst v15;
	v15 =	vmul.f32 v17, v5  }
0x63d: {  	v17 =	vld [tilespmem:s4+$0x450];
	[tilespmem:s4+$0x800] =	vst v16;
	v13 =	vmul.f32 v13, v5  }
0x63e: {  	v16 =	vld [tilespmem:s4+$0x460];
	v18 =	vmul.f32 v18, v5;
	[tilespmem:s4+$0xC20] =	vst v15  }
0x63f: {  	v14 =	vmul.f32 v14, v5;
	v15 =	vld [tilespmem:s4+$0x840];
	[tilespmem:s4+$0xC00] =	vst v13  }
0x640: {  	v8 =	vmul.f32 v8, v5;
	v12 =	vmul.f32 v12, v5;
	[tilespmem:s4+$0x810] =	vst v18;
	v13 =	vld [tilespmem:s4+$0x850]  }
0x641: {  	[tilespmem:s4+$0x420] =	vst v14;
	v11 =	vmul.f32 v11, v5;
	v14 =	vld [tilespmem:s4+$0xC10]  }
0x642: {  	[tilespmem:s15+$0x10E00] =	vst v8;
	v8 =	vmul.f32 v17, v5;
	v17 =	vld [tilespmem:s4+$0xC30]  }
0x643: {  	v18 =	vld [tilespmem:s4+$0x30];
	[tilespmem:s4+$0x440] =	vst v11;
	v11 =	vmul.f32 v16, v5  }
0x644: {  	v16 =	vld [tilespmem:s4+$0x10];
	[tilespmem:s4+$0x450] =	vst v8  }
0x645: {  	v8 =	vld [tilespmem:s4+$0x20];
	[tilespmem:s4+$0x460] =	vst v11  }
0x646: {  	v11 =	vmov s19;
	[tilespmem:s4+$0x430] =	vst v12;
	v12 =	vld [tilespmem:s4+$0x870]  }
0x647: {  	v19 =	vld [tilespmem:s4+$0x60];
	[tilespmem:s4+$0xC70] =	vst v10  }
0x648: {  	v10 =	vmul.f32 v18, v5;
	[tilespmem:s4+$0x40] =	vst v9;
	v9 =	vld [tilespmem:s4+$0x50]  }
0x649: {  	s7 =	sand.u32 $0x3000, s7;
	s9 =	sand.u32 $0x380, s25;
	v17 =	vmul.f32 v17, v5;
	v16 =	vmul.f32 v16, v5;
	v18 =	vld [tilespmem:s4+$0x410];
	[tilespmem:s4+$0xC50] =	vst v7  }
0x64a: {  	s15 =	sor.u32 s9, s7;
	v14 =	vmul.f32 v14, v5;
	v8 =	vmul.f32 v8, v5;
	[tilespmem:s4+$0x30] =	vst v10;
	v10 =	vld [tilespmem:s4+$0x70]  }
0x64b: {  	s7 =	sadd.s32 $0x10E00, s15;
	[tilespmem:s4+$0x10] =	vst v16;
	v16 =	vld [tilespmem:s4+$0x400];
	v12 =	vmul.f32 v12, v5  }
0x64c: {  	v7 =	vld [tilespmem:s7+$0xC50];
	[tilespmem:s4+$0x20] =	vst v8;
	v8 =	vmul.f32 v19, v5  }
0x64d: {  	v9 =	vmul.f32 v9, v5;
	[tilespmem:s4+$0xC30] =	vst v17  }
0x64e: {  	v6 =	vmul.f32 v6, v5;
	v17 =	vmul.f32 v18, v5;
	[tilespmem:s4+$0xC10] =	vst v14  }
0x64f: {  	v14 =	vmul.f32 v10, v5;
	v10 =	vmul.f32 v13, v5;
	[tilespmem:s4+$0x870] =	vst v12  }
0x650: {  	[tilespmem:s4+$0x60] =	vst v8;
	v12 =	vmul.f32 v16, v5;
	v5 =	vmul.f32 v15, v5  }
0x651: {  	[tilespmem:s4+$0xC60] =	vst v6  }
0x652: {  	[tilespmem:s4+$0x50] =	vst v9  }
0x653: {  	[tilespmem:s4+$0x850] =	vst v10  }
0x654: {  	v8 =	vld [tilespmem:s15+$0x10E00];
	[tilespmem:s4+$0x840] =	vst v5  }
0x655: {  	v9 =	vld [tilespmem:s7+$0x40];
	[tilespmem:s4+$0x410] =	vst v17  }
.Ltmp61:
0x656: {  	v6 =	vld [tilespmem:s7+$0xC60];
	[tilespmem:s4+$0x400] =	vst v12;
	(pc) =	sbr.rel @p1 .LBB2_97-.Ltmp61, $4  }
0x657: {  	v10 =	vld [tilespmem:s7+$0xC70];
	[tilespmem:s4+$0x70] =	vst v14;
	s4 =	smov.u32 s7  }
0x658: {  	v5 =	vld.idx.msk [tilespmem:v11+s5+$0x0], $0xffff  }
0x659: {  	v12 =	vld [tilespmem:s4+$0x470]  }
0x65a: {  	v11 =	vld [tilespmem:s4+$0x830]  }
0x65b: {  	_ =	sdelay $0x1  }
0x65c: {  	v8 =	vmul.f32 v8, v5  }
0x65d: {  	v13 =	vld [tilespmem:s4+$0x860];
	v9 =	vmul.f32 v9, v5  }
0x65e: {  	v15 =	vld [tilespmem:s4+$0x820];
	v7 =	vmul.f32 v7, v5;
	[tilespmem:s15+$0x10E00] =	vst v8  }
0x65f: {  	v14 =	vld [tilespmem:s4+$0xC40];
	v6 =	vmul.f32 v6, v5;
	[tilespmem:s4+$0x40] =	vst v9  }
0x660: {  	v16 =	vld [tilespmem:s4+$0x800];
	v12 =	vmul.f32 v12, v5;
	[tilespmem:s4+$0xC50] =	vst v7  }
0x661: {  	v18 =	vld [tilespmem:s4+$0xC00];
	v11 =	vmul.f32 v11, v5;
	[tilespmem:s4+$0xC60] =	vst v6  }
0x662: {  	v60 =	vld [tilespmem:s4+$0x450];
	[tilespmem:s4+$0x470] =	vst v12;
	v12 =	vmul.f32 v13, v5  }
0x663: {  	v17 =	vld [tilespmem:s4+$0xC20];
	v15 =	vmul.f32 v15, v5;
	[tilespmem:s4+$0x830] =	vst v11  }
0x664: {  	v11 =	vmul.f32 v14, v5;
	[tilespmem:s4+$0x860] =	vst v12  }
0x665: {  	v13 =	vld [tilespmem:s4+$0x810];
	v16 =	vmul.f32 v16, v5;
	[tilespmem:s4+$0x820] =	vst v15  }
0x666: {  	v61 =	vmul.f32 v18, v5;
	[tilespmem:s4+$0xC40] =	vst v11;
	v11 =	vld [tilespmem:s4+$0x440]  }
0x667: {  	v8 =	vmul.f32 v60, v5;
	v63 =	vld [tilespmem:s4+$0x10];
	[tilespmem:s4+$0x800] =	vst v16  }
0x668: {  	v62 =	vld [tilespmem:s4+$0x460];
	v15 =	vmul.f32 v17, v5;
	[tilespmem:s4+$0xC00] =	vst v61  }
0x669: {  	v14 =	vld [tilespmem:s4+$0x420];
	[tilespmem:s4+$0x450] =	vst v8;
	v8 =	vmul.f32 v10, v5  }
0x66a: {  	v12 =	vld [tilespmem:s4+$0x430];
	[tilespmem:s4+$0xC20] =	vst v15;
	v13 =	vmul.f32 v13, v5  }
0x66b: {  	v10 =	vld [tilespmem:s4+$0x20];
	[tilespmem:s4+$0xC70] =	vst v8;
	v11 =	vmul.f32 v11, v5  }
0x66c: {  	v8 =	vld [tilespmem:s4+$0x870];
	v16 =	vmul.f32 v63, v5;
	[tilespmem:s4+$0x810] =	vst v13  }
0x66d: {  	v13 =	vld [tilespmem:s4+$0xC10];
	[tilespmem:s4+$0x440] =	vst v11;
	v11 =	vmul.f32 v62, v5  }
0x66e: {  	v15 =	vld [tilespmem:s4+$0x840];
	v14 =	vmul.f32 v14, v5;
	[tilespmem:s4+$0x10] =	vst v16  }
0x66f: {  	v12 =	vmul.f32 v12, v5;
	[tilespmem:s4+$0x460] =	vst v11;
	v11 =	vld [tilespmem:s4+$0xC30]  }
0x670: {  	v9 =	vld [tilespmem:s4+$0x50];
	v7 =	vmul.f32 v10, v5;
	[tilespmem:s4+$0x420] =	vst v14  }
0x671: {  	v14 =	vld [tilespmem:s4+$0x30];
	[tilespmem:s4+$0x430] =	vst v12;
	v8 =	vmul.f32 v8, v5  }
0x672: {  	v12 =	vld [tilespmem:s4+$0x60];
	[tilespmem:s4+$0x20] =	vst v7;
	v13 =	vmul.f32 v13, v5  }
0x673: {  	v7 =	vld [tilespmem:s4+$0x410];
	v6 =	vmul.f32 v15, v5;
	[tilespmem:s4+$0x870] =	vst v8  }
0x674: {  	[tilespmem:s4+$0xC10] =	vst v13;
	v13 =	vld [tilespmem:s4+$0x400];
	v10 =	vmul.f32 v11, v5  }
0x675: {  	v8 =	vmul.f32 v9, v5;
	[tilespmem:s4+$0x840] =	vst v6;
	v11 =	vld [tilespmem:s4+$0x850]  }
0x676: {  	v14 =	vmul.f32 v14, v5;
	[tilespmem:s4+$0xC30] =	vst v10;
	v10 =	vld [tilespmem:s4+$0x70]  }
0x677: {  	[tilespmem:s4+$0x50] =	vst v8;
	v12 =	vmul.f32 v12, v5  }
0x678: {  	v7 =	vmul.f32 v7, v5;
	[tilespmem:s4+$0x30] =	vst v14  }
0x679: {  	[tilespmem:s4+$0x60] =	vst v12;
	v8 =	vmul.f32 v13, v5  }
0x67a: {  	[tilespmem:s4+$0x410] =	vst v7;
	v9 =	vmul.f32 v11, v5  }
0x67b: {  	[tilespmem:s4+$0x400] =	vst v8;
	v5 =	vmul.f32 v10, v5  }
0x67c: {  	s7 =	sadd.s32 s10, s3;
	[tilespmem:s4+$0x850] =	vst v9  }
0x67d: {  	s19 =	sshll.u32 s7, $0x6;
	[tilespmem:s4+$0x70] =	vst v5  }
0x67e: {  	s15 =	simm.s32 $0x0;
	s4 =	sadd.s32 s2, s19;
	_ =	strace $0x90000050  }
0x67f: {  	[hbm4b:s4+s15] =	stream.linear.scatter [tilespmem:s11], [sflag:$0x3], $0x4000, $0x38;
	[tilespmem:$0x1A310] =	vst v63  }
0x680: {  	_ =	swait.ge [sflag:s18], $0x4000  }
0x681: {  	s21 =	sand.u32 $0x3000, s15;
	s25 =	sand.u32 $0x380, s15;
	[sflag:s18] =	ssyncset.done $0x0  }
0x682: {  	s21 =	sor.u32 s25, s21;
	[sflag:s18] =	ssyncadd.s32 $0xFFFFC000  }
0x683: {  	s4 =	sadd.s32 $0x14E00, s21;
	_ =	strace $0x80000051  }
0x684: {  	v5 =	vmov s24;
	v7 =	vld [tilespmem:s4+$0xC50]  }
0x685: {  	v8 =	vld [tilespmem:s21+$0x14E00]  }
0x686: {  	v9 =	vld [tilespmem:s4+$0x40]  }
0x687: {  	v6 =	vld [tilespmem:s4+$0xC60]  }
0x688: {  	v10 =	vld [tilespmem:s4+$0xC70]  }
0x689: {  	v5 =	vld.idx.msk [tilespmem:v5+s5+$0x0], $0xffff  }
0x68a: {  	v12 =	vld [tilespmem:s4+$0x470]  }
0x68b: {  	s3 =	sor.u32 $0x20, s3;
	s25 =	simm.s32 $0x200;
	s19 =	smov.u32 s24;
	v11 =	vld [tilespmem:s4+$0x830]  }
.LBB2_99:
0x68c: {  	p1 =	sne.s32 s25, $0x3E00;
	v13 =	vld [tilespmem:s4+$0x860];
	s15 =	sadd.s32 $0x80, s15;
	s19 =	sadd.s32 $0x1, s19  }
0x68d: {  	s7 =	smov.u32 s25;
	s25 =	sadd.s32 $0x200, s25;
	v14 =	vld [tilespmem:s4+$0xC40]  }
0x68e: {  	v15 =	vld [tilespmem:s4+$0x820]  }
0x68f: {  	v10 =	vmul.f32 v10, v5;
	v12 =	vmul.f32 v12, v5;
	v16 =	vld [tilespmem:s4+$0x800]  }
0x690: {  	v9 =	vmul.f32 v9, v5;
	v11 =	vmul.f32 v11, v5;
	v17 =	vld [tilespmem:s4+$0xC20]  }
0x691: {  	v7 =	vmul.f32 v7, v5;
	[tilespmem:s4+$0x470] =	vst v12;
	v12 =	vmul.f32 v13, v5;
	v13 =	vld [tilespmem:s4+$0xC00]  }
0x692: {  	v18 =	vld [tilespmem:s4+$0x810];
	[tilespmem:s4+$0x830] =	vst v11;
	v11 =	vmul.f32 v14, v5  }
0x693: {  	v14 =	vld [tilespmem:s4+$0x420];
	v15 =	vmul.f32 v15, v5;
	[tilespmem:s4+$0x860] =	vst v12  }
0x694: {  	v12 =	vld [tilespmem:s4+$0x430];
	v16 =	vmul.f32 v16, v5;
	[tilespmem:s4+$0xC40] =	vst v11  }
0x695: {  	v11 =	vld [tilespmem:s4+$0x440];
	[tilespmem:s4+$0x820] =	vst v15;
	v15 =	vmul.f32 v17, v5  }
0x696: {  	v17 =	vld [tilespmem:s4+$0x450];
	[tilespmem:s4+$0x800] =	vst v16;
	v13 =	vmul.f32 v13, v5  }
0x697: {  	v16 =	vld [tilespmem:s4+$0x460];
	v18 =	vmul.f32 v18, v5;
	[tilespmem:s4+$0xC20] =	vst v15  }
0x698: {  	v14 =	vmul.f32 v14, v5;
	v15 =	vld [tilespmem:s4+$0x840];
	[tilespmem:s4+$0xC00] =	vst v13  }
0x699: {  	v8 =	vmul.f32 v8, v5;
	v12 =	vmul.f32 v12, v5;
	[tilespmem:s4+$0x810] =	vst v18;
	v13 =	vld [tilespmem:s4+$0x850]  }
0x69a: {  	[tilespmem:s4+$0x420] =	vst v14;
	v11 =	vmul.f32 v11, v5;
	v14 =	vld [tilespmem:s4+$0xC10]  }
0x69b: {  	[tilespmem:s21+$0x14E00] =	vst v8;
	v8 =	vmul.f32 v17, v5;
	v17 =	vld [tilespmem:s4+$0xC30]  }
0x69c: {  	v18 =	vld [tilespmem:s4+$0x30];
	[tilespmem:s4+$0x440] =	vst v11;
	v11 =	vmul.f32 v16, v5  }
0x69d: {  	v16 =	vld [tilespmem:s4+$0x10];
	[tilespmem:s4+$0x450] =	vst v8  }
0x69e: {  	v8 =	vld [tilespmem:s4+$0x20];
	[tilespmem:s4+$0x460] =	vst v11  }
0x69f: {  	v11 =	vmov s19;
	[tilespmem:s4+$0x430] =	vst v12;
	v12 =	vld [tilespmem:s4+$0x870]  }
0x6a0: {  	v19 =	vld [tilespmem:s4+$0x60];
	[tilespmem:s4+$0xC70] =	vst v10  }
0x6a1: {  	v10 =	vmul.f32 v18, v5;
	[tilespmem:s4+$0x40] =	vst v9;
	v9 =	vld [tilespmem:s4+$0x50]  }
0x6a2: {  	s7 =	sand.u32 $0x3000, s7;
	s9 =	sand.u32 $0x380, s15;
	v17 =	vmul.f32 v17, v5;
	v16 =	vmul.f32 v16, v5;
	v18 =	vld [tilespmem:s4+$0x410];
	[tilespmem:s4+$0xC50] =	vst v7  }
0x6a3: {  	s21 =	sor.u32 s9, s7;
	v14 =	vmul.f32 v14, v5;
	v8 =	vmul.f32 v8, v5;
	[tilespmem:s4+$0x30] =	vst v10;
	v10 =	vld [tilespmem:s4+$0x70]  }
0x6a4: {  	s7 =	sadd.s32 $0x14E00, s21;
	[tilespmem:s4+$0x10] =	vst v16;
	v16 =	vld [tilespmem:s4+$0x400];
	v12 =	vmul.f32 v12, v5  }
0x6a5: {  	v7 =	vld [tilespmem:s7+$0xC50];
	[tilespmem:s4+$0x20] =	vst v8;
	v8 =	vmul.f32 v19, v5  }
0x6a6: {  	v9 =	vmul.f32 v9, v5;
	[tilespmem:s4+$0xC30] =	vst v17  }
0x6a7: {  	v6 =	vmul.f32 v6, v5;
	v17 =	vmul.f32 v18, v5;
	[tilespmem:s4+$0xC10] =	vst v14  }
0x6a8: {  	v14 =	vmul.f32 v10, v5;
	v10 =	vmul.f32 v13, v5;
	[tilespmem:s4+$0x870] =	vst v12  }
0x6a9: {  	[tilespmem:s4+$0x60] =	vst v8;
	v12 =	vmul.f32 v16, v5;
	v5 =	vmul.f32 v15, v5  }
0x6aa: {  	[tilespmem:s4+$0xC60] =	vst v6  }
0x6ab: {  	[tilespmem:s4+$0x50] =	vst v9  }
0x6ac: {  	[tilespmem:s4+$0x850] =	vst v10  }
0x6ad: {  	v8 =	vld [tilespmem:s21+$0x14E00];
	[tilespmem:s4+$0x840] =	vst v5  }
0x6ae: {  	v9 =	vld [tilespmem:s7+$0x40];
	[tilespmem:s4+$0x410] =	vst v17  }
.Ltmp62:
0x6af: {  	v6 =	vld [tilespmem:s7+$0xC60];
	[tilespmem:s4+$0x400] =	vst v12;
	(pc) =	sbr.rel @p1 .LBB2_99-.Ltmp62, $4  }
0x6b0: {  	v10 =	vld [tilespmem:s7+$0xC70];
	[tilespmem:s4+$0x70] =	vst v14;
	s4 =	smov.u32 s7  }
0x6b1: {  	v5 =	vld.idx.msk [tilespmem:v11+s5+$0x0], $0xffff  }
0x6b2: {  	v12 =	vld [tilespmem:s4+$0x470]  }
0x6b3: {  	v11 =	vld [tilespmem:s4+$0x830]  }
0x6b4: {  	_ =	sdelay $0x1  }
0x6b5: {  	v8 =	vmul.f32 v8, v5  }
0x6b6: {  	v51 =	vmul.f32 v10, v5  }
0x6b7: {  	v13 =	vld [tilespmem:s4+$0x860];
	v9 =	vmul.f32 v9, v5;
	[tilespmem:s21+$0x14E00] =	vst v8  }
0x6b8: {  	v14 =	vld [tilespmem:s4+$0xC40];
	v7 =	vmul.f32 v7, v5;
	[tilespmem:s4+$0xC70] =	vst v51  }
0x6b9: {  	v15 =	vld [tilespmem:s4+$0x820];
	v6 =	vmul.f32 v6, v5;
	[tilespmem:s4+$0x40] =	vst v9  }
0x6ba: {  	v16 =	vld [tilespmem:s4+$0x800];
	v12 =	vmul.f32 v12, v5;
	[tilespmem:s4+$0xC50] =	vst v7  }
0x6bb: {  	v17 =	vld [tilespmem:s4+$0xC20];
	v11 =	vmul.f32 v11, v5;
	[tilespmem:s4+$0xC60] =	vst v6  }
0x6bc: {  	v18 =	vld [tilespmem:s4+$0xC00];
	[tilespmem:s4+$0x470] =	vst v12;
	v35 =	vmul.f32 v13, v5  }
0x6bd: {  	v36 =	vld [tilespmem:s4+$0x810];
	v37 =	vmul.f32 v14, v5;
	[tilespmem:s4+$0x830] =	vst v11  }
0x6be: {  	v38 =	vld [tilespmem:s4+$0x420];
	v15 =	vmul.f32 v15, v5;
	[tilespmem:s4+$0x860] =	vst v35  }
0x6bf: {  	v42 =	vld [tilespmem:s4+$0x450];
	v16 =	vmul.f32 v16, v5;
	[tilespmem:s4+$0xC40] =	vst v37  }
0x6c0: {  	v44 =	vld [tilespmem:s4+$0x460];
	v41 =	vmul.f32 v17, v5;
	[tilespmem:s4+$0x820] =	vst v15  }
0x6c1: {  	v39 =	vld [tilespmem:s4+$0x430];
	v43 =	vmul.f32 v18, v5;
	[tilespmem:s4+$0x800] =	vst v16  }
0x6c2: {  	v53 =	vld [tilespmem:s4+$0xC30];
	v13 =	vmul.f32 v36, v5;
	[tilespmem:s4+$0xC20] =	vst v41  }
0x6c3: {  	v55 =	vld [tilespmem:s4+$0x870];
	v14 =	vmul.f32 v38, v5;
	[tilespmem:s4+$0xC00] =	vst v43  }
0x6c4: {  	v56 =	vld [tilespmem:s4+$0x50];
	v47 =	vmul.f32 v42, v5;
	[tilespmem:s4+$0x810] =	vst v13  }
0x6c5: {  	v58 =	vld [tilespmem:s4+$0x850];
	v49 =	vmul.f32 v44, v5;
	[tilespmem:s4+$0x420] =	vst v14  }
0x6c6: {  	v45 =	vld [tilespmem:s4+$0x840];
	v12 =	vmul.f32 v39, v5;
	[tilespmem:s4+$0x450] =	vst v47  }
0x6c7: {  	v52 =	vld [tilespmem:s4+$0x20];
	v57 =	vmul.f32 v53, v5;
	[tilespmem:s4+$0x460] =	vst v49  }
0x6c8: {  	v60 =	vld [tilespmem:s4+$0x400];
	v8 =	vmul.f32 v55, v5;
	[tilespmem:s4+$0x430] =	vst v12  }
0x6c9: {  	v40 =	vld [tilespmem:s4+$0x440];
	v61 =	vmul.f32 v56, v5;
	[tilespmem:s4+$0xC30] =	vst v57  }
0x6ca: {  	v46 =	vld [tilespmem:s4+$0xC10];
	v62 =	vmul.f32 v58, v5;
	[tilespmem:s4+$0x870] =	vst v8  }
0x6cb: {  	v54 =	vld [tilespmem:s4+$0x60];
	v6 =	vmul.f32 v45, v5;
	[tilespmem:s4+$0x50] =	vst v61  }
0x6cc: {  	v48 =	vld [tilespmem:s4+$0x30];
	[tilespmem:s4+$0x850] =	vst v62;
	v7 =	vmul.f32 v52, v5  }
0x6cd: {  	v50 =	vld [tilespmem:s4+$0x10];
	v63 =	vmul.f32 v60, v5;
	[tilespmem:s4+$0x840] =	vst v6  }
0x6ce: {  	v11 =	vmul.f32 v40, v5;
	[tilespmem:s4+$0x20] =	vst v7;
	v7 =	vld [tilespmem:s4+$0x410]  }
0x6cf: {  	v59 =	vld [tilespmem:s4+$0x70];
	v13 =	vmul.f32 v46, v5;
	[tilespmem:s4+$0x400] =	vst v63  }
0x6d0: {  	v12 =	vmul.f32 v54, v5;
	[tilespmem:s4+$0x440] =	vst v11  }
0x6d1: {  	[tilespmem:s4+$0xC10] =	vst v13;
	v14 =	vmul.f32 v48, v5  }
0x6d2: {  	[tilespmem:s4+$0x60] =	vst v12;
	v16 =	vmul.f32 v50, v5  }
0x6d3: {  	[tilespmem:s4+$0x30] =	vst v14;
	v7 =	vmul.f32 v7, v5  }
0x6d4: {  	[tilespmem:s4+$0x10] =	vst v16;
	v5 =	vmul.f32 v59, v5  }
0x6d5: {  	s3 =	sadd.s32 s10, s3;
	[tilespmem:s4+$0x410] =	vst v7  }
0x6d6: {  	s25 =	simm.s32 $0x14E00;
	s3 =	sshll.u32 s3, $0x6;
	[tilespmem:s4+$0x70] =	vst v5  }
0x6d7: {  	p1 =	seq.s32 s20, $0x7;
	s3 =	sadd.s32 s2, s3;
	_ =	strace $0x90000051  }
0x6d8: {  	[hbm4b:s3+s16] =	stream.linear.scatter [tilespmem:s25], [sflag:$0x4], $0x4000, $0x38;
	[tilespmem:$0x1A310] =	vst v63  }
0x6d9: {  	s3 =	simm.s32 @!p1 $0x3  }
0x6da: {  	_ =	swait.ge @!p1 [sflag:s3], $0x4000  }
0x6db: {  	s4 =	sshll.u32 @!p1 s20, $0x6;
	[sflag:s3] =	ssyncset.done @!p1 $0x0  }
0x6dc: {  	s4 =	sand.u32 @!p1 $0x3FFFFFC0, s4;
	[sflag:s3] =	ssyncadd.s32 @!p1 $0xFFFFC000  }
0x6dd: {  	v5 =	vld @!p1 [tilespmem:s4+$0x10A40];
	_ =	sdelay $0x4  }
0x6de: {  	v6 =	vshll.u32 @!p1 v5, $0x2  }
0x6df: {  	v7 =	vlaneseq.u32 @!p1;
	v5 =	vand.u32 @!p1 $0x7, v5;
	v6 =	vand.u32 @!p1 $0xFFFFFFE0, v6  }
0x6e0: {  	v8 =	vshrl.u32 @!p1 v7, $0x3;
	v5 =	vor.u32 @!p1 v5, v6;
	v6 =	vand.u32 @!p1 $0x7, v7  }
0x6e1: {  	v8 =	vmul.u32 @!p1 $0x8, v8;
	v9 =	vperm.xlane @!p1 v5, v6;
	_ =	sdelay $0x1  }
0x6e2: {  	v9 =	vadd.s32 @!p1 v8, v9  }
0x6e3: {  	v7 =	vor.u32 @!p1 $0x8, v7  }
0x6e4: {  	v5 =	vperm.xlane @!p1 v5, v7;
	_ =	sdelay $0x1  }
0x6e5: {  	vm0 =	vmmov @!p1 $0xffff;
	s7 =	simm.s32 @!p1 $0x10E00;
	s3 =	simm.s32 @!p1 $0x0;
	v5 =	vadd.s32 @!p1 v8, v5  }
0x6e6: {  	[tilespmem:s7], [sflag:$0x1] =	stream.indirect_vreg.gather @!p1 [hbm4b:s1+s3], $0x80, v9, vm0, $0xb8;
	[tilespmem:$0x1A310] =	vst v63  }
0x6e7: {  	s7 =	simm.s32 @!p1 $0x11600  }
0x6e8: {  	[tilespmem:s7], [sflag:$0x1] =	stream.indirect_vreg.gather @!p1 [hbm4b:s26+s3], $0x80, v9, vm0, $0xb8;
	[tilespmem:$0x1A310] =	vst v63  }
0x6e9: {  	s7 =	simm.s32 @!p1 $0x11E00  }
0x6ea: {  	[tilespmem:s7], [sflag:$0x1] =	stream.indirect_vreg.gather @!p1 [hbm4b:s1+s3], $0x80, v5, vm0, $0xb8;
	[tilespmem:$0x1A310] =	vst v63  }
0x6eb: {  	s7 =	simm.s32 @!p1 $0x12600  }
0x6ec: {  	[tilespmem:s7], [sflag:$0x1] =	stream.indirect_vreg.gather @!p1 [hbm4b:s26+s3], $0x80, v5, vm0, $0xb8;
	[tilespmem:$0x1A310] =	vst v63  }
0x6ed: {  	v5 =	vld @!p1 [tilespmem:s4+$0x10A50];
	_ =	sdelay $0x4  }
0x6ee: {  	v9 =	vshll.u32 @!p1 v5, $0x2  }
0x6ef: {  	v5 =	vand.u32 @!p1 $0x7, v5;
	v9 =	vand.u32 @!p1 $0xFFFFFFE0, v9  }
0x6f0: {  	v5 =	vor.u32 @!p1 v5, v9  }
0x6f1: {  	v9 =	vperm.xlane @!p1 v5, v6;
	_ =	sdelay $0x1  }
0x6f2: {  	v9 =	vadd.s32 @!p1 v8, v9;
	_ =	sdelay $0x1  }
0x6f3: {  	v5 =	vperm.xlane @!p1 v5, v7;
	_ =	sdelay $0x1  }
0x6f4: {  	s7 =	simm.s32 @!p1 $0x12E00;
	v5 =	vadd.s32 @!p1 v8, v5  }
0x6f5: {  	[tilespmem:s7], [sflag:$0x1] =	stream.indirect_vreg.gather @!p1 [hbm4b:s1+s3], $0x80, v9, vm0, $0xb8;
	[tilespmem:$0x1A310] =	vst v63  }
0x6f6: {  	s7 =	simm.s32 @!p1 $0x13600  }
0x6f7: {  	[tilespmem:s7], [sflag:$0x1] =	stream.indirect_vreg.gather @!p1 [hbm4b:s26+s3], $0x80, v9, vm0, $0xb8;
	[tilespmem:$0x1A310] =	vst v63  }
0x6f8: {  	s7 =	simm.s32 @!p1 $0x13E00  }
0x6f9: {  	[tilespmem:s7], [sflag:$0x1] =	stream.indirect_vreg.gather @!p1 [hbm4b:s1+s3], $0x80, v5, vm0, $0xb8;
	[tilespmem:$0x1A310] =	vst v63  }
0x6fa: {  	s7 =	simm.s32 @!p1 $0x14600  }
0x6fb: {  	[tilespmem:s7], [sflag:$0x1] =	stream.indirect_vreg.gather @!p1 [hbm4b:s26+s3], $0x80, v5, vm0, $0xb8;
	[tilespmem:$0x1A310] =	vst v63  }
0x6fc: {  	s7 =	simm.s32 @!p1 $0x4  }
0x6fd: {  	_ =	swait.ge @!p1 [sflag:s7], $0x4000  }
0x6fe: {  	[sflag:s7] =	ssyncset.done @!p1 $0x0  }
0x6ff: {  	[sflag:s7] =	ssyncadd.s32 @!p1 $0xFFFFC000  }
0x700: {  	v5 =	vld @!p1 [tilespmem:s4+$0x10A60];
	_ =	sdelay $0x4  }
0x701: {  	v9 =	vshll.u32 @!p1 v5, $0x2  }
0x702: {  	v5 =	vand.u32 @!p1 $0x7, v5;
	v9 =	vand.u32 @!p1 $0xFFFFFFE0, v9  }
0x703: {  	v5 =	vor.u32 @!p1 v5, v9  }
0x704: {  	v9 =	vperm.xlane @!p1 v5, v6;
	_ =	sdelay $0x1  }
0x705: {  	v9 =	vadd.s32 @!p1 v8, v9;
	_ =	sdelay $0x1  }
0x706: {  	v5 =	vperm.xlane @!p1 v5, v7;
	_ =	sdelay $0x1  }
0x707: {  	s7 =	simm.s32 @!p1 $0x14E00;
	v5 =	vadd.s32 @!p1 v8, v5  }
0x708: {  	[tilespmem:s7], [sflag:$0x2] =	stream.indirect_vreg.gather @!p1 [hbm4b:s1+s3], $0x80, v9, vm0, $0xb8;
	[tilespmem:$0x1A310] =	vst v63  }
0x709: {  	s7 =	simm.s32 @!p1 $0x15600  }
0x70a: {  	[tilespmem:s7], [sflag:$0x2] =	stream.indirect_vreg.gather @!p1 [hbm4b:s26+s3], $0x80, v9, vm0, $0xb8;
	[tilespmem:$0x1A310] =	vst v63  }
0x70b: {  	s7 =	simm.s32 @!p1 $0x15E00  }
0x70c: {  	[tilespmem:s7], [sflag:$0x2] =	stream.indirect_vreg.gather @!p1 [hbm4b:s1+s3], $0x80, v5, vm0, $0xb8;
	[tilespmem:$0x1A310] =	vst v63  }
0x70d: {  	s7 =	simm.s32 @!p1 $0x16600  }
0x70e: {  	[tilespmem:s7], [sflag:$0x2] =	stream.indirect_vreg.gather @!p1 [hbm4b:s26+s3], $0x80, v5, vm0, $0xb8;
	[tilespmem:$0x1A310] =	vst v63  }
0x70f: {  	v5 =	vld @!p1 [tilespmem:s4+$0x10A70];
	_ =	sdelay $0x4  }
0x710: {  	v9 =	vshll.u32 @!p1 v5, $0x2  }
0x711: {  	v5 =	vand.u32 @!p1 $0x7, v5;
	v9 =	vand.u32 @!p1 $0xFFFFFFE0, v9  }
0x712: {  	v5 =	vor.u32 @!p1 v5, v9  }
0x713: {  	v6 =	vperm.xlane @!p1 v5, v6;
	_ =	sdelay $0x1  }
0x714: {  	v6 =	vadd.s32 @!p1 v8, v6;
	_ =	sdelay $0x2  }
0x715: {  	s20 =	sadd.s32 @!p1 $0x1, s20;
	v5 =	vperm.xlane @!p1 v5, v7  }
0x716: {  	p2 =	sne.s32 @!p1 s20, $0x8;
	s4 =	simm.s32 @!p1 $0x16E00  }
0x717: {  	v5 =	vadd.s32 @!p1 v8, v5;
	[tilespmem:s4], [sflag:$0x2] =	stream.indirect_vreg.gather @!p1 [hbm4b:s1+s3], $0x80, v6, vm0, $0xb8;
	[tilespmem:$0x1A310] =	vst v63  }
0x718: {  	p2 =	por p1, !p2;
	s4 =	simm.s32 @!p1 $0x17600  }
0x719: {  	[tilespmem:s4], [sflag:$0x2] =	stream.indirect_vreg.gather @!p1 [hbm4b:s26+s3], $0x80, v6, vm0, $0xb8;
	[tilespmem:$0x1A310] =	vst v63  }
.Ltmp63:
0x71a: {  	_ = 	snop;
	(pc) =	sbr.rel @!p2 .LBB2_96-.Ltmp63, $4  }
0x71b: {  	s4 =	simm.s32 @!p1 $0x17E00  }
0x71c: {  	[tilespmem:s4], [sflag:$0x2] =	stream.indirect_vreg.gather @!p1 [hbm4b:s1+s3], $0x80, v5, vm0, $0xb8;
	[tilespmem:$0x1A310] =	vst v63  }
0x71d: {  	s6 =	sadd.s32 @!p1 $0x40, s6;
	s24 =	sadd.s32 @!p1 $0x40, s24;
	s4 =	simm.s32 @!p1 $0x18600  }
0x71e: {  	[tilespmem:s4], [sflag:$0x2] =	stream.indirect_vreg.gather @!p1 [hbm4b:s26+s3], $0x80, v5, vm0, $0xb8;
	[tilespmem:$0x1A310] =	vst v63  }
0x71f: {  	s3 =	simm.s32 $0x3  }
0x720: {  	_ =	swait.ge [sflag:s3], $0x4000  }
0x721: {  	[sflag:s3] =	ssyncset.done $0x0  }
0x722: {  	s4 =	simm.s32 $0x4;
	[sflag:s3] =	ssyncadd.s32 $0xFFFFC000  }
0x723: {  	_ =	swait.ge [sflag:s4], $0x4000  }
0x724: {  	s6 =	rddreg [dreg:$0x1f]  }
0x725: {  	s25 =	rddreg [dreg:$0x1d];
	s6 =	sadd.s32 $0x1, s6  }
0x726: {  	p1 =	sne.s32 s6, s25  }
.Ltmp64:
0x727: {  	_ = 	snop;
	(pc) =	sbr.rel @p1 .LBB2_1-.Ltmp64, $4  }
.Ltmp65:
0x728: {  	_ = 	snop;
	(pc) =	sbr.rel @!p1 .LBB2_102-.Ltmp65, $4  }
0x729: {  	_ = 	snop  }
0x72a: {  	[sflag:s4] =	ssyncset.done $0x0;
	s22 =	rddreg [dreg:$0xb]  }
0x72b: {  	s24 =	rddreg [dreg:$0xc];
	[sflag:s4] =	ssyncadd.s32 $0xFFFFC000;
	s25 =	simm.s32 $0x9D00  }
0x72c: {  	_ = 	snop  }
.LBB2_11:
.Ltmp66:
0x72d: {  	(pc) =	sbr.rel .LBB2_15-.Ltmp66, $2  }
0x72e: {  	_ =	sdelay $0x2  }
0x72f: {  	s7 =	simm.s32 $0x0  }
.LBB2_20:
.Ltmp67:
0x730: {  	(pc) =	sbr.rel .LBB2_24-.Ltmp67, $2  }
0x731: {  	_ =	sdelay $0x2  }
0x732: {  	s9 =	simm.s32 $0x0;
	s7 =	simm.s32 $0x0  }
.LBB2_13:
.Ltmp68:
0x733: {  	(pc) =	sbr.rel .LBB2_15-.Ltmp68, $2  }
0x734: {  	_ =	sdelay $0x2  }
0x735: {  	s7 =	simm.s32 $0x0  }
.LBB2_22:
.Ltmp69:
0x736: {  	(pc) =	sbr.rel .LBB2_24-.Ltmp69, $2  }
0x737: {  	_ =	sdelay $0x2  }
0x738: {  	s9 =	simm.s32 $0x0;
	s7 =	simm.s32 $0x0  }
.LBB2_32:
.Ltmp70:
0x739: {  	(pc) =	sbr.rel .LBB2_36-.Ltmp70, $2  }
0x73a: {  	_ =	sdelay $0x2  }
0x73b: {  	s7 =	simm.s32 $0x0  }
.LBB2_53:
.Ltmp71:
0x73c: {  	(pc) =	sbr.rel .LBB2_75-.Ltmp71, $2  }
0x73d: {  	_ =	sdelay $0x2  }
0x73e: {  	s7 =	simm.s32 $0x0  }
.LBB2_34:
.Ltmp72:
0x73f: {  	(pc) =	sbr.rel .LBB2_36-.Ltmp72, $2  }
0x740: {  	_ =	sdelay $0x2  }
0x741: {  	s7 =	simm.s32 $0x0  }
.LBB2_73:
.Ltmp73:
0x742: {  	(pc) =	sbr.rel .LBB2_75-.Ltmp73, $2  }
0x743: {  	_ =	sdelay $0x2  }
0x744: {  	s7 =	simm.s32 $0x0  }
.LBB2_102:
0x745: {  	_ =	sfence.sel $0x180000  }
0x746: {  	[bflag:$0x0] =	sbarrier.arrive $0xFFFF  }
0x747: {  	_ =	strace $0x90000047  }
0x748: {  	s0 =	stileid.u32;
	[bflag:$0x2] =	sbarrier.arrive $0xFFFF  }
0x749: {  	p0 =	sne.s32 s0, $0x0;
	s0 =	rddreg [dreg:$0xa]  }
0x74a: {  	s0 =	sadd.s32 @!p0 $0x100000, s0  }
0x74b: {  	[sflag:s0] =	ssyncadd.tile.s32 @!p0 $0x1;
	_ =	shalt  }
.Lfunc_end2:
_tile_overlayer_lowered:
.L_overlay_start_2:
0x74c: {  	(tag) =	ssettag $0x2  }
0x74d: {  	s0 =	rddreg [dreg:$0x0];
	s2 =	stileid.u32  }
0x74e: {  	s1 =	rddreg [dreg:$0x1];
	p0 =	sne.s32 s2, $0x0  }
0x74f: {  	s3 =	rddreg [dreg:$0x2];
	[bflag:$0x3] =	sbarrier.arrive $0xFFFF;
	s2 =	simm.s32 @!p0 $0x1C06  }
0x750: {  	[timem:s3], [sflag:s2] =	dma.local @!p0 [hbm:s0], s1  }
0x751: {  	s0 =	simm.s32 @!p0 $0x6  }
0x752: {  	_ =	swait.ge @!p0 [sflag:s0], s1  }
0x753: {  	s1 =	ssub.s32 @!p0 $0x0, s1;
	[sflag:s0] =	ssyncset.done @!p0 $0x0  }
0x754: {  	[sflag:s0] =	ssyncadd.s32 @!p0 s1  }
0x755: {  	[bflag:$0x3] =	sbarrier.arrive $0xFFFF  }
0x756: {  	_ =	shalt  }

</sc_bundles>
